<compile_context>
chip_gen: v7x
topology: tpu7x:2x2x1
jax: 0.10.2.dev20260603
libtpu: 0.0.44.dev20260713+nightly
codegen_flags: <defaults>
</compile_context>

<pallas_src>
import functools
import math

import jax
import jax.numpy as jnp
from jax import lax
from jax.experimental import pallas as pl
from jax.experimental.pallas import tpu as pltpu
from jax.experimental.pallas import tpu_sc as plsc

MIN_NORM = 1e-15
MAXNORM = 1.0 - 4e-3
ATH_MAX = 0.5 * math.log((1.0 + MAXNORM) / (1.0 - MAXNORM))
WROW = 48
DCOL = 32
CH = 128
NW = 32


def _artanh(z):
    z = jnp.clip(z, -1.0 + 1e-7, 1.0 - 1e-7)
    return 0.5 * jnp.log((1.0 + z) / (1.0 - z))


def _chunk_masks():
    c = lax.broadcasted_iota(jnp.int32, (4 * WROW, 4), 0)
    kk = lax.broadcasted_iota(jnp.int32, (4 * WROW, 4), 1)
    mc = (c // WROW == kk).astype(jnp.float32)
    cb = lax.broadcasted_iota(jnp.int32, (4, 4 * WROW), 1)
    kb = lax.broadcasted_iota(jnp.int32, (4, 4 * WROW), 0)
    bc = (cb // WROW == kb).astype(jnp.float32)
    return mc, bc


def _mm(a, b):
    return jnp.dot(a, b, preferred_element_type=jnp.float32)


def _stage1_body(x_ref, w_ref, b_ref, o0_ref, o1_ref, o2_ref, o3_ref):
    mc, bc = _chunk_masks()
    x = x_ref[...]
    onesf = jnp.ones((x.shape[1], 1), jnp.float32)
    xn = jnp.maximum(jnp.sqrt(_mm(x * x, onesf)), MIN_NORM)
    th = jnp.maximum(jnp.tanh(xn), MIN_NORM)
    xh = x * (jnp.minimum(th, MAXNORM) / xn)
    xnh = jnp.maximum(jnp.minimum(th, MAXNORM), MIN_NORM)
    rat = jnp.minimum(xn, ATH_MAX) / xnh
    mx = jnp.dot(xh, w_ref[...], preferred_element_type=jnp.float32)
    mq4 = _mm(mx * mx, mc)
    mxn4 = jnp.maximum(jnp.sqrt(mq4), MIN_NORM)
    g4 = jnp.tanh(mxn4 * rat)
    gc4 = jnp.minimum(g4, MAXNORM)
    nz = mq4 > 0.0
    s4 = jnp.where(nz, gc4 / mxn4, 0.0)
    x2_4 = jnp.where(nz, gc4 * gc4, 0.0)
    h = mx * _mm(s4, bc)
    b = b_ref[...]
    bn4 = jnp.maximum(jnp.sqrt(_mm(b * b, mc)), MIN_NORM)
    hb = b * _mm(jnp.minimum(jnp.maximum(jnp.tanh(bn4), MIN_NORM), MAXNORM) / bn4, bc)
    y2_4 = _mm(hb * hb, mc)
    xy4 = _mm(h * hb, mc)
    al4 = 1.0 + 2.0 * xy4 + y2_4
    be4 = 1.0 - x2_4
    den4 = 1.0 + 2.0 * xy4 + x2_4 * y2_4
    ha = (h * _mm(al4, bc) + hb * _mm(be4, bc)) * _mm(
        1.0 / jnp.maximum(den4, MIN_NORM), bc)
    an2_4 = _mm(ha * ha, mc)
    an4 = jnp.maximum(jnp.sqrt(an2_4), MIN_NORM)
    sc4 = _artanh(jnp.minimum(an4, MAXNORM)) / an4
    lane = lax.broadcasted_iota(jnp.int32, (1, 4 * WROW), 1)
    onecol = (lane % WROW == DCOL).astype(jnp.float32)
    res = ha * _mm(sc4, bc) + onecol
    for k, o_ref in enumerate((o0_ref, o1_ref, o2_ref, o3_ref)):
        o_ref[...] = res[:, k * WROW : (k + 1) * WROW]


def _stage3_body(t0_ref, t1_ref, t2_ref, t3_ref,
                 p0_ref, p1_ref, p2_ref, p3_ref, out_ref):
    lane = lax.broadcasted_iota(jnp.int32, (1, WROW), 1)
    fmask = (lane < DCOL).astype(jnp.float32)
    degsel = (lax.broadcasted_iota(jnp.int32, (WROW, 1), 0) == DCOL
              ).astype(jnp.float32)
    ones48 = jnp.ones((WROW, 1), jnp.float32)
    tws, lgs, w1s = [], [], []
    for p_ref, t_ref in ((p0_ref, t0_ref), (p1_ref, t1_ref),
                         (p2_ref, t2_ref), (p3_ref, t3_ref)):
        aggf = p_ref[0] + p_ref[1] + t_ref[...]
        deg1 = _mm(aggf, degsel)
        m = aggf * fmask
        s2 = _mm(m * m, ones48)
        s = jnp.maximum(jnp.sqrt(s2) / deg1, MIN_NORM)
        cs = jnp.minimum(s, ATH_MAX) / (s * deg1)
        xt = jnp.maximum(m, 0.0) * cs
        t2 = _mm(xt * xt, ones48)
        t = jnp.maximum(jnp.sqrt(t2), MIN_NORM)
        tc = jnp.minimum(t, ATH_MAX)
        invt = 1.0 / t
        w1 = jnp.tanh(0.125 * tc)
        w1s.append(w1)
        tws.append(xt * (w1 * invt))
        lgs.append(xt * (tc * invt))
    target = tws[0]
    for k in range(1, 4):
        b = tws[k]
        b2 = w1s[k] * w1s[k]
        a2 = _mm(target * target, ones48)
        ab = _mm(target * b, ones48)
        num = (1.0 + 2.0 * ab + b2) * target + (1.0 - a2) * b
        den = 1.0 + 2.0 * ab + a2 * b2
        target = num * (1.0 / jnp.maximum(den, MIN_NORM))
    tn = jnp.maximum(jnp.sqrt(_mm(target * target, ones48)), MIN_NORM)
    acc = lgs[0] + lgs[1] + lgs[2] + lgs[3] + target * (_artanh(tn) / tn)
    nr = jnp.maximum(0.2 * jnp.sqrt(_mm(acc * acc, ones48)), MIN_NORM)
    out = acc * (0.2 * jnp.minimum(jnp.maximum(jnp.tanh(nr), MIN_NORM), MAXNORM) / nr)
    out_ref[...] = out[:, :DCOL]


def _make_sc_agg(n_pad, stripe, rows_total, wrows_max):
    mesh = plsc.VectorSubcoreMesh(core_axis_name="c", subcore_axis_name="s")
    nquad = -(-wrows_max // 4)

    @functools.partial(
        pl.kernel,
        mesh=mesh,
        compiler_params=pltpu.CompilerParams(use_tc_tiling_on_sc=False),
        out_type=jax.ShapeDtypeStruct((2, n_pad, WROW), jnp.float32),
        scratch_types=[
            pltpu.VMEM((CH, WROW), jnp.float32),
            pltpu.VMEM((stripe, WROW), jnp.float32),
            pltpu.VMEM((wrows_max, CH), jnp.int32),
            pltpu.VMEM((wrows_max, CH), jnp.int32),
            pltpu.VMEM((4, CH, WROW), jnp.float32),
            pltpu.VMEM_SHARED((n_pad, WROW), jnp.float32),
            [pltpu.SemaphoreType.DMA] * 4,
            [pltpu.SemaphoreType.DMA] * 4,
        ],
    )
    def sc_agg(tab_k, e_hbm, out_hbm,
               zbuf, stage, src_v, dst_v, rows, acc, gsem, ssem):
        cid = lax.axis_index("c")
        sid = lax.axis_index("s")
        wid = cid * 16 + sid
        lo = wid * rows_total // NW
        cnt = (wid + 1) * rows_total // NW - lo
        zero16 = jnp.zeros((16,), jnp.float32)

        def zrow(i, carry):
            for q in range(WROW // 16):
                zbuf[i, pl.ds(q * 16, 16)] = zero16
            return carry

        lax.fori_loop(0, CH, zrow, 0)

        for t in range(stripe // CH):
            pltpu.sync_copy(zbuf, acc.at[pl.ds(sid * stripe + t * CH, CH)])
        pltpu.sync_copy(e_hbm.at[0, pl.ds(lo, wrows_max)], src_v)
        pltpu.sync_copy(e_hbm.at[1, pl.ds(lo, wrows_max)], dst_v)
        plsc.subcore_barrier()

        for b in range(4):
            @pl.when(b < cnt)
            def _(b=b):
                pltpu.async_copy(tab_k.at[src_v.at[b]], rows.at[b], gsem[b])

        def quad(i, carry):
            j0 = 4 * i
            for b in range(4):
                @pl.when(j0 + b < cnt)
                def _(b=b):
                    j = j0 + b
                    pltpu.make_async_copy(
                        tab_k.at[src_v.at[j]], rows.at[b], gsem[b]).wait()
                    pltpu.async_copy(
                        rows.at[b], acc.at[dst_v.at[j]], ssem[b], add=True)
            for b in range(4):
                @pl.when(j0 + b + 4 < cnt)
                def _(b=b):
                    j = j0 + b
                    pltpu.make_async_copy(
                        rows.at[b], acc.at[dst_v.at[j]], ssem[b]).wait()
                    pltpu.async_copy(
                        tab_k.at[src_v.at[j + 4]], rows.at[b], gsem[b])
            return carry

        lax.fori_loop(0, nquad, quad, 0)
        for b in range(4):
            @pl.when(b < cnt)
            def _(b=b):
                pltpu.make_async_copy(
                    rows.at[b], acc.at[dst_v.at[0]], ssem[b]).wait()
        plsc.subcore_barrier()

        pltpu.sync_copy(acc.at[pl.ds(sid * stripe, stripe)], stage)
        pltpu.sync_copy(stage, out_hbm.at[cid, pl.ds(sid * stripe, stripe)])

    return sc_agg


def kernel(x, adj, k_diffusion_in, k_diffusion_out, k_neighbor_in, k_neighbor_out,
           W_di, b_di, W_do, b_do, W_ni, b_ni, W_no, b_no):
    del adj
    n, f = x.shape
    e = k_diffusion_in.shape[-1]

    ws = [W_di, W_do, W_ni, W_no]
    bs = [b_di, b_do, b_ni, b_no]
    d = ws[0].shape[0]
    w_pack = jnp.concatenate(
        [jnp.pad(w.T, ((0, 0), (0, WROW - d))) for w in ws], axis=1)
    b_pack = jnp.concatenate(
        [jnp.pad(b, (0, WROW - d)) for b in bs]).reshape(1, 4 * WROW)

    stripe = 640
    n_pad = 16 * stripe

    def prep(edges):
        ei = edges[0]
        if e % CH:
            ep = -(-e // CH) * CH
            pad_dst = n + (jnp.arange(ep - e, dtype=ei.dtype) % (n_pad - n))
            src = jnp.concatenate([ei[0], jnp.zeros((ep - e,), ei.dtype)])
            dst = jnp.concatenate([ei[1], pad_dst])
            ei = jnp.stack([src, dst])
        return ei.reshape(2, -1, CH)

    edge_views = [prep(t) for t in (k_diffusion_in, k_diffusion_out,
                                    k_neighbor_in, k_neighbor_out)]
    rows_total = edge_views[0].shape[1]
    wrows_max = -(-rows_total // NW)

    r = 1000
    tspec = pl.BlockSpec((r, WROW), lambda i: (i, 0))
    tables = pl.pallas_call(
        _stage1_body,
        grid=(n // r,),
        in_specs=[
            pl.BlockSpec((r, f), lambda i: (i, 0)),
            pl.BlockSpec((f, 4 * WROW), lambda i: (0, 0)),
            pl.BlockSpec((1, 4 * WROW), lambda i: (0, 0)),
        ],
        out_specs=[tspec] * 4,
        out_shape=[jax.ShapeDtypeStruct((n, WROW), jnp.float32)] * 4,
    )(x, w_pack, b_pack)

    sc_call = _make_sc_agg(n_pad, stripe, rows_total, wrows_max)
    partials = [sc_call(tables[k], edge_views[k]) for k in range(4)]

    pspec = pl.BlockSpec((2, r, WROW), lambda i: (0, i, 0))
    out = pl.pallas_call(
        _stage3_body,
        grid=(n // r,),
        in_specs=[tspec] * 4 + [pspec] * 4,
        out_specs=pl.BlockSpec((r, DCOL), lambda i: (i, 0)),
        out_shape=jax.ShapeDtypeStruct((n, DCOL), jnp.float32),
    )(*tables, *partials)
    return out

# --- scband reference (transcript-rebuilt; emitter-appended) ---
"""Pipeline reference for scband-dhypr-15745350107691 (READ-ONLY COPY).

The authoritative reference and input builder live on the scoring server;
editing this copy changes nothing except your own understanding.
"""

import jax, jax.numpy as jnp
import numpy as np

MIN_NORM = 1e-15
C = 1.0

def _artanh(x):
    x = jnp.clip(x, -1.0 + 1e-7, 1.0 - 1e-7)
    return 0.5 * jnp.log((1.0 + x) / (1.0 - x))

def _norm(x):
    return jnp.maximum(jnp.linalg.norm(x, axis=-1, keepdims=True), MIN_NORM)

def proj(x, c):
    n = _norm(x)
    maxnorm = (1.0 - 4e-3) / jnp.sqrt(c)
    return jnp.where(n > maxnorm, x / n * maxnorm, x)

def expmap0(u, c):
    sc = jnp.sqrt(c)
    un = _norm(u)
    return jnp.tanh(sc * un) * u / (sc * un)

def logmap0(p, c):
    sc = jnp.sqrt(c)
    pn = _norm(p)
    return _artanh(sc * pn) * p / (sc * pn)

def mobius_add(x, y, c):
    x2 = jnp.sum(x * x, axis=-1, keepdims=True)
    y2 = jnp.sum(y * y, axis=-1, keepdims=True)
    xy = jnp.sum(x * y, axis=-1, keepdims=True)
    num = (1.0 + 2.0 * c * xy + c * y2) * x + (1.0 - c * x2) * y
    den = 1.0 + 2.0 * c * xy + (c ** 2) * x2 * y2
    return num / jnp.maximum(den, MIN_NORM)

def mobius_matvec(m, x, c):
    sc = jnp.sqrt(c)
    xn = _norm(x)
    mx = x @ m.T
    mxn = _norm(mx)
    res = jnp.tanh(mxn / xn * _artanh(sc * xn)) * mx / (mxn * sc)
    zero = jnp.all(mx == 0, axis=-1, keepdims=True)
    return jnp.where(zero, jnp.zeros_like(res), res)

def mobius_mulscaler(r, x, c):
    sc = jnp.sqrt(c)
    xn = _norm(x)
    return jnp.tanh(r * _artanh(sc * xn)) * x / (xn * sc)

def hgc_encode(x, W, b, src, dst, n_nodes, c):
    # proj_tan0 is identity on the Poincare ball; map features onto the manifold
    x_hyp = proj(expmap0(x, c), c)
    # HypLinear
    h = proj(mobius_matvec(W, x_hyp, c), c)
    hb = proj(expmap0(b[None, :], c), c)
    h = proj(mobius_add(h, hb, c), c)
    # HypAgg: log-map, row-normalized spmm over normalize(adj + I), exp-map
    ht = logmap0(h, c)
    agg = jax.ops.segment_sum(ht[src], dst, num_segments=n_nodes) + ht
    deg = jax.ops.segment_sum(jnp.ones((src.shape[0],), ht.dtype), dst, num_segments=n_nodes) + 1.0
    support = agg / deg[:, None]
    h = proj(expmap0(support, c), c)
    # HypAct with relu, c_in == c_out == c
    xt = jax.nn.relu(logmap0(h, c))
    return proj(expmap0(xt, c), c)

def setup_inputs(seed: int = 0):
    key = jax.random.key(seed)
    N, E, F, D = 10000, 160000, 128, 32
    ks = jax.random.split(key, 16)
    inp = {}
    inp["x"] = jax.random.normal(ks[0], (N, F), jnp.float32) * 0.1
    inp["adj"] = jax.random.randint(ks[1], (2, E), 0, N)
    inp["k_diffusion_in"] = jax.random.randint(ks[2], (1, 2, E), 0, N)
    inp["k_diffusion_out"] = jax.random.randint(ks[3], (1, 2, E), 0, N)
    inp["k_neighbor_in"] = jax.random.randint(ks[4], (1, 2, E), 0, N)
    inp["k_neighbor_out"] = jax.random.randint(ks[5], (1, 2, E), 0, N)
    s = 1.0 / np.sqrt(F)
    inp["W_di"] = jax.random.normal(ks[6], (D, F), jnp.float32) * s
    inp["b_di"] = jax.random.normal(ks[7], (D,), jnp.float32) * 0.01
    inp["W_do"] = jax.random.normal(ks[8], (D, F), jnp.float32) * s
    inp["b_do"] = jax.random.normal(ks[9], (D,), jnp.float32) * 0.01
    inp["W_ni"] = jax.random.normal(ks[10], (D, F), jnp.float32) * s
    inp["b_ni"] = jax.random.normal(ks[11], (D,), jnp.float32) * 0.01
    inp["W_no"] = jax.random.normal(ks[12], (D, F), jnp.float32) * s
    inp["b_no"] = jax.random.normal(ks[13], (D,), jnp.float32) * 0.01
    return inp

def reference(x, adj, k_diffusion_in, k_diffusion_out, k_neighbor_in, k_neighbor_out,
              W_di, b_di, W_do, b_do, W_ni, b_ni, W_no, b_no):
    c = C
    N = x.shape[0]
    ei = (k_diffusion_in[0], k_diffusion_out[0], k_neighbor_in[0], k_neighbor_out[0])
    d_i = hgc_encode(x, W_di, b_di, ei[0][0], ei[0][1], N, c)
    d_o = hgc_encode(x, W_do, b_do, ei[1][0], ei[1][1], N, c)
    n_i = hgc_encode(x, W_ni, b_ni, ei[2][0], ei[2][1], N, c)
    n_o = hgc_encode(x, W_no, b_no, ei[3][0], ei[3][1], N, c)
    w = 1.0 / 8.0
    tw = [mobius_mulscaler(w, t, c) for t in (d_i, d_o, n_i, n_o)]
    target = tw[0]
    for t in tw[1:]:
        target = mobius_add(target, t, c)
    # stack 4 contexts + target -> [5, N, D] -> [N, 5, D] -> [N*5, D]
    tc = jnp.stack([d_i, d_o, n_i, n_o, target], axis=0)
    feat = jnp.transpose(tc, (1, 0, 2)).reshape(N * 5, -1)
    # HypAttnAgg (use_att=False) with the fixed block adjacency: each block-start row
    # of normalize(block_adj + I) averages its 5 block entries in tangent space;
    # only block-start rows ([:, 0, :]) are kept.
    xt = logmap0(feat, c).reshape(N, 5, -1)
    row0 = jnp.mean(xt, axis=1)
    output = proj(expmap0(row0, c), c)
    return output

if __name__ == "__main__":
    import jax
    _d = setup_inputs()
    print(jax.jit(kernel)(*tuple(_d.values())))

</pallas_src>

<mosaic_0001>
#map = affine_map<(d0, d1) -> (0, 0)>
#map1 = affine_map<(d0, d1) -> (0, 0, 0)>
module attributes {stable_mosaic.version = 14 : i64} {
  func.func @sc_agg(%arg0: i32, %arg1: i32, %arg2: memref<10000x48xf32, #tpu.memory_space<hbm>>, %arg3: memref<2x1250x128xi32, #tpu.memory_space<hbm>>, %arg4: memref<2x10240x48xf32, #tpu.memory_space<hbm>>, %arg5: memref<128x48xf32, #tpu.memory_space<vmem>>, %arg6: memref<640x48xf32, #tpu.memory_space<vmem>>, %arg7: memref<40x128xi32, #tpu.memory_space<vmem>>, %arg8: memref<40x128xi32, #tpu.memory_space<vmem>>, %arg9: memref<4x128x48xf32, #tpu.memory_space<vmem>>, %arg10: memref<10240x48xf32, #tpu.memory_space<vmem_shared>>, %arg11: memref<!tpu.dma_semaphore, #tpu.memory_space<semaphore_mem>>, %arg12: memref<!tpu.dma_semaphore, #tpu.memory_space<semaphore_mem>>, %arg13: memref<!tpu.dma_semaphore, #tpu.memory_space<semaphore_mem>>, %arg14: memref<!tpu.dma_semaphore, #tpu.memory_space<semaphore_mem>>, %arg15: memref<!tpu.dma_semaphore, #tpu.memory_space<semaphore_mem>>, %arg16: memref<!tpu.dma_semaphore, #tpu.memory_space<semaphore_mem>>, %arg17: memref<!tpu.dma_semaphore, #tpu.memory_space<semaphore_mem>>, %arg18: memref<!tpu.dma_semaphore, #tpu.memory_space<semaphore_mem>>) attributes {dimension_semantics = [#tpu.dimension_semantics<core_parallel>, #tpu.dimension_semantics<subcore_parallel>], iteration_bounds = array<i64: 2, 16>, scalar_prefetch = 0 : i64, scratch_operands = 14 : i64, tpu.core_type = #tpu.core_type<sc_vector_subcore>, window_params = [{transform_indices = #map}, {transform_indices = #map1}, {transform_indices = #map1}]} {
    %mul3A = arith.constant 16 : i32
    %mul3A_0 = arith.muli %arg0, %mul3A : i32
    %add3A = arith.addi %mul3A_0, %arg1 : i32
    %mul3A_1 = arith.constant 1250 : i32
    %mul3A_2 = arith.muli %add3A, %mul3A_1 : i32
    %jit3A = arith.constant 32 : i32
    %div3A = arith.divsi %mul3A_2, %jit3A : i32
    %sign3A = arith.constant 0 : i32
    %sign3A_3 = arith.cmpi sgt, %mul3A_2, %sign3A : i32
    %sign3A_4 = arith.extui %sign3A_3 : i1 to i32
    %sign3A_5 = arith.constant 0 : i32
    %sign3A_6 = arith.cmpi slt, %mul3A_2, %sign3A_5 : i32
    %sign3A_7 = arith.extui %sign3A_6 : i1 to i32
    %sign3A_8 = arith.subi %sign3A_4, %sign3A_7 : i32
    %sign3A_9 = arith.constant 0 : i32
    %sign3A_10 = arith.cmpi sgt, %jit3A, %sign3A_9 : i32
    %sign3A_11 = arith.extui %sign3A_10 : i1 to i32
    %sign3A_12 = arith.constant 0 : i32
    %sign3A_13 = arith.cmpi slt, %jit3A, %sign3A_12 : i32
    %sign3A_14 = arith.extui %sign3A_13 : i1 to i32
    %sign3A_15 = arith.subi %sign3A_11, %sign3A_14 : i32
    %ne3A = arith.cmpi ne, %sign3A_8, %sign3A_15 : i32
    %rem3A = arith.remsi %mul3A_2, %jit3A : i32
    %ne3A_16 = arith.constant 0 : i32
    %ne3A_17 = arith.cmpi ne, %rem3A, %ne3A_16 : i32
    %and3A = arith.andi %ne3A, %ne3A_17 : i1
    %sub3A = arith.constant 1 : i32
    %sub3A_18 = arith.subi %div3A, %sub3A : i32
    %select_n3A = arith.select %and3A, %sub3A_18, %div3A : i32
    %add3A_19 = arith.constant 1 : i32
    %add3A_20 = arith.addi %add3A, %add3A_19 : i32
    %mul3A_21 = arith.constant 1250 : i32
    %mul3A_22 = arith.muli %add3A_20, %mul3A_21 : i32
    %jit3A_23 = arith.constant 32 : i32
    %div3A_24 = arith.divsi %mul3A_22, %jit3A_23 : i32
    %sign3A_25 = arith.constant 0 : i32
    %sign3A_26 = arith.cmpi sgt, %mul3A_22, %sign3A_25 : i32
    %sign3A_27 = arith.extui %sign3A_26 : i1 to i32
    %sign3A_28 = arith.constant 0 : i32
    %sign3A_29 = arith.cmpi slt, %mul3A_22, %sign3A_28 : i32
    %sign3A_30 = arith.extui %sign3A_29 : i1 to i32
    %sign3A_31 = arith.subi %sign3A_27, %sign3A_30 : i32
    %sign3A_32 = arith.constant 0 : i32
    %sign3A_33 = arith.cmpi sgt, %jit3A_23, %sign3A_32 : i32
    %sign3A_34 = arith.extui %sign3A_33 : i1 to i32
    %sign3A_35 = arith.constant 0 : i32
    %sign3A_36 = arith.cmpi slt, %jit3A_23, %sign3A_35 : i32
    %sign3A_37 = arith.extui %sign3A_36 : i1 to i32
    %sign3A_38 = arith.subi %sign3A_34, %sign3A_37 : i32
    %ne3A_39 = arith.cmpi ne, %sign3A_31, %sign3A_38 : i32
    %rem3A_40 = arith.remsi %mul3A_22, %jit3A_23 : i32
    %ne3A_41 = arith.constant 0 : i32
    %ne3A_42 = arith.cmpi ne, %rem3A_40, %ne3A_41 : i32
    %and3A_43 = arith.andi %ne3A_39, %ne3A_42 : i1
    %sub3A_44 = arith.constant 1 : i32
    %sub3A_45 = arith.subi %div3A_24, %sub3A_44 : i32
    %select_n3A_46 = arith.select %and3A_43, %sub3A_45, %div3A_24 : i32
    %sub3A_47 = arith.subi %select_n3A_46, %select_n3A : i32
    %broadcast_in_dim3A = arith.constant 0.000000e+00 : f32
    %broadcast_in_dim3A_48 = vector.broadcast %broadcast_in_dim3A : f32 to vector<16xf32>
    %scan3A = arith.constant 0 : i32
    %scan3A_49 = arith.constant 0 : i32
    %scan3A_50 = arith.constant 128 : i32
    %scan3A_51 = arith.addi %scan3A_49, %scan3A_50 : i32
    %scan3A_52 = arith.constant 1 : i32
    scf.for %scan3A_123 = %scan3A_49 to %scan3A_51 step %scan3A_52  : i32 {
      %swap3A = arith.index_cast %scan3A_123 : i32 to index
      %swap3A_124 = arith.constant 0 : index
      %swap3A_125 = tpu.vector_load %arg5[%swap3A, %swap3A_124] {strides = array<i32>} : memref<128x48xf32, #tpu.memory_space<vmem>>, vector<1x16xf32>,
      %swap3A_126 = vector.shape_cast %swap3A_125 : vector<1x16xf32> to vector<16xf32>
      %swap3A_127 = vector.shape_cast %broadcast_in_dim3A_48 : vector<16xf32> to vector<1x16xf32>
      tpu.vector_store %arg5[%swap3A, %swap3A_124], %swap3A_127 {strides = array<i32>} : memref<128x48xf32, #tpu.memory_space<vmem>>, vector<1x16xf32>,
      %swap3A_128 = arith.index_cast %scan3A_123 : i32 to index
      %swap3A_129 = arith.constant 16 : index
      %swap3A_130 = tpu.vector_load %arg5[%swap3A_128, %swap3A_129] {strides = array<i32>} : memref<128x48xf32, #tpu.memory_space<vmem>>, vector<1x16xf32>,
      %swap3A_131 = vector.shape_cast %swap3A_130 : vector<1x16xf32> to vector<16xf32>
      %swap3A_132 = vector.shape_cast %broadcast_in_dim3A_48 : vector<16xf32> to vector<1x16xf32>
      tpu.vector_store %arg5[%swap3A_128, %swap3A_129], %swap3A_132 {strides = array<i32>} : memref<128x48xf32, #tpu.memory_space<vmem>>, vector<1x16xf32>,
      %swap3A_133 = arith.index_cast %scan3A_123 : i32 to index
      %swap3A_134 = arith.constant 32 : index
      %swap3A_135 = tpu.vector_load %arg5[%swap3A_133, %swap3A_134] {strides = array<i32>} : memref<128x48xf32, #tpu.memory_space<vmem>>, vector<1x16xf32>,
      %swap3A_136 = vector.shape_cast %swap3A_135 : vector<1x16xf32> to vector<16xf32>
      %swap3A_137 = vector.shape_cast %broadcast_in_dim3A_48 : vector<16xf32> to vector<1x16xf32>
      tpu.vector_store %arg5[%swap3A_133, %swap3A_134], %swap3A_137 {strides = array<i32>} : memref<128x48xf32, #tpu.memory_space<vmem>>, vector<1x16xf32>,
    }
    %scan3A_53 = arith.constant 128 : i32
    %mul3A_54 = arith.constant 640 : i32
    %mul3A_55 = arith.muli %arg1, %mul3A_54 : i32
    %add3A_56 = arith.constant 0 : i32
    %add3A_57 = arith.addi %mul3A_55, %add3A_56 : i32
    "tpu.region"() ({
      %run_scoped3A_123 = tpu.sem_alloc : memref<!tpu.dma_semaphore, #tpu.memory_space<semaphore_mem>>
      %dma_start3A = arith.constant 0 : i32
      %dma_start3A_124 = tpu.memref_slice %arg10[%add3A_57, %dma_start3A] : memref<10240x48xf32, #tpu.memory_space<vmem_shared>> -> memref<128x48xf32, #tpu.memory_space<vmem_shared>>
      %dma_start3A_125 = arith.constant 0 : i32
      %dma_start3A_126 = tpu.memref_slice %arg10[%add3A_57, %dma_start3A_125] : memref<10240x48xf32, #tpu.memory_space<vmem_shared>> -> memref<128x48xf32, #tpu.memory_space<vmem_shared>>
      tpu.enqueue_dma source(%arg5 : memref<128x48xf32, #tpu.memory_space<vmem>>) target(%dma_start3A_126 : memref<128x48xf32, #tpu.memory_space<vmem_shared>>) target_semaphore(%run_scoped3A_123 : memref<!tpu.dma_semaphore, #tpu.memory_space<semaphore_mem>>)
      %dma_wait3A = arith.constant 0 : i32
      %dma_wait3A_127 = tpu.memref_slice %arg10[%add3A_57, %dma_wait3A] : memref<10240x48xf32, #tpu.memory_space<vmem_shared>> -> memref<128x48xf32, #tpu.memory_space<vmem_shared>>
      %dma_wait3A_128 = arith.constant 0 : i32
      %dma_wait3A_129 = tpu.memref_slice %arg10[%add3A_57, %dma_wait3A_128] : memref<10240x48xf32, #tpu.memory_space<vmem_shared>> -> memref<128x48xf32, #tpu.memory_space<vmem_shared>>
      tpu.wait_dma2 semaphore(%run_scoped3A_123 : memref<!tpu.dma_semaphore, #tpu.memory_space<semaphore_mem>>) src(%arg5 : memref<128x48xf32, #tpu.memory_space<vmem>>) dst(%dma_wait3A_129 : memref<128x48xf32, #tpu.memory_space<vmem_shared>>)
      tpu.yield
    }) : () -> ()
    %mul3A_58 = arith.constant 640 : i32
    %mul3A_59 = arith.muli %arg1, %mul3A_58 : i32
    %add3A_60 = arith.constant 128 : i32
    %add3A_61 = arith.addi %mul3A_59, %add3A_60 : i32
    "tpu.region"() ({
      %run_scoped3A_123 = tpu.sem_alloc : memref<!tpu.dma_semaphore, #tpu.memory_space<semaphore_mem>>
      %dma_start3A = arith.constant 0 : i32
      %dma_start3A_124 = tpu.memref_slice %arg10[%add3A_61, %dma_start3A] : memref<10240x48xf32, #tpu.memory_space<vmem_shared>> -> memref<128x48xf32, #tpu.memory_space<vmem_shared>>
      %dma_start3A_125 = arith.constant 0 : i32
      %dma_start3A_126 = tpu.memref_slice %arg10[%add3A_61, %dma_start3A_125] : memref<10240x48xf32, #tpu.memory_space<vmem_shared>> -> memref<128x48xf32, #tpu.memory_space<vmem_shared>>
      tpu.enqueue_dma source(%arg5 : memref<128x48xf32, #tpu.memory_space<vmem>>) target(%dma_start3A_126 : memref<128x48xf32, #tpu.memory_space<vmem_shared>>) target_semaphore(%run_scoped3A_123 : memref<!tpu.dma_semaphore, #tpu.memory_space<semaphore_mem>>)
      %dma_wait3A = arith.constant 0 : i32
      %dma_wait3A_127 = tpu.memref_slice %arg10[%add3A_61, %dma_wait3A] : memref<10240x48xf32, #tpu.memory_space<vmem_shared>> -> memref<128x48xf32, #tpu.memory_space<vmem_shared>>
      %dma_wait3A_128 = arith.constant 0 : i32
      %dma_wait3A_129 = tpu.memref_slice %arg10[%add3A_61, %dma_wait3A_128] : memref<10240x48xf32, #tpu.memory_space<vmem_shared>> -> memref<128x48xf32, #tpu.memory_space<vmem_shared>>
      tpu.wait_dma2 semaphore(%run_scoped3A_123 : memref<!tpu.dma_semaphore, #tpu.memory_space<semaphore_mem>>) src(%arg5 : memref<128x48xf32, #tpu.memory_space<vmem>>) dst(%dma_wait3A_129 : memref<128x48xf32, #tpu.memory_space<vmem_shared>>)
      tpu.yield
    }) : () -> ()
    %mul3A_62 = arith.constant 640 : i32
    %mul3A_63 = arith.muli %arg1, %mul3A_62 : i32
    %add3A_64 = arith.constant 256 : i32
    %add3A_65 = arith.addi %mul3A_63, %add3A_64 : i32
    "tpu.region"() ({
      %run_scoped3A_123 = tpu.sem_alloc : memref<!tpu.dma_semaphore, #tpu.memory_space<semaphore_mem>>
      %dma_start3A = arith.constant 0 : i32
      %dma_start3A_124 = tpu.memref_slice %arg10[%add3A_65, %dma_start3A] : memref<10240x48xf32, #tpu.memory_space<vmem_shared>> -> memref<128x48xf32, #tpu.memory_space<vmem_shared>>
      %dma_start3A_125 = arith.constant 0 : i32
      %dma_start3A_126 = tpu.memref_slice %arg10[%add3A_65, %dma_start3A_125] : memref<10240x48xf32, #tpu.memory_space<vmem_shared>> -> memref<128x48xf32, #tpu.memory_space<vmem_shared>>
      tpu.enqueue_dma source(%arg5 : memref<128x48xf32, #tpu.memory_space<vmem>>) target(%dma_start3A_126 : memref<128x48xf32, #tpu.memory_space<vmem_shared>>) target_semaphore(%run_scoped3A_123 : memref<!tpu.dma_semaphore, #tpu.memory_space<semaphore_mem>>)
      %dma_wait3A = arith.constant 0 : i32
      %dma_wait3A_127 = tpu.memref_slice %arg10[%add3A_65, %dma_wait3A] : memref<10240x48xf32, #tpu.memory_space<vmem_shared>> -> memref<128x48xf32, #tpu.memory_space<vmem_shared>>
      %dma_wait3A_128 = arith.constant 0 : i32
      %dma_wait3A_129 = tpu.memref_slice %arg10[%add3A_65, %dma_wait3A_128] : memref<10240x48xf32, #tpu.memory_space<vmem_shared>> -> memref<128x48xf32, #tpu.memory_space<vmem_shared>>
      tpu.wait_dma2 semaphore(%run_scoped3A_123 : memref<!tpu.dma_semaphore, #tpu.memory_space<semaphore_mem>>) src(%arg5 : memref<128x48xf32, #tpu.memory_space<vmem>>) dst(%dma_wait3A_129 : memref<128x48xf32, #tpu.memory_space<vmem_shared>>)
      tpu.yield
    }) : () -> ()
    %mul3A_66 = arith.constant 640 : i32
    %mul3A_67 = arith.muli %arg1, %mul3A_66 : i32
    %add3A_68 = arith.constant 384 : i32
    %add3A_69 = arith.addi %mul3A_67, %add3A_68 : i32
    "tpu.region"() ({
      %run_scoped3A_123 = tpu.sem_alloc : memref<!tpu.dma_semaphore, #tpu.memory_space<semaphore_mem>>
      %dma_start3A = arith.constant 0 : i32
      %dma_start3A_124 = tpu.memref_slice %arg10[%add3A_69, %dma_start3A] : memref<10240x48xf32, #tpu.memory_space<vmem_shared>> -> memref<128x48xf32, #tpu.memory_space<vmem_shared>>
      %dma_start3A_125 = arith.constant 0 : i32
      %dma_start3A_126 = tpu.memref_slice %arg10[%add3A_69, %dma_start3A_125] : memref<10240x48xf32, #tpu.memory_space<vmem_shared>> -> memref<128x48xf32, #tpu.memory_space<vmem_shared>>
      tpu.enqueue_dma source(%arg5 : memref<128x48xf32, #tpu.memory_space<vmem>>) target(%dma_start3A_126 : memref<128x48xf32, #tpu.memory_space<vmem_shared>>) target_semaphore(%run_scoped3A_123 : memref<!tpu.dma_semaphore, #tpu.memory_space<semaphore_mem>>)
      %dma_wait3A = arith.constant 0 : i32
      %dma_wait3A_127 = tpu.memref_slice %arg10[%add3A_69, %dma_wait3A] : memref<10240x48xf32, #tpu.memory_space<vmem_shared>> -> memref<128x48xf32, #tpu.memory_space<vmem_shared>>
      %dma_wait3A_128 = arith.constant 0 : i32
      %dma_wait3A_129 = tpu.memref_slice %arg10[%add3A_69, %dma_wait3A_128] : memref<10240x48xf32, #tpu.memory_space<vmem_shared>> -> memref<128x48xf32, #tpu.memory_space<vmem_shared>>
      tpu.wait_dma2 semaphore(%run_scoped3A_123 : memref<!tpu.dma_semaphore, #tpu.memory_space<semaphore_mem>>) src(%arg5 : memref<128x48xf32, #tpu.memory_space<vmem>>) dst(%dma_wait3A_129 : memref<128x48xf32, #tpu.memory_space<vmem_shared>>)
      tpu.yield
    }) : () -> ()
    %mul3A_70 = arith.constant 640 : i32
    %mul3A_71 = arith.muli %arg1, %mul3A_70 : i32
    %add3A_72 = arith.constant 512 : i32
    %add3A_73 = arith.addi %mul3A_71, %add3A_72 : i32
    "tpu.region"() ({
      %run_scoped3A_123 = tpu.sem_alloc : memref<!tpu.dma_semaphore, #tpu.memory_space<semaphore_mem>>
      %dma_start3A = arith.constant 0 : i32
      %dma_start3A_124 = tpu.memref_slice %arg10[%add3A_73, %dma_start3A] : memref<10240x48xf32, #tpu.memory_space<vmem_shared>> -> memref<128x48xf32, #tpu.memory_space<vmem_shared>>
      %dma_start3A_125 = arith.constant 0 : i32
      %dma_start3A_126 = tpu.memref_slice %arg10[%add3A_73, %dma_start3A_125] : memref<10240x48xf32, #tpu.memory_space<vmem_shared>> -> memref<128x48xf32, #tpu.memory_space<vmem_shared>>
      tpu.enqueue_dma source(%arg5 : memref<128x48xf32, #tpu.memory_space<vmem>>) target(%dma_start3A_126 : memref<128x48xf32, #tpu.memory_space<vmem_shared>>) target_semaphore(%run_scoped3A_123 : memref<!tpu.dma_semaphore, #tpu.memory_space<semaphore_mem>>)
      %dma_wait3A = arith.constant 0 : i32
      %dma_wait3A_127 = tpu.memref_slice %arg10[%add3A_73, %dma_wait3A] : memref<10240x48xf32, #tpu.memory_space<vmem_shared>> -> memref<128x48xf32, #tpu.memory_space<vmem_shared>>
      %dma_wait3A_128 = arith.constant 0 : i32
      %dma_wait3A_129 = tpu.memref_slice %arg10[%add3A_73, %dma_wait3A_128] : memref<10240x48xf32, #tpu.memory_space<vmem_shared>> -> memref<128x48xf32, #tpu.memory_space<vmem_shared>>
      tpu.wait_dma2 semaphore(%run_scoped3A_123 : memref<!tpu.dma_semaphore, #tpu.memory_space<semaphore_mem>>) src(%arg5 : memref<128x48xf32, #tpu.memory_space<vmem>>) dst(%dma_wait3A_129 : memref<128x48xf32, #tpu.memory_space<vmem_shared>>)
      tpu.yield
    }) : () -> ()
    %run_scoped3A = arith.constant 0 : i32
    "tpu.region"() ({
      %run_scoped3A_123 = tpu.sem_alloc : memref<!tpu.dma_semaphore, #tpu.memory_space<semaphore_mem>>
      %dma_start3A = arith.constant 0 : i32
      %dma_start3A_124 = tpu.memref_slice %arg3[%run_scoped3A, %select_n3A, %dma_start3A] : memref<2x1250x128xi32, #tpu.memory_space<hbm>> -> memref<1x40x128xi32, #tpu.memory_space<hbm>>
      %dma_start3A_125 = tpu.memref_squeeze %dma_start3A_124 : memref<1x40x128xi32, #tpu.memory_space<hbm>> -> memref<40x128xi32, #tpu.memory_space<hbm>>
      %dma_start3A_126 = arith.constant 0 : i32
      %dma_start3A_127 = tpu.memref_slice %arg3[%run_scoped3A, %select_n3A, %dma_start3A_126] : memref<2x1250x128xi32, #tpu.memory_space<hbm>> -> memref<1x40x128xi32, #tpu.memory_space<hbm>>
      %dma_start3A_128 = tpu.memref_squeeze %dma_start3A_127 : memref<1x40x128xi32, #tpu.memory_space<hbm>> -> memref<40x128xi32, #tpu.memory_space<hbm>>
      tpu.enqueue_dma source(%dma_start3A_128 : memref<40x128xi32, #tpu.memory_space<hbm>>) target(%arg7 : memref<40x128xi32, #tpu.memory_space<vmem>>) target_semaphore(%run_scoped3A_123 : memref<!tpu.dma_semaphore, #tpu.memory_space<semaphore_mem>>)
      %dma_wait3A = arith.constant 0 : i32
      %dma_wait3A_129 = tpu.memref_slice %arg3[%run_scoped3A, %select_n3A, %dma_wait3A] : memref<2x1250x128xi32, #tpu.memory_space<hbm>> -> memref<1x40x128xi32, #tpu.memory_space<hbm>>
      %dma_wait3A_130 = tpu.memref_squeeze %dma_wait3A_129 : memref<1x40x128xi32, #tpu.memory_space<hbm>> -> memref<40x128xi32, #tpu.memory_space<hbm>>
      %dma_wait3A_131 = arith.constant 0 : i32
      %dma_wait3A_132 = tpu.memref_slice %arg3[%run_scoped3A, %select_n3A, %dma_wait3A_131] : memref<2x1250x128xi32, #tpu.memory_space<hbm>> -> memref<1x40x128xi32, #tpu.memory_space<hbm>>
      %dma_wait3A_133 = tpu.memref_squeeze %dma_wait3A_132 : memref<1x40x128xi32, #tpu.memory_space<hbm>> -> memref<40x128xi32, #tpu.memory_space<hbm>>
      tpu.wait_dma2 semaphore(%run_scoped3A_123 : memref<!tpu.dma_semaphore, #tpu.memory_space<semaphore_mem>>) src(%dma_wait3A_133 : memref<40x128xi32, #tpu.memory_space<hbm>>) dst(%arg7 : memref<40x128xi32, #tpu.memory_space<vmem>>)
      tpu.yield
    }) : () -> ()
    %run_scoped3A_74 = arith.constant 1 : i32
    "tpu.region"() ({
      %run_scoped3A_123 = tpu.sem_alloc : memref<!tpu.dma_semaphore, #tpu.memory_space<semaphore_mem>>
      %dma_start3A = arith.constant 0 : i32
      %dma_start3A_124 = tpu.memref_slice %arg3[%run_scoped3A_74, %select_n3A, %dma_start3A] : memref<2x1250x128xi32, #tpu.memory_space<hbm>> -> memref<1x40x128xi32, #tpu.memory_space<hbm>>
      %dma_start3A_125 = tpu.memref_squeeze %dma_start3A_124 : memref<1x40x128xi32, #tpu.memory_space<hbm>> -> memref<40x128xi32, #tpu.memory_space<hbm>>
      %dma_start3A_126 = arith.constant 0 : i32
      %dma_start3A_127 = tpu.memref_slice %arg3[%run_scoped3A_74, %select_n3A, %dma_start3A_126] : memref<2x1250x128xi32, #tpu.memory_space<hbm>> -> memref<1x40x128xi32, #tpu.memory_space<hbm>>
      %dma_start3A_128 = tpu.memref_squeeze %dma_start3A_127 : memref<1x40x128xi32, #tpu.memory_space<hbm>> -> memref<40x128xi32, #tpu.memory_space<hbm>>
      tpu.enqueue_dma source(%dma_start3A_128 : memref<40x128xi32, #tpu.memory_space<hbm>>) target(%arg8 : memref<40x128xi32, #tpu.memory_space<vmem>>) target_semaphore(%run_scoped3A_123 : memref<!tpu.dma_semaphore, #tpu.memory_space<semaphore_mem>>)
      %dma_wait3A = arith.constant 0 : i32
      %dma_wait3A_129 = tpu.memref_slice %arg3[%run_scoped3A_74, %select_n3A, %dma_wait3A] : memref<2x1250x128xi32, #tpu.memory_space<hbm>> -> memref<1x40x128xi32, #tpu.memory_space<hbm>>
      %dma_wait3A_130 = tpu.memref_squeeze %dma_wait3A_129 : memref<1x40x128xi32, #tpu.memory_space<hbm>> -> memref<40x128xi32, #tpu.memory_space<hbm>>
      %dma_wait3A_131 = arith.constant 0 : i32
      %dma_wait3A_132 = tpu.memref_slice %arg3[%run_scoped3A_74, %select_n3A, %dma_wait3A_131] : memref<2x1250x128xi32, #tpu.memory_space<hbm>> -> memref<1x40x128xi32, #tpu.memory_space<hbm>>
      %dma_wait3A_133 = tpu.memref_squeeze %dma_wait3A_132 : memref<1x40x128xi32, #tpu.memory_space<hbm>> -> memref<40x128xi32, #tpu.memory_space<hbm>>
      tpu.wait_dma2 semaphore(%run_scoped3A_123 : memref<!tpu.dma_semaphore, #tpu.memory_space<semaphore_mem>>) src(%dma_wait3A_133 : memref<40x128xi32, #tpu.memory_space<hbm>>) dst(%arg8 : memref<40x128xi32, #tpu.memory_space<vmem>>)
      tpu.yield
    }) : () -> ()
    %barrier3A = arith.constant 0 : index
    tpu.barrier barrier_id(%barrier3A)
    %gt3A = arith.constant 0 : i32
    %gt3A_75 = arith.cmpi sgt, %sub3A_47, %gt3A : i32
    %convert_element_type3A = arith.extui %gt3A_75 : i1 to i32
    %cond3A = arith.constant 0 : i32
    %cond3A_76 = arith.cmpi ne, %convert_element_type3A, %cond3A : i32
    scf.if %cond3A_76 {
      %dma_start3A = arith.constant 0 : i32
      %dma_start3A_123 = arith.constant 0 : i32
      %dma_start3A_124 = arith.constant 0 : i32
      %dma_start3A_125 = arith.constant 0 : i32
      %dma_start3A_126 = tpu.memref_slice %arg9[%dma_start3A_123, %dma_start3A_124, %dma_start3A_125] : memref<4x128x48xf32, #tpu.memory_space<vmem>> -> memref<1x128x48xf32, #tpu.memory_space<vmem>>
      %dma_start3A_127 = tpu.memref_squeeze %dma_start3A_126 : memref<1x128x48xf32, #tpu.memory_space<vmem>> -> memref<128x48xf32, #tpu.memory_space<vmem>>
      %dma_start3A_128 = arith.constant 0 : i32
      %dma_start3A_129 = tpu.memref_slice %arg7[%dma_start3A, %dma_start3A_128] : memref<40x128xi32, #tpu.memory_space<vmem>> -> memref<1x128xi32, #tpu.memory_space<vmem>>
      %dma_start3A_130 = tpu.memref_squeeze %dma_start3A_129 : memref<1x128xi32, #tpu.memory_space<vmem>> -> memref<128xi32, #tpu.memory_space<vmem>>
      %dma_start3A_131 = arith.constant 0 : i32
      %dma_start3A_132 = arith.constant 0 : i32
      %dma_start3A_133 = tpu.memref_slice %arg2[%dma_start3A_131, %dma_start3A_132] : memref<10000x48xf32, #tpu.memory_space<hbm>> -> memref<10000x48xf32, #tpu.memory_space<hbm>>
      tpu.enqueue_indirect_dma source(%dma_start3A_133 : memref<10000x48xf32, #tpu.memory_space<hbm>>) target(%dma_start3A_127 : memref<128x48xf32, #tpu.memory_space<vmem>>) offsets(%dma_start3A_130 : memref<128xi32, #tpu.memory_space<vmem>>) semaphore(%arg11 : memref<!tpu.dma_semaphore, #tpu.memory_space<semaphore_mem>>)
    } else {
    }
    %gt3A_77 = arith.constant 1 : i32
    %gt3A_78 = arith.cmpi sgt, %sub3A_47, %gt3A_77 : i32
    %convert_element_type3A_79 = arith.extui %gt3A_78 : i1 to i32
    %cond3A_80 = arith.constant 0 : i32
    %cond3A_81 = arith.cmpi ne, %convert_element_type3A_79, %cond3A_80 : i32
    scf.if %cond3A_81 {
      %dma_start3A = arith.constant 1 : i32
      %dma_start3A_123 = arith.constant 1 : i32
      %dma_start3A_124 = arith.constant 0 : i32
      %dma_start3A_125 = arith.constant 0 : i32
      %dma_start3A_126 = tpu.memref_slice %arg9[%dma_start3A_123, %dma_start3A_124, %dma_start3A_125] : memref<4x128x48xf32, #tpu.memory_space<vmem>> -> memref<1x128x48xf32, #tpu.memory_space<vmem>>
      %dma_start3A_127 = tpu.memref_squeeze %dma_start3A_126 : memref<1x128x48xf32, #tpu.memory_space<vmem>> -> memref<128x48xf32, #tpu.memory_space<vmem>>
      %dma_start3A_128 = arith.constant 0 : i32
      %dma_start3A_129 = tpu.memref_slice %arg7[%dma_start3A, %dma_start3A_128] : memref<40x128xi32, #tpu.memory_space<vmem>> -> memref<1x128xi32, #tpu.memory_space<vmem>>
      %dma_start3A_130 = tpu.memref_squeeze %dma_start3A_129 : memref<1x128xi32, #tpu.memory_space<vmem>> -> memref<128xi32, #tpu.memory_space<vmem>>
      %dma_start3A_131 = arith.constant 0 : i32
      %dma_start3A_132 = arith.constant 0 : i32
      %dma_start3A_133 = tpu.memref_slice %arg2[%dma_start3A_131, %dma_start3A_132] : memref<10000x48xf32, #tpu.memory_space<hbm>> -> memref<10000x48xf32, #tpu.memory_space<hbm>>
      tpu.enqueue_indirect_dma source(%dma_start3A_133 : memref<10000x48xf32, #tpu.memory_space<hbm>>) target(%dma_start3A_127 : memref<128x48xf32, #tpu.memory_space<vmem>>) offsets(%dma_start3A_130 : memref<128xi32, #tpu.memory_space<vmem>>) semaphore(%arg12 : memref<!tpu.dma_semaphore, #tpu.memory_space<semaphore_mem>>)
    } else {
    }
    %gt3A_82 = arith.constant 2 : i32
    %gt3A_83 = arith.cmpi sgt, %sub3A_47, %gt3A_82 : i32
    %convert_element_type3A_84 = arith.extui %gt3A_83 : i1 to i32
    %cond3A_85 = arith.constant 0 : i32
    %cond3A_86 = arith.cmpi ne, %convert_element_type3A_84, %cond3A_85 : i32
    scf.if %cond3A_86 {
      %dma_start3A = arith.constant 2 : i32
      %dma_start3A_123 = arith.constant 2 : i32
      %dma_start3A_124 = arith.constant 0 : i32
      %dma_start3A_125 = arith.constant 0 : i32
      %dma_start3A_126 = tpu.memref_slice %arg9[%dma_start3A_123, %dma_start3A_124, %dma_start3A_125] : memref<4x128x48xf32, #tpu.memory_space<vmem>> -> memref<1x128x48xf32, #tpu.memory_space<vmem>>
      %dma_start3A_127 = tpu.memref_squeeze %dma_start3A_126 : memref<1x128x48xf32, #tpu.memory_space<vmem>> -> memref<128x48xf32, #tpu.memory_space<vmem>>
      %dma_start3A_128 = arith.constant 0 : i32
      %dma_start3A_129 = tpu.memref_slice %arg7[%dma_start3A, %dma_start3A_128] : memref<40x128xi32, #tpu.memory_space<vmem>> -> memref<1x128xi32, #tpu.memory_space<vmem>>
      %dma_start3A_130 = tpu.memref_squeeze %dma_start3A_129 : memref<1x128xi32, #tpu.memory_space<vmem>> -> memref<128xi32, #tpu.memory_space<vmem>>
      %dma_start3A_131 = arith.constant 0 : i32
      %dma_start3A_132 = arith.constant 0 : i32
      %dma_start3A_133 = tpu.memref_slice %arg2[%dma_start3A_131, %dma_start3A_132] : memref<10000x48xf32, #tpu.memory_space<hbm>> -> memref<10000x48xf32, #tpu.memory_space<hbm>>
      tpu.enqueue_indirect_dma source(%dma_start3A_133 : memref<10000x48xf32, #tpu.memory_space<hbm>>) target(%dma_start3A_127 : memref<128x48xf32, #tpu.memory_space<vmem>>) offsets(%dma_start3A_130 : memref<128xi32, #tpu.memory_space<vmem>>) semaphore(%arg13 : memref<!tpu.dma_semaphore, #tpu.memory_space<semaphore_mem>>)
    } else {
    }
    %gt3A_87 = arith.constant 3 : i32
    %gt3A_88 = arith.cmpi sgt, %sub3A_47, %gt3A_87 : i32
    %convert_element_type3A_89 = arith.extui %gt3A_88 : i1 to i32
    %cond3A_90 = arith.constant 0 : i32
    %cond3A_91 = arith.cmpi ne, %convert_element_type3A_89, %cond3A_90 : i32
    scf.if %cond3A_91 {
      %dma_start3A = arith.constant 3 : i32
      %dma_start3A_123 = arith.constant 3 : i32
      %dma_start3A_124 = arith.constant 0 : i32
      %dma_start3A_125 = arith.constant 0 : i32
      %dma_start3A_126 = tpu.memref_slice %arg9[%dma_start3A_123, %dma_start3A_124, %dma_start3A_125] : memref<4x128x48xf32, #tpu.memory_space<vmem>> -> memref<1x128x48xf32, #tpu.memory_space<vmem>>
      %dma_start3A_127 = tpu.memref_squeeze %dma_start3A_126 : memref<1x128x48xf32, #tpu.memory_space<vmem>> -> memref<128x48xf32, #tpu.memory_space<vmem>>
      %dma_start3A_128 = arith.constant 0 : i32
      %dma_start3A_129 = tpu.memref_slice %arg7[%dma_start3A, %dma_start3A_128] : memref<40x128xi32, #tpu.memory_space<vmem>> -> memref<1x128xi32, #tpu.memory_space<vmem>>
      %dma_start3A_130 = tpu.memref_squeeze %dma_start3A_129 : memref<1x128xi32, #tpu.memory_space<vmem>> -> memref<128xi32, #tpu.memory_space<vmem>>
      %dma_start3A_131 = arith.constant 0 : i32
      %dma_start3A_132 = arith.constant 0 : i32
      %dma_start3A_133 = tpu.memref_slice %arg2[%dma_start3A_131, %dma_start3A_132] : memref<10000x48xf32, #tpu.memory_space<hbm>> -> memref<10000x48xf32, #tpu.memory_space<hbm>>
      tpu.enqueue_indirect_dma source(%dma_start3A_133 : memref<10000x48xf32, #tpu.memory_space<hbm>>) target(%dma_start3A_127 : memref<128x48xf32, #tpu.memory_space<vmem>>) offsets(%dma_start3A_130 : memref<128xi32, #tpu.memory_space<vmem>>) semaphore(%arg14 : memref<!tpu.dma_semaphore, #tpu.memory_space<semaphore_mem>>)
    } else {
    }
    %scan3A_92 = arith.constant 0 : i32
    %scan3A_93 = arith.constant 0 : i32
    %scan3A_94 = arith.constant 10 : i32
    %scan3A_95 = arith.addi %scan3A_93, %scan3A_94 : i32
    %scan3A_96 = arith.constant 1 : i32
    scf.for %scan3A_123 = %scan3A_93 to %scan3A_95 step %scan3A_96  : i32 {
      %mul3A_124 = arith.constant 4 : i32
      %mul3A_125 = arith.muli %mul3A_124, %scan3A_123 : i32
      %add3A_126 = arith.constant 0 : i32
      %add3A_127 = arith.addi %mul3A_125, %add3A_126 : i32
      %lt3A = arith.cmpi slt, %add3A_127, %sub3A_47 : i32
      %convert_element_type3A_128 = arith.extui %lt3A : i1 to i32
      %cond3A_129 = arith.constant 0 : i32
      %cond3A_130 = arith.cmpi ne, %convert_element_type3A_128, %cond3A_129 : i32
      scf.if %cond3A_130 {
        %add3A_181 = arith.constant 0 : i32
        %add3A_182 = arith.addi %mul3A_125, %add3A_181 : i32
        %dma_wait3A = arith.constant 0 : i32
        %dma_wait3A_183 = arith.constant 0 : i32
        %dma_wait3A_184 = arith.constant 0 : i32
        %dma_wait3A_185 = tpu.memref_slice %arg9[%dma_wait3A, %dma_wait3A_183, %dma_wait3A_184] : memref<4x128x48xf32, #tpu.memory_space<vmem>> -> memref<1x128x48xf32, #tpu.memory_space<vmem>>
        %dma_wait3A_186 = tpu.memref_squeeze %dma_wait3A_185 : memref<1x128x48xf32, #tpu.memory_space<vmem>> -> memref<128x48xf32, #tpu.memory_space<vmem>>
        %dma_wait3A_187 = arith.constant 0 : i32
        %dma_wait3A_188 = tpu.memref_slice %arg7[%add3A_182, %dma_wait3A_187] : memref<40x128xi32, #tpu.memory_space<vmem>> -> memref<1x128xi32, #tpu.memory_space<vmem>>
        %dma_wait3A_189 = tpu.memref_squeeze %dma_wait3A_188 : memref<1x128xi32, #tpu.memory_space<vmem>> -> memref<128xi32, #tpu.memory_space<vmem>>
        %dma_wait3A_190 = arith.constant 0 : i32
        %dma_wait3A_191 = arith.constant 0 : i32
        %dma_wait3A_192 = tpu.memref_slice %arg2[%dma_wait3A_190, %dma_wait3A_191] : memref<10000x48xf32, #tpu.memory_space<hbm>> -> memref<10000x48xf32, #tpu.memory_space<hbm>>
        tpu.wait_indirect_dma semaphore(%arg11 : memref<!tpu.dma_semaphore, #tpu.memory_space<semaphore_mem>>) src(%dma_wait3A_192 : memref<10000x48xf32, #tpu.memory_space<hbm>>) dst(%dma_wait3A_186 : memref<128x48xf32, #tpu.memory_space<vmem>>)
        %dma_start3A = arith.constant 0 : i32
        %dma_start3A_193 = arith.constant 0 : i32
        %dma_start3A_194 = arith.constant 0 : i32
        %dma_start3A_195 = tpu.memref_slice %arg9[%dma_start3A, %dma_start3A_193, %dma_start3A_194] : memref<4x128x48xf32, #tpu.memory_space<vmem>> -> memref<1x128x48xf32, #tpu.memory_space<vmem>>
        %dma_start3A_196 = tpu.memref_squeeze %dma_start3A_195 : memref<1x128x48xf32, #tpu.memory_space<vmem>> -> memref<128x48xf32, #tpu.memory_space<vmem>>
        %dma_start3A_197 = arith.constant 0 : i32
        %dma_start3A_198 = tpu.memref_slice %arg8[%add3A_182, %dma_start3A_197] : memref<40x128xi32, #tpu.memory_space<vmem>> -> memref<1x128xi32, #tpu.memory_space<vmem>>
        %dma_start3A_199 = tpu.memref_squeeze %dma_start3A_198 : memref<1x128xi32, #tpu.memory_space<vmem>> -> memref<128xi32, #tpu.memory_space<vmem>>
        %dma_start3A_200 = arith.constant 0 : i32
        %dma_start3A_201 = arith.constant 0 : i32
        %dma_start3A_202 = tpu.memref_slice %arg10[%dma_start3A_200, %dma_start3A_201] : memref<10240x48xf32, #tpu.memory_space<vmem_shared>> -> memref<10240x48xf32, #tpu.memory_space<vmem_shared>>
        tpu.enqueue_indirect_dma source(%dma_start3A_196 : memref<128x48xf32, #tpu.memory_space<vmem>>) target(%dma_start3A_202 : memref<10240x48xf32, #tpu.memory_space<vmem_shared>>) offsets(%dma_start3A_199 : memref<128xi32, #tpu.memory_space<vmem>>) semaphore(%arg15 : memref<!tpu.dma_semaphore, #tpu.memory_space<semaphore_mem>>) {add = true}
      } else {
      }
      %add3A_131 = arith.constant 1 : i32
      %add3A_132 = arith.addi %mul3A_125, %add3A_131 : i32
      %lt3A_133 = arith.cmpi slt, %add3A_132, %sub3A_47 : i32
      %convert_element_type3A_134 = arith.extui %lt3A_133 : i1 to i32
      %cond3A_135 = arith.constant 0 : i32
      %cond3A_136 = arith.cmpi ne, %convert_element_type3A_134, %cond3A_135 : i32
      scf.if %cond3A_136 {
        %add3A_181 = arith.constant 1 : i32
        %add3A_182 = arith.addi %mul3A_125, %add3A_181 : i32
        %dma_wait3A = arith.constant 1 : i32
        %dma_wait3A_183 = arith.constant 0 : i32
        %dma_wait3A_184 = arith.constant 0 : i32
        %dma_wait3A_185 = tpu.memref_slice %arg9[%dma_wait3A, %dma_wait3A_183, %dma_wait3A_184] : memref<4x128x48xf32, #tpu.memory_space<vmem>> -> memref<1x128x48xf32, #tpu.memory_space<vmem>>
        %dma_wait3A_186 = tpu.memref_squeeze %dma_wait3A_185 : memref<1x128x48xf32, #tpu.memory_space<vmem>> -> memref<128x48xf32, #tpu.memory_space<vmem>>
        %dma_wait3A_187 = arith.constant 0 : i32
        %dma_wait3A_188 = tpu.memref_slice %arg7[%add3A_182, %dma_wait3A_187] : memref<40x128xi32, #tpu.memory_space<vmem>> -> memref<1x128xi32, #tpu.memory_space<vmem>>
        %dma_wait3A_189 = tpu.memref_squeeze %dma_wait3A_188 : memref<1x128xi32, #tpu.memory_space<vmem>> -> memref<128xi32, #tpu.memory_space<vmem>>
        %dma_wait3A_190 = arith.constant 0 : i32
        %dma_wait3A_191 = arith.constant 0 : i32
        %dma_wait3A_192 = tpu.memref_slice %arg2[%dma_wait3A_190, %dma_wait3A_191] : memref<10000x48xf32, #tpu.memory_space<hbm>> -> memref<10000x48xf32, #tpu.memory_space<hbm>>
        tpu.wait_indirect_dma semaphore(%arg12 : memref<!tpu.dma_semaphore, #tpu.memory_space<semaphore_mem>>) src(%dma_wait3A_192 : memref<10000x48xf32, #tpu.memory_space<hbm>>) dst(%dma_wait3A_186 : memref<128x48xf32, #tpu.memory_space<vmem>>)
        %dma_start3A = arith.constant 1 : i32
        %dma_start3A_193 = arith.constant 0 : i32
        %dma_start3A_194 = arith.constant 0 : i32
        %dma_start3A_195 = tpu.memref_slice %arg9[%dma_start3A, %dma_start3A_193, %dma_start3A_194] : memref<4x128x48xf32, #tpu.memory_space<vmem>> -> memref<1x128x48xf32, #tpu.memory_space<vmem>>
        %dma_start3A_196 = tpu.memref_squeeze %dma_start3A_195 : memref<1x128x48xf32, #tpu.memory_space<vmem>> -> memref<128x48xf32, #tpu.memory_space<vmem>>
        %dma_start3A_197 = arith.constant 0 : i32
        %dma_start3A_198 = tpu.memref_slice %arg8[%add3A_182, %dma_start3A_197] : memref<40x128xi32, #tpu.memory_space<vmem>> -> memref<1x128xi32, #tpu.memory_space<vmem>>
        %dma_start3A_199 = tpu.memref_squeeze %dma_start3A_198 : memref<1x128xi32, #tpu.memory_space<vmem>> -> memref<128xi32, #tpu.memory_space<vmem>>
        %dma_start3A_200 = arith.constant 0 : i32
        %dma_start3A_201 = arith.constant 0 : i32
        %dma_start3A_202 = tpu.memref_slice %arg10[%dma_start3A_200, %dma_start3A_201] : memref<10240x48xf32, #tpu.memory_space<vmem_shared>> -> memref<10240x48xf32, #tpu.memory_space<vmem_shared>>
        tpu.enqueue_indirect_dma source(%dma_start3A_196 : memref<128x48xf32, #tpu.memory_space<vmem>>) target(%dma_start3A_202 : memref<10240x48xf32, #tpu.memory_space<vmem_shared>>) offsets(%dma_start3A_199 : memref<128xi32, #tpu.memory_space<vmem>>) semaphore(%arg16 : memref<!tpu.dma_semaphore, #tpu.memory_space<semaphore_mem>>) {add = true}
      } else {
      }
      %add3A_137 = arith.constant 2 : i32
      %add3A_138 = arith.addi %mul3A_125, %add3A_137 : i32
      %lt3A_139 = arith.cmpi slt, %add3A_138, %sub3A_47 : i32
      %convert_element_type3A_140 = arith.extui %lt3A_139 : i1 to i32
      %cond3A_141 = arith.constant 0 : i32
      %cond3A_142 = arith.cmpi ne, %convert_element_type3A_140, %cond3A_141 : i32
      scf.if %cond3A_142 {
        %add3A_181 = arith.constant 2 : i32
        %add3A_182 = arith.addi %mul3A_125, %add3A_181 : i32
        %dma_wait3A = arith.constant 2 : i32
        %dma_wait3A_183 = arith.constant 0 : i32
        %dma_wait3A_184 = arith.constant 0 : i32
        %dma_wait3A_185 = tpu.memref_slice %arg9[%dma_wait3A, %dma_wait3A_183, %dma_wait3A_184] : memref<4x128x48xf32, #tpu.memory_space<vmem>> -> memref<1x128x48xf32, #tpu.memory_space<vmem>>
        %dma_wait3A_186 = tpu.memref_squeeze %dma_wait3A_185 : memref<1x128x48xf32, #tpu.memory_space<vmem>> -> memref<128x48xf32, #tpu.memory_space<vmem>>
        %dma_wait3A_187 = arith.constant 0 : i32
        %dma_wait3A_188 = tpu.memref_slice %arg7[%add3A_182, %dma_wait3A_187] : memref<40x128xi32, #tpu.memory_space<vmem>> -> memref<1x128xi32, #tpu.memory_space<vmem>>
        %dma_wait3A_189 = tpu.memref_squeeze %dma_wait3A_188 : memref<1x128xi32, #tpu.memory_space<vmem>> -> memref<128xi32, #tpu.memory_space<vmem>>
        %dma_wait3A_190 = arith.constant 0 : i32
        %dma_wait3A_191 = arith.constant 0 : i32
        %dma_wait3A_192 = tpu.memref_slice %arg2[%dma_wait3A_190, %dma_wait3A_191] : memref<10000x48xf32, #tpu.memory_space<hbm>> -> memref<10000x48xf32, #tpu.memory_space<hbm>>
        tpu.wait_indirect_dma semaphore(%arg13 : memref<!tpu.dma_semaphore, #tpu.memory_space<semaphore_mem>>) src(%dma_wait3A_192 : memref<10000x48xf32, #tpu.memory_space<hbm>>) dst(%dma_wait3A_186 : memref<128x48xf32, #tpu.memory_space<vmem>>)
        %dma_start3A = arith.constant 2 : i32
        %dma_start3A_193 = arith.constant 0 : i32
        %dma_start3A_194 = arith.constant 0 : i32
        %dma_start3A_195 = tpu.memref_slice %arg9[%dma_start3A, %dma_start3A_193, %dma_start3A_194] : memref<4x128x48xf32, #tpu.memory_space<vmem>> -> memref<1x128x48xf32, #tpu.memory_space<vmem>>
        %dma_start3A_196 = tpu.memref_squeeze %dma_start3A_195 : memref<1x128x48xf32, #tpu.memory_space<vmem>> -> memref<128x48xf32, #tpu.memory_space<vmem>>
        %dma_start3A_197 = arith.constant 0 : i32
        %dma_start3A_198 = tpu.memref_slice %arg8[%add3A_182, %dma_start3A_197] : memref<40x128xi32, #tpu.memory_space<vmem>> -> memref<1x128xi32, #tpu.memory_space<vmem>>
        %dma_start3A_199 = tpu.memref_squeeze %dma_start3A_198 : memref<1x128xi32, #tpu.memory_space<vmem>> -> memref<128xi32, #tpu.memory_space<vmem>>
        %dma_start3A_200 = arith.constant 0 : i32
        %dma_start3A_201 = arith.constant 0 : i32
        %dma_start3A_202 = tpu.memref_slice %arg10[%dma_start3A_200, %dma_start3A_201] : memref<10240x48xf32, #tpu.memory_space<vmem_shared>> -> memref<10240x48xf32, #tpu.memory_space<vmem_shared>>
        tpu.enqueue_indirect_dma source(%dma_start3A_196 : memref<128x48xf32, #tpu.memory_space<vmem>>) target(%dma_start3A_202 : memref<10240x48xf32, #tpu.memory_space<vmem_shared>>) offsets(%dma_start3A_199 : memref<128xi32, #tpu.memory_space<vmem>>) semaphore(%arg17 : memref<!tpu.dma_semaphore, #tpu.memory_space<semaphore_mem>>) {add = true}
      } else {
      }
      %add3A_143 = arith.constant 3 : i32
      %add3A_144 = arith.addi %mul3A_125, %add3A_143 : i32
      %lt3A_145 = arith.cmpi slt, %add3A_144, %sub3A_47 : i32
      %convert_element_type3A_146 = arith.extui %lt3A_145 : i1 to i32
      %cond3A_147 = arith.constant 0 : i32
      %cond3A_148 = arith.cmpi ne, %convert_element_type3A_146, %cond3A_147 : i32
      scf.if %cond3A_148 {
        %add3A_181 = arith.constant 3 : i32
        %add3A_182 = arith.addi %mul3A_125, %add3A_181 : i32
        %dma_wait3A = arith.constant 3 : i32
        %dma_wait3A_183 = arith.constant 0 : i32
        %dma_wait3A_184 = arith.constant 0 : i32
        %dma_wait3A_185 = tpu.memref_slice %arg9[%dma_wait3A, %dma_wait3A_183, %dma_wait3A_184] : memref<4x128x48xf32, #tpu.memory_space<vmem>> -> memref<1x128x48xf32, #tpu.memory_space<vmem>>
        %dma_wait3A_186 = tpu.memref_squeeze %dma_wait3A_185 : memref<1x128x48xf32, #tpu.memory_space<vmem>> -> memref<128x48xf32, #tpu.memory_space<vmem>>
        %dma_wait3A_187 = arith.constant 0 : i32
        %dma_wait3A_188 = tpu.memref_slice %arg7[%add3A_182, %dma_wait3A_187] : memref<40x128xi32, #tpu.memory_space<vmem>> -> memref<1x128xi32, #tpu.memory_space<vmem>>
        %dma_wait3A_189 = tpu.memref_squeeze %dma_wait3A_188 : memref<1x128xi32, #tpu.memory_space<vmem>> -> memref<128xi32, #tpu.memory_space<vmem>>
        %dma_wait3A_190 = arith.constant 0 : i32
        %dma_wait3A_191 = arith.constant 0 : i32
        %dma_wait3A_192 = tpu.memref_slice %arg2[%dma_wait3A_190, %dma_wait3A_191] : memref<10000x48xf32, #tpu.memory_space<hbm>> -> memref<10000x48xf32, #tpu.memory_space<hbm>>
        tpu.wait_indirect_dma semaphore(%arg14 : memref<!tpu.dma_semaphore, #tpu.memory_space<semaphore_mem>>) src(%dma_wait3A_192 : memref<10000x48xf32, #tpu.memory_space<hbm>>) dst(%dma_wait3A_186 : memref<128x48xf32, #tpu.memory_space<vmem>>)
        %dma_start3A = arith.constant 3 : i32
        %dma_start3A_193 = arith.constant 0 : i32
        %dma_start3A_194 = arith.constant 0 : i32
        %dma_start3A_195 = tpu.memref_slice %arg9[%dma_start3A, %dma_start3A_193, %dma_start3A_194] : memref<4x128x48xf32, #tpu.memory_space<vmem>> -> memref<1x128x48xf32, #tpu.memory_space<vmem>>
        %dma_start3A_196 = tpu.memref_squeeze %dma_start3A_195 : memref<1x128x48xf32, #tpu.memory_space<vmem>> -> memref<128x48xf32, #tpu.memory_space<vmem>>
        %dma_start3A_197 = arith.constant 0 : i32
        %dma_start3A_198 = tpu.memref_slice %arg8[%add3A_182, %dma_start3A_197] : memref<40x128xi32, #tpu.memory_space<vmem>> -> memref<1x128xi32, #tpu.memory_space<vmem>>
        %dma_start3A_199 = tpu.memref_squeeze %dma_start3A_198 : memref<1x128xi32, #tpu.memory_space<vmem>> -> memref<128xi32, #tpu.memory_space<vmem>>
        %dma_start3A_200 = arith.constant 0 : i32
        %dma_start3A_201 = arith.constant 0 : i32
        %dma_start3A_202 = tpu.memref_slice %arg10[%dma_start3A_200, %dma_start3A_201] : memref<10240x48xf32, #tpu.memory_space<vmem_shared>> -> memref<10240x48xf32, #tpu.memory_space<vmem_shared>>
        tpu.enqueue_indirect_dma source(%dma_start3A_196 : memref<128x48xf32, #tpu.memory_space<vmem>>) target(%dma_start3A_202 : memref<10240x48xf32, #tpu.memory_space<vmem_shared>>) offsets(%dma_start3A_199 : memref<128xi32, #tpu.memory_space<vmem>>) semaphore(%arg18 : memref<!tpu.dma_semaphore, #tpu.memory_space<semaphore_mem>>) {add = true}
      } else {
      }
      %add3A_149 = arith.constant 0 : i32
      %add3A_150 = arith.addi %mul3A_125, %add3A_149 : i32
      %add3A_151 = arith.constant 4 : i32
      %add3A_152 = arith.addi %add3A_150, %add3A_151 : i32
      %lt3A_153 = arith.cmpi slt, %add3A_152, %sub3A_47 : i32
      %convert_element_type3A_154 = arith.extui %lt3A_153 : i1 to i32
      %cond3A_155 = arith.constant 0 : i32
      %cond3A_156 = arith.cmpi ne, %convert_element_type3A_154, %cond3A_155 : i32
      scf.if %cond3A_156 {
        %add3A_181 = arith.constant 0 : i32
        %add3A_182 = arith.addi %mul3A_125, %add3A_181 : i32
        %dma_wait3A = arith.constant 0 : i32
        %dma_wait3A_183 = arith.constant 0 : i32
        %dma_wait3A_184 = arith.constant 0 : i32
        %dma_wait3A_185 = tpu.memref_slice %arg9[%dma_wait3A, %dma_wait3A_183, %dma_wait3A_184] : memref<4x128x48xf32, #tpu.memory_space<vmem>> -> memref<1x128x48xf32, #tpu.memory_space<vmem>>
        %dma_wait3A_186 = tpu.memref_squeeze %dma_wait3A_185 : memref<1x128x48xf32, #tpu.memory_space<vmem>> -> memref<128x48xf32, #tpu.memory_space<vmem>>
        %dma_wait3A_187 = arith.constant 0 : i32
        %dma_wait3A_188 = tpu.memref_slice %arg8[%add3A_182, %dma_wait3A_187] : memref<40x128xi32, #tpu.memory_space<vmem>> -> memref<1x128xi32, #tpu.memory_space<vmem>>
        %dma_wait3A_189 = tpu.memref_squeeze %dma_wait3A_188 : memref<1x128xi32, #tpu.memory_space<vmem>> -> memref<128xi32, #tpu.memory_space<vmem>>
        %dma_wait3A_190 = arith.constant 0 : i32
        %dma_wait3A_191 = arith.constant 0 : i32
        %dma_wait3A_192 = tpu.memref_slice %arg10[%dma_wait3A_190, %dma_wait3A_191] : memref<10240x48xf32, #tpu.memory_space<vmem_shared>> -> memref<10240x48xf32, #tpu.memory_space<vmem_shared>>
        tpu.wait_indirect_dma semaphore(%arg15 : memref<!tpu.dma_semaphore, #tpu.memory_space<semaphore_mem>>) src(%dma_wait3A_186 : memref<128x48xf32, #tpu.memory_space<vmem>>) dst(%dma_wait3A_192 : memref<10240x48xf32, #tpu.memory_space<vmem_shared>>)
        %add3A_193 = arith.constant 4 : i32
        %add3A_194 = arith.addi %add3A_182, %add3A_193 : i32
        %dma_start3A = arith.constant 0 : i32
        %dma_start3A_195 = arith.constant 0 : i32
        %dma_start3A_196 = arith.constant 0 : i32
        %dma_start3A_197 = tpu.memref_slice %arg9[%dma_start3A, %dma_start3A_195, %dma_start3A_196] : memref<4x128x48xf32, #tpu.memory_space<vmem>> -> memref<1x128x48xf32, #tpu.memory_space<vmem>>
        %dma_start3A_198 = tpu.memref_squeeze %dma_start3A_197 : memref<1x128x48xf32, #tpu.memory_space<vmem>> -> memref<128x48xf32, #tpu.memory_space<vmem>>
        %dma_start3A_199 = arith.constant 0 : i32
        %dma_start3A_200 = tpu.memref_slice %arg7[%add3A_194, %dma_start3A_199] : memref<40x128xi32, #tpu.memory_space<vmem>> -> memref<1x128xi32, #tpu.memory_space<vmem>>
        %dma_start3A_201 = tpu.memref_squeeze %dma_start3A_200 : memref<1x128xi32, #tpu.memory_space<vmem>> -> memref<128xi32, #tpu.memory_space<vmem>>
        %dma_start3A_202 = arith.constant 0 : i32
        %dma_start3A_203 = arith.constant 0 : i32
        %dma_start3A_204 = tpu.memref_slice %arg2[%dma_start3A_202, %dma_start3A_203] : memref<10000x48xf32, #tpu.memory_space<hbm>> -> memref<10000x48xf32, #tpu.memory_space<hbm>>
        tpu.enqueue_indirect_dma source(%dma_start3A_204 : memref<10000x48xf32, #tpu.memory_space<hbm>>) target(%dma_start3A_198 : memref<128x48xf32, #tpu.memory_space<vmem>>) offsets(%dma_start3A_201 : memref<128xi32, #tpu.memory_space<vmem>>) semaphore(%arg11 : memref<!tpu.dma_semaphore, #tpu.memory_space<semaphore_mem>>)
      } else {
      }
      %add3A_157 = arith.constant 1 : i32
      %add3A_158 = arith.addi %mul3A_125, %add3A_157 : i32
      %add3A_159 = arith.constant 4 : i32
      %add3A_160 = arith.addi %add3A_158, %add3A_159 : i32
      %lt3A_161 = arith.cmpi slt, %add3A_160, %sub3A_47 : i32
      %convert_element_type3A_162 = arith.extui %lt3A_161 : i1 to i32
      %cond3A_163 = arith.constant 0 : i32
      %cond3A_164 = arith.cmpi ne, %convert_element_type3A_162, %cond3A_163 : i32
      scf.if %cond3A_164 {
        %add3A_181 = arith.constant 1 : i32
        %add3A_182 = arith.addi %mul3A_125, %add3A_181 : i32
        %dma_wait3A = arith.constant 1 : i32
        %dma_wait3A_183 = arith.constant 0 : i32
        %dma_wait3A_184 = arith.constant 0 : i32
        %dma_wait3A_185 = tpu.memref_slice %arg9[%dma_wait3A, %dma_wait3A_183, %dma_wait3A_184] : memref<4x128x48xf32, #tpu.memory_space<vmem>> -> memref<1x128x48xf32, #tpu.memory_space<vmem>>
        %dma_wait3A_186 = tpu.memref_squeeze %dma_wait3A_185 : memref<1x128x48xf32, #tpu.memory_space<vmem>> -> memref<128x48xf32, #tpu.memory_space<vmem>>
        %dma_wait3A_187 = arith.constant 0 : i32
        %dma_wait3A_188 = tpu.memref_slice %arg8[%add3A_182, %dma_wait3A_187] : memref<40x128xi32, #tpu.memory_space<vmem>> -> memref<1x128xi32, #tpu.memory_space<vmem>>
        %dma_wait3A_189 = tpu.memref_squeeze %dma_wait3A_188 : memref<1x128xi32, #tpu.memory_space<vmem>> -> memref<128xi32, #tpu.memory_space<vmem>>
        %dma_wait3A_190 = arith.constant 0 : i32
        %dma_wait3A_191 = arith.constant 0 : i32
        %dma_wait3A_192 = tpu.memref_slice %arg10[%dma_wait3A_190, %dma_wait3A_191] : memref<10240x48xf32, #tpu.memory_space<vmem_shared>> -> memref<10240x48xf32, #tpu.memory_space<vmem_shared>>
        tpu.wait_indirect_dma semaphore(%arg16 : memref<!tpu.dma_semaphore, #tpu.memory_space<semaphore_mem>>) src(%dma_wait3A_186 : memref<128x48xf32, #tpu.memory_space<vmem>>) dst(%dma_wait3A_192 : memref<10240x48xf32, #tpu.memory_space<vmem_shared>>)
        %add3A_193 = arith.constant 4 : i32
        %add3A_194 = arith.addi %add3A_182, %add3A_193 : i32
        %dma_start3A = arith.constant 1 : i32
        %dma_start3A_195 = arith.constant 0 : i32
        %dma_start3A_196 = arith.constant 0 : i32
        %dma_start3A_197 = tpu.memref_slice %arg9[%dma_start3A, %dma_start3A_195, %dma_start3A_196] : memref<4x128x48xf32, #tpu.memory_space<vmem>> -> memref<1x128x48xf32, #tpu.memory_space<vmem>>
        %dma_start3A_198 = tpu.memref_squeeze %dma_start3A_197 : memref<1x128x48xf32, #tpu.memory_space<vmem>> -> memref<128x48xf32, #tpu.memory_space<vmem>>
        %dma_start3A_199 = arith.constant 0 : i32
        %dma_start3A_200 = tpu.memref_slice %arg7[%add3A_194, %dma_start3A_199] : memref<40x128xi32, #tpu.memory_space<vmem>> -> memref<1x128xi32, #tpu.memory_space<vmem>>
        %dma_start3A_201 = tpu.memref_squeeze %dma_start3A_200 : memref<1x128xi32, #tpu.memory_space<vmem>> -> memref<128xi32, #tpu.memory_space<vmem>>
        %dma_start3A_202 = arith.constant 0 : i32
        %dma_start3A_203 = arith.constant 0 : i32
        %dma_start3A_204 = tpu.memref_slice %arg2[%dma_start3A_202, %dma_start3A_203] : memref<10000x48xf32, #tpu.memory_space<hbm>> -> memref<10000x48xf32, #tpu.memory_space<hbm>>
        tpu.enqueue_indirect_dma source(%dma_start3A_204 : memref<10000x48xf32, #tpu.memory_space<hbm>>) target(%dma_start3A_198 : memref<128x48xf32, #tpu.memory_space<vmem>>) offsets(%dma_start3A_201 : memref<128xi32, #tpu.memory_space<vmem>>) semaphore(%arg12 : memref<!tpu.dma_semaphore, #tpu.memory_space<semaphore_mem>>)
      } else {
      }
      %add3A_165 = arith.constant 2 : i32
      %add3A_166 = arith.addi %mul3A_125, %add3A_165 : i32
      %add3A_167 = arith.constant 4 : i32
      %add3A_168 = arith.addi %add3A_166, %add3A_167 : i32
      %lt3A_169 = arith.cmpi slt, %add3A_168, %sub3A_47 : i32
      %convert_element_type3A_170 = arith.extui %lt3A_169 : i1 to i32
      %cond3A_171 = arith.constant 0 : i32
      %cond3A_172 = arith.cmpi ne, %convert_element_type3A_170, %cond3A_171 : i32
      scf.if %cond3A_172 {
        %add3A_181 = arith.constant 2 : i32
        %add3A_182 = arith.addi %mul3A_125, %add3A_181 : i32
        %dma_wait3A = arith.constant 2 : i32
        %dma_wait3A_183 = arith.constant 0 : i32
        %dma_wait3A_184 = arith.constant 0 : i32
        %dma_wait3A_185 = tpu.memref_slice %arg9[%dma_wait3A, %dma_wait3A_183, %dma_wait3A_184] : memref<4x128x48xf32, #tpu.memory_space<vmem>> -> memref<1x128x48xf32, #tpu.memory_space<vmem>>
        %dma_wait3A_186 = tpu.memref_squeeze %dma_wait3A_185 : memref<1x128x48xf32, #tpu.memory_space<vmem>> -> memref<128x48xf32, #tpu.memory_space<vmem>>
        %dma_wait3A_187 = arith.constant 0 : i32
        %dma_wait3A_188 = tpu.memref_slice %arg8[%add3A_182, %dma_wait3A_187] : memref<40x128xi32, #tpu.memory_space<vmem>> -> memref<1x128xi32, #tpu.memory_space<vmem>>
        %dma_wait3A_189 = tpu.memref_squeeze %dma_wait3A_188 : memref<1x128xi32, #tpu.memory_space<vmem>> -> memref<128xi32, #tpu.memory_space<vmem>>
        %dma_wait3A_190 = arith.constant 0 : i32
        %dma_wait3A_191 = arith.constant 0 : i32
        %dma_wait3A_192 = tpu.memref_slice %arg10[%dma_wait3A_190, %dma_wait3A_191] : memref<10240x48xf32, #tpu.memory_space<vmem_shared>> -> memref<10240x48xf32, #tpu.memory_space<vmem_shared>>
        tpu.wait_indirect_dma semaphore(%arg17 : memref<!tpu.dma_semaphore, #tpu.memory_space<semaphore_mem>>) src(%dma_wait3A_186 : memref<128x48xf32, #tpu.memory_space<vmem>>) dst(%dma_wait3A_192 : memref<10240x48xf32, #tpu.memory_space<vmem_shared>>)
        %add3A_193 = arith.constant 4 : i32
        %add3A_194 = arith.addi %add3A_182, %add3A_193 : i32
        %dma_start3A = arith.constant 2 : i32
        %dma_start3A_195 = arith.constant 0 : i32
        %dma_start3A_196 = arith.constant 0 : i32
        %dma_start3A_197 = tpu.memref_slice %arg9[%dma_start3A, %dma_start3A_195, %dma_start3A_196] : memref<4x128x48xf32, #tpu.memory_space<vmem>> -> memref<1x128x48xf32, #tpu.memory_space<vmem>>
        %dma_start3A_198 = tpu.memref_squeeze %dma_start3A_197 : memref<1x128x48xf32, #tpu.memory_space<vmem>> -> memref<128x48xf32, #tpu.memory_space<vmem>>
        %dma_start3A_199 = arith.constant 0 : i32
        %dma_start3A_200 = tpu.memref_slice %arg7[%add3A_194, %dma_start3A_199] : memref<40x128xi32, #tpu.memory_space<vmem>> -> memref<1x128xi32, #tpu.memory_space<vmem>>
        %dma_start3A_201 = tpu.memref_squeeze %dma_start3A_200 : memref<1x128xi32, #tpu.memory_space<vmem>> -> memref<128xi32, #tpu.memory_space<vmem>>
        %dma_start3A_202 = arith.constant 0 : i32
        %dma_start3A_203 = arith.constant 0 : i32
        %dma_start3A_204 = tpu.memref_slice %arg2[%dma_start3A_202, %dma_start3A_203] : memref<10000x48xf32, #tpu.memory_space<hbm>> -> memref<10000x48xf32, #tpu.memory_space<hbm>>
        tpu.enqueue_indirect_dma source(%dma_start3A_204 : memref<10000x48xf32, #tpu.memory_space<hbm>>) target(%dma_start3A_198 : memref<128x48xf32, #tpu.memory_space<vmem>>) offsets(%dma_start3A_201 : memref<128xi32, #tpu.memory_space<vmem>>) semaphore(%arg13 : memref<!tpu.dma_semaphore, #tpu.memory_space<semaphore_mem>>)
      } else {
      }
      %add3A_173 = arith.constant 3 : i32
      %add3A_174 = arith.addi %mul3A_125, %add3A_173 : i32
      %add3A_175 = arith.constant 4 : i32
      %add3A_176 = arith.addi %add3A_174, %add3A_175 : i32
      %lt3A_177 = arith.cmpi slt, %add3A_176, %sub3A_47 : i32
      %convert_element_type3A_178 = arith.extui %lt3A_177 : i1 to i32
      %cond3A_179 = arith.constant 0 : i32
      %cond3A_180 = arith.cmpi ne, %convert_element_type3A_178, %cond3A_179 : i32
      scf.if %cond3A_180 {
        %add3A_181 = arith.constant 3 : i32
        %add3A_182 = arith.addi %mul3A_125, %add3A_181 : i32
        %dma_wait3A = arith.constant 3 : i32
        %dma_wait3A_183 = arith.constant 0 : i32
        %dma_wait3A_184 = arith.constant 0 : i32
        %dma_wait3A_185 = tpu.memref_slice %arg9[%dma_wait3A, %dma_wait3A_183, %dma_wait3A_184] : memref<4x128x48xf32, #tpu.memory_space<vmem>> -> memref<1x128x48xf32, #tpu.memory_space<vmem>>
        %dma_wait3A_186 = tpu.memref_squeeze %dma_wait3A_185 : memref<1x128x48xf32, #tpu.memory_space<vmem>> -> memref<128x48xf32, #tpu.memory_space<vmem>>
        %dma_wait3A_187 = arith.constant 0 : i32
        %dma_wait3A_188 = tpu.memref_slice %arg8[%add3A_182, %dma_wait3A_187] : memref<40x128xi32, #tpu.memory_space<vmem>> -> memref<1x128xi32, #tpu.memory_space<vmem>>
        %dma_wait3A_189 = tpu.memref_squeeze %dma_wait3A_188 : memref<1x128xi32, #tpu.memory_space<vmem>> -> memref<128xi32, #tpu.memory_space<vmem>>
        %dma_wait3A_190 = arith.constant 0 : i32
        %dma_wait3A_191 = arith.constant 0 : i32
        %dma_wait3A_192 = tpu.memref_slice %arg10[%dma_wait3A_190, %dma_wait3A_191] : memref<10240x48xf32, #tpu.memory_space<vmem_shared>> -> memref<10240x48xf32, #tpu.memory_space<vmem_shared>>
        tpu.wait_indirect_dma semaphore(%arg18 : memref<!tpu.dma_semaphore, #tpu.memory_space<semaphore_mem>>) src(%dma_wait3A_186 : memref<128x48xf32, #tpu.memory_space<vmem>>) dst(%dma_wait3A_192 : memref<10240x48xf32, #tpu.memory_space<vmem_shared>>)
        %add3A_193 = arith.constant 4 : i32
        %add3A_194 = arith.addi %add3A_182, %add3A_193 : i32
        %dma_start3A = arith.constant 3 : i32
        %dma_start3A_195 = arith.constant 0 : i32
        %dma_start3A_196 = arith.constant 0 : i32
        %dma_start3A_197 = tpu.memref_slice %arg9[%dma_start3A, %dma_start3A_195, %dma_start3A_196] : memref<4x128x48xf32, #tpu.memory_space<vmem>> -> memref<1x128x48xf32, #tpu.memory_space<vmem>>
        %dma_start3A_198 = tpu.memref_squeeze %dma_start3A_197 : memref<1x128x48xf32, #tpu.memory_space<vmem>> -> memref<128x48xf32, #tpu.memory_space<vmem>>
        %dma_start3A_199 = arith.constant 0 : i32
        %dma_start3A_200 = tpu.memref_slice %arg7[%add3A_194, %dma_start3A_199] : memref<40x128xi32, #tpu.memory_space<vmem>> -> memref<1x128xi32, #tpu.memory_space<vmem>>
        %dma_start3A_201 = tpu.memref_squeeze %dma_start3A_200 : memref<1x128xi32, #tpu.memory_space<vmem>> -> memref<128xi32, #tpu.memory_space<vmem>>
        %dma_start3A_202 = arith.constant 0 : i32
        %dma_start3A_203 = arith.constant 0 : i32
        %dma_start3A_204 = tpu.memref_slice %arg2[%dma_start3A_202, %dma_start3A_203] : memref<10000x48xf32, #tpu.memory_space<hbm>> -> memref<10000x48xf32, #tpu.memory_space<hbm>>
        tpu.enqueue_indirect_dma source(%dma_start3A_204 : memref<10000x48xf32, #tpu.memory_space<hbm>>) target(%dma_start3A_198 : memref<128x48xf32, #tpu.memory_space<vmem>>) offsets(%dma_start3A_201 : memref<128xi32, #tpu.memory_space<vmem>>) semaphore(%arg14 : memref<!tpu.dma_semaphore, #tpu.memory_space<semaphore_mem>>)
      } else {
      }
    }
    %scan3A_97 = arith.constant 10 : i32
    %gt3A_98 = arith.constant 0 : i32
    %gt3A_99 = arith.cmpi sgt, %sub3A_47, %gt3A_98 : i32
    %convert_element_type3A_100 = arith.extui %gt3A_99 : i1 to i32
    %cond3A_101 = arith.constant 0 : i32
    %cond3A_102 = arith.cmpi ne, %convert_element_type3A_100, %cond3A_101 : i32
    scf.if %cond3A_102 {
      %dma_wait3A = arith.constant 0 : i32
      %dma_wait3A_123 = arith.constant 0 : i32
      %dma_wait3A_124 = arith.constant 0 : i32
      %dma_wait3A_125 = arith.constant 0 : i32
      %dma_wait3A_126 = tpu.memref_slice %arg9[%dma_wait3A, %dma_wait3A_124, %dma_wait3A_125] : memref<4x128x48xf32, #tpu.memory_space<vmem>> -> memref<1x128x48xf32, #tpu.memory_space<vmem>>
      %dma_wait3A_127 = tpu.memref_squeeze %dma_wait3A_126 : memref<1x128x48xf32, #tpu.memory_space<vmem>> -> memref<128x48xf32, #tpu.memory_space<vmem>>
      %dma_wait3A_128 = arith.constant 0 : i32
      %dma_wait3A_129 = tpu.memref_slice %arg8[%dma_wait3A_123, %dma_wait3A_128] : memref<40x128xi32, #tpu.memory_space<vmem>> -> memref<1x128xi32, #tpu.memory_space<vmem>>
      %dma_wait3A_130 = tpu.memref_squeeze %dma_wait3A_129 : memref<1x128xi32, #tpu.memory_space<vmem>> -> memref<128xi32, #tpu.memory_space<vmem>>
      %dma_wait3A_131 = arith.constant 0 : i32
      %dma_wait3A_132 = arith.constant 0 : i32
      %dma_wait3A_133 = tpu.memref_slice %arg10[%dma_wait3A_131, %dma_wait3A_132] : memref<10240x48xf32, #tpu.memory_space<vmem_shared>> -> memref<10240x48xf32, #tpu.memory_space<vmem_shared>>
      tpu.wait_indirect_dma semaphore(%arg15 : memref<!tpu.dma_semaphore, #tpu.memory_space<semaphore_mem>>) src(%dma_wait3A_127 : memref<128x48xf32, #tpu.memory_space<vmem>>) dst(%dma_wait3A_133 : memref<10240x48xf32, #tpu.memory_space<vmem_shared>>)
    } else {
    }
    %gt3A_103 = arith.constant 1 : i32
    %gt3A_104 = arith.cmpi sgt, %sub3A_47, %gt3A_103 : i32
    %convert_element_type3A_105 = arith.extui %gt3A_104 : i1 to i32
    %cond3A_106 = arith.constant 0 : i32
    %cond3A_107 = arith.cmpi ne, %convert_element_type3A_105, %cond3A_106 : i32
    scf.if %cond3A_107 {
      %dma_wait3A = arith.constant 1 : i32
      %dma_wait3A_123 = arith.constant 0 : i32
      %dma_wait3A_124 = arith.constant 0 : i32
      %dma_wait3A_125 = arith.constant 0 : i32
      %dma_wait3A_126 = tpu.memref_slice %arg9[%dma_wait3A, %dma_wait3A_124, %dma_wait3A_125] : memref<4x128x48xf32, #tpu.memory_space<vmem>> -> memref<1x128x48xf32, #tpu.memory_space<vmem>>
      %dma_wait3A_127 = tpu.memref_squeeze %dma_wait3A_126 : memref<1x128x48xf32, #tpu.memory_space<vmem>> -> memref<128x48xf32, #tpu.memory_space<vmem>>
      %dma_wait3A_128 = arith.constant 0 : i32
      %dma_wait3A_129 = tpu.memref_slice %arg8[%dma_wait3A_123, %dma_wait3A_128] : memref<40x128xi32, #tpu.memory_space<vmem>> -> memref<1x128xi32, #tpu.memory_space<vmem>>
      %dma_wait3A_130 = tpu.memref_squeeze %dma_wait3A_129 : memref<1x128xi32, #tpu.memory_space<vmem>> -> memref<128xi32, #tpu.memory_space<vmem>>
      %dma_wait3A_131 = arith.constant 0 : i32
      %dma_wait3A_132 = arith.constant 0 : i32
      %dma_wait3A_133 = tpu.memref_slice %arg10[%dma_wait3A_131, %dma_wait3A_132] : memref<10240x48xf32, #tpu.memory_space<vmem_shared>> -> memref<10240x48xf32, #tpu.memory_space<vmem_shared>>
      tpu.wait_indirect_dma semaphore(%arg16 : memref<!tpu.dma_semaphore, #tpu.memory_space<semaphore_mem>>) src(%dma_wait3A_127 : memref<128x48xf32, #tpu.memory_space<vmem>>) dst(%dma_wait3A_133 : memref<10240x48xf32, #tpu.memory_space<vmem_shared>>)
    } else {
    }
    %gt3A_108 = arith.constant 2 : i32
    %gt3A_109 = arith.cmpi sgt, %sub3A_47, %gt3A_108 : i32
    %convert_element_type3A_110 = arith.extui %gt3A_109 : i1 to i32
    %cond3A_111 = arith.constant 0 : i32
    %cond3A_112 = arith.cmpi ne, %convert_element_type3A_110, %cond3A_111 : i32
    scf.if %cond3A_112 {
      %dma_wait3A = arith.constant 2 : i32
      %dma_wait3A_123 = arith.constant 0 : i32
      %dma_wait3A_124 = arith.constant 0 : i32
      %dma_wait3A_125 = arith.constant 0 : i32
      %dma_wait3A_126 = tpu.memref_slice %arg9[%dma_wait3A, %dma_wait3A_124, %dma_wait3A_125] : memref<4x128x48xf32, #tpu.memory_space<vmem>> -> memref<1x128x48xf32, #tpu.memory_space<vmem>>
      %dma_wait3A_127 = tpu.memref_squeeze %dma_wait3A_126 : memref<1x128x48xf32, #tpu.memory_space<vmem>> -> memref<128x48xf32, #tpu.memory_space<vmem>>
      %dma_wait3A_128 = arith.constant 0 : i32
      %dma_wait3A_129 = tpu.memref_slice %arg8[%dma_wait3A_123, %dma_wait3A_128] : memref<40x128xi32, #tpu.memory_space<vmem>> -> memref<1x128xi32, #tpu.memory_space<vmem>>
      %dma_wait3A_130 = tpu.memref_squeeze %dma_wait3A_129 : memref<1x128xi32, #tpu.memory_space<vmem>> -> memref<128xi32, #tpu.memory_space<vmem>>
      %dma_wait3A_131 = arith.constant 0 : i32
      %dma_wait3A_132 = arith.constant 0 : i32
      %dma_wait3A_133 = tpu.memref_slice %arg10[%dma_wait3A_131, %dma_wait3A_132] : memref<10240x48xf32, #tpu.memory_space<vmem_shared>> -> memref<10240x48xf32, #tpu.memory_space<vmem_shared>>
      tpu.wait_indirect_dma semaphore(%arg17 : memref<!tpu.dma_semaphore, #tpu.memory_space<semaphore_mem>>) src(%dma_wait3A_127 : memref<128x48xf32, #tpu.memory_space<vmem>>) dst(%dma_wait3A_133 : memref<10240x48xf32, #tpu.memory_space<vmem_shared>>)
    } else {
    }
    %gt3A_113 = arith.constant 3 : i32
    %gt3A_114 = arith.cmpi sgt, %sub3A_47, %gt3A_113 : i32
    %convert_element_type3A_115 = arith.extui %gt3A_114 : i1 to i32
    %cond3A_116 = arith.constant 0 : i32
    %cond3A_117 = arith.cmpi ne, %convert_element_type3A_115, %cond3A_116 : i32
    scf.if %cond3A_117 {
      %dma_wait3A = arith.constant 3 : i32
      %dma_wait3A_123 = arith.constant 0 : i32
      %dma_wait3A_124 = arith.constant 0 : i32
      %dma_wait3A_125 = arith.constant 0 : i32
      %dma_wait3A_126 = tpu.memref_slice %arg9[%dma_wait3A, %dma_wait3A_124, %dma_wait3A_125] : memref<4x128x48xf32, #tpu.memory_space<vmem>> -> memref<1x128x48xf32, #tpu.memory_space<vmem>>
      %dma_wait3A_127 = tpu.memref_squeeze %dma_wait3A_126 : memref<1x128x48xf32, #tpu.memory_space<vmem>> -> memref<128x48xf32, #tpu.memory_space<vmem>>
      %dma_wait3A_128 = arith.constant 0 : i32
      %dma_wait3A_129 = tpu.memref_slice %arg8[%dma_wait3A_123, %dma_wait3A_128] : memref<40x128xi32, #tpu.memory_space<vmem>> -> memref<1x128xi32, #tpu.memory_space<vmem>>
      %dma_wait3A_130 = tpu.memref_squeeze %dma_wait3A_129 : memref<1x128xi32, #tpu.memory_space<vmem>> -> memref<128xi32, #tpu.memory_space<vmem>>
      %dma_wait3A_131 = arith.constant 0 : i32
      %dma_wait3A_132 = arith.constant 0 : i32
      %dma_wait3A_133 = tpu.memref_slice %arg10[%dma_wait3A_131, %dma_wait3A_132] : memref<10240x48xf32, #tpu.memory_space<vmem_shared>> -> memref<10240x48xf32, #tpu.memory_space<vmem_shared>>
      tpu.wait_indirect_dma semaphore(%arg18 : memref<!tpu.dma_semaphore, #tpu.memory_space<semaphore_mem>>) src(%dma_wait3A_127 : memref<128x48xf32, #tpu.memory_space<vmem>>) dst(%dma_wait3A_133 : memref<10240x48xf32, #tpu.memory_space<vmem_shared>>)
    } else {
    }
    %barrier3A_118 = arith.constant 0 : index
    tpu.barrier barrier_id(%barrier3A_118)
    %mul3A_119 = arith.constant 640 : i32
    %mul3A_120 = arith.muli %arg1, %mul3A_119 : i32
    "tpu.region"() ({
      %run_scoped3A_123 = tpu.sem_alloc : memref<!tpu.dma_semaphore, #tpu.memory_space<semaphore_mem>>
      %dma_start3A = arith.constant 0 : i32
      %dma_start3A_124 = tpu.memref_slice %arg10[%mul3A_120, %dma_start3A] : memref<10240x48xf32, #tpu.memory_space<vmem_shared>> -> memref<640x48xf32, #tpu.memory_space<vmem_shared>>
      %dma_start3A_125 = arith.constant 0 : i32
      %dma_start3A_126 = tpu.memref_slice %arg10[%mul3A_120, %dma_start3A_125] : memref<10240x48xf32, #tpu.memory_space<vmem_shared>> -> memref<640x48xf32, #tpu.memory_space<vmem_shared>>
      tpu.enqueue_dma source(%dma_start3A_126 : memref<640x48xf32, #tpu.memory_space<vmem_shared>>) target(%arg6 : memref<640x48xf32, #tpu.memory_space<vmem>>) target_semaphore(%run_scoped3A_123 : memref<!tpu.dma_semaphore, #tpu.memory_space<semaphore_mem>>)
      %dma_wait3A = arith.constant 0 : i32
      %dma_wait3A_127 = tpu.memref_slice %arg10[%mul3A_120, %dma_wait3A] : memref<10240x48xf32, #tpu.memory_space<vmem_shared>> -> memref<640x48xf32, #tpu.memory_space<vmem_shared>>
      %dma_wait3A_128 = arith.constant 0 : i32
      %dma_wait3A_129 = tpu.memref_slice %arg10[%mul3A_120, %dma_wait3A_128] : memref<10240x48xf32, #tpu.memory_space<vmem_shared>> -> memref<640x48xf32, #tpu.memory_space<vmem_shared>>
      tpu.wait_dma2 semaphore(%run_scoped3A_123 : memref<!tpu.dma_semaphore, #tpu.memory_space<semaphore_mem>>) src(%dma_wait3A_129 : memref<640x48xf32, #tpu.memory_space<vmem_shared>>) dst(%arg6 : memref<640x48xf32, #tpu.memory_space<vmem>>)
      tpu.yield
    }) : () -> ()
    %mul3A_121 = arith.constant 640 : i32
    %mul3A_122 = arith.muli %arg1, %mul3A_121 : i32
    "tpu.region"() ({
      %run_scoped3A_123 = tpu.sem_alloc : memref<!tpu.dma_semaphore, #tpu.memory_space<semaphore_mem>>
      %dma_start3A = arith.constant 0 : i32
      %dma_start3A_124 = tpu.memref_slice %arg4[%arg0, %mul3A_122, %dma_start3A] : memref<2x10240x48xf32, #tpu.memory_space<hbm>> -> memref<1x640x48xf32, #tpu.memory_space<hbm>>
      %dma_start3A_125 = tpu.memref_squeeze %dma_start3A_124 : memref<1x640x48xf32, #tpu.memory_space<hbm>> -> memref<640x48xf32, #tpu.memory_space<hbm>>
      %dma_start3A_126 = arith.constant 0 : i32
      %dma_start3A_127 = tpu.memref_slice %arg4[%arg0, %mul3A_122, %dma_start3A_126] : memref<2x10240x48xf32, #tpu.memory_space<hbm>> -> memref<1x640x48xf32, #tpu.memory_space<hbm>>
      %dma_start3A_128 = tpu.memref_squeeze %dma_start3A_127 : memref<1x640x48xf32, #tpu.memory_space<hbm>> -> memref<640x48xf32, #tpu.memory_space<hbm>>
      tpu.enqueue_dma source(%arg6 : memref<640x48xf32, #tpu.memory_space<vmem>>) target(%dma_start3A_128 : memref<640x48xf32, #tpu.memory_space<hbm>>) target_semaphore(%run_scoped3A_123 : memref<!tpu.dma_semaphore, #tpu.memory_space<semaphore_mem>>)
      %dma_wait3A = arith.constant 0 : i32
      %dma_wait3A_129 = tpu.memref_slice %arg4[%arg0, %mul3A_122, %dma_wait3A] : memref<2x10240x48xf32, #tpu.memory_space<hbm>> -> memref<1x640x48xf32, #tpu.memory_space<hbm>>
      %dma_wait3A_130 = tpu.memref_squeeze %dma_wait3A_129 : memref<1x640x48xf32, #tpu.memory_space<hbm>> -> memref<640x48xf32, #tpu.memory_space<hbm>>
      %dma_wait3A_131 = arith.constant 0 : i32
      %dma_wait3A_132 = tpu.memref_slice %arg4[%arg0, %mul3A_122, %dma_wait3A_131] : memref<2x10240x48xf32, #tpu.memory_space<hbm>> -> memref<1x640x48xf32, #tpu.memory_space<hbm>>
      %dma_wait3A_133 = tpu.memref_squeeze %dma_wait3A_132 : memref<1x640x48xf32, #tpu.memory_space<hbm>> -> memref<640x48xf32, #tpu.memory_space<hbm>>
      tpu.wait_dma2 semaphore(%run_scoped3A_123 : memref<!tpu.dma_semaphore, #tpu.memory_space<semaphore_mem>>) src(%arg6 : memref<640x48xf32, #tpu.memory_space<vmem>>) dst(%dma_wait3A_133 : memref<640x48xf32, #tpu.memory_space<hbm>>)
      tpu.yield
    }) : () -> ()
    return
  }
}

#map = affine_map<(d0, d1) -> (0, 0)>
#map1 = affine_map<(d0, d1) -> (0, 0, 0)>
module attributes {stable_mosaic.version = 14 : i64} {
  func.func @sc_agg(%arg0: i32, %arg1: i32, %arg2: memref<10000x48xf32, #tpu.memory_space<hbm>>, %arg3: memref<2x1250x128xi32, #tpu.memory_space<hbm>>, %arg4: memref<2x10240x48xf32, #tpu.memory_space<hbm>>, %arg5: memref<128x48xf32, #tpu.memory_space<vmem>>, %arg6: memref<640x48xf32, #tpu.memory_space<vmem>>, %arg7: memref<40x128xi32, #tpu.memory_space<vmem>>, %arg8: memref<40x128xi32, #tpu.memory_space<vmem>>, %arg9: memref<4x128x48xf32, #tpu.memory_space<vmem>>, %arg10: memref<10240x48xf32, #tpu.memory_space<vmem_shared>>, %arg11: memref<!tpu.dma_semaphore, #tpu.memory_space<semaphore_mem>>, %arg12: memref<!tpu.dma_semaphore, #tpu.memory_space<semaphore_mem>>, %arg13: memref<!tpu.dma_semaphore, #tpu.memory_space<semaphore_mem>>, %arg14: memref<!tpu.dma_semaphore, #tpu.memory_space<semaphore_mem>>, %arg15: memref<!tpu.dma_semaphore, #tpu.memory_space<semaphore_mem>>, %arg16: memref<!tpu.dma_semaphore, #tpu.memory_space<semaphore_mem>>, %arg17: memref<!tpu.dma_semaphore, #tpu.memory_space<semaphore_mem>>, %arg18: memref<!tpu.dma_semaphore, #tpu.memory_space<semaphore_mem>>) attributes {dimension_semantics = [#tpu.dimension_semantics<core_parallel>, #tpu.dimension_semantics<subcore_parallel>], iteration_bounds = array<i64: 2, 16>, scalar_prefetch = 0 : i64, scratch_operands = 14 : i64, tpu.core_type = #tpu.core_type<sc_vector_subcore>, window_params = [{transform_indices = #map}, {transform_indices = #map1}, {transform_indices = #map1}]} {
    %mul3A = arith.constant 16 : i32
    %mul3A_0 = arith.muli %arg0, %mul3A : i32
    %add3A = arith.addi %mul3A_0, %arg1 : i32
    %mul3A_1 = arith.constant 1250 : i32
    %mul3A_2 = arith.muli %add3A, %mul3A_1 : i32
    %jit3A = arith.constant 32 : i32
    %div3A = arith.divsi %mul3A_2, %jit3A : i32
    %sign3A = arith.constant 0 : i32
    %sign3A_3 = arith.cmpi sgt, %mul3A_2, %sign3A : i32
    %sign3A_4 = arith.extui %sign3A_3 : i1 to i32
    %sign3A_5 = arith.constant 0 : i32
    %sign3A_6 = arith.cmpi slt, %mul3A_2, %sign3A_5 : i32
    %sign3A_7 = arith.extui %sign3A_6 : i1 to i32
    %sign3A_8 = arith.subi %sign3A_4, %sign3A_7 : i32
    %sign3A_9 = arith.constant 0 : i32
    %sign3A_10 = arith.cmpi sgt, %jit3A, %sign3A_9 : i32
    %sign3A_11 = arith.extui %sign3A_10 : i1 to i32
    %sign3A_12 = arith.constant 0 : i32
    %sign3A_13 = arith.cmpi slt, %jit3A, %sign3A_12 : i32
    %sign3A_14 = arith.extui %sign3A_13 : i1 to i32
    %sign3A_15 = arith.subi %sign3A_11, %sign3A_14 : i32
    %ne3A = arith.cmpi ne, %sign3A_8, %sign3A_15 : i32
    %rem3A = arith.remsi %mul3A_2, %jit3A : i32
    %ne3A_16 = arith.constant 0 : i32
    %ne3A_17 = arith.cmpi ne, %rem3A, %ne3A_16 : i32
    %and3A = arith.andi %ne3A, %ne3A_17 : i1
    %sub3A = arith.constant 1 : i32
    %sub3A_18 = arith.subi %div3A, %sub3A : i32
    %select_n3A = arith.select %and3A, %sub3A_18, %div3A : i32
    %add3A_19 = arith.constant 1 : i32
    %add3A_20 = arith.addi %add3A, %add3A_19 : i32
    %mul3A_21 = arith.constant 1250 : i32
    %mul3A_22 = arith.muli %add3A_20, %mul3A_21 : i32
    %jit3A_23 = arith.constant 32 : i32
    %div3A_24 = arith.divsi %mul3A_22, %jit3A_23 : i32
    %sign3A_25 = arith.constant 0 : i32
    %sign3A_26 = arith.cmpi sgt, %mul3A_22, %sign3A_25 : i32
    %sign3A_27 = arith.extui %sign3A_26 : i1 to i32
    %sign3A_28 = arith.constant 0 : i32
    %sign3A_29 = arith.cmpi slt, %mul3A_22, %sign3A_28 : i32
    %sign3A_30 = arith.extui %sign3A_29 : i1 to i32
    %sign3A_31 = arith.subi %sign3A_27, %sign3A_30 : i32
    %sign3A_32 = arith.constant 0 : i32
    %sign3A_33 = arith.cmpi sgt, %jit3A_23, %sign3A_32 : i32
    %sign3A_34 = arith.extui %sign3A_33 : i1 to i32
    %sign3A_35 = arith.constant 0 : i32
    %sign3A_36 = arith.cmpi slt, %jit3A_23, %sign3A_35 : i32
    %sign3A_37 = arith.extui %sign3A_36 : i1 to i32
    %sign3A_38 = arith.subi %sign3A_34, %sign3A_37 : i32
    %ne3A_39 = arith.cmpi ne, %sign3A_31, %sign3A_38 : i32
    %rem3A_40 = arith.remsi %mul3A_22, %jit3A_23 : i32
    %ne3A_41 = arith.constant 0 : i32
    %ne3A_42 = arith.cmpi ne, %rem3A_40, %ne3A_41 : i32
    %and3A_43 = arith.andi %ne3A_39, %ne3A_42 : i1
    %sub3A_44 = arith.constant 1 : i32
    %sub3A_45 = arith.subi %div3A_24, %sub3A_44 : i32
    %select_n3A_46 = arith.select %and3A_43, %sub3A_45, %div3A_24 : i32
    %sub3A_47 = arith.subi %select_n3A_46, %select_n3A : i32
    %broadcast_in_dim3A = arith.constant 0.000000e+00 : f32
    %broadcast_in_dim3A_48 = vector.broadcast %broadcast_in_dim3A : f32 to vector<16xf32>
    %scan3A = arith.constant 0 : i32
    %scan3A_49 = arith.constant 0 : i32
    %scan3A_50 = arith.constant 128 : i32
    %scan3A_51 = arith.addi %scan3A_49, %scan3A_50 : i32
    %scan3A_52 = arith.constant 1 : i32
    scf.for %scan3A_123 = %scan3A_49 to %scan3A_51 step %scan3A_52  : i32 {
      %swap3A = arith.index_cast %scan3A_123 : i32 to index
      %swap3A_124 = arith.constant 0 : index
      %swap3A_125 = tpu.vector_load %arg5[%swap3A, %swap3A_124] {strides = array<i32>} : memref<128x48xf32, #tpu.memory_space<vmem>>, vector<1x16xf32>,
      %swap3A_126 = vector.shape_cast %swap3A_125 : vector<1x16xf32> to vector<16xf32>
      %swap3A_127 = vector.shape_cast %broadcast_in_dim3A_48 : vector<16xf32> to vector<1x16xf32>
      tpu.vector_store %arg5[%swap3A, %swap3A_124], %swap3A_127 {strides = array<i32>} : memref<128x48xf32, #tpu.memory_space<vmem>>, vector<1x16xf32>,
      %swap3A_128 = arith.index_cast %scan3A_123 : i32 to index
      %swap3A_129 = arith.constant 16 : index
      %swap3A_130 = tpu.vector_load %arg5[%swap3A_128, %swap3A_129] {strides = array<i32>} : memref<128x48xf32, #tpu.memory_space<vmem>>, vector<1x16xf32>,
      %swap3A_131 = vector.shape_cast %swap3A_130 : vector<1x16xf32> to vector<16xf32>
      %swap3A_132 = vector.shape_cast %broadcast_in_dim3A_48 : vector<16xf32> to vector<1x16xf32>
      tpu.vector_store %arg5[%swap3A_128, %swap3A_129], %swap3A_132 {strides = array<i32>} : memref<128x48xf32, #tpu.memory_space<vmem>>, vector<1x16xf32>,
      %swap3A_133 = arith.index_cast %scan3A_123 : i32 to index
      %swap3A_134 = arith.constant 32 : index
      %swap3A_135 = tpu.vector_load %arg5[%swap3A_133, %swap3A_134] {strides = array<i32>} : memref<128x48xf32, #tpu.memory_space<vmem>>, vector<1x16xf32>,
      %swap3A_136 = vector.shape_cast %swap3A_135 : vector<1x16xf32> to vector<16xf32>
      %swap3A_137 = vector.shape_cast %broadcast_in_dim3A_48 : vector<16xf32> to vector<1x16xf32>
      tpu.vector_store %arg5[%swap3A_133, %swap3A_134], %swap3A_137 {strides = array<i32>} : memref<128x48xf32, #tpu.memory_space<vmem>>, vector<1x16xf32>,
    }
    %scan3A_53 = arith.constant 128 : i32
    %mul3A_54 = arith.constant 640 : i32
    %mul3A_55 = arith.muli %arg1, %mul3A_54 : i32
    %add3A_56 = arith.constant 0 : i32
    %add3A_57 = arith.addi %mul3A_55, %add3A_56 : i32
    "tpu.region"() ({
      %run_scoped3A_123 = tpu.sem_alloc : memref<!tpu.dma_semaphore, #tpu.memory_space<semaphore_mem>>
      %dma_start3A = arith.constant 0 : i32
      %dma_start3A_124 = tpu.memref_slice %arg10[%add3A_57, %dma_start3A] : memref<10240x48xf32, #tpu.memory_space<vmem_shared>> -> memref<128x48xf32, #tpu.memory_space<vmem_shared>>
      %dma_start3A_125 = arith.constant 0 : i32
      %dma_start3A_126 = tpu.memref_slice %arg10[%add3A_57, %dma_start3A_125] : memref<10240x48xf32, #tpu.memory_space<vmem_shared>> -> memref<128x48xf32, #tpu.memory_space<vmem_shared>>
      tpu.enqueue_dma source(%arg5 : memref<128x48xf32, #tpu.memory_space<vmem>>) target(%dma_start3A_126 : memref<128x48xf32, #tpu.memory_space<vmem_shared>>) target_semaphore(%run_scoped3A_123 : memref<!tpu.dma_semaphore, #tpu.memory_space<semaphore_mem>>)
      %dma_wait3A = arith.constant 0 : i32
      %dma_wait3A_127 = tpu.memref_slice %arg10[%add3A_57, %dma_wait3A] : memref<10240x48xf32, #tpu.memory_space<vmem_shared>> -> memref<128x48xf32, #tpu.memory_space<vmem_shared>>
      %dma_wait3A_128 = arith.constant 0 : i32
      %dma_wait3A_129 = tpu.memref_slice %arg10[%add3A_57, %dma_wait3A_128] : memref<10240x48xf32, #tpu.memory_space<vmem_shared>> -> memref<128x48xf32, #tpu.memory_space<vmem_shared>>
      tpu.wait_dma2 semaphore(%run_scoped3A_123 : memref<!tpu.dma_semaphore, #tpu.memory_space<semaphore_mem>>) src(%arg5 : memref<128x48xf32, #tpu.memory_space<vmem>>) dst(%dma_wait3A_129 : memref<128x48xf32, #tpu.memory_space<vmem_shared>>)
      tpu.yield
    }) : () -> ()
    %mul3A_58 = arith.constant 640 : i32
    %mul3A_59 = arith.muli %arg1, %mul3A_58 : i32
    %add3A_60 = arith.constant 128 : i32
    %add3A_61 = arith.addi %mul3A_59, %add3A_60 : i32
    "tpu.region"() ({
      %run_scoped3A_123 = tpu.sem_alloc : memref<!tpu.dma_semaphore, #tpu.memory_space<semaphore_mem>>
      %dma_start3A = arith.constant 0 : i32
      %dma_start3A_124 = tpu.memref_slice %arg10[%add3A_61, %dma_start3A] : memref<10240x48xf32, #tpu.memory_space<vmem_shared>> -> memref<128x48xf32, #tpu.memory_space<vmem_shared>>
      %dma_start3A_125 = arith.constant 0 : i32
      %dma_start3A_126 = tpu.memref_slice %arg10[%add3A_61, %dma_start3A_125] : memref<10240x48xf32, #tpu.memory_space<vmem_shared>> -> memref<128x48xf32, #tpu.memory_space<vmem_shared>>
      tpu.enqueue_dma source(%arg5 : memref<128x48xf32, #tpu.memory_space<vmem>>) target(%dma_start3A_126 : memref<128x48xf32, #tpu.memory_space<vmem_shared>>) target_semaphore(%run_scoped3A_123 : memref<!tpu.dma_semaphore, #tpu.memory_space<semaphore_mem>>)
      %dma_wait3A = arith.constant 0 : i32
      %dma_wait3A_127 = tpu.memref_slice %arg10[%add3A_61, %dma_wait3A] : memref<10240x48xf32, #tpu.memory_space<vmem_shared>> -> memref<128x48xf32, #tpu.memory_space<vmem_shared>>
      %dma_wait3A_128 = arith.constant 0 : i32
      %dma_wait3A_129 = tpu.memref_slice %arg10[%add3A_61, %dma_wait3A_128] : memref<10240x48xf32, #tpu.memory_space<vmem_shared>> -> memref<128x48xf32, #tpu.memory_space<vmem_shared>>
      tpu.wait_dma2 semaphore(%run_scoped3A_123 : memref<!tpu.dma_semaphore, #tpu.memory_space<semaphore_mem>>) src(%arg5 : memref<128x48xf32, #tpu.memory_space<vmem>>) dst(%dma_wait3A_129 : memref<128x48xf32, #tpu.memory_space<vmem_shared>>)
      tpu.yield
    }) : () -> ()
    %mul3A_62 = arith.constant 640 : i32
    %mul3A_63 = arith.muli %arg1, %mul3A_62 : i32
    %add3A_64 = arith.constant 256 : i32
    %add3A_65 = arith.addi %mul3A_63, %add3A_64 : i32
    "tpu.region"() ({
      %run_scoped3A_123 = tpu.sem_alloc : memref<!tpu.dma_semaphore, #tpu.memory_space<semaphore_mem>>
      %dma_start3A = arith.constant 0 : i32
      %dma_start3A_124 = tpu.memref_slice %arg10[%add3A_65, %dma_start3A] : memref<10240x48xf32, #tpu.memory_space<vmem_shared>> -> memref<128x48xf32, #tpu.memory_space<vmem_shared>>
      %dma_start3A_125 = arith.constant 0 : i32
      %dma_start3A_126 = tpu.memref_slice %arg10[%add3A_65, %dma_start3A_125] : memref<10240x48xf32, #tpu.memory_space<vmem_shared>> -> memref<128x48xf32, #tpu.memory_space<vmem_shared>>
      tpu.enqueue_dma source(%arg5 : memref<128x48xf32, #tpu.memory_space<vmem>>) target(%dma_start3A_126 : memref<128x48xf32, #tpu.memory_space<vmem_shared>>) target_semaphore(%run_scoped3A_123 : memref<!tpu.dma_semaphore, #tpu.memory_space<semaphore_mem>>)
      %dma_wait3A = arith.constant 0 : i32
      %dma_wait3A_127 = tpu.memref_slice %arg10[%add3A_65, %dma_wait3A] : memref<10240x48xf32, #tpu.memory_space<vmem_shared>> -> memref<128x48xf32, #tpu.memory_space<vmem_shared>>
      %dma_wait3A_128 = arith.constant 0 : i32
      %dma_wait3A_129 = tpu.memref_slice %arg10[%add3A_65, %dma_wait3A_128] : memref<10240x48xf32, #tpu.memory_space<vmem_shared>> -> memref<128x48xf32, #tpu.memory_space<vmem_shared>>
      tpu.wait_dma2 semaphore(%run_scoped3A_123 : memref<!tpu.dma_semaphore, #tpu.memory_space<semaphore_mem>>) src(%arg5 : memref<128x48xf32, #tpu.memory_space<vmem>>) dst(%dma_wait3A_129 : memref<128x48xf32, #tpu.memory_space<vmem_shared>>)
      tpu.yield
    }) : () -> ()
    %mul3A_66 = arith.constant 640 : i32
    %mul3A_67 = arith.muli %arg1, %mul3A_66 : i32
    %add3A_68 = arith.constant 384 : i32
    %add3A_69 = arith.addi %mul3A_67, %add3A_68 : i32
    "tpu.region"() ({
      %run_scoped3A_123 = tpu.sem_alloc : memref<!tpu.dma_semaphore, #tpu.memory_space<semaphore_mem>>
      %dma_start3A = arith.constant 0 : i32
      %dma_start3A_124 = tpu.memref_slice %arg10[%add3A_69, %dma_start3A] : memref<10240x48xf32, #tpu.memory_space<vmem_shared>> -> memref<128x48xf32, #tpu.memory_space<vmem_shared>>
      %dma_start3A_125 = arith.constant 0 : i32
      %dma_start3A_126 = tpu.memref_slice %arg10[%add3A_69, %dma_start3A_125] : memref<10240x48xf32, #tpu.memory_space<vmem_shared>> -> memref<128x48xf32, #tpu.memory_space<vmem_shared>>
      tpu.enqueue_dma source(%arg5 : memref<128x48xf32, #tpu.memory_space<vmem>>) target(%dma_start3A_126 : memref<128x48xf32, #tpu.memory_space<vmem_shared>>) target_semaphore(%run_scoped3A_123 : memref<!tpu.dma_semaphore, #tpu.memory_space<semaphore_mem>>)
      %dma_wait3A = arith.constant 0 : i32
      %dma_wait3A_127 = tpu.memref_slice %arg10[%add3A_69, %dma_wait3A] : memref<10240x48xf32, #tpu.memory_space<vmem_shared>> -> memref<128x48xf32, #tpu.memory_space<vmem_shared>>
      %dma_wait3A_128 = arith.constant 0 : i32
      %dma_wait3A_129 = tpu.memref_slice %arg10[%add3A_69, %dma_wait3A_128] : memref<10240x48xf32, #tpu.memory_space<vmem_shared>> -> memref<128x48xf32, #tpu.memory_space<vmem_shared>>
      tpu.wait_dma2 semaphore(%run_scoped3A_123 : memref<!tpu.dma_semaphore, #tpu.memory_space<semaphore_mem>>) src(%arg5 : memref<128x48xf32, #tpu.memory_space<vmem>>) dst(%dma_wait3A_129 : memref<128x48xf32, #tpu.memory_space<vmem_shared>>)
      tpu.yield
    }) : () -> ()
    %mul3A_70 = arith.constant 640 : i32
    %mul3A_71 = arith.muli %arg1, %mul3A_70 : i32
    %add3A_72 = arith.constant 512 : i32
    %add3A_73 = arith.addi %mul3A_71, %add3A_72 : i32
    "tpu.region"() ({
      %run_scoped3A_123 = tpu.sem_alloc : memref<!tpu.dma_semaphore, #tpu.memory_space<semaphore_mem>>
      %dma_start3A = arith.constant 0 : i32
      %dma_start3A_124 = tpu.memref_slice %arg10[%add3A_73, %dma_start3A] : memref<10240x48xf32, #tpu.memory_space<vmem_shared>> -> memref<128x48xf32, #tpu.memory_space<vmem_shared>>
      %dma_start3A_125 = arith.constant 0 : i32
      %dma_start3A_126 = tpu.memref_slice %arg10[%add3A_73, %dma_start3A_125] : memref<10240x48xf32, #tpu.memory_space<vmem_shared>> -> memref<128x48xf32, #tpu.memory_space<vmem_shared>>
      tpu.enqueue_dma source(%arg5 : memref<128x48xf32, #tpu.memory_space<vmem>>) target(%dma_start3A_126 : memref<128x48xf32, #tpu.memory_space<vmem_shared>>) target_semaphore(%run_scoped3A_123 : memref<!tpu.dma_semaphore, #tpu.memory_space<semaphore_mem>>)
      %dma_wait3A = arith.constant 0 : i32
      %dma_wait3A_127 = tpu.memref_slice %arg10[%add3A_73, %dma_wait3A] : memref<10240x48xf32, #tpu.memory_space<vmem_shared>> -> memref<128x48xf32, #tpu.memory_space<vmem_shared>>
      %dma_wait3A_128 = arith.constant 0 : i32
      %dma_wait3A_129 = tpu.memref_slice %arg10[%add3A_73, %dma_wait3A_128] : memref<10240x48xf32, #tpu.memory_space<vmem_shared>> -> memref<128x48xf32, #tpu.memory_space<vmem_shared>>
      tpu.wait_dma2 semaphore(%run_scoped3A_123 : memref<!tpu.dma_semaphore, #tpu.memory_space<semaphore_mem>>) src(%arg5 : memref<128x48xf32, #tpu.memory_space<vmem>>) dst(%dma_wait3A_129 : memref<128x48xf32, #tpu.memory_space<vmem_shared>>)
      tpu.yield
    }) : () -> ()
    %run_scoped3A = arith.constant 0 : i32
    "tpu.region"() ({
      %run_scoped3A_123 = tpu.sem_alloc : memref<!tpu.dma_semaphore, #tpu.memory_space<semaphore_mem>>
      %dma_start3A = arith.constant 0 : i32
      %dma_start3A_124 = tpu.memref_slice %arg3[%run_scoped3A, %select_n3A, %dma_start3A] : memref<2x1250x128xi32, #tpu.memory_space<hbm>> -> memref<1x40x128xi32, #tpu.memory_space<hbm>>
      %dma_start3A_125 = tpu.memref_squeeze %dma_start3A_124 : memref<1x40x128xi32, #tpu.memory_space<hbm>> -> memref<40x128xi32, #tpu.memory_space<hbm>>
      %dma_start3A_126 = arith.constant 0 : i32
      %dma_start3A_127 = tpu.memref_slice %arg3[%run_scoped3A, %select_n3A, %dma_start3A_126] : memref<2x1250x128xi32, #tpu.memory_space<hbm>> -> memref<1x40x128xi32, #tpu.memory_space<hbm>>
      %dma_start3A_128 = tpu.memref_squeeze %dma_start3A_127 : memref<1x40x128xi32, #tpu.memory_space<hbm>> -> memref<40x128xi32, #tpu.memory_space<hbm>>
      tpu.enqueue_dma source(%dma_start3A_128 : memref<40x128xi32, #tpu.memory_space<hbm>>) target(%arg7 : memref<40x128xi32, #tpu.memory_space<vmem>>) target_semaphore(%run_scoped3A_123 : memref<!tpu.dma_semaphore, #tpu.memory_space<semaphore_mem>>)
      %dma_wait3A = arith.constant 0 : i32
      %dma_wait3A_129 = tpu.memref_slice %arg3[%run_scoped3A, %select_n3A, %dma_wait3A] : memref<2x1250x128xi32, #tpu.memory_space<hbm>> -> memref<1x40x128xi32, #tpu.memory_space<hbm>>
      %dma_wait3A_130 = tpu.memref_squeeze %dma_wait3A_129 : memref<1x40x128xi32, #tpu.memory_space<hbm>> -> memref<40x128xi32, #tpu.memory_space<hbm>>
      %dma_wait3A_131 = arith.constant 0 : i32
      %dma_wait3A_132 = tpu.memref_slice %arg3[%run_scoped3A, %select_n3A, %dma_wait3A_131] : memref<2x1250x128xi32, #tpu.memory_space<hbm>> -> memref<1x40x128xi32, #tpu.memory_space<hbm>>
      %dma_wait3A_133 = tpu.memref_squeeze %dma_wait3A_132 : memref<1x40x128xi32, #tpu.memory_space<hbm>> -> memref<40x128xi32, #tpu.memory_space<hbm>>
      tpu.wait_dma2 semaphore(%run_scoped3A_123 : memref<!tpu.dma_semaphore, #tpu.memory_space<semaphore_mem>>) src(%dma_wait3A_133 : memref<40x128xi32, #tpu.memory_space<hbm>>) dst(%arg7 : memref<40x128xi32, #tpu.memory_space<vmem>>)
      tpu.yield
    }) : () -> ()
    %run_scoped3A_74 = arith.constant 1 : i32
    "tpu.region"() ({
      %run_scoped3A_123 = tpu.sem_alloc : memref<!tpu.dma_semaphore, #tpu.memory_space<semaphore_mem>>
      %dma_start3A = arith.constant 0 : i32
      %dma_start3A_124 = tpu.memref_slice %arg3[%run_scoped3A_74, %select_n3A, %dma_start3A] : memref<2x1250x128xi32, #tpu.memory_space<hbm>> -> memref<1x40x128xi32, #tpu.memory_space<hbm>>
      %dma_start3A_125 = tpu.memref_squeeze %dma_start3A_124 : memref<1x40x128xi32, #tpu.memory_space<hbm>> -> memref<40x128xi32, #tpu.memory_space<hbm>>
      %dma_start3A_126 = arith.constant 0 : i32
      %dma_start3A_127 = tpu.memref_slice %arg3[%run_scoped3A_74, %select_n3A, %dma_start3A_126] : memref<2x1250x128xi32, #tpu.memory_space<hbm>> -> memref<1x40x128xi32, #tpu.memory_space<hbm>>
      %dma_start3A_128 = tpu.memref_squeeze %dma_start3A_127 : memref<1x40x128xi32, #tpu.memory_space<hbm>> -> memref<40x128xi32, #tpu.memory_space<hbm>>
      tpu.enqueue_dma source(%dma_start3A_128 : memref<40x128xi32, #tpu.memory_space<hbm>>) target(%arg8 : memref<40x128xi32, #tpu.memory_space<vmem>>) target_semaphore(%run_scoped3A_123 : memref<!tpu.dma_semaphore, #tpu.memory_space<semaphore_mem>>)
      %dma_wait3A = arith.constant 0 : i32
      %dma_wait3A_129 = tpu.memref_slice %arg3[%run_scoped3A_74, %select_n3A, %dma_wait3A] : memref<2x1250x128xi32, #tpu.memory_space<hbm>> -> memref<1x40x128xi32, #tpu.memory_space<hbm>>
      %dma_wait3A_130 = tpu.memref_squeeze %dma_wait3A_129 : memref<1x40x128xi32, #tpu.memory_space<hbm>> -> memref<40x128xi32, #tpu.memory_space<hbm>>
      %dma_wait3A_131 = arith.constant 0 : i32
      %dma_wait3A_132 = tpu.memref_slice %arg3[%run_scoped3A_74, %select_n3A, %dma_wait3A_131] : memref<2x1250x128xi32, #tpu.memory_space<hbm>> -> memref<1x40x128xi32, #tpu.memory_space<hbm>>
      %dma_wait3A_133 = tpu.memref_squeeze %dma_wait3A_132 : memref<1x40x128xi32, #tpu.memory_space<hbm>> -> memref<40x128xi32, #tpu.memory_space<hbm>>
      tpu.wait_dma2 semaphore(%run_scoped3A_123 : memref<!tpu.dma_semaphore, #tpu.memory_space<semaphore_mem>>) src(%dma_wait3A_133 : memref<40x128xi32, #tpu.memory_space<hbm>>) dst(%arg8 : memref<40x128xi32, #tpu.memory_space<vmem>>)
      tpu.yield
    }) : () -> ()
    %barrier3A = arith.constant 0 : index
    tpu.barrier barrier_id(%barrier3A)
    %gt3A = arith.constant 0 : i32
    %gt3A_75 = arith.cmpi sgt, %sub3A_47, %gt3A : i32
    %convert_element_type3A = arith.extui %gt3A_75 : i1 to i32
    %cond3A = arith.constant 0 : i32
    %cond3A_76 = arith.cmpi ne, %convert_element_type3A, %cond3A : i32
    scf.if %cond3A_76 {
      %dma_start3A = arith.constant 0 : i32
      %dma_start3A_123 = arith.constant 0 : i32
      %dma_start3A_124 = arith.constant 0 : i32
      %dma_start3A_125 = arith.constant 0 : i32
      %dma_start3A_126 = tpu.memref_slice %arg9[%dma_start3A_123, %dma_start3A_124, %dma_start3A_125] : memref<4x128x48xf32, #tpu.memory_space<vmem>> -> memref<1x128x48xf32, #tpu.memory_space<vmem>>
      %dma_start3A_127 = tpu.memref_squeeze %dma_start3A_126 : memref<1x128x48xf32, #tpu.memory_space<vmem>> -> memref<128x48xf32, #tpu.memory_space<vmem>>
      %dma_start3A_128 = arith.constant 0 : i32
      %dma_start3A_129 = tpu.memref_slice %arg7[%dma_start3A, %dma_start3A_128] : memref<40x128xi32, #tpu.memory_space<vmem>> -> memref<1x128xi32, #tpu.memory_space<vmem>>
      %dma_start3A_130 = tpu.memref_squeeze %dma_start3A_129 : memref<1x128xi32, #tpu.memory_space<vmem>> -> memref<128xi32, #tpu.memory_space<vmem>>
      %dma_start3A_131 = arith.constant 0 : i32
      %dma_start3A_132 = arith.constant 0 : i32
      %dma_start3A_133 = tpu.memref_slice %arg2[%dma_start3A_131, %dma_start3A_132] : memref<10000x48xf32, #tpu.memory_space<hbm>> -> memref<10000x48xf32, #tpu.memory_space<hbm>>
      tpu.enqueue_indirect_dma source(%dma_start3A_133 : memref<10000x48xf32, #tpu.memory_space<hbm>>) target(%dma_start3A_127 : memref<128x48xf32, #tpu.memory_space<vmem>>) offsets(%dma_start3A_130 : memref<128xi32, #tpu.memory_space<vmem>>) semaphore(%arg11 : memref<!tpu.dma_semaphore, #tpu.memory_space<semaphore_mem>>)
    } else {
    }
    %gt3A_77 = arith.constant 1 : i32
    %gt3A_78 = arith.cmpi sgt, %sub3A_47, %gt3A_77 : i32
    %convert_element_type3A_79 = arith.extui %gt3A_78 : i1 to i32
    %cond3A_80 = arith.constant 0 : i32
    %cond3A_81 = arith.cmpi ne, %convert_element_type3A_79, %cond3A_80 : i32
    scf.if %cond3A_81 {
      %dma_start3A = arith.constant 1 : i32
      %dma_start3A_123 = arith.constant 1 : i32
      %dma_start3A_124 = arith.constant 0 : i32
      %dma_start3A_125 = arith.constant 0 : i32
      %dma_start3A_126 = tpu.memref_slice %arg9[%dma_start3A_123, %dma_start3A_124, %dma_start3A_125] : memref<4x128x48xf32, #tpu.memory_space<vmem>> -> memref<1x128x48xf32, #tpu.memory_space<vmem>>
      %dma_start3A_127 = tpu.memref_squeeze %dma_start3A_126 : memref<1x128x48xf32, #tpu.memory_space<vmem>> -> memref<128x48xf32, #tpu.memory_space<vmem>>
      %dma_start3A_128 = arith.constant 0 : i32
      %dma_start3A_129 = tpu.memref_slice %arg7[%dma_start3A, %dma_start3A_128] : memref<40x128xi32, #tpu.memory_space<vmem>> -> memref<1x128xi32, #tpu.memory_space<vmem>>
      %dma_start3A_130 = tpu.memref_squeeze %dma_start3A_129 : memref<1x128xi32, #tpu.memory_space<vmem>> -> memref<128xi32, #tpu.memory_space<vmem>>
      %dma_start3A_131 = arith.constant 0 : i32
      %dma_start3A_132 = arith.constant 0 : i32
      %dma_start3A_133 = tpu.memref_slice %arg2[%dma_start3A_131, %dma_start3A_132] : memref<10000x48xf32, #tpu.memory_space<hbm>> -> memref<10000x48xf32, #tpu.memory_space<hbm>>
      tpu.enqueue_indirect_dma source(%dma_start3A_133 : memref<10000x48xf32, #tpu.memory_space<hbm>>) target(%dma_start3A_127 : memref<128x48xf32, #tpu.memory_space<vmem>>) offsets(%dma_start3A_130 : memref<128xi32, #tpu.memory_space<vmem>>) semaphore(%arg12 : memref<!tpu.dma_semaphore, #tpu.memory_space<semaphore_mem>>)
    } else {
    }
    %gt3A_82 = arith.constant 2 : i32
    %gt3A_83 = arith.cmpi sgt, %sub3A_47, %gt3A_82 : i32
    %convert_element_type3A_84 = arith.extui %gt3A_83 : i1 to i32
    %cond3A_85 = arith.constant 0 : i32
    %cond3A_86 = arith.cmpi ne, %convert_element_type3A_84, %cond3A_85 : i32
    scf.if %cond3A_86 {
      %dma_start3A = arith.constant 2 : i32
      %dma_start3A_123 = arith.constant 2 : i32
      %dma_start3A_124 = arith.constant 0 : i32
      %dma_start3A_125 = arith.constant 0 : i32
      %dma_start3A_126 = tpu.memref_slice %arg9[%dma_start3A_123, %dma_start3A_124, %dma_start3A_125] : memref<4x128x48xf32, #tpu.memory_space<vmem>> -> memref<1x128x48xf32, #tpu.memory_space<vmem>>
      %dma_start3A_127 = tpu.memref_squeeze %dma_start3A_126 : memref<1x128x48xf32, #tpu.memory_space<vmem>> -> memref<128x48xf32, #tpu.memory_space<vmem>>
      %dma_start3A_128 = arith.constant 0 : i32
      %dma_start3A_129 = tpu.memref_slice %arg7[%dma_start3A, %dma_start3A_128] : memref<40x128xi32, #tpu.memory_space<vmem>> -> memref<1x128xi32, #tpu.memory_space<vmem>>
      %dma_start3A_130 = tpu.memref_squeeze %dma_start3A_129 : memref<1x128xi32, #tpu.memory_space<vmem>> -> memref<128xi32, #tpu.memory_space<vmem>>
      %dma_start3A_131 = arith.constant 0 : i32
      %dma_start3A_132 = arith.constant 0 : i32
      %dma_start3A_133 = tpu.memref_slice %arg2[%dma_start3A_131, %dma_start3A_132] : memref<10000x48xf32, #tpu.memory_space<hbm>> -> memref<10000x48xf32, #tpu.memory_space<hbm>>
      tpu.enqueue_indirect_dma source(%dma_start3A_133 : memref<10000x48xf32, #tpu.memory_space<hbm>>) target(%dma_start3A_127 : memref<128x48xf32, #tpu.memory_space<vmem>>) offsets(%dma_start3A_130 : memref<128xi32, #tpu.memory_space<vmem>>) semaphore(%arg13 : memref<!tpu.dma_semaphore, #tpu.memory_space<semaphore_mem>>)
    } else {
    }
    %gt3A_87 = arith.constant 3 : i32
    %gt3A_88 = arith.cmpi sgt, %sub3A_47, %gt3A_87 : i32
    %convert_element_type3A_89 = arith.extui %gt3A_88 : i1 to i32
    %cond3A_90 = arith.constant 0 : i32
    %cond3A_91 = arith.cmpi ne, %convert_element_type3A_89, %cond3A_90 : i32
    scf.if %cond3A_91 {
      %dma_start3A = arith.constant 3 : i32
      %dma_start3A_123 = arith.constant 3 : i32
      %dma_start3A_124 = arith.constant 0 : i32
      %dma_start3A_125 = arith.constant 0 : i32
      %dma_start3A_126 = tpu.memref_slice %arg9[%dma_start3A_123, %dma_start3A_124, %dma_start3A_125] : memref<4x128x48xf32, #tpu.memory_space<vmem>> -> memref<1x128x48xf32, #tpu.memory_space<vmem>>
      %dma_start3A_127 = tpu.memref_squeeze %dma_start3A_126 : memref<1x128x48xf32, #tpu.memory_space<vmem>> -> memref<128x48xf32, #tpu.memory_space<vmem>>
      %dma_start3A_128 = arith.constant 0 : i32
      %dma_start3A_129 = tpu.memref_slice %arg7[%dma_start3A, %dma_start3A_128] : memref<40x128xi32, #tpu.memory_space<vmem>> -> memref<1x128xi32, #tpu.memory_space<vmem>>
      %dma_start3A_130 = tpu.memref_squeeze %dma_start3A_129 : memref<1x128xi32, #tpu.memory_space<vmem>> -> memref<128xi32, #tpu.memory_space<vmem>>
      %dma_start3A_131 = arith.constant 0 : i32
      %dma_start3A_132 = arith.constant 0 : i32
      %dma_start3A_133 = tpu.memref_slice %arg2[%dma_start3A_131, %dma_start3A_132] : memref<10000x48xf32, #tpu.memory_space<hbm>> -> memref<10000x48xf32, #tpu.memory_space<hbm>>
      tpu.enqueue_indirect_dma source(%dma_start3A_133 : memref<10000x48xf32, #tpu.memory_space<hbm>>) target(%dma_start3A_127 : memref<128x48xf32, #tpu.memory_space<vmem>>) offsets(%dma_start3A_130 : memref<128xi32, #tpu.memory_space<vmem>>) semaphore(%arg14 : memref<!tpu.dma_semaphore, #tpu.memory_space<semaphore_mem>>)
    } else {
    }
    %scan3A_92 = arith.constant 0 : i32
    %scan3A_93 = arith.constant 0 : i32
    %scan3A_94 = arith.constant 10 : i32
    %scan3A_95 = arith.addi %scan3A_93, %scan3A_94 : i32
    %scan3A_96 = arith.constant 1 : i32
    scf.for %scan3A_123 = %scan3A_93 to %scan3A_95 step %scan3A_96  : i32 {
      %mul3A_124 = arith.constant 4 : i32
      %mul3A_125 = arith.muli %mul3A_124, %scan3A_123 : i32
      %add3A_126 = arith.constant 0 : i32
      %add3A_127 = arith.addi %mul3A_125, %add3A_126 : i32
      %lt3A = arith.cmpi slt, %add3A_127, %sub3A_47 : i32
      %convert_element_type3A_128 = arith.extui %lt3A : i1 to i32
      %cond3A_129 = arith.constant 0 : i32
      %cond3A_130 = arith.cmpi ne, %convert_element_type3A_128, %cond3A_129 : i32
      scf.if %cond3A_130 {
        %add3A_181 = arith.constant 0 : i32
        %add3A_182 = arith.addi %mul3A_125, %add3A_181 : i32
        %dma_wait3A = arith.constant 0 : i32
        %dma_wait3A_183 = arith.constant 0 : i32
        %dma_wait3A_184 = arith.constant 0 : i32
        %dma_wait3A_185 = tpu.memref_slice %arg9[%dma_wait3A, %dma_wait3A_183, %dma_wait3A_184] : memref<4x128x48xf32, #tpu.memory_space<vmem>> -> memref<1x128x48xf32, #tpu.memory_space<vmem>>
        %dma_wait3A_186 = tpu.memref_squeeze %dma_wait3A_185 : memref<1x128x48xf32, #tpu.memory_space<vmem>> -> memref<128x48xf32, #tpu.memory_space<vmem>>
        %dma_wait3A_187 = arith.constant 0 : i32
        %dma_wait3A_188 = tpu.memref_slice %arg7[%add3A_182, %dma_wait3A_187] : memref<40x128xi32, #tpu.memory_space<vmem>> -> memref<1x128xi32, #tpu.memory_space<vmem>>
        %dma_wait3A_189 = tpu.memref_squeeze %dma_wait3A_188 : memref<1x128xi32, #tpu.memory_space<vmem>> -> memref<128xi32, #tpu.memory_space<vmem>>
        %dma_wait3A_190 = arith.constant 0 : i32
        %dma_wait3A_191 = arith.constant 0 : i32
        %dma_wait3A_192 = tpu.memref_slice %arg2[%dma_wait3A_190, %dma_wait3A_191] : memref<10000x48xf32, #tpu.memory_space<hbm>> -> memref<10000x48xf32, #tpu.memory_space<hbm>>
        tpu.wait_indirect_dma semaphore(%arg11 : memref<!tpu.dma_semaphore, #tpu.memory_space<semaphore_mem>>) src(%dma_wait3A_192 : memref<10000x48xf32, #tpu.memory_space<hbm>>) dst(%dma_wait3A_186 : memref<128x48xf32, #tpu.memory_space<vmem>>)
        %dma_start3A = arith.constant 0 : i32
        %dma_start3A_193 = arith.constant 0 : i32
        %dma_start3A_194 = arith.constant 0 : i32
        %dma_start3A_195 = tpu.memref_slice %arg9[%dma_start3A, %dma_start3A_193, %dma_start3A_194] : memref<4x128x48xf32, #tpu.memory_space<vmem>> -> memref<1x128x48xf32, #tpu.memory_space<vmem>>
        %dma_start3A_196 = tpu.memref_squeeze %dma_start3A_195 : memref<1x128x48xf32, #tpu.memory_space<vmem>> -> memref<128x48xf32, #tpu.memory_space<vmem>>
        %dma_start3A_197 = arith.constant 0 : i32
        %dma_start3A_198 = tpu.memref_slice %arg8[%add3A_182, %dma_start3A_197] : memref<40x128xi32, #tpu.memory_space<vmem>> -> memref<1x128xi32, #tpu.memory_space<vmem>>
        %dma_start3A_199 = tpu.memref_squeeze %dma_start3A_198 : memref<1x128xi32, #tpu.memory_space<vmem>> -> memref<128xi32, #tpu.memory_space<vmem>>
        %dma_start3A_200 = arith.constant 0 : i32
        %dma_start3A_201 = arith.constant 0 : i32
        %dma_start3A_202 = tpu.memref_slice %arg10[%dma_start3A_200, %dma_start3A_201] : memref<10240x48xf32, #tpu.memory_space<vmem_shared>> -> memref<10240x48xf32, #tpu.memory_space<vmem_shared>>
        tpu.enqueue_indirect_dma source(%dma_start3A_196 : memref<128x48xf32, #tpu.memory_space<vmem>>) target(%dma_start3A_202 : memref<10240x48xf32, #tpu.memory_space<vmem_shared>>) offsets(%dma_start3A_199 : memref<128xi32, #tpu.memory_space<vmem>>) semaphore(%arg15 : memref<!tpu.dma_semaphore, #tpu.memory_space<semaphore_mem>>) {add = true}
      } else {
      }
      %add3A_131 = arith.constant 1 : i32
      %add3A_132 = arith.addi %mul3A_125, %add3A_131 : i32
      %lt3A_133 = arith.cmpi slt, %add3A_132, %sub3A_47 : i32
      %convert_element_type3A_134 = arith.extui %lt3A_133 : i1 to i32
      %cond3A_135 = arith.constant 0 : i32
      %cond3A_136 = arith.cmpi ne, %convert_element_type3A_134, %cond3A_135 : i32
      scf.if %cond3A_136 {
        %add3A_181 = arith.constant 1 : i32
        %add3A_182 = arith.addi %mul3A_125, %add3A_181 : i32
        %dma_wait3A = arith.constant 1 : i32
        %dma_wait3A_183 = arith.constant 0 : i32
        %dma_wait3A_184 = arith.constant 0 : i32
        %dma_wait3A_185 = tpu.memref_slice %arg9[%dma_wait3A, %dma_wait3A_183, %dma_wait3A_184] : memref<4x128x48xf32, #tpu.memory_space<vmem>> -> memref<1x128x48xf32, #tpu.memory_space<vmem>>
        %dma_wait3A_186 = tpu.memref_squeeze %dma_wait3A_185 : memref<1x128x48xf32, #tpu.memory_space<vmem>> -> memref<128x48xf32, #tpu.memory_space<vmem>>
        %dma_wait3A_187 = arith.constant 0 : i32
        %dma_wait3A_188 = tpu.memref_slice %arg7[%add3A_182, %dma_wait3A_187] : memref<40x128xi32, #tpu.memory_space<vmem>> -> memref<1x128xi32, #tpu.memory_space<vmem>>
        %dma_wait3A_189 = tpu.memref_squeeze %dma_wait3A_188 : memref<1x128xi32, #tpu.memory_space<vmem>> -> memref<128xi32, #tpu.memory_space<vmem>>
        %dma_wait3A_190 = arith.constant 0 : i32
        %dma_wait3A_191 = arith.constant 0 : i32
        %dma_wait3A_192 = tpu.memref_slice %arg2[%dma_wait3A_190, %dma_wait3A_191] : memref<10000x48xf32, #tpu.memory_space<hbm>> -> memref<10000x48xf32, #tpu.memory_space<hbm>>
        tpu.wait_indirect_dma semaphore(%arg12 : memref<!tpu.dma_semaphore, #tpu.memory_space<semaphore_mem>>) src(%dma_wait3A_192 : memref<10000x48xf32, #tpu.memory_space<hbm>>) dst(%dma_wait3A_186 : memref<128x48xf32, #tpu.memory_space<vmem>>)
        %dma_start3A = arith.constant 1 : i32
        %dma_start3A_193 = arith.constant 0 : i32
        %dma_start3A_194 = arith.constant 0 : i32
        %dma_start3A_195 = tpu.memref_slice %arg9[%dma_start3A, %dma_start3A_193, %dma_start3A_194] : memref<4x128x48xf32, #tpu.memory_space<vmem>> -> memref<1x128x48xf32, #tpu.memory_space<vmem>>
        %dma_start3A_196 = tpu.memref_squeeze %dma_start3A_195 : memref<1x128x48xf32, #tpu.memory_space<vmem>> -> memref<128x48xf32, #tpu.memory_space<vmem>>
        %dma_start3A_197 = arith.constant 0 : i32
        %dma_start3A_198 = tpu.memref_slice %arg8[%add3A_182, %dma_start3A_197] : memref<40x128xi32, #tpu.memory_space<vmem>> -> memref<1x128xi32, #tpu.memory_space<vmem>>
        %dma_start3A_199 = tpu.memref_squeeze %dma_start3A_198 : memref<1x128xi32, #tpu.memory_space<vmem>> -> memref<128xi32, #tpu.memory_space<vmem>>
        %dma_start3A_200 = arith.constant 0 : i32
        %dma_start3A_201 = arith.constant 0 : i32
        %dma_start3A_202 = tpu.memref_slice %arg10[%dma_start3A_200, %dma_start3A_201] : memref<10240x48xf32, #tpu.memory_space<vmem_shared>> -> memref<10240x48xf32, #tpu.memory_space<vmem_shared>>
        tpu.enqueue_indirect_dma source(%dma_start3A_196 : memref<128x48xf32, #tpu.memory_space<vmem>>) target(%dma_start3A_202 : memref<10240x48xf32, #tpu.memory_space<vmem_shared>>) offsets(%dma_start3A_199 : memref<128xi32, #tpu.memory_space<vmem>>) semaphore(%arg16 : memref<!tpu.dma_semaphore, #tpu.memory_space<semaphore_mem>>) {add = true}
      } else {
      }
      %add3A_137 = arith.constant 2 : i32
      %add3A_138 = arith.addi %mul3A_125, %add3A_137 : i32
      %lt3A_139 = arith.cmpi slt, %add3A_138, %sub3A_47 : i32
      %convert_element_type3A_140 = arith.extui %lt3A_139 : i1 to i32
      %cond3A_141 = arith.constant 0 : i32
      %cond3A_142 = arith.cmpi ne, %convert_element_type3A_140, %cond3A_141 : i32
      scf.if %cond3A_142 {
        %add3A_181 = arith.constant 2 : i32
        %add3A_182 = arith.addi %mul3A_125, %add3A_181 : i32
        %dma_wait3A = arith.constant 2 : i32
        %dma_wait3A_183 = arith.constant 0 : i32
        %dma_wait3A_184 = arith.constant 0 : i32
        %dma_wait3A_185 = tpu.memref_slice %arg9[%dma_wait3A, %dma_wait3A_183, %dma_wait3A_184] : memref<4x128x48xf32, #tpu.memory_space<vmem>> -> memref<1x128x48xf32, #tpu.memory_space<vmem>>
        %dma_wait3A_186 = tpu.memref_squeeze %dma_wait3A_185 : memref<1x128x48xf32, #tpu.memory_space<vmem>> -> memref<128x48xf32, #tpu.memory_space<vmem>>
        %dma_wait3A_187 = arith.constant 0 : i32
        %dma_wait3A_188 = tpu.memref_slice %arg7[%add3A_182, %dma_wait3A_187] : memref<40x128xi32, #tpu.memory_space<vmem>> -> memref<1x128xi32, #tpu.memory_space<vmem>>
        %dma_wait3A_189 = tpu.memref_squeeze %dma_wait3A_188 : memref<1x128xi32, #tpu.memory_space<vmem>> -> memref<128xi32, #tpu.memory_space<vmem>>
        %dma_wait3A_190 = arith.constant 0 : i32
        %dma_wait3A_191 = arith.constant 0 : i32
        %dma_wait3A_192 = tpu.memref_slice %arg2[%dma_wait3A_190, %dma_wait3A_191] : memref<10000x48xf32, #tpu.memory_space<hbm>> -> memref<10000x48xf32, #tpu.memory_space<hbm>>
        tpu.wait_indirect_dma semaphore(%arg13 : memref<!tpu.dma_semaphore, #tpu.memory_space<semaphore_mem>>) src(%dma_wait3A_192 : memref<10000x48xf32, #tpu.memory_space<hbm>>) dst(%dma_wait3A_186 : memref<128x48xf32, #tpu.memory_space<vmem>>)
        %dma_start3A = arith.constant 2 : i32
        %dma_start3A_193 = arith.constant 0 : i32
        %dma_start3A_194 = arith.constant 0 : i32
        %dma_start3A_195 = tpu.memref_slice %arg9[%dma_start3A, %dma_start3A_193, %dma_start3A_194] : memref<4x128x48xf32, #tpu.memory_space<vmem>> -> memref<1x128x48xf32, #tpu.memory_space<vmem>>
        %dma_start3A_196 = tpu.memref_squeeze %dma_start3A_195 : memref<1x128x48xf32, #tpu.memory_space<vmem>> -> memref<128x48xf32, #tpu.memory_space<vmem>>
        %dma_start3A_197 = arith.constant 0 : i32
        %dma_start3A_198 = tpu.memref_slice %arg8[%add3A_182, %dma_start3A_197] : memref<40x128xi32, #tpu.memory_space<vmem>> -> memref<1x128xi32, #tpu.memory_space<vmem>>
        %dma_start3A_199 = tpu.memref_squeeze %dma_start3A_198 : memref<1x128xi32, #tpu.memory_space<vmem>> -> memref<128xi32, #tpu.memory_space<vmem>>
        %dma_start3A_200 = arith.constant 0 : i32
        %dma_start3A_201 = arith.constant 0 : i32
        %dma_start3A_202 = tpu.memref_slice %arg10[%dma_start3A_200, %dma_start3A_201] : memref<10240x48xf32, #tpu.memory_space<vmem_shared>> -> memref<10240x48xf32, #tpu.memory_space<vmem_shared>>
        tpu.enqueue_indirect_dma source(%dma_start3A_196 : memref<128x48xf32, #tpu.memory_space<vmem>>) target(%dma_start3A_202 : memref<10240x48xf32, #tpu.memory_space<vmem_shared>>) offsets(%dma_start3A_199 : memref<128xi32, #tpu.memory_space<vmem>>) semaphore(%arg17 : memref<!tpu.dma_semaphore, #tpu.memory_space<semaphore_mem>>) {add = true}
      } else {
      }
      %add3A_143 = arith.constant 3 : i32
      %add3A_144 = arith.addi %mul3A_125, %add3A_143 : i32
      %lt3A_145 = arith.cmpi slt, %add3A_144, %sub3A_47 : i32
      %convert_element_type3A_146 = arith.extui %lt3A_145 : i1 to i32
      %cond3A_147 = arith.constant 0 : i32
      %cond3A_148 = arith.cmpi ne, %convert_element_type3A_146, %cond3A_147 : i32
      scf.if %cond3A_148 {
        %add3A_181 = arith.constant 3 : i32
        %add3A_182 = arith.addi %mul3A_125, %add3A_181 : i32
        %dma_wait3A = arith.constant 3 : i32
        %dma_wait3A_183 = arith.constant 0 : i32
        %dma_wait3A_184 = arith.constant 0 : i32
        %dma_wait3A_185 = tpu.memref_slice %arg9[%dma_wait3A, %dma_wait3A_183, %dma_wait3A_184] : memref<4x128x48xf32, #tpu.memory_space<vmem>> -> memref<1x128x48xf32, #tpu.memory_space<vmem>>
        %dma_wait3A_186 = tpu.memref_squeeze %dma_wait3A_185 : memref<1x128x48xf32, #tpu.memory_space<vmem>> -> memref<128x48xf32, #tpu.memory_space<vmem>>
        %dma_wait3A_187 = arith.constant 0 : i32
        %dma_wait3A_188 = tpu.memref_slice %arg7[%add3A_182, %dma_wait3A_187] : memref<40x128xi32, #tpu.memory_space<vmem>> -> memref<1x128xi32, #tpu.memory_space<vmem>>
        %dma_wait3A_189 = tpu.memref_squeeze %dma_wait3A_188 : memref<1x128xi32, #tpu.memory_space<vmem>> -> memref<128xi32, #tpu.memory_space<vmem>>
        %dma_wait3A_190 = arith.constant 0 : i32
        %dma_wait3A_191 = arith.constant 0 : i32
        %dma_wait3A_192 = tpu.memref_slice %arg2[%dma_wait3A_190, %dma_wait3A_191] : memref<10000x48xf32, #tpu.memory_space<hbm>> -> memref<10000x48xf32, #tpu.memory_space<hbm>>
        tpu.wait_indirect_dma semaphore(%arg14 : memref<!tpu.dma_semaphore, #tpu.memory_space<semaphore_mem>>) src(%dma_wait3A_192 : memref<10000x48xf32, #tpu.memory_space<hbm>>) dst(%dma_wait3A_186 : memref<128x48xf32, #tpu.memory_space<vmem>>)
        %dma_start3A = arith.constant 3 : i32
        %dma_start3A_193 = arith.constant 0 : i32
        %dma_start3A_194 = arith.constant 0 : i32
        %dma_start3A_195 = tpu.memref_slice %arg9[%dma_start3A, %dma_start3A_193, %dma_start3A_194] : memref<4x128x48xf32, #tpu.memory_space<vmem>> -> memref<1x128x48xf32, #tpu.memory_space<vmem>>
        %dma_start3A_196 = tpu.memref_squeeze %dma_start3A_195 : memref<1x128x48xf32, #tpu.memory_space<vmem>> -> memref<128x48xf32, #tpu.memory_space<vmem>>
        %dma_start3A_197 = arith.constant 0 : i32
        %dma_start3A_198 = tpu.memref_slice %arg8[%add3A_182, %dma_start3A_197] : memref<40x128xi32, #tpu.memory_space<vmem>> -> memref<1x128xi32, #tpu.memory_space<vmem>>
        %dma_start3A_199 = tpu.memref_squeeze %dma_start3A_198 : memref<1x128xi32, #tpu.memory_space<vmem>> -> memref<128xi32, #tpu.memory_space<vmem>>
        %dma_start3A_200 = arith.constant 0 : i32
        %dma_start3A_201 = arith.constant 0 : i32
        %dma_start3A_202 = tpu.memref_slice %arg10[%dma_start3A_200, %dma_start3A_201] : memref<10240x48xf32, #tpu.memory_space<vmem_shared>> -> memref<10240x48xf32, #tpu.memory_space<vmem_shared>>
        tpu.enqueue_indirect_dma source(%dma_start3A_196 : memref<128x48xf32, #tpu.memory_space<vmem>>) target(%dma_start3A_202 : memref<10240x48xf32, #tpu.memory_space<vmem_shared>>) offsets(%dma_start3A_199 : memref<128xi32, #tpu.memory_space<vmem>>) semaphore(%arg18 : memref<!tpu.dma_semaphore, #tpu.memory_space<semaphore_mem>>) {add = true}
      } else {
      }
      %add3A_149 = arith.constant 0 : i32
      %add3A_150 = arith.addi %mul3A_125, %add3A_149 : i32
      %add3A_151 = arith.constant 4 : i32
      %add3A_152 = arith.addi %add3A_150, %add3A_151 : i32
      %lt3A_153 = arith.cmpi slt, %add3A_152, %sub3A_47 : i32
      %convert_element_type3A_154 = arith.extui %lt3A_153 : i1 to i32
      %cond3A_155 = arith.constant 0 : i32
      %cond3A_156 = arith.cmpi ne, %convert_element_type3A_154, %cond3A_155 : i32
      scf.if %cond3A_156 {
        %add3A_181 = arith.constant 0 : i32
        %add3A_182 = arith.addi %mul3A_125, %add3A_181 : i32
        %dma_wait3A = arith.constant 0 : i32
        %dma_wait3A_183 = arith.constant 0 : i32
        %dma_wait3A_184 = arith.constant 0 : i32
        %dma_wait3A_185 = tpu.memref_slice %arg9[%dma_wait3A, %dma_wait3A_183, %dma_wait3A_184] : memref<4x128x48xf32, #tpu.memory_space<vmem>> -> memref<1x128x48xf32, #tpu.memory_space<vmem>>
        %dma_wait3A_186 = tpu.memref_squeeze %dma_wait3A_185 : memref<1x128x48xf32, #tpu.memory_space<vmem>> -> memref<128x48xf32, #tpu.memory_space<vmem>>
        %dma_wait3A_187 = arith.constant 0 : i32
        %dma_wait3A_188 = tpu.memref_slice %arg8[%add3A_182, %dma_wait3A_187] : memref<40x128xi32, #tpu.memory_space<vmem>> -> memref<1x128xi32, #tpu.memory_space<vmem>>
        %dma_wait3A_189 = tpu.memref_squeeze %dma_wait3A_188 : memref<1x128xi32, #tpu.memory_space<vmem>> -> memref<128xi32, #tpu.memory_space<vmem>>
        %dma_wait3A_190 = arith.constant 0 : i32
        %dma_wait3A_191 = arith.constant 0 : i32
        %dma_wait3A_192 = tpu.memref_slice %arg10[%dma_wait3A_190, %dma_wait3A_191] : memref<10240x48xf32, #tpu.memory_space<vmem_shared>> -> memref<10240x48xf32, #tpu.memory_space<vmem_shared>>
        tpu.wait_indirect_dma semaphore(%arg15 : memref<!tpu.dma_semaphore, #tpu.memory_space<semaphore_mem>>) src(%dma_wait3A_186 : memref<128x48xf32, #tpu.memory_space<vmem>>) dst(%dma_wait3A_192 : memref<10240x48xf32, #tpu.memory_space<vmem_shared>>)
        %add3A_193 = arith.constant 4 : i32
        %add3A_194 = arith.addi %add3A_182, %add3A_193 : i32
        %dma_start3A = arith.constant 0 : i32
        %dma_start3A_195 = arith.constant 0 : i32
        %dma_start3A_196 = arith.constant 0 : i32
        %dma_start3A_197 = tpu.memref_slice %arg9[%dma_start3A, %dma_start3A_195, %dma_start3A_196] : memref<4x128x48xf32, #tpu.memory_space<vmem>> -> memref<1x128x48xf32, #tpu.memory_space<vmem>>
        %dma_start3A_198 = tpu.memref_squeeze %dma_start3A_197 : memref<1x128x48xf32, #tpu.memory_space<vmem>> -> memref<128x48xf32, #tpu.memory_space<vmem>>
        %dma_start3A_199 = arith.constant 0 : i32
        %dma_start3A_200 = tpu.memref_slice %arg7[%add3A_194, %dma_start3A_199] : memref<40x128xi32, #tpu.memory_space<vmem>> -> memref<1x128xi32, #tpu.memory_space<vmem>>
        %dma_start3A_201 = tpu.memref_squeeze %dma_start3A_200 : memref<1x128xi32, #tpu.memory_space<vmem>> -> memref<128xi32, #tpu.memory_space<vmem>>
        %dma_start3A_202 = arith.constant 0 : i32
        %dma_start3A_203 = arith.constant 0 : i32
        %dma_start3A_204 = tpu.memref_slice %arg2[%dma_start3A_202, %dma_start3A_203] : memref<10000x48xf32, #tpu.memory_space<hbm>> -> memref<10000x48xf32, #tpu.memory_space<hbm>>
        tpu.enqueue_indirect_dma source(%dma_start3A_204 : memref<10000x48xf32, #tpu.memory_space<hbm>>) target(%dma_start3A_198 : memref<128x48xf32, #tpu.memory_space<vmem>>) offsets(%dma_start3A_201 : memref<128xi32, #tpu.memory_space<vmem>>) semaphore(%arg11 : memref<!tpu.dma_semaphore, #tpu.memory_space<semaphore_mem>>)
      } else {
      }
      %add3A_157 = arith.constant 1 : i32
      %add3A_158 = arith.addi %mul3A_125, %add3A_157 : i32
      %add3A_159 = arith.constant 4 : i32
      %add3A_160 = arith.addi %add3A_158, %add3A_159 : i32
      %lt3A_161 = arith.cmpi slt, %add3A_160, %sub3A_47 : i32
      %convert_element_type3A_162 = arith.extui %lt3A_161 : i1 to i32
      %cond3A_163 = arith.constant 0 : i32
      %cond3A_164 = arith.cmpi ne, %convert_element_type3A_162, %cond3A_163 : i32
      scf.if %cond3A_164 {
        %add3A_181 = arith.constant 1 : i32
        %add3A_182 = arith.addi %mul3A_125, %add3A_181 : i32
        %dma_wait3A = arith.constant 1 : i32
        %dma_wait3A_183 = arith.constant 0 : i32
        %dma_wait3A_184 = arith.constant 0 : i32
        %dma_wait3A_185 = tpu.memref_slice %arg9[%dma_wait3A, %dma_wait3A_183, %dma_wait3A_184] : memref<4x128x48xf32, #tpu.memory_space<vmem>> -> memref<1x128x48xf32, #tpu.memory_space<vmem>>
        %dma_wait3A_186 = tpu.memref_squeeze %dma_wait3A_185 : memref<1x128x48xf32, #tpu.memory_space<vmem>> -> memref<128x48xf32, #tpu.memory_space<vmem>>
        %dma_wait3A_187 = arith.constant 0 : i32
        %dma_wait3A_188 = tpu.memref_slice %arg8[%add3A_182, %dma_wait3A_187] : memref<40x128xi32, #tpu.memory_space<vmem>> -> memref<1x128xi32, #tpu.memory_space<vmem>>
        %dma_wait3A_189 = tpu.memref_squeeze %dma_wait3A_188 : memref<1x128xi32, #tpu.memory_space<vmem>> -> memref<128xi32, #tpu.memory_space<vmem>>
        %dma_wait3A_190 = arith.constant 0 : i32
        %dma_wait3A_191 = arith.constant 0 : i32
        %dma_wait3A_192 = tpu.memref_slice %arg10[%dma_wait3A_190, %dma_wait3A_191] : memref<10240x48xf32, #tpu.memory_space<vmem_shared>> -> memref<10240x48xf32, #tpu.memory_space<vmem_shared>>
        tpu.wait_indirect_dma semaphore(%arg16 : memref<!tpu.dma_semaphore, #tpu.memory_space<semaphore_mem>>) src(%dma_wait3A_186 : memref<128x48xf32, #tpu.memory_space<vmem>>) dst(%dma_wait3A_192 : memref<10240x48xf32, #tpu.memory_space<vmem_shared>>)
        %add3A_193 = arith.constant 4 : i32
        %add3A_194 = arith.addi %add3A_182, %add3A_193 : i32
        %dma_start3A = arith.constant 1 : i32
        %dma_start3A_195 = arith.constant 0 : i32
        %dma_start3A_196 = arith.constant 0 : i32
        %dma_start3A_197 = tpu.memref_slice %arg9[%dma_start3A, %dma_start3A_195, %dma_start3A_196] : memref<4x128x48xf32, #tpu.memory_space<vmem>> -> memref<1x128x48xf32, #tpu.memory_space<vmem>>
        %dma_start3A_198 = tpu.memref_squeeze %dma_start3A_197 : memref<1x128x48xf32, #tpu.memory_space<vmem>> -> memref<128x48xf32, #tpu.memory_space<vmem>>
        %dma_start3A_199 = arith.constant 0 : i32
        %dma_start3A_200 = tpu.memref_slice %arg7[%add3A_194, %dma_start3A_199] : memref<40x128xi32, #tpu.memory_space<vmem>> -> memref<1x128xi32, #tpu.memory_space<vmem>>
        %dma_start3A_201 = tpu.memref_squeeze %dma_start3A_200 : memref<1x128xi32, #tpu.memory_space<vmem>> -> memref<128xi32, #tpu.memory_space<vmem>>
        %dma_start3A_202 = arith.constant 0 : i32
        %dma_start3A_203 = arith.constant 0 : i32
        %dma_start3A_204 = tpu.memref_slice %arg2[%dma_start3A_202, %dma_start3A_203] : memref<10000x48xf32, #tpu.memory_space<hbm>> -> memref<10000x48xf32, #tpu.memory_space<hbm>>
        tpu.enqueue_indirect_dma source(%dma_start3A_204 : memref<10000x48xf32, #tpu.memory_space<hbm>>) target(%dma_start3A_198 : memref<128x48xf32, #tpu.memory_space<vmem>>) offsets(%dma_start3A_201 : memref<128xi32, #tpu.memory_space<vmem>>) semaphore(%arg12 : memref<!tpu.dma_semaphore, #tpu.memory_space<semaphore_mem>>)
      } else {
      }
      %add3A_165 = arith.constant 2 : i32
      %add3A_166 = arith.addi %mul3A_125, %add3A_165 : i32
      %add3A_167 = arith.constant 4 : i32
      %add3A_168 = arith.addi %add3A_166, %add3A_167 : i32
      %lt3A_169 = arith.cmpi slt, %add3A_168, %sub3A_47 : i32
      %convert_element_type3A_170 = arith.extui %lt3A_169 : i1 to i32
      %cond3A_171 = arith.constant 0 : i32
      %cond3A_172 = arith.cmpi ne, %convert_element_type3A_170, %cond3A_171 : i32
      scf.if %cond3A_172 {
        %add3A_181 = arith.constant 2 : i32
        %add3A_182 = arith.addi %mul3A_125, %add3A_181 : i32
        %dma_wait3A = arith.constant 2 : i32
        %dma_wait3A_183 = arith.constant 0 : i32
        %dma_wait3A_184 = arith.constant 0 : i32
        %dma_wait3A_185 = tpu.memref_slice %arg9[%dma_wait3A, %dma_wait3A_183, %dma_wait3A_184] : memref<4x128x48xf32, #tpu.memory_space<vmem>> -> memref<1x128x48xf32, #tpu.memory_space<vmem>>
        %dma_wait3A_186 = tpu.memref_squeeze %dma_wait3A_185 : memref<1x128x48xf32, #tpu.memory_space<vmem>> -> memref<128x48xf32, #tpu.memory_space<vmem>>
        %dma_wait3A_187 = arith.constant 0 : i32
        %dma_wait3A_188 = tpu.memref_slice %arg8[%add3A_182, %dma_wait3A_187] : memref<40x128xi32, #tpu.memory_space<vmem>> -> memref<1x128xi32, #tpu.memory_space<vmem>>
        %dma_wait3A_189 = tpu.memref_squeeze %dma_wait3A_188 : memref<1x128xi32, #tpu.memory_space<vmem>> -> memref<128xi32, #tpu.memory_space<vmem>>
        %dma_wait3A_190 = arith.constant 0 : i32
        %dma_wait3A_191 = arith.constant 0 : i32
        %dma_wait3A_192 = tpu.memref_slice %arg10[%dma_wait3A_190, %dma_wait3A_191] : memref<10240x48xf32, #tpu.memory_space<vmem_shared>> -> memref<10240x48xf32, #tpu.memory_space<vmem_shared>>
        tpu.wait_indirect_dma semaphore(%arg17 : memref<!tpu.dma_semaphore, #tpu.memory_space<semaphore_mem>>) src(%dma_wait3A_186 : memref<128x48xf32, #tpu.memory_space<vmem>>) dst(%dma_wait3A_192 : memref<10240x48xf32, #tpu.memory_space<vmem_shared>>)
        %add3A_193 = arith.constant 4 : i32
        %add3A_194 = arith.addi %add3A_182, %add3A_193 : i32
        %dma_start3A = arith.constant 2 : i32
        %dma_start3A_195 = arith.constant 0 : i32
        %dma_start3A_196 = arith.constant 0 : i32
        %dma_start3A_197 = tpu.memref_slice %arg9[%dma_start3A, %dma_start3A_195, %dma_start3A_196] : memref<4x128x48xf32, #tpu.memory_space<vmem>> -> memref<1x128x48xf32, #tpu.memory_space<vmem>>
        %dma_start3A_198 = tpu.memref_squeeze %dma_start3A_197 : memref<1x128x48xf32, #tpu.memory_space<vmem>> -> memref<128x48xf32, #tpu.memory_space<vmem>>
        %dma_start3A_199 = arith.constant 0 : i32
        %dma_start3A_200 = tpu.memref_slice %arg7[%add3A_194, %dma_start3A_199] : memref<40x128xi32, #tpu.memory_space<vmem>> -> memref<1x128xi32, #tpu.memory_space<vmem>>
        %dma_start3A_201 = tpu.memref_squeeze %dma_start3A_200 : memref<1x128xi32, #tpu.memory_space<vmem>> -> memref<128xi32, #tpu.memory_space<vmem>>
        %dma_start3A_202 = arith.constant 0 : i32
        %dma_start3A_203 = arith.constant 0 : i32
        %dma_start3A_204 = tpu.memref_slice %arg2[%dma_start3A_202, %dma_start3A_203] : memref<10000x48xf32, #tpu.memory_space<hbm>> -> memref<10000x48xf32, #tpu.memory_space<hbm>>
        tpu.enqueue_indirect_dma source(%dma_start3A_204 : memref<10000x48xf32, #tpu.memory_space<hbm>>) target(%dma_start3A_198 : memref<128x48xf32, #tpu.memory_space<vmem>>) offsets(%dma_start3A_201 : memref<128xi32, #tpu.memory_space<vmem>>) semaphore(%arg13 : memref<!tpu.dma_semaphore, #tpu.memory_space<semaphore_mem>>)
      } else {
      }
      %add3A_173 = arith.constant 3 : i32
      %add3A_174 = arith.addi %mul3A_125, %add3A_173 : i32
      %add3A_175 = arith.constant 4 : i32
      %add3A_176 = arith.addi %add3A_174, %add3A_175 : i32
      %lt3A_177 = arith.cmpi slt, %add3A_176, %sub3A_47 : i32
      %convert_element_type3A_178 = arith.extui %lt3A_177 : i1 to i32
      %cond3A_179 = arith.constant 0 : i32
      %cond3A_180 = arith.cmpi ne, %convert_element_type3A_178, %cond3A_179 : i32
      scf.if %cond3A_180 {
        %add3A_181 = arith.constant 3 : i32
        %add3A_182 = arith.addi %mul3A_125, %add3A_181 : i32
        %dma_wait3A = arith.constant 3 : i32
        %dma_wait3A_183 = arith.constant 0 : i32
        %dma_wait3A_184 = arith.constant 0 : i32
        %dma_wait3A_185 = tpu.memref_slice %arg9[%dma_wait3A, %dma_wait3A_183, %dma_wait3A_184] : memref<4x128x48xf32, #tpu.memory_space<vmem>> -> memref<1x128x48xf32, #tpu.memory_space<vmem>>
        %dma_wait3A_186 = tpu.memref_squeeze %dma_wait3A_185 : memref<1x128x48xf32, #tpu.memory_space<vmem>> -> memref<128x48xf32, #tpu.memory_space<vmem>>
        %dma_wait3A_187 = arith.constant 0 : i32
        %dma_wait3A_188 = tpu.memref_slice %arg8[%add3A_182, %dma_wait3A_187] : memref<40x128xi32, #tpu.memory_space<vmem>> -> memref<1x128xi32, #tpu.memory_space<vmem>>
        %dma_wait3A_189 = tpu.memref_squeeze %dma_wait3A_188 : memref<1x128xi32, #tpu.memory_space<vmem>> -> memref<128xi32, #tpu.memory_space<vmem>>
        %dma_wait3A_190 = arith.constant 0 : i32
        %dma_wait3A_191 = arith.constant 0 : i32
        %dma_wait3A_192 = tpu.memref_slice %arg10[%dma_wait3A_190, %dma_wait3A_191] : memref<10240x48xf32, #tpu.memory_space<vmem_shared>> -> memref<10240x48xf32, #tpu.memory_space<vmem_shared>>
        tpu.wait_indirect_dma semaphore(%arg18 : memref<!tpu.dma_semaphore, #tpu.memory_space<semaphore_mem>>) src(%dma_wait3A_186 : memref<128x48xf32, #tpu.memory_space<vmem>>) dst(%dma_wait3A_192 : memref<10240x48xf32, #tpu.memory_space<vmem_shared>>)
        %add3A_193 = arith.constant 4 : i32
        %add3A_194 = arith.addi %add3A_182, %add3A_193 : i32
        %dma_start3A = arith.constant 3 : i32
        %dma_start3A_195 = arith.constant 0 : i32
        %dma_start3A_196 = arith.constant 0 : i32
        %dma_start3A_197 = tpu.memref_slice %arg9[%dma_start3A, %dma_start3A_195, %dma_start3A_196] : memref<4x128x48xf32, #tpu.memory_space<vmem>> -> memref<1x128x48xf32, #tpu.memory_space<vmem>>
        %dma_start3A_198 = tpu.memref_squeeze %dma_start3A_197 : memref<1x128x48xf32, #tpu.memory_space<vmem>> -> memref<128x48xf32, #tpu.memory_space<vmem>>
        %dma_start3A_199 = arith.constant 0 : i32
        %dma_start3A_200 = tpu.memref_slice %arg7[%add3A_194, %dma_start3A_199] : memref<40x128xi32, #tpu.memory_space<vmem>> -> memref<1x128xi32, #tpu.memory_space<vmem>>
        %dma_start3A_201 = tpu.memref_squeeze %dma_start3A_200 : memref<1x128xi32, #tpu.memory_space<vmem>> -> memref<128xi32, #tpu.memory_space<vmem>>
        %dma_start3A_202 = arith.constant 0 : i32
        %dma_start3A_203 = arith.constant 0 : i32
        %dma_start3A_204 = tpu.memref_slice %arg2[%dma_start3A_202, %dma_start3A_203] : memref<10000x48xf32, #tpu.memory_space<hbm>> -> memref<10000x48xf32, #tpu.memory_space<hbm>>
        tpu.enqueue_indirect_dma source(%dma_start3A_204 : memref<10000x48xf32, #tpu.memory_space<hbm>>) target(%dma_start3A_198 : memref<128x48xf32, #tpu.memory_space<vmem>>) offsets(%dma_start3A_201 : memref<128xi32, #tpu.memory_space<vmem>>) semaphore(%arg14 : memref<!tpu.dma_semaphore, #tpu.memory_space<semaphore_mem>>)
      } else {
      }
    }
    %scan3A_97 = arith.constant 10 : i32
    %gt3A_98 = arith.constant 0 : i32
    %gt3A_99 = arith.cmpi sgt, %sub3A_47, %gt3A_98 : i32
    %convert_element_type3A_100 = arith.extui %gt3A_99 : i1 to i32
    %cond3A_101 = arith.constant 0 : i32
    %cond3A_102 = arith.cmpi ne, %convert_element_type3A_100, %cond3A_101 : i32
    scf.if %cond3A_102 {
      %dma_wait3A = arith.constant 0 : i32
      %dma_wait3A_123 = arith.constant 0 : i32
      %dma_wait3A_124 = arith.constant 0 : i32
      %dma_wait3A_125 = arith.constant 0 : i32
      %dma_wait3A_126 = tpu.memref_slice %arg9[%dma_wait3A, %dma_wait3A_124, %dma_wait3A_125] : memref<4x128x48xf32, #tpu.memory_space<vmem>> -> memref<1x128x48xf32, #tpu.memory_space<vmem>>
      %dma_wait3A_127 = tpu.memref_squeeze %dma_wait3A_126 : memref<1x128x48xf32, #tpu.memory_space<vmem>> -> memref<128x48xf32, #tpu.memory_space<vmem>>
      %dma_wait3A_128 = arith.constant 0 : i32
      %dma_wait3A_129 = tpu.memref_slice %arg8[%dma_wait3A_123, %dma_wait3A_128] : memref<40x128xi32, #tpu.memory_space<vmem>> -> memref<1x128xi32, #tpu.memory_space<vmem>>
      %dma_wait3A_130 = tpu.memref_squeeze %dma_wait3A_129 : memref<1x128xi32, #tpu.memory_space<vmem>> -> memref<128xi32, #tpu.memory_space<vmem>>
      %dma_wait3A_131 = arith.constant 0 : i32
      %dma_wait3A_132 = arith.constant 0 : i32
      %dma_wait3A_133 = tpu.memref_slice %arg10[%dma_wait3A_131, %dma_wait3A_132] : memref<10240x48xf32, #tpu.memory_space<vmem_shared>> -> memref<10240x48xf32, #tpu.memory_space<vmem_shared>>
      tpu.wait_indirect_dma semaphore(%arg15 : memref<!tpu.dma_semaphore, #tpu.memory_space<semaphore_mem>>) src(%dma_wait3A_127 : memref<128x48xf32, #tpu.memory_space<vmem>>) dst(%dma_wait3A_133 : memref<10240x48xf32, #tpu.memory_space<vmem_shared>>)
    } else {
    }
    %gt3A_103 = arith.constant 1 : i32
    %gt3A_104 = arith.cmpi sgt, %sub3A_47, %gt3A_103 : i32
    %convert_element_type3A_105 = arith.extui %gt3A_104 : i1 to i32
    %cond3A_106 = arith.constant 0 : i32
    %cond3A_107 = arith.cmpi ne, %convert_element_type3A_105, %cond3A_106 : i32
    scf.if %cond3A_107 {
      %dma_wait3A = arith.constant 1 : i32
      %dma_wait3A_123 = arith.constant 0 : i32
      %dma_wait3A_124 = arith.constant 0 : i32
      %dma_wait3A_125 = arith.constant 0 : i32
      %dma_wait3A_126 = tpu.memref_slice %arg9[%dma_wait3A, %dma_wait3A_124, %dma_wait3A_125] : memref<4x128x48xf32, #tpu.memory_space<vmem>> -> memref<1x128x48xf32, #tpu.memory_space<vmem>>
      %dma_wait3A_127 = tpu.memref_squeeze %dma_wait3A_126 : memref<1x128x48xf32, #tpu.memory_space<vmem>> -> memref<128x48xf32, #tpu.memory_space<vmem>>
      %dma_wait3A_128 = arith.constant 0 : i32
      %dma_wait3A_129 = tpu.memref_slice %arg8[%dma_wait3A_123, %dma_wait3A_128] : memref<40x128xi32, #tpu.memory_space<vmem>> -> memref<1x128xi32, #tpu.memory_space<vmem>>
      %dma_wait3A_130 = tpu.memref_squeeze %dma_wait3A_129 : memref<1x128xi32, #tpu.memory_space<vmem>> -> memref<128xi32, #tpu.memory_space<vmem>>
      %dma_wait3A_131 = arith.constant 0 : i32
      %dma_wait3A_132 = arith.constant 0 : i32
      %dma_wait3A_133 = tpu.memref_slice %arg10[%dma_wait3A_131, %dma_wait3A_132] : memref<10240x48xf32, #tpu.memory_space<vmem_shared>> -> memref<10240x48xf32, #tpu.memory_space<vmem_shared>>
      tpu.wait_indirect_dma semaphore(%arg16 : memref<!tpu.dma_semaphore, #tpu.memory_space<semaphore_mem>>) src(%dma_wait3A_127 : memref<128x48xf32, #tpu.memory_space<vmem>>) dst(%dma_wait3A_133 : memref<10240x48xf32, #tpu.memory_space<vmem_shared>>)
    } else {
    }
    %gt3A_108 = arith.constant 2 : i32
    %gt3A_109 = arith.cmpi sgt, %sub3A_47, %gt3A_108 : i32
    %convert_element_type3A_110 = arith.extui %gt3A_109 : i1 to i32
    %cond3A_111 = arith.constant 0 : i32
    %cond3A_112 = arith.cmpi ne, %convert_element_type3A_110, %cond3A_111 : i32
    scf.if %cond3A_112 {
      %dma_wait3A = arith.constant 2 : i32
      %dma_wait3A_123 = arith.constant 0 : i32
      %dma_wait3A_124 = arith.constant 0 : i32
      %dma_wait3A_125 = arith.constant 0 : i32
      %dma_wait3A_126 = tpu.memref_slice %arg9[%dma_wait3A, %dma_wait3A_124, %dma_wait3A_125] : memref<4x128x48xf32, #tpu.memory_space<vmem>> -> memref<1x128x48xf32, #tpu.memory_space<vmem>>
      %dma_wait3A_127 = tpu.memref_squeeze %dma_wait3A_126 : memref<1x128x48xf32, #tpu.memory_space<vmem>> -> memref<128x48xf32, #tpu.memory_space<vmem>>
      %dma_wait3A_128 = arith.constant 0 : i32
      %dma_wait3A_129 = tpu.memref_slice %arg8[%dma_wait3A_123, %dma_wait3A_128] : memref<40x128xi32, #tpu.memory_space<vmem>> -> memref<1x128xi32, #tpu.memory_space<vmem>>
      %dma_wait3A_130 = tpu.memref_squeeze %dma_wait3A_129 : memref<1x128xi32, #tpu.memory_space<vmem>> -> memref<128xi32, #tpu.memory_space<vmem>>
      %dma_wait3A_131 = arith.constant 0 : i32
      %dma_wait3A_132 = arith.constant 0 : i32
      %dma_wait3A_133 = tpu.memref_slice %arg10[%dma_wait3A_131, %dma_wait3A_132] : memref<10240x48xf32, #tpu.memory_space<vmem_shared>> -> memref<10240x48xf32, #tpu.memory_space<vmem_shared>>
      tpu.wait_indirect_dma semaphore(%arg17 : memref<!tpu.dma_semaphore, #tpu.memory_space<semaphore_mem>>) src(%dma_wait3A_127 : memref<128x48xf32, #tpu.memory_space<vmem>>) dst(%dma_wait3A_133 : memref<10240x48xf32, #tpu.memory_space<vmem_shared>>)
    } else {
    }
    %gt3A_113 = arith.constant 3 : i32
    %gt3A_114 = arith.cmpi sgt, %sub3A_47, %gt3A_113 : i32
    %convert_element_type3A_115 = arith.extui %gt3A_114 : i1 to i32
    %cond3A_116 = arith.constant 0 : i32
    %cond3A_117 = arith.cmpi ne, %convert_element_type3A_115, %cond3A_116 : i32
    scf.if %cond3A_117 {
      %dma_wait3A = arith.constant 3 : i32
      %dma_wait3A_123 = arith.constant 0 : i32
      %dma_wait3A_124 = arith.constant 0 : i32
      %dma_wait3A_125 = arith.constant 0 : i32
      %dma_wait3A_126 = tpu.memref_slice %arg9[%dma_wait3A, %dma_wait3A_124, %dma_wait3A_125] : memref<4x128x48xf32, #tpu.memory_space<vmem>> -> memref<1x128x48xf32, #tpu.memory_space<vmem>>
      %dma_wait3A_127 = tpu.memref_squeeze %dma_wait3A_126 : memref<1x128x48xf32, #tpu.memory_space<vmem>> -> memref<128x48xf32, #tpu.memory_space<vmem>>
      %dma_wait3A_128 = arith.constant 0 : i32
      %dma_wait3A_129 = tpu.memref_slice %arg8[%dma_wait3A_123, %dma_wait3A_128] : memref<40x128xi32, #tpu.memory_space<vmem>> -> memref<1x128xi32, #tpu.memory_space<vmem>>
      %dma_wait3A_130 = tpu.memref_squeeze %dma_wait3A_129 : memref<1x128xi32, #tpu.memory_space<vmem>> -> memref<128xi32, #tpu.memory_space<vmem>>
      %dma_wait3A_131 = arith.constant 0 : i32
      %dma_wait3A_132 = arith.constant 0 : i32
      %dma_wait3A_133 = tpu.memref_slice %arg10[%dma_wait3A_131, %dma_wait3A_132] : memref<10240x48xf32, #tpu.memory_space<vmem_shared>> -> memref<10240x48xf32, #tpu.memory_space<vmem_shared>>
      tpu.wait_indirect_dma semaphore(%arg18 : memref<!tpu.dma_semaphore, #tpu.memory_space<semaphore_mem>>) src(%dma_wait3A_127 : memref<128x48xf32, #tpu.memory_space<vmem>>) dst(%dma_wait3A_133 : memref<10240x48xf32, #tpu.memory_space<vmem_shared>>)
    } else {
    }
    %barrier3A_118 = arith.constant 0 : index
    tpu.barrier barrier_id(%barrier3A_118)
    %mul3A_119 = arith.constant 640 : i32
    %mul3A_120 = arith.muli %arg1, %mul3A_119 : i32
    "tpu.region"() ({
      %run_scoped3A_123 = tpu.sem_alloc : memref<!tpu.dma_semaphore, #tpu.memory_space<semaphore_mem>>
      %dma_start3A = arith.constant 0 : i32
      %dma_start3A_124 = tpu.memref_slice %arg10[%mul3A_120, %dma_start3A] : memref<10240x48xf32, #tpu.memory_space<vmem_shared>> -> memref<640x48xf32, #tpu.memory_space<vmem_shared>>
      %dma_start3A_125 = arith.constant 0 : i32
      %dma_start3A_126 = tpu.memref_slice %arg10[%mul3A_120, %dma_start3A_125] : memref<10240x48xf32, #tpu.memory_space<vmem_shared>> -> memref<640x48xf32, #tpu.memory_space<vmem_shared>>
      tpu.enqueue_dma source(%dma_start3A_126 : memref<640x48xf32, #tpu.memory_space<vmem_shared>>) target(%arg6 : memref<640x48xf32, #tpu.memory_space<vmem>>) target_semaphore(%run_scoped3A_123 : memref<!tpu.dma_semaphore, #tpu.memory_space<semaphore_mem>>)
      %dma_wait3A = arith.constant 0 : i32
      %dma_wait3A_127 = tpu.memref_slice %arg10[%mul3A_120, %dma_wait3A] : memref<10240x48xf32, #tpu.memory_space<vmem_shared>> -> memref<640x48xf32, #tpu.memory_space<vmem_shared>>
      %dma_wait3A_128 = arith.constant 0 : i32
      %dma_wait3A_129 = tpu.memref_slice %arg10[%mul3A_120, %dma_wait3A_128] : memref<10240x48xf32, #tpu.memory_space<vmem_shared>> -> memref<640x48xf32, #tpu.memory_space<vmem_shared>>
      tpu.wait_dma2 semaphore(%run_scoped3A_123 : memref<!tpu.dma_semaphore, #tpu.memory_space<semaphore_mem>>) src(%dma_wait3A_129 : memref<640x48xf32, #tpu.memory_space<vmem_shared>>) dst(%arg6 : memref<640x48xf32, #tpu.memory_space<vmem>>)
      tpu.yield
    }) : () -> ()
    %mul3A_121 = arith.constant 640 : i32
    %mul3A_122 = arith.muli %arg1, %mul3A_121 : i32
    "tpu.region"() ({
      %run_scoped3A_123 = tpu.sem_alloc : memref<!tpu.dma_semaphore, #tpu.memory_space<semaphore_mem>>
      %dma_start3A = arith.constant 0 : i32
      %dma_start3A_124 = tpu.memref_slice %arg4[%arg0, %mul3A_122, %dma_start3A] : memref<2x10240x48xf32, #tpu.memory_space<hbm>> -> memref<1x640x48xf32, #tpu.memory_space<hbm>>
      %dma_start3A_125 = tpu.memref_squeeze %dma_start3A_124 : memref<1x640x48xf32, #tpu.memory_space<hbm>> -> memref<640x48xf32, #tpu.memory_space<hbm>>
      %dma_start3A_126 = arith.constant 0 : i32
      %dma_start3A_127 = tpu.memref_slice %arg4[%arg0, %mul3A_122, %dma_start3A_126] : memref<2x10240x48xf32, #tpu.memory_space<hbm>> -> memref<1x640x48xf32, #tpu.memory_space<hbm>>
      %dma_start3A_128 = tpu.memref_squeeze %dma_start3A_127 : memref<1x640x48xf32, #tpu.memory_space<hbm>> -> memref<640x48xf32, #tpu.memory_space<hbm>>
      tpu.enqueue_dma source(%arg6 : memref<640x48xf32, #tpu.memory_space<vmem>>) target(%dma_start3A_128 : memref<640x48xf32, #tpu.memory_space<hbm>>) target_semaphore(%run_scoped3A_123 : memref<!tpu.dma_semaphore, #tpu.memory_space<semaphore_mem>>)
      %dma_wait3A = arith.constant 0 : i32
      %dma_wait3A_129 = tpu.memref_slice %arg4[%arg0, %mul3A_122, %dma_wait3A] : memref<2x10240x48xf32, #tpu.memory_space<hbm>> -> memref<1x640x48xf32, #tpu.memory_space<hbm>>
      %dma_wait3A_130 = tpu.memref_squeeze %dma_wait3A_129 : memref<1x640x48xf32, #tpu.memory_space<hbm>> -> memref<640x48xf32, #tpu.memory_space<hbm>>
      %dma_wait3A_131 = arith.constant 0 : i32
      %dma_wait3A_132 = tpu.memref_slice %arg4[%arg0, %mul3A_122, %dma_wait3A_131] : memref<2x10240x48xf32, #tpu.memory_space<hbm>> -> memref<1x640x48xf32, #tpu.memory_space<hbm>>
      %dma_wait3A_133 = tpu.memref_squeeze %dma_wait3A_132 : memref<1x640x48xf32, #tpu.memory_space<hbm>> -> memref<640x48xf32, #tpu.memory_space<hbm>>
      tpu.wait_dma2 semaphore(%run_scoped3A_123 : memref<!tpu.dma_semaphore, #tpu.memory_space<semaphore_mem>>) src(%arg6 : memref<640x48xf32, #tpu.memory_space<vmem>>) dst(%dma_wait3A_133 : memref<640x48xf32, #tpu.memory_space<hbm>>)
      tpu.yield
    }) : () -> ()
    return
  }
}

#map = affine_map<(d0, d1) -> (0, 0)>
#map1 = affine_map<(d0, d1) -> (0, 0, 0)>
module attributes {stable_mosaic.version = 14 : i64} {
  func.func @sc_agg(%arg0: i32, %arg1: i32, %arg2: memref<10000x48xf32, #tpu.memory_space<hbm>>, %arg3: memref<2x1250x128xi32, #tpu.memory_space<hbm>>, %arg4: memref<2x10240x48xf32, #tpu.memory_space<hbm>>, %arg5: memref<128x48xf32, #tpu.memory_space<vmem>>, %arg6: memref<640x48xf32, #tpu.memory_space<vmem>>, %arg7: memref<40x128xi32, #tpu.memory_space<vmem>>, %arg8: memref<40x128xi32, #tpu.memory_space<vmem>>, %arg9: memref<4x128x48xf32, #tpu.memory_space<vmem>>, %arg10: memref<10240x48xf32, #tpu.memory_space<vmem_shared>>, %arg11: memref<!tpu.dma_semaphore, #tpu.memory_space<semaphore_mem>>, %arg12: memref<!tpu.dma_semaphore, #tpu.memory_space<semaphore_mem>>, %arg13: memref<!tpu.dma_semaphore, #tpu.memory_space<semaphore_mem>>, %arg14: memref<!tpu.dma_semaphore, #tpu.memory_space<semaphore_mem>>, %arg15: memref<!tpu.dma_semaphore, #tpu.memory_space<semaphore_mem>>, %arg16: memref<!tpu.dma_semaphore, #tpu.memory_space<semaphore_mem>>, %arg17: memref<!tpu.dma_semaphore, #tpu.memory_space<semaphore_mem>>, %arg18: memref<!tpu.dma_semaphore, #tpu.memory_space<semaphore_mem>>) attributes {dimension_semantics = [#tpu.dimension_semantics<core_parallel>, #tpu.dimension_semantics<subcore_parallel>], iteration_bounds = array<i64: 2, 16>, scalar_prefetch = 0 : i64, scratch_operands = 14 : i64, tpu.core_type = #tpu.core_type<sc_vector_subcore>, window_params = [{transform_indices = #map}, {transform_indices = #map1}, {transform_indices = #map1}]} {
    %mul3A = arith.constant 16 : i32
    %mul3A_0 = arith.muli %arg0, %mul3A : i32
    %add3A = arith.addi %mul3A_0, %arg1 : i32
    %mul3A_1 = arith.constant 1250 : i32
    %mul3A_2 = arith.muli %add3A, %mul3A_1 : i32
    %jit3A = arith.constant 32 : i32
    %div3A = arith.divsi %mul3A_2, %jit3A : i32
    %sign3A = arith.constant 0 : i32
    %sign3A_3 = arith.cmpi sgt, %mul3A_2, %sign3A : i32
    %sign3A_4 = arith.extui %sign3A_3 : i1 to i32
    %sign3A_5 = arith.constant 0 : i32
    %sign3A_6 = arith.cmpi slt, %mul3A_2, %sign3A_5 : i32
    %sign3A_7 = arith.extui %sign3A_6 : i1 to i32
    %sign3A_8 = arith.subi %sign3A_4, %sign3A_7 : i32
    %sign3A_9 = arith.constant 0 : i32
    %sign3A_10 = arith.cmpi sgt, %jit3A, %sign3A_9 : i32
    %sign3A_11 = arith.extui %sign3A_10 : i1 to i32
    %sign3A_12 = arith.constant 0 : i32
    %sign3A_13 = arith.cmpi slt, %jit3A, %sign3A_12 : i32
    %sign3A_14 = arith.extui %sign3A_13 : i1 to i32
    %sign3A_15 = arith.subi %sign3A_11, %sign3A_14 : i32
    %ne3A = arith.cmpi ne, %sign3A_8, %sign3A_15 : i32
    %rem3A = arith.remsi %mul3A_2, %jit3A : i32
    %ne3A_16 = arith.constant 0 : i32
    %ne3A_17 = arith.cmpi ne, %rem3A, %ne3A_16 : i32
    %and3A = arith.andi %ne3A, %ne3A_17 : i1
    %sub3A = arith.constant 1 : i32
    %sub3A_18 = arith.subi %div3A, %sub3A : i32
    %select_n3A = arith.select %and3A, %sub3A_18, %div3A : i32
    %add3A_19 = arith.constant 1 : i32
    %add3A_20 = arith.addi %add3A, %add3A_19 : i32
    %mul3A_21 = arith.constant 1250 : i32
    %mul3A_22 = arith.muli %add3A_20, %mul3A_21 : i32
    %jit3A_23 = arith.constant 32 : i32
    %div3A_24 = arith.divsi %mul3A_22, %jit3A_23 : i32
    %sign3A_25 = arith.constant 0 : i32
    %sign3A_26 = arith.cmpi sgt, %mul3A_22, %sign3A_25 : i32
    %sign3A_27 = arith.extui %sign3A_26 : i1 to i32
    %sign3A_28 = arith.constant 0 : i32
    %sign3A_29 = arith.cmpi slt, %mul3A_22, %sign3A_28 : i32
    %sign3A_30 = arith.extui %sign3A_29 : i1 to i32
    %sign3A_31 = arith.subi %sign3A_27, %sign3A_30 : i32
    %sign3A_32 = arith.constant 0 : i32
    %sign3A_33 = arith.cmpi sgt, %jit3A_23, %sign3A_32 : i32
    %sign3A_34 = arith.extui %sign3A_33 : i1 to i32
    %sign3A_35 = arith.constant 0 : i32
    %sign3A_36 = arith.cmpi slt, %jit3A_23, %sign3A_35 : i32
    %sign3A_37 = arith.extui %sign3A_36 : i1 to i32
    %sign3A_38 = arith.subi %sign3A_34, %sign3A_37 : i32
    %ne3A_39 = arith.cmpi ne, %sign3A_31, %sign3A_38 : i32
    %rem3A_40 = arith.remsi %mul3A_22, %jit3A_23 : i32
    %ne3A_41 = arith.constant 0 : i32
    %ne3A_42 = arith.cmpi ne, %rem3A_40, %ne3A_41 : i32
    %and3A_43 = arith.andi %ne3A_39, %ne3A_42 : i1
    %sub3A_44 = arith.constant 1 : i32
    %sub3A_45 = arith.subi %div3A_24, %sub3A_44 : i32
    %select_n3A_46 = arith.select %and3A_43, %sub3A_45, %div3A_24 : i32
    %sub3A_47 = arith.subi %select_n3A_46, %select_n3A : i32
    %broadcast_in_dim3A = arith.constant 0.000000e+00 : f32
    %broadcast_in_dim3A_48 = vector.broadcast %broadcast_in_dim3A : f32 to vector<16xf32>
    %scan3A = arith.constant 0 : i32
    %scan3A_49 = arith.constant 0 : i32
    %scan3A_50 = arith.constant 128 : i32
    %scan3A_51 = arith.addi %scan3A_49, %scan3A_50 : i32
    %scan3A_52 = arith.constant 1 : i32
    scf.for %scan3A_123 = %scan3A_49 to %scan3A_51 step %scan3A_52  : i32 {
      %swap3A = arith.index_cast %scan3A_123 : i32 to index
      %swap3A_124 = arith.constant 0 : index
      %swap3A_125 = tpu.vector_load %arg5[%swap3A, %swap3A_124] {strides = array<i32>} : memref<128x48xf32, #tpu.memory_space<vmem>>, vector<1x16xf32>,
      %swap3A_126 = vector.shape_cast %swap3A_125 : vector<1x16xf32> to vector<16xf32>
      %swap3A_127 = vector.shape_cast %broadcast_in_dim3A_48 : vector<16xf32> to vector<1x16xf32>
      tpu.vector_store %arg5[%swap3A, %swap3A_124], %swap3A_127 {strides = array<i32>} : memref<128x48xf32, #tpu.memory_space<vmem>>, vector<1x16xf32>,
      %swap3A_128 = arith.index_cast %scan3A_123 : i32 to index
      %swap3A_129 = arith.constant 16 : index
      %swap3A_130 = tpu.vector_load %arg5[%swap3A_128, %swap3A_129] {strides = array<i32>} : memref<128x48xf32, #tpu.memory_space<vmem>>, vector<1x16xf32>,
      %swap3A_131 = vector.shape_cast %swap3A_130 : vector<1x16xf32> to vector<16xf32>
      %swap3A_132 = vector.shape_cast %broadcast_in_dim3A_48 : vector<16xf32> to vector<1x16xf32>
      tpu.vector_store %arg5[%swap3A_128, %swap3A_129], %swap3A_132 {strides = array<i32>} : memref<128x48xf32, #tpu.memory_space<vmem>>, vector<1x16xf32>,
      %swap3A_133 = arith.index_cast %scan3A_123 : i32 to index
      %swap3A_134 = arith.constant 32 : index
      %swap3A_135 = tpu.vector_load %arg5[%swap3A_133, %swap3A_134] {strides = array<i32>} : memref<128x48xf32, #tpu.memory_space<vmem>>, vector<1x16xf32>,
      %swap3A_136 = vector.shape_cast %swap3A_135 : vector<1x16xf32> to vector<16xf32>
      %swap3A_137 = vector.shape_cast %broadcast_in_dim3A_48 : vector<16xf32> to vector<1x16xf32>
      tpu.vector_store %arg5[%swap3A_133, %swap3A_134], %swap3A_137 {strides = array<i32>} : memref<128x48xf32, #tpu.memory_space<vmem>>, vector<1x16xf32>,
    }
    %scan3A_53 = arith.constant 128 : i32
    %mul3A_54 = arith.constant 640 : i32
    %mul3A_55 = arith.muli %arg1, %mul3A_54 : i32
    %add3A_56 = arith.constant 0 : i32
    %add3A_57 = arith.addi %mul3A_55, %add3A_56 : i32
    "tpu.region"() ({
      %run_scoped3A_123 = tpu.sem_alloc : memref<!tpu.dma_semaphore, #tpu.memory_space<semaphore_mem>>
      %dma_start3A = arith.constant 0 : i32
      %dma_start3A_124 = tpu.memref_slice %arg10[%add3A_57, %dma_start3A] : memref<10240x48xf32, #tpu.memory_space<vmem_shared>> -> memref<128x48xf32, #tpu.memory_space<vmem_shared>>
      %dma_start3A_125 = arith.constant 0 : i32
      %dma_start3A_126 = tpu.memref_slice %arg10[%add3A_57, %dma_start3A_125] : memref<10240x48xf32, #tpu.memory_space<vmem_shared>> -> memref<128x48xf32, #tpu.memory_space<vmem_shared>>
      tpu.enqueue_dma source(%arg5 : memref<128x48xf32, #tpu.memory_space<vmem>>) target(%dma_start3A_126 : memref<128x48xf32, #tpu.memory_space<vmem_shared>>) target_semaphore(%run_scoped3A_123 : memref<!tpu.dma_semaphore, #tpu.memory_space<semaphore_mem>>)
      %dma_wait3A = arith.constant 0 : i32
      %dma_wait3A_127 = tpu.memref_slice %arg10[%add3A_57, %dma_wait3A] : memref<10240x48xf32, #tpu.memory_space<vmem_shared>> -> memref<128x48xf32, #tpu.memory_space<vmem_shared>>
      %dma_wait3A_128 = arith.constant 0 : i32
      %dma_wait3A_129 = tpu.memref_slice %arg10[%add3A_57, %dma_wait3A_128] : memref<10240x48xf32, #tpu.memory_space<vmem_shared>> -> memref<128x48xf32, #tpu.memory_space<vmem_shared>>
      tpu.wait_dma2 semaphore(%run_scoped3A_123 : memref<!tpu.dma_semaphore, #tpu.memory_space<semaphore_mem>>) src(%arg5 : memref<128x48xf32, #tpu.memory_space<vmem>>) dst(%dma_wait3A_129 : memref<128x48xf32, #tpu.memory_space<vmem_shared>>)
      tpu.yield
    }) : () -> ()
    %mul3A_58 = arith.constant 640 : i32
    %mul3A_59 = arith.muli %arg1, %mul3A_58 : i32
    %add3A_60 = arith.constant 128 : i32
    %add3A_61 = arith.addi %mul3A_59, %add3A_60 : i32
    "tpu.region"() ({
      %run_scoped3A_123 = tpu.sem_alloc : memref<!tpu.dma_semaphore, #tpu.memory_space<semaphore_mem>>
      %dma_start3A = arith.constant 0 : i32
      %dma_start3A_124 = tpu.memref_slice %arg10[%add3A_61, %dma_start3A] : memref<10240x48xf32, #tpu.memory_space<vmem_shared>> -> memref<128x48xf32, #tpu.memory_space<vmem_shared>>
      %dma_start3A_125 = arith.constant 0 : i32
      %dma_start3A_126 = tpu.memref_slice %arg10[%add3A_61, %dma_start3A_125] : memref<10240x48xf32, #tpu.memory_space<vmem_shared>> -> memref<128x48xf32, #tpu.memory_space<vmem_shared>>
      tpu.enqueue_dma source(%arg5 : memref<128x48xf32, #tpu.memory_space<vmem>>) target(%dma_start3A_126 : memref<128x48xf32, #tpu.memory_space<vmem_shared>>) target_semaphore(%run_scoped3A_123 : memref<!tpu.dma_semaphore, #tpu.memory_space<semaphore_mem>>)
      %dma_wait3A = arith.constant 0 : i32
      %dma_wait3A_127 = tpu.memref_slice %arg10[%add3A_61, %dma_wait3A] : memref<10240x48xf32, #tpu.memory_space<vmem_shared>> -> memref<128x48xf32, #tpu.memory_space<vmem_shared>>
      %dma_wait3A_128 = arith.constant 0 : i32
      %dma_wait3A_129 = tpu.memref_slice %arg10[%add3A_61, %dma_wait3A_128] : memref<10240x48xf32, #tpu.memory_space<vmem_shared>> -> memref<128x48xf32, #tpu.memory_space<vmem_shared>>
      tpu.wait_dma2 semaphore(%run_scoped3A_123 : memref<!tpu.dma_semaphore, #tpu.memory_space<semaphore_mem>>) src(%arg5 : memref<128x48xf32, #tpu.memory_space<vmem>>) dst(%dma_wait3A_129 : memref<128x48xf32, #tpu.memory_space<vmem_shared>>)
      tpu.yield
    }) : () -> ()
    %mul3A_62 = arith.constant 640 : i32
    %mul3A_63 = arith.muli %arg1, %mul3A_62 : i32
    %add3A_64 = arith.constant 256 : i32
    %add3A_65 = arith.addi %mul3A_63, %add3A_64 : i32
    "tpu.region"() ({
      %run_scoped3A_123 = tpu.sem_alloc : memref<!tpu.dma_semaphore, #tpu.memory_space<semaphore_mem>>
      %dma_start3A = arith.constant 0 : i32
      %dma_start3A_124 = tpu.memref_slice %arg10[%add3A_65, %dma_start3A] : memref<10240x48xf32, #tpu.memory_space<vmem_shared>> -> memref<128x48xf32, #tpu.memory_space<vmem_shared>>
      %dma_start3A_125 = arith.constant 0 : i32
      %dma_start3A_126 = tpu.memref_slice %arg10[%add3A_65, %dma_start3A_125] : memref<10240x48xf32, #tpu.memory_space<vmem_shared>> -> memref<128x48xf32, #tpu.memory_space<vmem_shared>>
      tpu.enqueue_dma source(%arg5 : memref<128x48xf32, #tpu.memory_space<vmem>>) target(%dma_start3A_126 : memref<128x48xf32, #tpu.memory_space<vmem_shared>>) target_semaphore(%run_scoped3A_123 : memref<!tpu.dma_semaphore, #tpu.memory_space<semaphore_mem>>)
      %dma_wait3A = arith.constant 0 : i32
      %dma_wait3A_127 = tpu.memref_slice %arg10[%add3A_65, %dma_wait3A] : memref<10240x48xf32, #tpu.memory_space<vmem_shared>> -> memref<128x48xf32, #tpu.memory_space<vmem_shared>>
      %dma_wait3A_128 = arith.constant 0 : i32
      %dma_wait3A_129 = tpu.memref_slice %arg10[%add3A_65, %dma_wait3A_128] : memref<10240x48xf32, #tpu.memory_space<vmem_shared>> -> memref<128x48xf32, #tpu.memory_space<vmem_shared>>
      tpu.wait_dma2 semaphore(%run_scoped3A_123 : memref<!tpu.dma_semaphore, #tpu.memory_space<semaphore_mem>>) src(%arg5 : memref<128x48xf32, #tpu.memory_space<vmem>>) dst(%dma_wait3A_129 : memref<128x48xf32, #tpu.memory_space<vmem_shared>>)
      tpu.yield
    }) : () -> ()
    %mul3A_66 = arith.constant 640 : i32
    %mul3A_67 = arith.muli %arg1, %mul3A_66 : i32
    %add3A_68 = arith.constant 384 : i32
    %add3A_69 = arith.addi %mul3A_67, %add3A_68 : i32
    "tpu.region"() ({
      %run_scoped3A_123 = tpu.sem_alloc : memref<!tpu.dma_semaphore, #tpu.memory_space<semaphore_mem>>
      %dma_start3A = arith.constant 0 : i32
      %dma_start3A_124 = tpu.memref_slice %arg10[%add3A_69, %dma_start3A] : memref<10240x48xf32, #tpu.memory_space<vmem_shared>> -> memref<128x48xf32, #tpu.memory_space<vmem_shared>>
      %dma_start3A_125 = arith.constant 0 : i32
      %dma_start3A_126 = tpu.memref_slice %arg10[%add3A_69, %dma_start3A_125] : memref<10240x48xf32, #tpu.memory_space<vmem_shared>> -> memref<128x48xf32, #tpu.memory_space<vmem_shared>>
      tpu.enqueue_dma source(%arg5 : memref<128x48xf32, #tpu.memory_space<vmem>>) target(%dma_start3A_126 : memref<128x48xf32, #tpu.memory_space<vmem_shared>>) target_semaphore(%run_scoped3A_123 : memref<!tpu.dma_semaphore, #tpu.memory_space<semaphore_mem>>)
      %dma_wait3A = arith.constant 0 : i32
      %dma_wait3A_127 = tpu.memref_slice %arg10[%add3A_69, %dma_wait3A] : memref<10240x48xf32, #tpu.memory_space<vmem_shared>> -> memref<128x48xf32, #tpu.memory_space<vmem_shared>>
      %dma_wait3A_128 = arith.constant 0 : i32
      %dma_wait3A_129 = tpu.memref_slice %arg10[%add3A_69, %dma_wait3A_128] : memref<10240x48xf32, #tpu.memory_space<vmem_shared>> -> memref<128x48xf32, #tpu.memory_space<vmem_shared>>
      tpu.wait_dma2 semaphore(%run_scoped3A_123 : memref<!tpu.dma_semaphore, #tpu.memory_space<semaphore_mem>>) src(%arg5 : memref<128x48xf32, #tpu.memory_space<vmem>>) dst(%dma_wait3A_129 : memref<128x48xf32, #tpu.memory_space<vmem_shared>>)
      tpu.yield
    }) : () -> ()
    %mul3A_70 = arith.constant 640 : i32
    %mul3A_71 = arith.muli %arg1, %mul3A_70 : i32
    %add3A_72 = arith.constant 512 : i32
    %add3A_73 = arith.addi %mul3A_71, %add3A_72 : i32
    "tpu.region"() ({
      %run_scoped3A_123 = tpu.sem_alloc : memref<!tpu.dma_semaphore, #tpu.memory_space<semaphore_mem>>
      %dma_start3A = arith.constant 0 : i32
      %dma_start3A_124 = tpu.memref_slice %arg10[%add3A_73, %dma_start3A] : memref<10240x48xf32, #tpu.memory_space<vmem_shared>> -> memref<128x48xf32, #tpu.memory_space<vmem_shared>>
      %dma_start3A_125 = arith.constant 0 : i32
      %dma_start3A_126 = tpu.memref_slice %arg10[%add3A_73, %dma_start3A_125] : memref<10240x48xf32, #tpu.memory_space<vmem_shared>> -> memref<128x48xf32, #tpu.memory_space<vmem_shared>>
      tpu.enqueue_dma source(%arg5 : memref<128x48xf32, #tpu.memory_space<vmem>>) target(%dma_start3A_126 : memref<128x48xf32, #tpu.memory_space<vmem_shared>>) target_semaphore(%run_scoped3A_123 : memref<!tpu.dma_semaphore, #tpu.memory_space<semaphore_mem>>)
      %dma_wait3A = arith.constant 0 : i32
      %dma_wait3A_127 = tpu.memref_slice %arg10[%add3A_73, %dma_wait3A] : memref<10240x48xf32, #tpu.memory_space<vmem_shared>> -> memref<128x48xf32, #tpu.memory_space<vmem_shared>>
      %dma_wait3A_128 = arith.constant 0 : i32
      %dma_wait3A_129 = tpu.memref_slice %arg10[%add3A_73, %dma_wait3A_128] : memref<10240x48xf32, #tpu.memory_space<vmem_shared>> -> memref<128x48xf32, #tpu.memory_space<vmem_shared>>
      tpu.wait_dma2 semaphore(%run_scoped3A_123 : memref<!tpu.dma_semaphore, #tpu.memory_space<semaphore_mem>>) src(%arg5 : memref<128x48xf32, #tpu.memory_space<vmem>>) dst(%dma_wait3A_129 : memref<128x48xf32, #tpu.memory_space<vmem_shared>>)
      tpu.yield
    }) : () -> ()
    %run_scoped3A = arith.constant 0 : i32
    "tpu.region"() ({
      %run_scoped3A_123 = tpu.sem_alloc : memref<!tpu.dma_semaphore, #tpu.memory_space<semaphore_mem>>
      %dma_start3A = arith.constant 0 : i32
      %dma_start3A_124 = tpu.memref_slice %arg3[%run_scoped3A, %select_n3A, %dma_start3A] : memref<2x1250x128xi32, #tpu.memory_space<hbm>> -> memref<1x40x128xi32, #tpu.memory_space<hbm>>
      %dma_start3A_125 = tpu.memref_squeeze %dma_start3A_124 : memref<1x40x128xi32, #tpu.memory_space<hbm>> -> memref<40x128xi32, #tpu.memory_space<hbm>>
      %dma_start3A_126 = arith.constant 0 : i32
      %dma_start3A_127 = tpu.memref_slice %arg3[%run_scoped3A, %select_n3A, %dma_start3A_126] : memref<2x1250x128xi32, #tpu.memory_space<hbm>> -> memref<1x40x128xi32, #tpu.memory_space<hbm>>
      %dma_start3A_128 = tpu.memref_squeeze %dma_start3A_127 : memref<1x40x128xi32, #tpu.memory_space<hbm>> -> memref<40x128xi32, #tpu.memory_space<hbm>>
      tpu.enqueue_dma source(%dma_start3A_128 : memref<40x128xi32, #tpu.memory_space<hbm>>) target(%arg7 : memref<40x128xi32, #tpu.memory_space<vmem>>) target_semaphore(%run_scoped3A_123 : memref<!tpu.dma_semaphore, #tpu.memory_space<semaphore_mem>>)
      %dma_wait3A = arith.constant 0 : i32
      %dma_wait3A_129 = tpu.memref_slice %arg3[%run_scoped3A, %select_n3A, %dma_wait3A] : memref<2x1250x128xi32, #tpu.memory_space<hbm>> -> memref<1x40x128xi32, #tpu.memory_space<hbm>>
      %dma_wait3A_130 = tpu.memref_squeeze %dma_wait3A_129 : memref<1x40x128xi32, #tpu.memory_space<hbm>> -> memref<40x128xi32, #tpu.memory_space<hbm>>
      %dma_wait3A_131 = arith.constant 0 : i32
      %dma_wait3A_132 = tpu.memref_slice %arg3[%run_scoped3A, %select_n3A, %dma_wait3A_131] : memref<2x1250x128xi32, #tpu.memory_space<hbm>> -> memref<1x40x128xi32, #tpu.memory_space<hbm>>
      %dma_wait3A_133 = tpu.memref_squeeze %dma_wait3A_132 : memref<1x40x128xi32, #tpu.memory_space<hbm>> -> memref<40x128xi32, #tpu.memory_space<hbm>>
      tpu.wait_dma2 semaphore(%run_scoped3A_123 : memref<!tpu.dma_semaphore, #tpu.memory_space<semaphore_mem>>) src(%dma_wait3A_133 : memref<40x128xi32, #tpu.memory_space<hbm>>) dst(%arg7 : memref<40x128xi32, #tpu.memory_space<vmem>>)
      tpu.yield
    }) : () -> ()
    %run_scoped3A_74 = arith.constant 1 : i32
    "tpu.region"() ({
      %run_scoped3A_123 = tpu.sem_alloc : memref<!tpu.dma_semaphore, #tpu.memory_space<semaphore_mem>>
      %dma_start3A = arith.constant 0 : i32
      %dma_start3A_124 = tpu.memref_slice %arg3[%run_scoped3A_74, %select_n3A, %dma_start3A] : memref<2x1250x128xi32, #tpu.memory_space<hbm>> -> memref<1x40x128xi32, #tpu.memory_space<hbm>>
      %dma_start3A_125 = tpu.memref_squeeze %dma_start3A_124 : memref<1x40x128xi32, #tpu.memory_space<hbm>> -> memref<40x128xi32, #tpu.memory_space<hbm>>
      %dma_start3A_126 = arith.constant 0 : i32
      %dma_start3A_127 = tpu.memref_slice %arg3[%run_scoped3A_74, %select_n3A, %dma_start3A_126] : memref<2x1250x128xi32, #tpu.memory_space<hbm>> -> memref<1x40x128xi32, #tpu.memory_space<hbm>>
      %dma_start3A_128 = tpu.memref_squeeze %dma_start3A_127 : memref<1x40x128xi32, #tpu.memory_space<hbm>> -> memref<40x128xi32, #tpu.memory_space<hbm>>
      tpu.enqueue_dma source(%dma_start3A_128 : memref<40x128xi32, #tpu.memory_space<hbm>>) target(%arg8 : memref<40x128xi32, #tpu.memory_space<vmem>>) target_semaphore(%run_scoped3A_123 : memref<!tpu.dma_semaphore, #tpu.memory_space<semaphore_mem>>)
      %dma_wait3A = arith.constant 0 : i32
      %dma_wait3A_129 = tpu.memref_slice %arg3[%run_scoped3A_74, %select_n3A, %dma_wait3A] : memref<2x1250x128xi32, #tpu.memory_space<hbm>> -> memref<1x40x128xi32, #tpu.memory_space<hbm>>
      %dma_wait3A_130 = tpu.memref_squeeze %dma_wait3A_129 : memref<1x40x128xi32, #tpu.memory_space<hbm>> -> memref<40x128xi32, #tpu.memory_space<hbm>>
      %dma_wait3A_131 = arith.constant 0 : i32
      %dma_wait3A_132 = tpu.memref_slice %arg3[%run_scoped3A_74, %select_n3A, %dma_wait3A_131] : memref<2x1250x128xi32, #tpu.memory_space<hbm>> -> memref<1x40x128xi32, #tpu.memory_space<hbm>>
      %dma_wait3A_133 = tpu.memref_squeeze %dma_wait3A_132 : memref<1x40x128xi32, #tpu.memory_space<hbm>> -> memref<40x128xi32, #tpu.memory_space<hbm>>
      tpu.wait_dma2 semaphore(%run_scoped3A_123 : memref<!tpu.dma_semaphore, #tpu.memory_space<semaphore_mem>>) src(%dma_wait3A_133 : memref<40x128xi32, #tpu.memory_space<hbm>>) dst(%arg8 : memref<40x128xi32, #tpu.memory_space<vmem>>)
      tpu.yield
    }) : () -> ()
    %barrier3A = arith.constant 0 : index
    tpu.barrier barrier_id(%barrier3A)
    %gt3A = arith.constant 0 : i32
    %gt3A_75 = arith.cmpi sgt, %sub3A_47, %gt3A : i32
    %convert_element_type3A = arith.extui %gt3A_75 : i1 to i32
    %cond3A = arith.constant 0 : i32
    %cond3A_76 = arith.cmpi ne, %convert_element_type3A, %cond3A : i32
    scf.if %cond3A_76 {
      %dma_start3A = arith.constant 0 : i32
      %dma_start3A_123 = arith.constant 0 : i32
      %dma_start3A_124 = arith.constant 0 : i32
      %dma_start3A_125 = arith.constant 0 : i32
      %dma_start3A_126 = tpu.memref_slice %arg9[%dma_start3A_123, %dma_start3A_124, %dma_start3A_125] : memref<4x128x48xf32, #tpu.memory_space<vmem>> -> memref<1x128x48xf32, #tpu.memory_space<vmem>>
      %dma_start3A_127 = tpu.memref_squeeze %dma_start3A_126 : memref<1x128x48xf32, #tpu.memory_space<vmem>> -> memref<128x48xf32, #tpu.memory_space<vmem>>
      %dma_start3A_128 = arith.constant 0 : i32
      %dma_start3A_129 = tpu.memref_slice %arg7[%dma_start3A, %dma_start3A_128] : memref<40x128xi32, #tpu.memory_space<vmem>> -> memref<1x128xi32, #tpu.memory_space<vmem>>
      %dma_start3A_130 = tpu.memref_squeeze %dma_start3A_129 : memref<1x128xi32, #tpu.memory_space<vmem>> -> memref<128xi32, #tpu.memory_space<vmem>>
      %dma_start3A_131 = arith.constant 0 : i32
      %dma_start3A_132 = arith.constant 0 : i32
      %dma_start3A_133 = tpu.memref_slice %arg2[%dma_start3A_131, %dma_start3A_132] : memref<10000x48xf32, #tpu.memory_space<hbm>> -> memref<10000x48xf32, #tpu.memory_space<hbm>>
      tpu.enqueue_indirect_dma source(%dma_start3A_133 : memref<10000x48xf32, #tpu.memory_space<hbm>>) target(%dma_start3A_127 : memref<128x48xf32, #tpu.memory_space<vmem>>) offsets(%dma_start3A_130 : memref<128xi32, #tpu.memory_space<vmem>>) semaphore(%arg11 : memref<!tpu.dma_semaphore, #tpu.memory_space<semaphore_mem>>)
    } else {
    }
    %gt3A_77 = arith.constant 1 : i32
    %gt3A_78 = arith.cmpi sgt, %sub3A_47, %gt3A_77 : i32
    %convert_element_type3A_79 = arith.extui %gt3A_78 : i1 to i32
    %cond3A_80 = arith.constant 0 : i32
    %cond3A_81 = arith.cmpi ne, %convert_element_type3A_79, %cond3A_80 : i32
    scf.if %cond3A_81 {
      %dma_start3A = arith.constant 1 : i32
      %dma_start3A_123 = arith.constant 1 : i32
      %dma_start3A_124 = arith.constant 0 : i32
      %dma_start3A_125 = arith.constant 0 : i32
      %dma_start3A_126 = tpu.memref_slice %arg9[%dma_start3A_123, %dma_start3A_124, %dma_start3A_125] : memref<4x128x48xf32, #tpu.memory_space<vmem>> -> memref<1x128x48xf32, #tpu.memory_space<vmem>>
      %dma_start3A_127 = tpu.memref_squeeze %dma_start3A_126 : memref<1x128x48xf32, #tpu.memory_space<vmem>> -> memref<128x48xf32, #tpu.memory_space<vmem>>
      %dma_start3A_128 = arith.constant 0 : i32
      %dma_start3A_129 = tpu.memref_slice %arg7[%dma_start3A, %dma_start3A_128] : memref<40x128xi32, #tpu.memory_space<vmem>> -> memref<1x128xi32, #tpu.memory_space<vmem>>
      %dma_start3A_130 = tpu.memref_squeeze %dma_start3A_129 : memref<1x128xi32, #tpu.memory_space<vmem>> -> memref<128xi32, #tpu.memory_space<vmem>>
      %dma_start3A_131 = arith.constant 0 : i32
      %dma_start3A_132 = arith.constant 0 : i32
      %dma_start3A_133 = tpu.memref_slice %arg2[%dma_start3A_131, %dma_start3A_132] : memref<10000x48xf32, #tpu.memory_space<hbm>> -> memref<10000x48xf32, #tpu.memory_space<hbm>>
      tpu.enqueue_indirect_dma source(%dma_start3A_133 : memref<10000x48xf32, #tpu.memory_space<hbm>>) target(%dma_start3A_127 : memref<128x48xf32, #tpu.memory_space<vmem>>) offsets(%dma_start3A_130 : memref<128xi32, #tpu.memory_space<vmem>>) semaphore(%arg12 : memref<!tpu.dma_semaphore, #tpu.memory_space<semaphore_mem>>)
    } else {
    }
    %gt3A_82 = arith.constant 2 : i32
    %gt3A_83 = arith.cmpi sgt, %sub3A_47, %gt3A_82 : i32
    %convert_element_type3A_84 = arith.extui %gt3A_83 : i1 to i32
    %cond3A_85 = arith.constant 0 : i32
    %cond3A_86 = arith.cmpi ne, %convert_element_type3A_84, %cond3A_85 : i32
    scf.if %cond3A_86 {
      %dma_start3A = arith.constant 2 : i32
      %dma_start3A_123 = arith.constant 2 : i32
      %dma_start3A_124 = arith.constant 0 : i32
      %dma_start3A_125 = arith.constant 0 : i32
      %dma_start3A_126 = tpu.memref_slice %arg9[%dma_start3A_123, %dma_start3A_124, %dma_start3A_125] : memref<4x128x48xf32, #tpu.memory_space<vmem>> -> memref<1x128x48xf32, #tpu.memory_space<vmem>>
      %dma_start3A_127 = tpu.memref_squeeze %dma_start3A_126 : memref<1x128x48xf32, #tpu.memory_space<vmem>> -> memref<128x48xf32, #tpu.memory_space<vmem>>
      %dma_start3A_128 = arith.constant 0 : i32
      %dma_start3A_129 = tpu.memref_slice %arg7[%dma_start3A, %dma_start3A_128] : memref<40x128xi32, #tpu.memory_space<vmem>> -> memref<1x128xi32, #tpu.memory_space<vmem>>
      %dma_start3A_130 = tpu.memref_squeeze %dma_start3A_129 : memref<1x128xi32, #tpu.memory_space<vmem>> -> memref<128xi32, #tpu.memory_space<vmem>>
      %dma_start3A_131 = arith.constant 0 : i32
      %dma_start3A_132 = arith.constant 0 : i32
      %dma_start3A_133 = tpu.memref_slice %arg2[%dma_start3A_131, %dma_start3A_132] : memref<10000x48xf32, #tpu.memory_space<hbm>> -> memref<10000x48xf32, #tpu.memory_space<hbm>>
      tpu.enqueue_indirect_dma source(%dma_start3A_133 : memref<10000x48xf32, #tpu.memory_space<hbm>>) target(%dma_start3A_127 : memref<128x48xf32, #tpu.memory_space<vmem>>) offsets(%dma_start3A_130 : memref<128xi32, #tpu.memory_space<vmem>>) semaphore(%arg13 : memref<!tpu.dma_semaphore, #tpu.memory_space<semaphore_mem>>)
    } else {
    }
    %gt3A_87 = arith.constant 3 : i32
    %gt3A_88 = arith.cmpi sgt, %sub3A_47, %gt3A_87 : i32
    %convert_element_type3A_89 = arith.extui %gt3A_88 : i1 to i32
    %cond3A_90 = arith.constant 0 : i32
    %cond3A_91 = arith.cmpi ne, %convert_element_type3A_89, %cond3A_90 : i32
    scf.if %cond3A_91 {
      %dma_start3A = arith.constant 3 : i32
      %dma_start3A_123 = arith.constant 3 : i32
      %dma_start3A_124 = arith.constant 0 : i32
      %dma_start3A_125 = arith.constant 0 : i32
      %dma_start3A_126 = tpu.memref_slice %arg9[%dma_start3A_123, %dma_start3A_124, %dma_start3A_125] : memref<4x128x48xf32, #tpu.memory_space<vmem>> -> memref<1x128x48xf32, #tpu.memory_space<vmem>>
      %dma_start3A_127 = tpu.memref_squeeze %dma_start3A_126 : memref<1x128x48xf32, #tpu.memory_space<vmem>> -> memref<128x48xf32, #tpu.memory_space<vmem>>
      %dma_start3A_128 = arith.constant 0 : i32
      %dma_start3A_129 = tpu.memref_slice %arg7[%dma_start3A, %dma_start3A_128] : memref<40x128xi32, #tpu.memory_space<vmem>> -> memref<1x128xi32, #tpu.memory_space<vmem>>
      %dma_start3A_130 = tpu.memref_squeeze %dma_start3A_129 : memref<1x128xi32, #tpu.memory_space<vmem>> -> memref<128xi32, #tpu.memory_space<vmem>>
      %dma_start3A_131 = arith.constant 0 : i32
      %dma_start3A_132 = arith.constant 0 : i32
      %dma_start3A_133 = tpu.memref_slice %arg2[%dma_start3A_131, %dma_start3A_132] : memref<10000x48xf32, #tpu.memory_space<hbm>> -> memref<10000x48xf32, #tpu.memory_space<hbm>>
      tpu.enqueue_indirect_dma source(%dma_start3A_133 : memref<10000x48xf32, #tpu.memory_space<hbm>>) target(%dma_start3A_127 : memref<128x48xf32, #tpu.memory_space<vmem>>) offsets(%dma_start3A_130 : memref<128xi32, #tpu.memory_space<vmem>>) semaphore(%arg14 : memref<!tpu.dma_semaphore, #tpu.memory_space<semaphore_mem>>)
    } else {
    }
    %scan3A_92 = arith.constant 0 : i32
    %scan3A_93 = arith.constant 0 : i32
    %scan3A_94 = arith.constant 10 : i32
    %scan3A_95 = arith.addi %scan3A_93, %scan3A_94 : i32
    %scan3A_96 = arith.constant 1 : i32
    scf.for %scan3A_123 = %scan3A_93 to %scan3A_95 step %scan3A_96  : i32 {
      %mul3A_124 = arith.constant 4 : i32
      %mul3A_125 = arith.muli %mul3A_124, %scan3A_123 : i32
      %add3A_126 = arith.constant 0 : i32
      %add3A_127 = arith.addi %mul3A_125, %add3A_126 : i32
      %lt3A = arith.cmpi slt, %add3A_127, %sub3A_47 : i32
      %convert_element_type3A_128 = arith.extui %lt3A : i1 to i32
      %cond3A_129 = arith.constant 0 : i32
      %cond3A_130 = arith.cmpi ne, %convert_element_type3A_128, %cond3A_129 : i32
      scf.if %cond3A_130 {
        %add3A_181 = arith.constant 0 : i32
        %add3A_182 = arith.addi %mul3A_125, %add3A_181 : i32
        %dma_wait3A = arith.constant 0 : i32
        %dma_wait3A_183 = arith.constant 0 : i32
        %dma_wait3A_184 = arith.constant 0 : i32
        %dma_wait3A_185 = tpu.memref_slice %arg9[%dma_wait3A, %dma_wait3A_183, %dma_wait3A_184] : memref<4x128x48xf32, #tpu.memory_space<vmem>> -> memref<1x128x48xf32, #tpu.memory_space<vmem>>
        %dma_wait3A_186 = tpu.memref_squeeze %dma_wait3A_185 : memref<1x128x48xf32, #tpu.memory_space<vmem>> -> memref<128x48xf32, #tpu.memory_space<vmem>>
        %dma_wait3A_187 = arith.constant 0 : i32
        %dma_wait3A_188 = tpu.memref_slice %arg7[%add3A_182, %dma_wait3A_187] : memref<40x128xi32, #tpu.memory_space<vmem>> -> memref<1x128xi32, #tpu.memory_space<vmem>>
        %dma_wait3A_189 = tpu.memref_squeeze %dma_wait3A_188 : memref<1x128xi32, #tpu.memory_space<vmem>> -> memref<128xi32, #tpu.memory_space<vmem>>
        %dma_wait3A_190 = arith.constant 0 : i32
        %dma_wait3A_191 = arith.constant 0 : i32
        %dma_wait3A_192 = tpu.memref_slice %arg2[%dma_wait3A_190, %dma_wait3A_191] : memref<10000x48xf32, #tpu.memory_space<hbm>> -> memref<10000x48xf32, #tpu.memory_space<hbm>>
        tpu.wait_indirect_dma semaphore(%arg11 : memref<!tpu.dma_semaphore, #tpu.memory_space<semaphore_mem>>) src(%dma_wait3A_192 : memref<10000x48xf32, #tpu.memory_space<hbm>>) dst(%dma_wait3A_186 : memref<128x48xf32, #tpu.memory_space<vmem>>)
        %dma_start3A = arith.constant 0 : i32
        %dma_start3A_193 = arith.constant 0 : i32
        %dma_start3A_194 = arith.constant 0 : i32
        %dma_start3A_195 = tpu.memref_slice %arg9[%dma_start3A, %dma_start3A_193, %dma_start3A_194] : memref<4x128x48xf32, #tpu.memory_space<vmem>> -> memref<1x128x48xf32, #tpu.memory_space<vmem>>
        %dma_start3A_196 = tpu.memref_squeeze %dma_start3A_195 : memref<1x128x48xf32, #tpu.memory_space<vmem>> -> memref<128x48xf32, #tpu.memory_space<vmem>>
        %dma_start3A_197 = arith.constant 0 : i32
        %dma_start3A_198 = tpu.memref_slice %arg8[%add3A_182, %dma_start3A_197] : memref<40x128xi32, #tpu.memory_space<vmem>> -> memref<1x128xi32, #tpu.memory_space<vmem>>
        %dma_start3A_199 = tpu.memref_squeeze %dma_start3A_198 : memref<1x128xi32, #tpu.memory_space<vmem>> -> memref<128xi32, #tpu.memory_space<vmem>>
        %dma_start3A_200 = arith.constant 0 : i32
        %dma_start3A_201 = arith.constant 0 : i32
        %dma_start3A_202 = tpu.memref_slice %arg10[%dma_start3A_200, %dma_start3A_201] : memref<10240x48xf32, #tpu.memory_space<vmem_shared>> -> memref<10240x48xf32, #tpu.memory_space<vmem_shared>>
        tpu.enqueue_indirect_dma source(%dma_start3A_196 : memref<128x48xf32, #tpu.memory_space<vmem>>) target(%dma_start3A_202 : memref<10240x48xf32, #tpu.memory_space<vmem_shared>>) offsets(%dma_start3A_199 : memref<128xi32, #tpu.memory_space<vmem>>) semaphore(%arg15 : memref<!tpu.dma_semaphore, #tpu.memory_space<semaphore_mem>>) {add = true}
      } else {
      }
      %add3A_131 = arith.constant 1 : i32
      %add3A_132 = arith.addi %mul3A_125, %add3A_131 : i32
      %lt3A_133 = arith.cmpi slt, %add3A_132, %sub3A_47 : i32
      %convert_element_type3A_134 = arith.extui %lt3A_133 : i1 to i32
      %cond3A_135 = arith.constant 0 : i32
      %cond3A_136 = arith.cmpi ne, %convert_element_type3A_134, %cond3A_135 : i32
      scf.if %cond3A_136 {
        %add3A_181 = arith.constant 1 : i32
        %add3A_182 = arith.addi %mul3A_125, %add3A_181 : i32
        %dma_wait3A = arith.constant 1 : i32
        %dma_wait3A_183 = arith.constant 0 : i32
        %dma_wait3A_184 = arith.constant 0 : i32
        %dma_wait3A_185 = tpu.memref_slice %arg9[%dma_wait3A, %dma_wait3A_183, %dma_wait3A_184] : memref<4x128x48xf32, #tpu.memory_space<vmem>> -> memref<1x128x48xf32, #tpu.memory_space<vmem>>
        %dma_wait3A_186 = tpu.memref_squeeze %dma_wait3A_185 : memref<1x128x48xf32, #tpu.memory_space<vmem>> -> memref<128x48xf32, #tpu.memory_space<vmem>>
        %dma_wait3A_187 = arith.constant 0 : i32
        %dma_wait3A_188 = tpu.memref_slice %arg7[%add3A_182, %dma_wait3A_187] : memref<40x128xi32, #tpu.memory_space<vmem>> -> memref<1x128xi32, #tpu.memory_space<vmem>>
        %dma_wait3A_189 = tpu.memref_squeeze %dma_wait3A_188 : memref<1x128xi32, #tpu.memory_space<vmem>> -> memref<128xi32, #tpu.memory_space<vmem>>
        %dma_wait3A_190 = arith.constant 0 : i32
        %dma_wait3A_191 = arith.constant 0 : i32
        %dma_wait3A_192 = tpu.memref_slice %arg2[%dma_wait3A_190, %dma_wait3A_191] : memref<10000x48xf32, #tpu.memory_space<hbm>> -> memref<10000x48xf32, #tpu.memory_space<hbm>>
        tpu.wait_indirect_dma semaphore(%arg12 : memref<!tpu.dma_semaphore, #tpu.memory_space<semaphore_mem>>) src(%dma_wait3A_192 : memref<10000x48xf32, #tpu.memory_space<hbm>>) dst(%dma_wait3A_186 : memref<128x48xf32, #tpu.memory_space<vmem>>)
        %dma_start3A = arith.constant 1 : i32
        %dma_start3A_193 = arith.constant 0 : i32
        %dma_start3A_194 = arith.constant 0 : i32
        %dma_start3A_195 = tpu.memref_slice %arg9[%dma_start3A, %dma_start3A_193, %dma_start3A_194] : memref<4x128x48xf32, #tpu.memory_space<vmem>> -> memref<1x128x48xf32, #tpu.memory_space<vmem>>
        %dma_start3A_196 = tpu.memref_squeeze %dma_start3A_195 : memref<1x128x48xf32, #tpu.memory_space<vmem>> -> memref<128x48xf32, #tpu.memory_space<vmem>>
        %dma_start3A_197 = arith.constant 0 : i32
        %dma_start3A_198 = tpu.memref_slice %arg8[%add3A_182, %dma_start3A_197] : memref<40x128xi32, #tpu.memory_space<vmem>> -> memref<1x128xi32, #tpu.memory_space<vmem>>
        %dma_start3A_199 = tpu.memref_squeeze %dma_start3A_198 : memref<1x128xi32, #tpu.memory_space<vmem>> -> memref<128xi32, #tpu.memory_space<vmem>>
        %dma_start3A_200 = arith.constant 0 : i32
        %dma_start3A_201 = arith.constant 0 : i32
        %dma_start3A_202 = tpu.memref_slice %arg10[%dma_start3A_200, %dma_start3A_201] : memref<10240x48xf32, #tpu.memory_space<vmem_shared>> -> memref<10240x48xf32, #tpu.memory_space<vmem_shared>>
        tpu.enqueue_indirect_dma source(%dma_start3A_196 : memref<128x48xf32, #tpu.memory_space<vmem>>) target(%dma_start3A_202 : memref<10240x48xf32, #tpu.memory_space<vmem_shared>>) offsets(%dma_start3A_199 : memref<128xi32, #tpu.memory_space<vmem>>) semaphore(%arg16 : memref<!tpu.dma_semaphore, #tpu.memory_space<semaphore_mem>>) {add = true}
      } else {
      }
      %add3A_137 = arith.constant 2 : i32
      %add3A_138 = arith.addi %mul3A_125, %add3A_137 : i32
      %lt3A_139 = arith.cmpi slt, %add3A_138, %sub3A_47 : i32
      %convert_element_type3A_140 = arith.extui %lt3A_139 : i1 to i32
      %cond3A_141 = arith.constant 0 : i32
      %cond3A_142 = arith.cmpi ne, %convert_element_type3A_140, %cond3A_141 : i32
      scf.if %cond3A_142 {
        %add3A_181 = arith.constant 2 : i32
        %add3A_182 = arith.addi %mul3A_125, %add3A_181 : i32
        %dma_wait3A = arith.constant 2 : i32
        %dma_wait3A_183 = arith.constant 0 : i32
        %dma_wait3A_184 = arith.constant 0 : i32
        %dma_wait3A_185 = tpu.memref_slice %arg9[%dma_wait3A, %dma_wait3A_183, %dma_wait3A_184] : memref<4x128x48xf32, #tpu.memory_space<vmem>> -> memref<1x128x48xf32, #tpu.memory_space<vmem>>
        %dma_wait3A_186 = tpu.memref_squeeze %dma_wait3A_185 : memref<1x128x48xf32, #tpu.memory_space<vmem>> -> memref<128x48xf32, #tpu.memory_space<vmem>>
        %dma_wait3A_187 = arith.constant 0 : i32
        %dma_wait3A_188 = tpu.memref_slice %arg7[%add3A_182, %dma_wait3A_187] : memref<40x128xi32, #tpu.memory_space<vmem>> -> memref<1x128xi32, #tpu.memory_space<vmem>>
        %dma_wait3A_189 = tpu.memref_squeeze %dma_wait3A_188 : memref<1x128xi32, #tpu.memory_space<vmem>> -> memref<128xi32, #tpu.memory_space<vmem>>
        %dma_wait3A_190 = arith.constant 0 : i32
        %dma_wait3A_191 = arith.constant 0 : i32
        %dma_wait3A_192 = tpu.memref_slice %arg2[%dma_wait3A_190, %dma_wait3A_191] : memref<10000x48xf32, #tpu.memory_space<hbm>> -> memref<10000x48xf32, #tpu.memory_space<hbm>>
        tpu.wait_indirect_dma semaphore(%arg13 : memref<!tpu.dma_semaphore, #tpu.memory_space<semaphore_mem>>) src(%dma_wait3A_192 : memref<10000x48xf32, #tpu.memory_space<hbm>>) dst(%dma_wait3A_186 : memref<128x48xf32, #tpu.memory_space<vmem>>)
        %dma_start3A = arith.constant 2 : i32
        %dma_start3A_193 = arith.constant 0 : i32
        %dma_start3A_194 = arith.constant 0 : i32
        %dma_start3A_195 = tpu.memref_slice %arg9[%dma_start3A, %dma_start3A_193, %dma_start3A_194] : memref<4x128x48xf32, #tpu.memory_space<vmem>> -> memref<1x128x48xf32, #tpu.memory_space<vmem>>
        %dma_start3A_196 = tpu.memref_squeeze %dma_start3A_195 : memref<1x128x48xf32, #tpu.memory_space<vmem>> -> memref<128x48xf32, #tpu.memory_space<vmem>>
        %dma_start3A_197 = arith.constant 0 : i32
        %dma_start3A_198 = tpu.memref_slice %arg8[%add3A_182, %dma_start3A_197] : memref<40x128xi32, #tpu.memory_space<vmem>> -> memref<1x128xi32, #tpu.memory_space<vmem>>
        %dma_start3A_199 = tpu.memref_squeeze %dma_start3A_198 : memref<1x128xi32, #tpu.memory_space<vmem>> -> memref<128xi32, #tpu.memory_space<vmem>>
        %dma_start3A_200 = arith.constant 0 : i32
        %dma_start3A_201 = arith.constant 0 : i32
        %dma_start3A_202 = tpu.memref_slice %arg10[%dma_start3A_200, %dma_start3A_201] : memref<10240x48xf32, #tpu.memory_space<vmem_shared>> -> memref<10240x48xf32, #tpu.memory_space<vmem_shared>>
        tpu.enqueue_indirect_dma source(%dma_start3A_196 : memref<128x48xf32, #tpu.memory_space<vmem>>) target(%dma_start3A_202 : memref<10240x48xf32, #tpu.memory_space<vmem_shared>>) offsets(%dma_start3A_199 : memref<128xi32, #tpu.memory_space<vmem>>) semaphore(%arg17 : memref<!tpu.dma_semaphore, #tpu.memory_space<semaphore_mem>>) {add = true}
      } else {
      }
      %add3A_143 = arith.constant 3 : i32
      %add3A_144 = arith.addi %mul3A_125, %add3A_143 : i32
      %lt3A_145 = arith.cmpi slt, %add3A_144, %sub3A_47 : i32
      %convert_element_type3A_146 = arith.extui %lt3A_145 : i1 to i32
      %cond3A_147 = arith.constant 0 : i32
      %cond3A_148 = arith.cmpi ne, %convert_element_type3A_146, %cond3A_147 : i32
      scf.if %cond3A_148 {
        %add3A_181 = arith.constant 3 : i32
        %add3A_182 = arith.addi %mul3A_125, %add3A_181 : i32
        %dma_wait3A = arith.constant 3 : i32
        %dma_wait3A_183 = arith.constant 0 : i32
        %dma_wait3A_184 = arith.constant 0 : i32
        %dma_wait3A_185 = tpu.memref_slice %arg9[%dma_wait3A, %dma_wait3A_183, %dma_wait3A_184] : memref<4x128x48xf32, #tpu.memory_space<vmem>> -> memref<1x128x48xf32, #tpu.memory_space<vmem>>
        %dma_wait3A_186 = tpu.memref_squeeze %dma_wait3A_185 : memref<1x128x48xf32, #tpu.memory_space<vmem>> -> memref<128x48xf32, #tpu.memory_space<vmem>>
        %dma_wait3A_187 = arith.constant 0 : i32
        %dma_wait3A_188 = tpu.memref_slice %arg7[%add3A_182, %dma_wait3A_187] : memref<40x128xi32, #tpu.memory_space<vmem>> -> memref<1x128xi32, #tpu.memory_space<vmem>>
        %dma_wait3A_189 = tpu.memref_squeeze %dma_wait3A_188 : memref<1x128xi32, #tpu.memory_space<vmem>> -> memref<128xi32, #tpu.memory_space<vmem>>
        %dma_wait3A_190 = arith.constant 0 : i32
        %dma_wait3A_191 = arith.constant 0 : i32
        %dma_wait3A_192 = tpu.memref_slice %arg2[%dma_wait3A_190, %dma_wait3A_191] : memref<10000x48xf32, #tpu.memory_space<hbm>> -> memref<10000x48xf32, #tpu.memory_space<hbm>>
        tpu.wait_indirect_dma semaphore(%arg14 : memref<!tpu.dma_semaphore, #tpu.memory_space<semaphore_mem>>) src(%dma_wait3A_192 : memref<10000x48xf32, #tpu.memory_space<hbm>>) dst(%dma_wait3A_186 : memref<128x48xf32, #tpu.memory_space<vmem>>)
        %dma_start3A = arith.constant 3 : i32
        %dma_start3A_193 = arith.constant 0 : i32
        %dma_start3A_194 = arith.constant 0 : i32
        %dma_start3A_195 = tpu.memref_slice %arg9[%dma_start3A, %dma_start3A_193, %dma_start3A_194] : memref<4x128x48xf32, #tpu.memory_space<vmem>> -> memref<1x128x48xf32, #tpu.memory_space<vmem>>
        %dma_start3A_196 = tpu.memref_squeeze %dma_start3A_195 : memref<1x128x48xf32, #tpu.memory_space<vmem>> -> memref<128x48xf32, #tpu.memory_space<vmem>>
        %dma_start3A_197 = arith.constant 0 : i32
        %dma_start3A_198 = tpu.memref_slice %arg8[%add3A_182, %dma_start3A_197] : memref<40x128xi32, #tpu.memory_space<vmem>> -> memref<1x128xi32, #tpu.memory_space<vmem>>
        %dma_start3A_199 = tpu.memref_squeeze %dma_start3A_198 : memref<1x128xi32, #tpu.memory_space<vmem>> -> memref<128xi32, #tpu.memory_space<vmem>>
        %dma_start3A_200 = arith.constant 0 : i32
        %dma_start3A_201 = arith.constant 0 : i32
        %dma_start3A_202 = tpu.memref_slice %arg10[%dma_start3A_200, %dma_start3A_201] : memref<10240x48xf32, #tpu.memory_space<vmem_shared>> -> memref<10240x48xf32, #tpu.memory_space<vmem_shared>>
        tpu.enqueue_indirect_dma source(%dma_start3A_196 : memref<128x48xf32, #tpu.memory_space<vmem>>) target(%dma_start3A_202 : memref<10240x48xf32, #tpu.memory_space<vmem_shared>>) offsets(%dma_start3A_199 : memref<128xi32, #tpu.memory_space<vmem>>) semaphore(%arg18 : memref<!tpu.dma_semaphore, #tpu.memory_space<semaphore_mem>>) {add = true}
      } else {
      }
      %add3A_149 = arith.constant 0 : i32
      %add3A_150 = arith.addi %mul3A_125, %add3A_149 : i32
      %add3A_151 = arith.constant 4 : i32
      %add3A_152 = arith.addi %add3A_150, %add3A_151 : i32
      %lt3A_153 = arith.cmpi slt, %add3A_152, %sub3A_47 : i32
      %convert_element_type3A_154 = arith.extui %lt3A_153 : i1 to i32
      %cond3A_155 = arith.constant 0 : i32
      %cond3A_156 = arith.cmpi ne, %convert_element_type3A_154, %cond3A_155 : i32
      scf.if %cond3A_156 {
        %add3A_181 = arith.constant 0 : i32
        %add3A_182 = arith.addi %mul3A_125, %add3A_181 : i32
        %dma_wait3A = arith.constant 0 : i32
        %dma_wait3A_183 = arith.constant 0 : i32
        %dma_wait3A_184 = arith.constant 0 : i32
        %dma_wait3A_185 = tpu.memref_slice %arg9[%dma_wait3A, %dma_wait3A_183, %dma_wait3A_184] : memref<4x128x48xf32, #tpu.memory_space<vmem>> -> memref<1x128x48xf32, #tpu.memory_space<vmem>>
        %dma_wait3A_186 = tpu.memref_squeeze %dma_wait3A_185 : memref<1x128x48xf32, #tpu.memory_space<vmem>> -> memref<128x48xf32, #tpu.memory_space<vmem>>
        %dma_wait3A_187 = arith.constant 0 : i32
        %dma_wait3A_188 = tpu.memref_slice %arg8[%add3A_182, %dma_wait3A_187] : memref<40x128xi32, #tpu.memory_space<vmem>> -> memref<1x128xi32, #tpu.memory_space<vmem>>
        %dma_wait3A_189 = tpu.memref_squeeze %dma_wait3A_188 : memref<1x128xi32, #tpu.memory_space<vmem>> -> memref<128xi32, #tpu.memory_space<vmem>>
        %dma_wait3A_190 = arith.constant 0 : i32
        %dma_wait3A_191 = arith.constant 0 : i32
        %dma_wait3A_192 = tpu.memref_slice %arg10[%dma_wait3A_190, %dma_wait3A_191] : memref<10240x48xf32, #tpu.memory_space<vmem_shared>> -> memref<10240x48xf32, #tpu.memory_space<vmem_shared>>
        tpu.wait_indirect_dma semaphore(%arg15 : memref<!tpu.dma_semaphore, #tpu.memory_space<semaphore_mem>>) src(%dma_wait3A_186 : memref<128x48xf32, #tpu.memory_space<vmem>>) dst(%dma_wait3A_192 : memref<10240x48xf32, #tpu.memory_space<vmem_shared>>)
        %add3A_193 = arith.constant 4 : i32
        %add3A_194 = arith.addi %add3A_182, %add3A_193 : i32
        %dma_start3A = arith.constant 0 : i32
        %dma_start3A_195 = arith.constant 0 : i32
        %dma_start3A_196 = arith.constant 0 : i32
        %dma_start3A_197 = tpu.memref_slice %arg9[%dma_start3A, %dma_start3A_195, %dma_start3A_196] : memref<4x128x48xf32, #tpu.memory_space<vmem>> -> memref<1x128x48xf32, #tpu.memory_space<vmem>>
        %dma_start3A_198 = tpu.memref_squeeze %dma_start3A_197 : memref<1x128x48xf32, #tpu.memory_space<vmem>> -> memref<128x48xf32, #tpu.memory_space<vmem>>
        %dma_start3A_199 = arith.constant 0 : i32
        %dma_start3A_200 = tpu.memref_slice %arg7[%add3A_194, %dma_start3A_199] : memref<40x128xi32, #tpu.memory_space<vmem>> -> memref<1x128xi32, #tpu.memory_space<vmem>>
        %dma_start3A_201 = tpu.memref_squeeze %dma_start3A_200 : memref<1x128xi32, #tpu.memory_space<vmem>> -> memref<128xi32, #tpu.memory_space<vmem>>
        %dma_start3A_202 = arith.constant 0 : i32
        %dma_start3A_203 = arith.constant 0 : i32
        %dma_start3A_204 = tpu.memref_slice %arg2[%dma_start3A_202, %dma_start3A_203] : memref<10000x48xf32, #tpu.memory_space<hbm>> -> memref<10000x48xf32, #tpu.memory_space<hbm>>
        tpu.enqueue_indirect_dma source(%dma_start3A_204 : memref<10000x48xf32, #tpu.memory_space<hbm>>) target(%dma_start3A_198 : memref<128x48xf32, #tpu.memory_space<vmem>>) offsets(%dma_start3A_201 : memref<128xi32, #tpu.memory_space<vmem>>) semaphore(%arg11 : memref<!tpu.dma_semaphore, #tpu.memory_space<semaphore_mem>>)
      } else {
      }
      %add3A_157 = arith.constant 1 : i32
      %add3A_158 = arith.addi %mul3A_125, %add3A_157 : i32
      %add3A_159 = arith.constant 4 : i32
      %add3A_160 = arith.addi %add3A_158, %add3A_159 : i32
      %lt3A_161 = arith.cmpi slt, %add3A_160, %sub3A_47 : i32
      %convert_element_type3A_162 = arith.extui %lt3A_161 : i1 to i32
      %cond3A_163 = arith.constant 0 : i32
      %cond3A_164 = arith.cmpi ne, %convert_element_type3A_162, %cond3A_163 : i32
      scf.if %cond3A_164 {
        %add3A_181 = arith.constant 1 : i32
        %add3A_182 = arith.addi %mul3A_125, %add3A_181 : i32
        %dma_wait3A = arith.constant 1 : i32
        %dma_wait3A_183 = arith.constant 0 : i32
        %dma_wait3A_184 = arith.constant 0 : i32
        %dma_wait3A_185 = tpu.memref_slice %arg9[%dma_wait3A, %dma_wait3A_183, %dma_wait3A_184] : memref<4x128x48xf32, #tpu.memory_space<vmem>> -> memref<1x128x48xf32, #tpu.memory_space<vmem>>
        %dma_wait3A_186 = tpu.memref_squeeze %dma_wait3A_185 : memref<1x128x48xf32, #tpu.memory_space<vmem>> -> memref<128x48xf32, #tpu.memory_space<vmem>>
        %dma_wait3A_187 = arith.constant 0 : i32
        %dma_wait3A_188 = tpu.memref_slice %arg8[%add3A_182, %dma_wait3A_187] : memref<40x128xi32, #tpu.memory_space<vmem>> -> memref<1x128xi32, #tpu.memory_space<vmem>>
        %dma_wait3A_189 = tpu.memref_squeeze %dma_wait3A_188 : memref<1x128xi32, #tpu.memory_space<vmem>> -> memref<128xi32, #tpu.memory_space<vmem>>
        %dma_wait3A_190 = arith.constant 0 : i32
        %dma_wait3A_191 = arith.constant 0 : i32
        %dma_wait3A_192 = tpu.memref_slice %arg10[%dma_wait3A_190, %dma_wait3A_191] : memref<10240x48xf32, #tpu.memory_space<vmem_shared>> -> memref<10240x48xf32, #tpu.memory_space<vmem_shared>>
        tpu.wait_indirect_dma semaphore(%arg16 : memref<!tpu.dma_semaphore, #tpu.memory_space<semaphore_mem>>) src(%dma_wait3A_186 : memref<128x48xf32, #tpu.memory_space<vmem>>) dst(%dma_wait3A_192 : memref<10240x48xf32, #tpu.memory_space<vmem_shared>>)
        %add3A_193 = arith.constant 4 : i32
        %add3A_194 = arith.addi %add3A_182, %add3A_193 : i32
        %dma_start3A = arith.constant 1 : i32
        %dma_start3A_195 = arith.constant 0 : i32
        %dma_start3A_196 = arith.constant 0 : i32
        %dma_start3A_197 = tpu.memref_slice %arg9[%dma_start3A, %dma_start3A_195, %dma_start3A_196] : memref<4x128x48xf32, #tpu.memory_space<vmem>> -> memref<1x128x48xf32, #tpu.memory_space<vmem>>
        %dma_start3A_198 = tpu.memref_squeeze %dma_start3A_197 : memref<1x128x48xf32, #tpu.memory_space<vmem>> -> memref<128x48xf32, #tpu.memory_space<vmem>>
        %dma_start3A_199 = arith.constant 0 : i32
        %dma_start3A_200 = tpu.memref_slice %arg7[%add3A_194, %dma_start3A_199] : memref<40x128xi32, #tpu.memory_space<vmem>> -> memref<1x128xi32, #tpu.memory_space<vmem>>
        %dma_start3A_201 = tpu.memref_squeeze %dma_start3A_200 : memref<1x128xi32, #tpu.memory_space<vmem>> -> memref<128xi32, #tpu.memory_space<vmem>>
        %dma_start3A_202 = arith.constant 0 : i32
        %dma_start3A_203 = arith.constant 0 : i32
        %dma_start3A_204 = tpu.memref_slice %arg2[%dma_start3A_202, %dma_start3A_203] : memref<10000x48xf32, #tpu.memory_space<hbm>> -> memref<10000x48xf32, #tpu.memory_space<hbm>>
        tpu.enqueue_indirect_dma source(%dma_start3A_204 : memref<10000x48xf32, #tpu.memory_space<hbm>>) target(%dma_start3A_198 : memref<128x48xf32, #tpu.memory_space<vmem>>) offsets(%dma_start3A_201 : memref<128xi32, #tpu.memory_space<vmem>>) semaphore(%arg12 : memref<!tpu.dma_semaphore, #tpu.memory_space<semaphore_mem>>)
      } else {
      }
      %add3A_165 = arith.constant 2 : i32
      %add3A_166 = arith.addi %mul3A_125, %add3A_165 : i32
      %add3A_167 = arith.constant 4 : i32
      %add3A_168 = arith.addi %add3A_166, %add3A_167 : i32
      %lt3A_169 = arith.cmpi slt, %add3A_168, %sub3A_47 : i32
      %convert_element_type3A_170 = arith.extui %lt3A_169 : i1 to i32
      %cond3A_171 = arith.constant 0 : i32
      %cond3A_172 = arith.cmpi ne, %convert_element_type3A_170, %cond3A_171 : i32
      scf.if %cond3A_172 {
        %add3A_181 = arith.constant 2 : i32
        %add3A_182 = arith.addi %mul3A_125, %add3A_181 : i32
        %dma_wait3A = arith.constant 2 : i32
        %dma_wait3A_183 = arith.constant 0 : i32
        %dma_wait3A_184 = arith.constant 0 : i32
        %dma_wait3A_185 = tpu.memref_slice %arg9[%dma_wait3A, %dma_wait3A_183, %dma_wait3A_184] : memref<4x128x48xf32, #tpu.memory_space<vmem>> -> memref<1x128x48xf32, #tpu.memory_space<vmem>>
        %dma_wait3A_186 = tpu.memref_squeeze %dma_wait3A_185 : memref<1x128x48xf32, #tpu.memory_space<vmem>> -> memref<128x48xf32, #tpu.memory_space<vmem>>
        %dma_wait3A_187 = arith.constant 0 : i32
        %dma_wait3A_188 = tpu.memref_slice %arg8[%add3A_182, %dma_wait3A_187] : memref<40x128xi32, #tpu.memory_space<vmem>> -> memref<1x128xi32, #tpu.memory_space<vmem>>
        %dma_wait3A_189 = tpu.memref_squeeze %dma_wait3A_188 : memref<1x128xi32, #tpu.memory_space<vmem>> -> memref<128xi32, #tpu.memory_space<vmem>>
        %dma_wait3A_190 = arith.constant 0 : i32
        %dma_wait3A_191 = arith.constant 0 : i32
        %dma_wait3A_192 = tpu.memref_slice %arg10[%dma_wait3A_190, %dma_wait3A_191] : memref<10240x48xf32, #tpu.memory_space<vmem_shared>> -> memref<10240x48xf32, #tpu.memory_space<vmem_shared>>
        tpu.wait_indirect_dma semaphore(%arg17 : memref<!tpu.dma_semaphore, #tpu.memory_space<semaphore_mem>>) src(%dma_wait3A_186 : memref<128x48xf32, #tpu.memory_space<vmem>>) dst(%dma_wait3A_192 : memref<10240x48xf32, #tpu.memory_space<vmem_shared>>)
        %add3A_193 = arith.constant 4 : i32
        %add3A_194 = arith.addi %add3A_182, %add3A_193 : i32
        %dma_start3A = arith.constant 2 : i32
        %dma_start3A_195 = arith.constant 0 : i32
        %dma_start3A_196 = arith.constant 0 : i32
        %dma_start3A_197 = tpu.memref_slice %arg9[%dma_start3A, %dma_start3A_195, %dma_start3A_196] : memref<4x128x48xf32, #tpu.memory_space<vmem>> -> memref<1x128x48xf32, #tpu.memory_space<vmem>>
        %dma_start3A_198 = tpu.memref_squeeze %dma_start3A_197 : memref<1x128x48xf32, #tpu.memory_space<vmem>> -> memref<128x48xf32, #tpu.memory_space<vmem>>
        %dma_start3A_199 = arith.constant 0 : i32
        %dma_start3A_200 = tpu.memref_slice %arg7[%add3A_194, %dma_start3A_199] : memref<40x128xi32, #tpu.memory_space<vmem>> -> memref<1x128xi32, #tpu.memory_space<vmem>>
        %dma_start3A_201 = tpu.memref_squeeze %dma_start3A_200 : memref<1x128xi32, #tpu.memory_space<vmem>> -> memref<128xi32, #tpu.memory_space<vmem>>
        %dma_start3A_202 = arith.constant 0 : i32
        %dma_start3A_203 = arith.constant 0 : i32
        %dma_start3A_204 = tpu.memref_slice %arg2[%dma_start3A_202, %dma_start3A_203] : memref<10000x48xf32, #tpu.memory_space<hbm>> -> memref<10000x48xf32, #tpu.memory_space<hbm>>
        tpu.enqueue_indirect_dma source(%dma_start3A_204 : memref<10000x48xf32, #tpu.memory_space<hbm>>) target(%dma_start3A_198 : memref<128x48xf32, #tpu.memory_space<vmem>>) offsets(%dma_start3A_201 : memref<128xi32, #tpu.memory_space<vmem>>) semaphore(%arg13 : memref<!tpu.dma_semaphore, #tpu.memory_space<semaphore_mem>>)
      } else {
      }
      %add3A_173 = arith.constant 3 : i32
      %add3A_174 = arith.addi %mul3A_125, %add3A_173 : i32
      %add3A_175 = arith.constant 4 : i32
      %add3A_176 = arith.addi %add3A_174, %add3A_175 : i32
      %lt3A_177 = arith.cmpi slt, %add3A_176, %sub3A_47 : i32
      %convert_element_type3A_178 = arith.extui %lt3A_177 : i1 to i32
      %cond3A_179 = arith.constant 0 : i32
      %cond3A_180 = arith.cmpi ne, %convert_element_type3A_178, %cond3A_179 : i32
      scf.if %cond3A_180 {
        %add3A_181 = arith.constant 3 : i32
        %add3A_182 = arith.addi %mul3A_125, %add3A_181 : i32
        %dma_wait3A = arith.constant 3 : i32
        %dma_wait3A_183 = arith.constant 0 : i32
        %dma_wait3A_184 = arith.constant 0 : i32
        %dma_wait3A_185 = tpu.memref_slice %arg9[%dma_wait3A, %dma_wait3A_183, %dma_wait3A_184] : memref<4x128x48xf32, #tpu.memory_space<vmem>> -> memref<1x128x48xf32, #tpu.memory_space<vmem>>
        %dma_wait3A_186 = tpu.memref_squeeze %dma_wait3A_185 : memref<1x128x48xf32, #tpu.memory_space<vmem>> -> memref<128x48xf32, #tpu.memory_space<vmem>>
        %dma_wait3A_187 = arith.constant 0 : i32
        %dma_wait3A_188 = tpu.memref_slice %arg8[%add3A_182, %dma_wait3A_187] : memref<40x128xi32, #tpu.memory_space<vmem>> -> memref<1x128xi32, #tpu.memory_space<vmem>>
        %dma_wait3A_189 = tpu.memref_squeeze %dma_wait3A_188 : memref<1x128xi32, #tpu.memory_space<vmem>> -> memref<128xi32, #tpu.memory_space<vmem>>
        %dma_wait3A_190 = arith.constant 0 : i32
        %dma_wait3A_191 = arith.constant 0 : i32
        %dma_wait3A_192 = tpu.memref_slice %arg10[%dma_wait3A_190, %dma_wait3A_191] : memref<10240x48xf32, #tpu.memory_space<vmem_shared>> -> memref<10240x48xf32, #tpu.memory_space<vmem_shared>>
        tpu.wait_indirect_dma semaphore(%arg18 : memref<!tpu.dma_semaphore, #tpu.memory_space<semaphore_mem>>) src(%dma_wait3A_186 : memref<128x48xf32, #tpu.memory_space<vmem>>) dst(%dma_wait3A_192 : memref<10240x48xf32, #tpu.memory_space<vmem_shared>>)
        %add3A_193 = arith.constant 4 : i32
        %add3A_194 = arith.addi %add3A_182, %add3A_193 : i32
        %dma_start3A = arith.constant 3 : i32
        %dma_start3A_195 = arith.constant 0 : i32
        %dma_start3A_196 = arith.constant 0 : i32
        %dma_start3A_197 = tpu.memref_slice %arg9[%dma_start3A, %dma_start3A_195, %dma_start3A_196] : memref<4x128x48xf32, #tpu.memory_space<vmem>> -> memref<1x128x48xf32, #tpu.memory_space<vmem>>
        %dma_start3A_198 = tpu.memref_squeeze %dma_start3A_197 : memref<1x128x48xf32, #tpu.memory_space<vmem>> -> memref<128x48xf32, #tpu.memory_space<vmem>>
        %dma_start3A_199 = arith.constant 0 : i32
        %dma_start3A_200 = tpu.memref_slice %arg7[%add3A_194, %dma_start3A_199] : memref<40x128xi32, #tpu.memory_space<vmem>> -> memref<1x128xi32, #tpu.memory_space<vmem>>
        %dma_start3A_201 = tpu.memref_squeeze %dma_start3A_200 : memref<1x128xi32, #tpu.memory_space<vmem>> -> memref<128xi32, #tpu.memory_space<vmem>>
        %dma_start3A_202 = arith.constant 0 : i32
        %dma_start3A_203 = arith.constant 0 : i32
        %dma_start3A_204 = tpu.memref_slice %arg2[%dma_start3A_202, %dma_start3A_203] : memref<10000x48xf32, #tpu.memory_space<hbm>> -> memref<10000x48xf32, #tpu.memory_space<hbm>>
        tpu.enqueue_indirect_dma source(%dma_start3A_204 : memref<10000x48xf32, #tpu.memory_space<hbm>>) target(%dma_start3A_198 : memref<128x48xf32, #tpu.memory_space<vmem>>) offsets(%dma_start3A_201 : memref<128xi32, #tpu.memory_space<vmem>>) semaphore(%arg14 : memref<!tpu.dma_semaphore, #tpu.memory_space<semaphore_mem>>)
      } else {
      }
    }
    %scan3A_97 = arith.constant 10 : i32
    %gt3A_98 = arith.constant 0 : i32
    %gt3A_99 = arith.cmpi sgt, %sub3A_47, %gt3A_98 : i32
    %convert_element_type3A_100 = arith.extui %gt3A_99 : i1 to i32
    %cond3A_101 = arith.constant 0 : i32
    %cond3A_102 = arith.cmpi ne, %convert_element_type3A_100, %cond3A_101 : i32
    scf.if %cond3A_102 {
      %dma_wait3A = arith.constant 0 : i32
      %dma_wait3A_123 = arith.constant 0 : i32
      %dma_wait3A_124 = arith.constant 0 : i32
      %dma_wait3A_125 = arith.constant 0 : i32
      %dma_wait3A_126 = tpu.memref_slice %arg9[%dma_wait3A, %dma_wait3A_124, %dma_wait3A_125] : memref<4x128x48xf32, #tpu.memory_space<vmem>> -> memref<1x128x48xf32, #tpu.memory_space<vmem>>
      %dma_wait3A_127 = tpu.memref_squeeze %dma_wait3A_126 : memref<1x128x48xf32, #tpu.memory_space<vmem>> -> memref<128x48xf32, #tpu.memory_space<vmem>>
      %dma_wait3A_128 = arith.constant 0 : i32
      %dma_wait3A_129 = tpu.memref_slice %arg8[%dma_wait3A_123, %dma_wait3A_128] : memref<40x128xi32, #tpu.memory_space<vmem>> -> memref<1x128xi32, #tpu.memory_space<vmem>>
      %dma_wait3A_130 = tpu.memref_squeeze %dma_wait3A_129 : memref<1x128xi32, #tpu.memory_space<vmem>> -> memref<128xi32, #tpu.memory_space<vmem>>
      %dma_wait3A_131 = arith.constant 0 : i32
      %dma_wait3A_132 = arith.constant 0 : i32
      %dma_wait3A_133 = tpu.memref_slice %arg10[%dma_wait3A_131, %dma_wait3A_132] : memref<10240x48xf32, #tpu.memory_space<vmem_shared>> -> memref<10240x48xf32, #tpu.memory_space<vmem_shared>>
      tpu.wait_indirect_dma semaphore(%arg15 : memref<!tpu.dma_semaphore, #tpu.memory_space<semaphore_mem>>) src(%dma_wait3A_127 : memref<128x48xf32, #tpu.memory_space<vmem>>) dst(%dma_wait3A_133 : memref<10240x48xf32, #tpu.memory_space<vmem_shared>>)
    } else {
    }
    %gt3A_103 = arith.constant 1 : i32
    %gt3A_104 = arith.cmpi sgt, %sub3A_47, %gt3A_103 : i32
    %convert_element_type3A_105 = arith.extui %gt3A_104 : i1 to i32
    %cond3A_106 = arith.constant 0 : i32
    %cond3A_107 = arith.cmpi ne, %convert_element_type3A_105, %cond3A_106 : i32
    scf.if %cond3A_107 {
      %dma_wait3A = arith.constant 1 : i32
      %dma_wait3A_123 = arith.constant 0 : i32
      %dma_wait3A_124 = arith.constant 0 : i32
      %dma_wait3A_125 = arith.constant 0 : i32
      %dma_wait3A_126 = tpu.memref_slice %arg9[%dma_wait3A, %dma_wait3A_124, %dma_wait3A_125] : memref<4x128x48xf32, #tpu.memory_space<vmem>> -> memref<1x128x48xf32, #tpu.memory_space<vmem>>
      %dma_wait3A_127 = tpu.memref_squeeze %dma_wait3A_126 : memref<1x128x48xf32, #tpu.memory_space<vmem>> -> memref<128x48xf32, #tpu.memory_space<vmem>>
      %dma_wait3A_128 = arith.constant 0 : i32
      %dma_wait3A_129 = tpu.memref_slice %arg8[%dma_wait3A_123, %dma_wait3A_128] : memref<40x128xi32, #tpu.memory_space<vmem>> -> memref<1x128xi32, #tpu.memory_space<vmem>>
      %dma_wait3A_130 = tpu.memref_squeeze %dma_wait3A_129 : memref<1x128xi32, #tpu.memory_space<vmem>> -> memref<128xi32, #tpu.memory_space<vmem>>
      %dma_wait3A_131 = arith.constant 0 : i32
      %dma_wait3A_132 = arith.constant 0 : i32
      %dma_wait3A_133 = tpu.memref_slice %arg10[%dma_wait3A_131, %dma_wait3A_132] : memref<10240x48xf32, #tpu.memory_space<vmem_shared>> -> memref<10240x48xf32, #tpu.memory_space<vmem_shared>>
      tpu.wait_indirect_dma semaphore(%arg16 : memref<!tpu.dma_semaphore, #tpu.memory_space<semaphore_mem>>) src(%dma_wait3A_127 : memref<128x48xf32, #tpu.memory_space<vmem>>) dst(%dma_wait3A_133 : memref<10240x48xf32, #tpu.memory_space<vmem_shared>>)
    } else {
    }
    %gt3A_108 = arith.constant 2 : i32
    %gt3A_109 = arith.cmpi sgt, %sub3A_47, %gt3A_108 : i32
    %convert_element_type3A_110 = arith.extui %gt3A_109 : i1 to i32
    %cond3A_111 = arith.constant 0 : i32
    %cond3A_112 = arith.cmpi ne, %convert_element_type3A_110, %cond3A_111 : i32
    scf.if %cond3A_112 {
      %dma_wait3A = arith.constant 2 : i32
      %dma_wait3A_123 = arith.constant 0 : i32
      %dma_wait3A_124 = arith.constant 0 : i32
      %dma_wait3A_125 = arith.constant 0 : i32
      %dma_wait3A_126 = tpu.memref_slice %arg9[%dma_wait3A, %dma_wait3A_124, %dma_wait3A_125] : memref<4x128x48xf32, #tpu.memory_space<vmem>> -> memref<1x128x48xf32, #tpu.memory_space<vmem>>
      %dma_wait3A_127 = tpu.memref_squeeze %dma_wait3A_126 : memref<1x128x48xf32, #tpu.memory_space<vmem>> -> memref<128x48xf32, #tpu.memory_space<vmem>>
      %dma_wait3A_128 = arith.constant 0 : i32
      %dma_wait3A_129 = tpu.memref_slice %arg8[%dma_wait3A_123, %dma_wait3A_128] : memref<40x128xi32, #tpu.memory_space<vmem>> -> memref<1x128xi32, #tpu.memory_space<vmem>>
      %dma_wait3A_130 = tpu.memref_squeeze %dma_wait3A_129 : memref<1x128xi32, #tpu.memory_space<vmem>> -> memref<128xi32, #tpu.memory_space<vmem>>
      %dma_wait3A_131 = arith.constant 0 : i32
      %dma_wait3A_132 = arith.constant 0 : i32
      %dma_wait3A_133 = tpu.memref_slice %arg10[%dma_wait3A_131, %dma_wait3A_132] : memref<10240x48xf32, #tpu.memory_space<vmem_shared>> -> memref<10240x48xf32, #tpu.memory_space<vmem_shared>>
      tpu.wait_indirect_dma semaphore(%arg17 : memref<!tpu.dma_semaphore, #tpu.memory_space<semaphore_mem>>) src(%dma_wait3A_127 : memref<128x48xf32, #tpu.memory_space<vmem>>) dst(%dma_wait3A_133 : memref<10240x48xf32, #tpu.memory_space<vmem_shared>>)
    } else {
    }
    %gt3A_113 = arith.constant 3 : i32
    %gt3A_114 = arith.cmpi sgt, %sub3A_47, %gt3A_113 : i32
    %convert_element_type3A_115 = arith.extui %gt3A_114 : i1 to i32
    %cond3A_116 = arith.constant 0 : i32
    %cond3A_117 = arith.cmpi ne, %convert_element_type3A_115, %cond3A_116 : i32
    scf.if %cond3A_117 {
      %dma_wait3A = arith.constant 3 : i32
      %dma_wait3A_123 = arith.constant 0 : i32
      %dma_wait3A_124 = arith.constant 0 : i32
      %dma_wait3A_125 = arith.constant 0 : i32
      %dma_wait3A_126 = tpu.memref_slice %arg9[%dma_wait3A, %dma_wait3A_124, %dma_wait3A_125] : memref<4x128x48xf32, #tpu.memory_space<vmem>> -> memref<1x128x48xf32, #tpu.memory_space<vmem>>
      %dma_wait3A_127 = tpu.memref_squeeze %dma_wait3A_126 : memref<1x128x48xf32, #tpu.memory_space<vmem>> -> memref<128x48xf32, #tpu.memory_space<vmem>>
      %dma_wait3A_128 = arith.constant 0 : i32
      %dma_wait3A_129 = tpu.memref_slice %arg8[%dma_wait3A_123, %dma_wait3A_128] : memref<40x128xi32, #tpu.memory_space<vmem>> -> memref<1x128xi32, #tpu.memory_space<vmem>>
      %dma_wait3A_130 = tpu.memref_squeeze %dma_wait3A_129 : memref<1x128xi32, #tpu.memory_space<vmem>> -> memref<128xi32, #tpu.memory_space<vmem>>
      %dma_wait3A_131 = arith.constant 0 : i32
      %dma_wait3A_132 = arith.constant 0 : i32
      %dma_wait3A_133 = tpu.memref_slice %arg10[%dma_wait3A_131, %dma_wait3A_132] : memref<10240x48xf32, #tpu.memory_space<vmem_shared>> -> memref<10240x48xf32, #tpu.memory_space<vmem_shared>>
      tpu.wait_indirect_dma semaphore(%arg18 : memref<!tpu.dma_semaphore, #tpu.memory_space<semaphore_mem>>) src(%dma_wait3A_127 : memref<128x48xf32, #tpu.memory_space<vmem>>) dst(%dma_wait3A_133 : memref<10240x48xf32, #tpu.memory_space<vmem_shared>>)
    } else {
    }
    %barrier3A_118 = arith.constant 0 : index
    tpu.barrier barrier_id(%barrier3A_118)
    %mul3A_119 = arith.constant 640 : i32
    %mul3A_120 = arith.muli %arg1, %mul3A_119 : i32
    "tpu.region"() ({
      %run_scoped3A_123 = tpu.sem_alloc : memref<!tpu.dma_semaphore, #tpu.memory_space<semaphore_mem>>
      %dma_start3A = arith.constant 0 : i32
      %dma_start3A_124 = tpu.memref_slice %arg10[%mul3A_120, %dma_start3A] : memref<10240x48xf32, #tpu.memory_space<vmem_shared>> -> memref<640x48xf32, #tpu.memory_space<vmem_shared>>
      %dma_start3A_125 = arith.constant 0 : i32
      %dma_start3A_126 = tpu.memref_slice %arg10[%mul3A_120, %dma_start3A_125] : memref<10240x48xf32, #tpu.memory_space<vmem_shared>> -> memref<640x48xf32, #tpu.memory_space<vmem_shared>>
      tpu.enqueue_dma source(%dma_start3A_126 : memref<640x48xf32, #tpu.memory_space<vmem_shared>>) target(%arg6 : memref<640x48xf32, #tpu.memory_space<vmem>>) target_semaphore(%run_scoped3A_123 : memref<!tpu.dma_semaphore, #tpu.memory_space<semaphore_mem>>)
      %dma_wait3A = arith.constant 0 : i32
      %dma_wait3A_127 = tpu.memref_slice %arg10[%mul3A_120, %dma_wait3A] : memref<10240x48xf32, #tpu.memory_space<vmem_shared>> -> memref<640x48xf32, #tpu.memory_space<vmem_shared>>
      %dma_wait3A_128 = arith.constant 0 : i32
      %dma_wait3A_129 = tpu.memref_slice %arg10[%mul3A_120, %dma_wait3A_128] : memref<10240x48xf32, #tpu.memory_space<vmem_shared>> -> memref<640x48xf32, #tpu.memory_space<vmem_shared>>
      tpu.wait_dma2 semaphore(%run_scoped3A_123 : memref<!tpu.dma_semaphore, #tpu.memory_space<semaphore_mem>>) src(%dma_wait3A_129 : memref<640x48xf32, #tpu.memory_space<vmem_shared>>) dst(%arg6 : memref<640x48xf32, #tpu.memory_space<vmem>>)
      tpu.yield
    }) : () -> ()
    %mul3A_121 = arith.constant 640 : i32
    %mul3A_122 = arith.muli %arg1, %mul3A_121 : i32
    "tpu.region"() ({
      %run_scoped3A_123 = tpu.sem_alloc : memref<!tpu.dma_semaphore, #tpu.memory_space<semaphore_mem>>
      %dma_start3A = arith.constant 0 : i32
      %dma_start3A_124 = tpu.memref_slice %arg4[%arg0, %mul3A_122, %dma_start3A] : memref<2x10240x48xf32, #tpu.memory_space<hbm>> -> memref<1x640x48xf32, #tpu.memory_space<hbm>>
      %dma_start3A_125 = tpu.memref_squeeze %dma_start3A_124 : memref<1x640x48xf32, #tpu.memory_space<hbm>> -> memref<640x48xf32, #tpu.memory_space<hbm>>
      %dma_start3A_126 = arith.constant 0 : i32
      %dma_start3A_127 = tpu.memref_slice %arg4[%arg0, %mul3A_122, %dma_start3A_126] : memref<2x10240x48xf32, #tpu.memory_space<hbm>> -> memref<1x640x48xf32, #tpu.memory_space<hbm>>
      %dma_start3A_128 = tpu.memref_squeeze %dma_start3A_127 : memref<1x640x48xf32, #tpu.memory_space<hbm>> -> memref<640x48xf32, #tpu.memory_space<hbm>>
      tpu.enqueue_dma source(%arg6 : memref<640x48xf32, #tpu.memory_space<vmem>>) target(%dma_start3A_128 : memref<640x48xf32, #tpu.memory_space<hbm>>) target_semaphore(%run_scoped3A_123 : memref<!tpu.dma_semaphore, #tpu.memory_space<semaphore_mem>>)
      %dma_wait3A = arith.constant 0 : i32
      %dma_wait3A_129 = tpu.memref_slice %arg4[%arg0, %mul3A_122, %dma_wait3A] : memref<2x10240x48xf32, #tpu.memory_space<hbm>> -> memref<1x640x48xf32, #tpu.memory_space<hbm>>
      %dma_wait3A_130 = tpu.memref_squeeze %dma_wait3A_129 : memref<1x640x48xf32, #tpu.memory_space<hbm>> -> memref<640x48xf32, #tpu.memory_space<hbm>>
      %dma_wait3A_131 = arith.constant 0 : i32
      %dma_wait3A_132 = tpu.memref_slice %arg4[%arg0, %mul3A_122, %dma_wait3A_131] : memref<2x10240x48xf32, #tpu.memory_space<hbm>> -> memref<1x640x48xf32, #tpu.memory_space<hbm>>
      %dma_wait3A_133 = tpu.memref_squeeze %dma_wait3A_132 : memref<1x640x48xf32, #tpu.memory_space<hbm>> -> memref<640x48xf32, #tpu.memory_space<hbm>>
      tpu.wait_dma2 semaphore(%run_scoped3A_123 : memref<!tpu.dma_semaphore, #tpu.memory_space<semaphore_mem>>) src(%arg6 : memref<640x48xf32, #tpu.memory_space<vmem>>) dst(%dma_wait3A_133 : memref<640x48xf32, #tpu.memory_space<hbm>>)
      tpu.yield
    }) : () -> ()
    return
  }
}

#map = affine_map<(d0, d1) -> (0, 0)>
#map1 = affine_map<(d0, d1) -> (0, 0, 0)>
module attributes {stable_mosaic.version = 14 : i64} {
  func.func @sc_agg(%arg0: i32, %arg1: i32, %arg2: memref<10000x48xf32, #tpu.memory_space<hbm>>, %arg3: memref<2x1250x128xi32, #tpu.memory_space<hbm>>, %arg4: memref<2x10240x48xf32, #tpu.memory_space<hbm>>, %arg5: memref<128x48xf32, #tpu.memory_space<vmem>>, %arg6: memref<640x48xf32, #tpu.memory_space<vmem>>, %arg7: memref<40x128xi32, #tpu.memory_space<vmem>>, %arg8: memref<40x128xi32, #tpu.memory_space<vmem>>, %arg9: memref<4x128x48xf32, #tpu.memory_space<vmem>>, %arg10: memref<10240x48xf32, #tpu.memory_space<vmem_shared>>, %arg11: memref<!tpu.dma_semaphore, #tpu.memory_space<semaphore_mem>>, %arg12: memref<!tpu.dma_semaphore, #tpu.memory_space<semaphore_mem>>, %arg13: memref<!tpu.dma_semaphore, #tpu.memory_space<semaphore_mem>>, %arg14: memref<!tpu.dma_semaphore, #tpu.memory_space<semaphore_mem>>, %arg15: memref<!tpu.dma_semaphore, #tpu.memory_space<semaphore_mem>>, %arg16: memref<!tpu.dma_semaphore, #tpu.memory_space<semaphore_mem>>, %arg17: memref<!tpu.dma_semaphore, #tpu.memory_space<semaphore_mem>>, %arg18: memref<!tpu.dma_semaphore, #tpu.memory_space<semaphore_mem>>) attributes {dimension_semantics = [#tpu.dimension_semantics<core_parallel>, #tpu.dimension_semantics<subcore_parallel>], iteration_bounds = array<i64: 2, 16>, scalar_prefetch = 0 : i64, scratch_operands = 14 : i64, tpu.core_type = #tpu.core_type<sc_vector_subcore>, window_params = [{transform_indices = #map}, {transform_indices = #map1}, {transform_indices = #map1}]} {
    %mul3A = arith.constant 16 : i32
    %mul3A_0 = arith.muli %arg0, %mul3A : i32
    %add3A = arith.addi %mul3A_0, %arg1 : i32
    %mul3A_1 = arith.constant 1250 : i32
    %mul3A_2 = arith.muli %add3A, %mul3A_1 : i32
    %jit3A = arith.constant 32 : i32
    %div3A = arith.divsi %mul3A_2, %jit3A : i32
    %sign3A = arith.constant 0 : i32
    %sign3A_3 = arith.cmpi sgt, %mul3A_2, %sign3A : i32
    %sign3A_4 = arith.extui %sign3A_3 : i1 to i32
    %sign3A_5 = arith.constant 0 : i32
    %sign3A_6 = arith.cmpi slt, %mul3A_2, %sign3A_5 : i32
    %sign3A_7 = arith.extui %sign3A_6 : i1 to i32
    %sign3A_8 = arith.subi %sign3A_4, %sign3A_7 : i32
    %sign3A_9 = arith.constant 0 : i32
    %sign3A_10 = arith.cmpi sgt, %jit3A, %sign3A_9 : i32
    %sign3A_11 = arith.extui %sign3A_10 : i1 to i32
    %sign3A_12 = arith.constant 0 : i32
    %sign3A_13 = arith.cmpi slt, %jit3A, %sign3A_12 : i32
    %sign3A_14 = arith.extui %sign3A_13 : i1 to i32
    %sign3A_15 = arith.subi %sign3A_11, %sign3A_14 : i32
    %ne3A = arith.cmpi ne, %sign3A_8, %sign3A_15 : i32
    %rem3A = arith.remsi %mul3A_2, %jit3A : i32
    %ne3A_16 = arith.constant 0 : i32
    %ne3A_17 = arith.cmpi ne, %rem3A, %ne3A_16 : i32
    %and3A = arith.andi %ne3A, %ne3A_17 : i1
    %sub3A = arith.constant 1 : i32
    %sub3A_18 = arith.subi %div3A, %sub3A : i32
    %select_n3A = arith.select %and3A, %sub3A_18, %div3A : i32
    %add3A_19 = arith.constant 1 : i32
    %add3A_20 = arith.addi %add3A, %add3A_19 : i32
    %mul3A_21 = arith.constant 1250 : i32
    %mul3A_22 = arith.muli %add3A_20, %mul3A_21 : i32
    %jit3A_23 = arith.constant 32 : i32
    %div3A_24 = arith.divsi %mul3A_22, %jit3A_23 : i32
    %sign3A_25 = arith.constant 0 : i32
    %sign3A_26 = arith.cmpi sgt, %mul3A_22, %sign3A_25 : i32
    %sign3A_27 = arith.extui %sign3A_26 : i1 to i32
    %sign3A_28 = arith.constant 0 : i32
    %sign3A_29 = arith.cmpi slt, %mul3A_22, %sign3A_28 : i32
    %sign3A_30 = arith.extui %sign3A_29 : i1 to i32
    %sign3A_31 = arith.subi %sign3A_27, %sign3A_30 : i32
    %sign3A_32 = arith.constant 0 : i32
    %sign3A_33 = arith.cmpi sgt, %jit3A_23, %sign3A_32 : i32
    %sign3A_34 = arith.extui %sign3A_33 : i1 to i32
    %sign3A_35 = arith.constant 0 : i32
    %sign3A_36 = arith.cmpi slt, %jit3A_23, %sign3A_35 : i32
    %sign3A_37 = arith.extui %sign3A_36 : i1 to i32
    %sign3A_38 = arith.subi %sign3A_34, %sign3A_37 : i32
    %ne3A_39 = arith.cmpi ne, %sign3A_31, %sign3A_38 : i32
    %rem3A_40 = arith.remsi %mul3A_22, %jit3A_23 : i32
    %ne3A_41 = arith.constant 0 : i32
    %ne3A_42 = arith.cmpi ne, %rem3A_40, %ne3A_41 : i32
    %and3A_43 = arith.andi %ne3A_39, %ne3A_42 : i1
    %sub3A_44 = arith.constant 1 : i32
    %sub3A_45 = arith.subi %div3A_24, %sub3A_44 : i32
    %select_n3A_46 = arith.select %and3A_43, %sub3A_45, %div3A_24 : i32
    %sub3A_47 = arith.subi %select_n3A_46, %select_n3A : i32
    %broadcast_in_dim3A = arith.constant 0.000000e+00 : f32
    %broadcast_in_dim3A_48 = vector.broadcast %broadcast_in_dim3A : f32 to vector<16xf32>
    %scan3A = arith.constant 0 : i32
    %scan3A_49 = arith.constant 0 : i32
    %scan3A_50 = arith.constant 128 : i32
    %scan3A_51 = arith.addi %scan3A_49, %scan3A_50 : i32
    %scan3A_52 = arith.constant 1 : i32
    scf.for %scan3A_123 = %scan3A_49 to %scan3A_51 step %scan3A_52  : i32 {
      %swap3A = arith.index_cast %scan3A_123 : i32 to index
      %swap3A_124 = arith.constant 0 : index
      %swap3A_125 = tpu.vector_load %arg5[%swap3A, %swap3A_124] {strides = array<i32>} : memref<128x48xf32, #tpu.memory_space<vmem>>, vector<1x16xf32>,
      %swap3A_126 = vector.shape_cast %swap3A_125 : vector<1x16xf32> to vector<16xf32>
      %swap3A_127 = vector.shape_cast %broadcast_in_dim3A_48 : vector<16xf32> to vector<1x16xf32>
      tpu.vector_store %arg5[%swap3A, %swap3A_124], %swap3A_127 {strides = array<i32>} : memref<128x48xf32, #tpu.memory_space<vmem>>, vector<1x16xf32>,
      %swap3A_128 = arith.index_cast %scan3A_123 : i32 to index
      %swap3A_129 = arith.constant 16 : index
      %swap3A_130 = tpu.vector_load %arg5[%swap3A_128, %swap3A_129] {strides = array<i32>} : memref<128x48xf32, #tpu.memory_space<vmem>>, vector<1x16xf32>,
      %swap3A_131 = vector.shape_cast %swap3A_130 : vector<1x16xf32> to vector<16xf32>
      %swap3A_132 = vector.shape_cast %broadcast_in_dim3A_48 : vector<16xf32> to vector<1x16xf32>
      tpu.vector_store %arg5[%swap3A_128, %swap3A_129], %swap3A_132 {strides = array<i32>} : memref<128x48xf32, #tpu.memory_space<vmem>>, vector<1x16xf32>,
      %swap3A_133 = arith.index_cast %scan3A_123 : i32 to index
      %swap3A_134 = arith.constant 32 : index
      %swap3A_135 = tpu.vector_load %arg5[%swap3A_133, %swap3A_134] {strides = array<i32>} : memref<128x48xf32, #tpu.memory_space<vmem>>, vector<1x16xf32>,
      %swap3A_136 = vector.shape_cast %swap3A_135 : vector<1x16xf32> to vector<16xf32>
      %swap3A_137 = vector.shape_cast %broadcast_in_dim3A_48 : vector<16xf32> to vector<1x16xf32>
      tpu.vector_store %arg5[%swap3A_133, %swap3A_134], %swap3A_137 {strides = array<i32>} : memref<128x48xf32, #tpu.memory_space<vmem>>, vector<1x16xf32>,
    }
    %scan3A_53 = arith.constant 128 : i32
    %mul3A_54 = arith.constant 640 : i32
    %mul3A_55 = arith.muli %arg1, %mul3A_54 : i32
    %add3A_56 = arith.constant 0 : i32
    %add3A_57 = arith.addi %mul3A_55, %add3A_56 : i32
    "tpu.region"() ({
      %run_scoped3A_123 = tpu.sem_alloc : memref<!tpu.dma_semaphore, #tpu.memory_space<semaphore_mem>>
      %dma_start3A = arith.constant 0 : i32
      %dma_start3A_124 = tpu.memref_slice %arg10[%add3A_57, %dma_start3A] : memref<10240x48xf32, #tpu.memory_space<vmem_shared>> -> memref<128x48xf32, #tpu.memory_space<vmem_shared>>
      %dma_start3A_125 = arith.constant 0 : i32
      %dma_start3A_126 = tpu.memref_slice %arg10[%add3A_57, %dma_start3A_125] : memref<10240x48xf32, #tpu.memory_space<vmem_shared>> -> memref<128x48xf32, #tpu.memory_space<vmem_shared>>
      tpu.enqueue_dma source(%arg5 : memref<128x48xf32, #tpu.memory_space<vmem>>) target(%dma_start3A_126 : memref<128x48xf32, #tpu.memory_space<vmem_shared>>) target_semaphore(%run_scoped3A_123 : memref<!tpu.dma_semaphore, #tpu.memory_space<semaphore_mem>>)
      %dma_wait3A = arith.constant 0 : i32
      %dma_wait3A_127 = tpu.memref_slice %arg10[%add3A_57, %dma_wait3A] : memref<10240x48xf32, #tpu.memory_space<vmem_shared>> -> memref<128x48xf32, #tpu.memory_space<vmem_shared>>
      %dma_wait3A_128 = arith.constant 0 : i32
      %dma_wait3A_129 = tpu.memref_slice %arg10[%add3A_57, %dma_wait3A_128] : memref<10240x48xf32, #tpu.memory_space<vmem_shared>> -> memref<128x48xf32, #tpu.memory_space<vmem_shared>>
      tpu.wait_dma2 semaphore(%run_scoped3A_123 : memref<!tpu.dma_semaphore, #tpu.memory_space<semaphore_mem>>) src(%arg5 : memref<128x48xf32, #tpu.memory_space<vmem>>) dst(%dma_wait3A_129 : memref<128x48xf32, #tpu.memory_space<vmem_shared>>)
      tpu.yield
    }) : () -> ()
    %mul3A_58 = arith.constant 640 : i32
    %mul3A_59 = arith.muli %arg1, %mul3A_58 : i32
    %add3A_60 = arith.constant 128 : i32
    %add3A_61 = arith.addi %mul3A_59, %add3A_60 : i32
    "tpu.region"() ({
      %run_scoped3A_123 = tpu.sem_alloc : memref<!tpu.dma_semaphore, #tpu.memory_space<semaphore_mem>>
      %dma_start3A = arith.constant 0 : i32
      %dma_start3A_124 = tpu.memref_slice %arg10[%add3A_61, %dma_start3A] : memref<10240x48xf32, #tpu.memory_space<vmem_shared>> -> memref<128x48xf32, #tpu.memory_space<vmem_shared>>
      %dma_start3A_125 = arith.constant 0 : i32
      %dma_start3A_126 = tpu.memref_slice %arg10[%add3A_61, %dma_start3A_125] : memref<10240x48xf32, #tpu.memory_space<vmem_shared>> -> memref<128x48xf32, #tpu.memory_space<vmem_shared>>
      tpu.enqueue_dma source(%arg5 : memref<128x48xf32, #tpu.memory_space<vmem>>) target(%dma_start3A_126 : memref<128x48xf32, #tpu.memory_space<vmem_shared>>) target_semaphore(%run_scoped3A_123 : memref<!tpu.dma_semaphore, #tpu.memory_space<semaphore_mem>>)
      %dma_wait3A = arith.constant 0 : i32
      %dma_wait3A_127 = tpu.memref_slice %arg10[%add3A_61, %dma_wait3A] : memref<10240x48xf32, #tpu.memory_space<vmem_shared>> -> memref<128x48xf32, #tpu.memory_space<vmem_shared>>
      %dma_wait3A_128 = arith.constant 0 : i32
      %dma_wait3A_129 = tpu.memref_slice %arg10[%add3A_61, %dma_wait3A_128] : memref<10240x48xf32, #tpu.memory_space<vmem_shared>> -> memref<128x48xf32, #tpu.memory_space<vmem_shared>>
      tpu.wait_dma2 semaphore(%run_scoped3A_123 : memref<!tpu.dma_semaphore, #tpu.memory_space<semaphore_mem>>) src(%arg5 : memref<128x48xf32, #tpu.memory_space<vmem>>) dst(%dma_wait3A_129 : memref<128x48xf32, #tpu.memory_space<vmem_shared>>)
      tpu.yield
    }) : () -> ()
    %mul3A_62 = arith.constant 640 : i32
    %mul3A_63 = arith.muli %arg1, %mul3A_62 : i32
    %add3A_64 = arith.constant 256 : i32
    %add3A_65 = arith.addi %mul3A_63, %add3A_64 : i32
    "tpu.region"() ({
      %run_scoped3A_123 = tpu.sem_alloc : memref<!tpu.dma_semaphore, #tpu.memory_space<semaphore_mem>>
      %dma_start3A = arith.constant 0 : i32
      %dma_start3A_124 = tpu.memref_slice %arg10[%add3A_65, %dma_start3A] : memref<10240x48xf32, #tpu.memory_space<vmem_shared>> -> memref<128x48xf32, #tpu.memory_space<vmem_shared>>
      %dma_start3A_125 = arith.constant 0 : i32
      %dma_start3A_126 = tpu.memref_slice %arg10[%add3A_65, %dma_start3A_125] : memref<10240x48xf32, #tpu.memory_space<vmem_shared>> -> memref<128x48xf32, #tpu.memory_space<vmem_shared>>
      tpu.enqueue_dma source(%arg5 : memref<128x48xf32, #tpu.memory_space<vmem>>) target(%dma_start3A_126 : memref<128x48xf32, #tpu.memory_space<vmem_shared>>) target_semaphore(%run_scoped3A_123 : memref<!tpu.dma_semaphore, #tpu.memory_space<semaphore_mem>>)
      %dma_wait3A = arith.constant 0 : i32
      %dma_wait3A_127 = tpu.memref_slice %arg10[%add3A_65, %dma_wait3A] : memref<10240x48xf32, #tpu.memory_space<vmem_shared>> -> memref<128x48xf32, #tpu.memory_space<vmem_shared>>
      %dma_wait3A_128 = arith.constant 0 : i32
      %dma_wait3A_129 = tpu.memref_slice %arg10[%add3A_65, %dma_wait3A_128] : memref<10240x48xf32, #tpu.memory_space<vmem_shared>> -> memref<128x48xf32, #tpu.memory_space<vmem_shared>>
      tpu.wait_dma2 semaphore(%run_scoped3A_123 : memref<!tpu.dma_semaphore, #tpu.memory_space<semaphore_mem>>) src(%arg5 : memref<128x48xf32, #tpu.memory_space<vmem>>) dst(%dma_wait3A_129 : memref<128x48xf32, #tpu.memory_space<vmem_shared>>)
      tpu.yield
    }) : () -> ()
    %mul3A_66 = arith.constant 640 : i32
    %mul3A_67 = arith.muli %arg1, %mul3A_66 : i32
    %add3A_68 = arith.constant 384 : i32
    %add3A_69 = arith.addi %mul3A_67, %add3A_68 : i32
    "tpu.region"() ({
      %run_scoped3A_123 = tpu.sem_alloc : memref<!tpu.dma_semaphore, #tpu.memory_space<semaphore_mem>>
      %dma_start3A = arith.constant 0 : i32
      %dma_start3A_124 = tpu.memref_slice %arg10[%add3A_69, %dma_start3A] : memref<10240x48xf32, #tpu.memory_space<vmem_shared>> -> memref<128x48xf32, #tpu.memory_space<vmem_shared>>
      %dma_start3A_125 = arith.constant 0 : i32
      %dma_start3A_126 = tpu.memref_slice %arg10[%add3A_69, %dma_start3A_125] : memref<10240x48xf32, #tpu.memory_space<vmem_shared>> -> memref<128x48xf32, #tpu.memory_space<vmem_shared>>
      tpu.enqueue_dma source(%arg5 : memref<128x48xf32, #tpu.memory_space<vmem>>) target(%dma_start3A_126 : memref<128x48xf32, #tpu.memory_space<vmem_shared>>) target_semaphore(%run_scoped3A_123 : memref<!tpu.dma_semaphore, #tpu.memory_space<semaphore_mem>>)
      %dma_wait3A = arith.constant 0 : i32
      %dma_wait3A_127 = tpu.memref_slice %arg10[%add3A_69, %dma_wait3A] : memref<10240x48xf32, #tpu.memory_space<vmem_shared>> -> memref<128x48xf32, #tpu.memory_space<vmem_shared>>
      %dma_wait3A_128 = arith.constant 0 : i32
      %dma_wait3A_129 = tpu.memref_slice %arg10[%add3A_69, %dma_wait3A_128] : memref<10240x48xf32, #tpu.memory_space<vmem_shared>> -> memref<128x48xf32, #tpu.memory_space<vmem_shared>>
      tpu.wait_dma2 semaphore(%run_scoped3A_123 : memref<!tpu.dma_semaphore, #tpu.memory_space<semaphore_mem>>) src(%arg5 : memref<128x48xf32, #tpu.memory_space<vmem>>) dst(%dma_wait3A_129 : memref<128x48xf32, #tpu.memory_space<vmem_shared>>)
      tpu.yield
    }) : () -> ()
    %mul3A_70 = arith.constant 640 : i32
    %mul3A_71 = arith.muli %arg1, %mul3A_70 : i32
    %add3A_72 = arith.constant 512 : i32
    %add3A_73 = arith.addi %mul3A_71, %add3A_72 : i32
    "tpu.region"() ({
      %run_scoped3A_123 = tpu.sem_alloc : memref<!tpu.dma_semaphore, #tpu.memory_space<semaphore_mem>>
      %dma_start3A = arith.constant 0 : i32
      %dma_start3A_124 = tpu.memref_slice %arg10[%add3A_73, %dma_start3A] : memref<10240x48xf32, #tpu.memory_space<vmem_shared>> -> memref<128x48xf32, #tpu.memory_space<vmem_shared>>
      %dma_start3A_125 = arith.constant 0 : i32
      %dma_start3A_126 = tpu.memref_slice %arg10[%add3A_73, %dma_start3A_125] : memref<10240x48xf32, #tpu.memory_space<vmem_shared>> -> memref<128x48xf32, #tpu.memory_space<vmem_shared>>
      tpu.enqueue_dma source(%arg5 : memref<128x48xf32, #tpu.memory_space<vmem>>) target(%dma_start3A_126 : memref<128x48xf32, #tpu.memory_space<vmem_shared>>) target_semaphore(%run_scoped3A_123 : memref<!tpu.dma_semaphore, #tpu.memory_space<semaphore_mem>>)
      %dma_wait3A = arith.constant 0 : i32
      %dma_wait3A_127 = tpu.memref_slice %arg10[%add3A_73, %dma_wait3A] : memref<10240x48xf32, #tpu.memory_space<vmem_shared>> -> memref<128x48xf32, #tpu.memory_space<vmem_shared>>
      %dma_wait3A_128 = arith.constant 0 : i32
      %dma_wait3A_129 = tpu.memref_slice %arg10[%add3A_73, %dma_wait3A_128] : memref<10240x48xf32, #tpu.memory_space<vmem_shared>> -> memref<128x48xf32, #tpu.memory_space<vmem_shared>>
      tpu.wait_dma2 semaphore(%run_scoped3A_123 : memref<!tpu.dma_semaphore, #tpu.memory_space<semaphore_mem>>) src(%arg5 : memref<128x48xf32, #tpu.memory_space<vmem>>) dst(%dma_wait3A_129 : memref<128x48xf32, #tpu.memory_space<vmem_shared>>)
      tpu.yield
    }) : () -> ()
    %run_scoped3A = arith.constant 0 : i32
    "tpu.region"() ({
      %run_scoped3A_123 = tpu.sem_alloc : memref<!tpu.dma_semaphore, #tpu.memory_space<semaphore_mem>>
      %dma_start3A = arith.constant 0 : i32
      %dma_start3A_124 = tpu.memref_slice %arg3[%run_scoped3A, %select_n3A, %dma_start3A] : memref<2x1250x128xi32, #tpu.memory_space<hbm>> -> memref<1x40x128xi32, #tpu.memory_space<hbm>>
      %dma_start3A_125 = tpu.memref_squeeze %dma_start3A_124 : memref<1x40x128xi32, #tpu.memory_space<hbm>> -> memref<40x128xi32, #tpu.memory_space<hbm>>
      %dma_start3A_126 = arith.constant 0 : i32
      %dma_start3A_127 = tpu.memref_slice %arg3[%run_scoped3A, %select_n3A, %dma_start3A_126] : memref<2x1250x128xi32, #tpu.memory_space<hbm>> -> memref<1x40x128xi32, #tpu.memory_space<hbm>>
      %dma_start3A_128 = tpu.memref_squeeze %dma_start3A_127 : memref<1x40x128xi32, #tpu.memory_space<hbm>> -> memref<40x128xi32, #tpu.memory_space<hbm>>
      tpu.enqueue_dma source(%dma_start3A_128 : memref<40x128xi32, #tpu.memory_space<hbm>>) target(%arg7 : memref<40x128xi32, #tpu.memory_space<vmem>>) target_semaphore(%run_scoped3A_123 : memref<!tpu.dma_semaphore, #tpu.memory_space<semaphore_mem>>)
      %dma_wait3A = arith.constant 0 : i32
      %dma_wait3A_129 = tpu.memref_slice %arg3[%run_scoped3A, %select_n3A, %dma_wait3A] : memref<2x1250x128xi32, #tpu.memory_space<hbm>> -> memref<1x40x128xi32, #tpu.memory_space<hbm>>
      %dma_wait3A_130 = tpu.memref_squeeze %dma_wait3A_129 : memref<1x40x128xi32, #tpu.memory_space<hbm>> -> memref<40x128xi32, #tpu.memory_space<hbm>>
      %dma_wait3A_131 = arith.constant 0 : i32
      %dma_wait3A_132 = tpu.memref_slice %arg3[%run_scoped3A, %select_n3A, %dma_wait3A_131] : memref<2x1250x128xi32, #tpu.memory_space<hbm>> -> memref<1x40x128xi32, #tpu.memory_space<hbm>>
      %dma_wait3A_133 = tpu.memref_squeeze %dma_wait3A_132 : memref<1x40x128xi32, #tpu.memory_space<hbm>> -> memref<40x128xi32, #tpu.memory_space<hbm>>
      tpu.wait_dma2 semaphore(%run_scoped3A_123 : memref<!tpu.dma_semaphore, #tpu.memory_space<semaphore_mem>>) src(%dma_wait3A_133 : memref<40x128xi32, #tpu.memory_space<hbm>>) dst(%arg7 : memref<40x128xi32, #tpu.memory_space<vmem>>)
      tpu.yield
    }) : () -> ()
    %run_scoped3A_74 = arith.constant 1 : i32
    "tpu.region"() ({
      %run_scoped3A_123 = tpu.sem_alloc : memref<!tpu.dma_semaphore, #tpu.memory_space<semaphore_mem>>
      %dma_start3A = arith.constant 0 : i32
      %dma_start3A_124 = tpu.memref_slice %arg3[%run_scoped3A_74, %select_n3A, %dma_start3A] : memref<2x1250x128xi32, #tpu.memory_space<hbm>> -> memref<1x40x128xi32, #tpu.memory_space<hbm>>
      %dma_start3A_125 = tpu.memref_squeeze %dma_start3A_124 : memref<1x40x128xi32, #tpu.memory_space<hbm>> -> memref<40x128xi32, #tpu.memory_space<hbm>>
      %dma_start3A_126 = arith.constant 0 : i32
      %dma_start3A_127 = tpu.memref_slice %arg3[%run_scoped3A_74, %select_n3A, %dma_start3A_126] : memref<2x1250x128xi32, #tpu.memory_space<hbm>> -> memref<1x40x128xi32, #tpu.memory_space<hbm>>
      %dma_start3A_128 = tpu.memref_squeeze %dma_start3A_127 : memref<1x40x128xi32, #tpu.memory_space<hbm>> -> memref<40x128xi32, #tpu.memory_space<hbm>>
      tpu.enqueue_dma source(%dma_start3A_128 : memref<40x128xi32, #tpu.memory_space<hbm>>) target(%arg8 : memref<40x128xi32, #tpu.memory_space<vmem>>) target_semaphore(%run_scoped3A_123 : memref<!tpu.dma_semaphore, #tpu.memory_space<semaphore_mem>>)
      %dma_wait3A = arith.constant 0 : i32
      %dma_wait3A_129 = tpu.memref_slice %arg3[%run_scoped3A_74, %select_n3A, %dma_wait3A] : memref<2x1250x128xi32, #tpu.memory_space<hbm>> -> memref<1x40x128xi32, #tpu.memory_space<hbm>>
      %dma_wait3A_130 = tpu.memref_squeeze %dma_wait3A_129 : memref<1x40x128xi32, #tpu.memory_space<hbm>> -> memref<40x128xi32, #tpu.memory_space<hbm>>
      %dma_wait3A_131 = arith.constant 0 : i32
      %dma_wait3A_132 = tpu.memref_slice %arg3[%run_scoped3A_74, %select_n3A, %dma_wait3A_131] : memref<2x1250x128xi32, #tpu.memory_space<hbm>> -> memref<1x40x128xi32, #tpu.memory_space<hbm>>
      %dma_wait3A_133 = tpu.memref_squeeze %dma_wait3A_132 : memref<1x40x128xi32, #tpu.memory_space<hbm>> -> memref<40x128xi32, #tpu.memory_space<hbm>>
      tpu.wait_dma2 semaphore(%run_scoped3A_123 : memref<!tpu.dma_semaphore, #tpu.memory_space<semaphore_mem>>) src(%dma_wait3A_133 : memref<40x128xi32, #tpu.memory_space<hbm>>) dst(%arg8 : memref<40x128xi32, #tpu.memory_space<vmem>>)
      tpu.yield
    }) : () -> ()
    %barrier3A = arith.constant 0 : index
    tpu.barrier barrier_id(%barrier3A)
    %gt3A = arith.constant 0 : i32
    %gt3A_75 = arith.cmpi sgt, %sub3A_47, %gt3A : i32
    %convert_element_type3A = arith.extui %gt3A_75 : i1 to i32
    %cond3A = arith.constant 0 : i32
    %cond3A_76 = arith.cmpi ne, %convert_element_type3A, %cond3A : i32
    scf.if %cond3A_76 {
      %dma_start3A = arith.constant 0 : i32
      %dma_start3A_123 = arith.constant 0 : i32
      %dma_start3A_124 = arith.constant 0 : i32
      %dma_start3A_125 = arith.constant 0 : i32
      %dma_start3A_126 = tpu.memref_slice %arg9[%dma_start3A_123, %dma_start3A_124, %dma_start3A_125] : memref<4x128x48xf32, #tpu.memory_space<vmem>> -> memref<1x128x48xf32, #tpu.memory_space<vmem>>
      %dma_start3A_127 = tpu.memref_squeeze %dma_start3A_126 : memref<1x128x48xf32, #tpu.memory_space<vmem>> -> memref<128x48xf32, #tpu.memory_space<vmem>>
      %dma_start3A_128 = arith.constant 0 : i32
      %dma_start3A_129 = tpu.memref_slice %arg7[%dma_start3A, %dma_start3A_128] : memref<40x128xi32, #tpu.memory_space<vmem>> -> memref<1x128xi32, #tpu.memory_space<vmem>>
      %dma_start3A_130 = tpu.memref_squeeze %dma_start3A_129 : memref<1x128xi32, #tpu.memory_space<vmem>> -> memref<128xi32, #tpu.memory_space<vmem>>
      %dma_start3A_131 = arith.constant 0 : i32
      %dma_start3A_132 = arith.constant 0 : i32
      %dma_start3A_133 = tpu.memref_slice %arg2[%dma_start3A_131, %dma_start3A_132] : memref<10000x48xf32, #tpu.memory_space<hbm>> -> memref<10000x48xf32, #tpu.memory_space<hbm>>
      tpu.enqueue_indirect_dma source(%dma_start3A_133 : memref<10000x48xf32, #tpu.memory_space<hbm>>) target(%dma_start3A_127 : memref<128x48xf32, #tpu.memory_space<vmem>>) offsets(%dma_start3A_130 : memref<128xi32, #tpu.memory_space<vmem>>) semaphore(%arg11 : memref<!tpu.dma_semaphore, #tpu.memory_space<semaphore_mem>>)
    } else {
    }
    %gt3A_77 = arith.constant 1 : i32
    %gt3A_78 = arith.cmpi sgt, %sub3A_47, %gt3A_77 : i32
    %convert_element_type3A_79 = arith.extui %gt3A_78 : i1 to i32
    %cond3A_80 = arith.constant 0 : i32
    %cond3A_81 = arith.cmpi ne, %convert_element_type3A_79, %cond3A_80 : i32
    scf.if %cond3A_81 {
      %dma_start3A = arith.constant 1 : i32
      %dma_start3A_123 = arith.constant 1 : i32
      %dma_start3A_124 = arith.constant 0 : i32
      %dma_start3A_125 = arith.constant 0 : i32
      %dma_start3A_126 = tpu.memref_slice %arg9[%dma_start3A_123, %dma_start3A_124, %dma_start3A_125] : memref<4x128x48xf32, #tpu.memory_space<vmem>> -> memref<1x128x48xf32, #tpu.memory_space<vmem>>
      %dma_start3A_127 = tpu.memref_squeeze %dma_start3A_126 : memref<1x128x48xf32, #tpu.memory_space<vmem>> -> memref<128x48xf32, #tpu.memory_space<vmem>>
      %dma_start3A_128 = arith.constant 0 : i32
      %dma_start3A_129 = tpu.memref_slice %arg7[%dma_start3A, %dma_start3A_128] : memref<40x128xi32, #tpu.memory_space<vmem>> -> memref<1x128xi32, #tpu.memory_space<vmem>>
      %dma_start3A_130 = tpu.memref_squeeze %dma_start3A_129 : memref<1x128xi32, #tpu.memory_space<vmem>> -> memref<128xi32, #tpu.memory_space<vmem>>
      %dma_start3A_131 = arith.constant 0 : i32
      %dma_start3A_132 = arith.constant 0 : i32
      %dma_start3A_133 = tpu.memref_slice %arg2[%dma_start3A_131, %dma_start3A_132] : memref<10000x48xf32, #tpu.memory_space<hbm>> -> memref<10000x48xf32, #tpu.memory_space<hbm>>
      tpu.enqueue_indirect_dma source(%dma_start3A_133 : memref<10000x48xf32, #tpu.memory_space<hbm>>) target(%dma_start3A_127 : memref<128x48xf32, #tpu.memory_space<vmem>>) offsets(%dma_start3A_130 : memref<128xi32, #tpu.memory_space<vmem>>) semaphore(%arg12 : memref<!tpu.dma_semaphore, #tpu.memory_space<semaphore_mem>>)
    } else {
    }
    %gt3A_82 = arith.constant 2 : i32
    %gt3A_83 = arith.cmpi sgt, %sub3A_47, %gt3A_82 : i32
    %convert_element_type3A_84 = arith.extui %gt3A_83 : i1 to i32
    %cond3A_85 = arith.constant 0 : i32
    %cond3A_86 = arith.cmpi ne, %convert_element_type3A_84, %cond3A_85 : i32
    scf.if %cond3A_86 {
      %dma_start3A = arith.constant 2 : i32
      %dma_start3A_123 = arith.constant 2 : i32
      %dma_start3A_124 = arith.constant 0 : i32
      %dma_start3A_125 = arith.constant 0 : i32
      %dma_start3A_126 = tpu.memref_slice %arg9[%dma_start3A_123, %dma_start3A_124, %dma_start3A_125] : memref<4x128x48xf32, #tpu.memory_space<vmem>> -> memref<1x128x48xf32, #tpu.memory_space<vmem>>
      %dma_start3A_127 = tpu.memref_squeeze %dma_start3A_126 : memref<1x128x48xf32, #tpu.memory_space<vmem>> -> memref<128x48xf32, #tpu.memory_space<vmem>>
      %dma_start3A_128 = arith.constant 0 : i32
      %dma_start3A_129 = tpu.memref_slice %arg7[%dma_start3A, %dma_start3A_128] : memref<40x128xi32, #tpu.memory_space<vmem>> -> memref<1x128xi32, #tpu.memory_space<vmem>>
      %dma_start3A_130 = tpu.memref_squeeze %dma_start3A_129 : memref<1x128xi32, #tpu.memory_space<vmem>> -> memref<128xi32, #tpu.memory_space<vmem>>
      %dma_start3A_131 = arith.constant 0 : i32
      %dma_start3A_132 = arith.constant 0 : i32
      %dma_start3A_133 = tpu.memref_slice %arg2[%dma_start3A_131, %dma_start3A_132] : memref<10000x48xf32, #tpu.memory_space<hbm>> -> memref<10000x48xf32, #tpu.memory_space<hbm>>
      tpu.enqueue_indirect_dma source(%dma_start3A_133 : memref<10000x48xf32, #tpu.memory_space<hbm>>) target(%dma_start3A_127 : memref<128x48xf32, #tpu.memory_space<vmem>>) offsets(%dma_start3A_130 : memref<128xi32, #tpu.memory_space<vmem>>) semaphore(%arg13 : memref<!tpu.dma_semaphore, #tpu.memory_space<semaphore_mem>>)
    } else {
    }
    %gt3A_87 = arith.constant 3 : i32
    %gt3A_88 = arith.cmpi sgt, %sub3A_47, %gt3A_87 : i32
    %convert_element_type3A_89 = arith.extui %gt3A_88 : i1 to i32
    %cond3A_90 = arith.constant 0 : i32
    %cond3A_91 = arith.cmpi ne, %convert_element_type3A_89, %cond3A_90 : i32
    scf.if %cond3A_91 {
      %dma_start3A = arith.constant 3 : i32
      %dma_start3A_123 = arith.constant 3 : i32
      %dma_start3A_124 = arith.constant 0 : i32
      %dma_start3A_125 = arith.constant 0 : i32
      %dma_start3A_126 = tpu.memref_slice %arg9[%dma_start3A_123, %dma_start3A_124, %dma_start3A_125] : memref<4x128x48xf32, #tpu.memory_space<vmem>> -> memref<1x128x48xf32, #tpu.memory_space<vmem>>
      %dma_start3A_127 = tpu.memref_squeeze %dma_start3A_126 : memref<1x128x48xf32, #tpu.memory_space<vmem>> -> memref<128x48xf32, #tpu.memory_space<vmem>>
      %dma_start3A_128 = arith.constant 0 : i32
      %dma_start3A_129 = tpu.memref_slice %arg7[%dma_start3A, %dma_start3A_128] : memref<40x128xi32, #tpu.memory_space<vmem>> -> memref<1x128xi32, #tpu.memory_space<vmem>>
      %dma_start3A_130 = tpu.memref_squeeze %dma_start3A_129 : memref<1x128xi32, #tpu.memory_space<vmem>> -> memref<128xi32, #tpu.memory_space<vmem>>
      %dma_start3A_131 = arith.constant 0 : i32
      %dma_start3A_132 = arith.constant 0 : i32
      %dma_start3A_133 = tpu.memref_slice %arg2[%dma_start3A_131, %dma_start3A_132] : memref<10000x48xf32, #tpu.memory_space<hbm>> -> memref<10000x48xf32, #tpu.memory_space<hbm>>
      tpu.enqueue_indirect_dma source(%dma_start3A_133 : memref<10000x48xf32, #tpu.memory_space<hbm>>) target(%dma_start3A_127 : memref<128x48xf32, #tpu.memory_space<vmem>>) offsets(%dma_start3A_130 : memref<128xi32, #tpu.memory_space<vmem>>) semaphore(%arg14 : memref<!tpu.dma_semaphore, #tpu.memory_space<semaphore_mem>>)
    } else {
    }
    %scan3A_92 = arith.constant 0 : i32
    %scan3A_93 = arith.constant 0 : i32
    %scan3A_94 = arith.constant 10 : i32
    %scan3A_95 = arith.addi %scan3A_93, %scan3A_94 : i32
    %scan3A_96 = arith.constant 1 : i32
    scf.for %scan3A_123 = %scan3A_93 to %scan3A_95 step %scan3A_96  : i32 {
      %mul3A_124 = arith.constant 4 : i32
      %mul3A_125 = arith.muli %mul3A_124, %scan3A_123 : i32
      %add3A_126 = arith.constant 0 : i32
      %add3A_127 = arith.addi %mul3A_125, %add3A_126 : i32
      %lt3A = arith.cmpi slt, %add3A_127, %sub3A_47 : i32
      %convert_element_type3A_128 = arith.extui %lt3A : i1 to i32
      %cond3A_129 = arith.constant 0 : i32
      %cond3A_130 = arith.cmpi ne, %convert_element_type3A_128, %cond3A_129 : i32
      scf.if %cond3A_130 {
        %add3A_181 = arith.constant 0 : i32
        %add3A_182 = arith.addi %mul3A_125, %add3A_181 : i32
        %dma_wait3A = arith.constant 0 : i32
        %dma_wait3A_183 = arith.constant 0 : i32
        %dma_wait3A_184 = arith.constant 0 : i32
        %dma_wait3A_185 = tpu.memref_slice %arg9[%dma_wait3A, %dma_wait3A_183, %dma_wait3A_184] : memref<4x128x48xf32, #tpu.memory_space<vmem>> -> memref<1x128x48xf32, #tpu.memory_space<vmem>>
        %dma_wait3A_186 = tpu.memref_squeeze %dma_wait3A_185 : memref<1x128x48xf32, #tpu.memory_space<vmem>> -> memref<128x48xf32, #tpu.memory_space<vmem>>
        %dma_wait3A_187 = arith.constant 0 : i32
        %dma_wait3A_188 = tpu.memref_slice %arg7[%add3A_182, %dma_wait3A_187] : memref<40x128xi32, #tpu.memory_space<vmem>> -> memref<1x128xi32, #tpu.memory_space<vmem>>
        %dma_wait3A_189 = tpu.memref_squeeze %dma_wait3A_188 : memref<1x128xi32, #tpu.memory_space<vmem>> -> memref<128xi32, #tpu.memory_space<vmem>>
        %dma_wait3A_190 = arith.constant 0 : i32
        %dma_wait3A_191 = arith.constant 0 : i32
        %dma_wait3A_192 = tpu.memref_slice %arg2[%dma_wait3A_190, %dma_wait3A_191] : memref<10000x48xf32, #tpu.memory_space<hbm>> -> memref<10000x48xf32, #tpu.memory_space<hbm>>
        tpu.wait_indirect_dma semaphore(%arg11 : memref<!tpu.dma_semaphore, #tpu.memory_space<semaphore_mem>>) src(%dma_wait3A_192 : memref<10000x48xf32, #tpu.memory_space<hbm>>) dst(%dma_wait3A_186 : memref<128x48xf32, #tpu.memory_space<vmem>>)
        %dma_start3A = arith.constant 0 : i32
        %dma_start3A_193 = arith.constant 0 : i32
        %dma_start3A_194 = arith.constant 0 : i32
        %dma_start3A_195 = tpu.memref_slice %arg9[%dma_start3A, %dma_start3A_193, %dma_start3A_194] : memref<4x128x48xf32, #tpu.memory_space<vmem>> -> memref<1x128x48xf32, #tpu.memory_space<vmem>>
        %dma_start3A_196 = tpu.memref_squeeze %dma_start3A_195 : memref<1x128x48xf32, #tpu.memory_space<vmem>> -> memref<128x48xf32, #tpu.memory_space<vmem>>
        %dma_start3A_197 = arith.constant 0 : i32
        %dma_start3A_198 = tpu.memref_slice %arg8[%add3A_182, %dma_start3A_197] : memref<40x128xi32, #tpu.memory_space<vmem>> -> memref<1x128xi32, #tpu.memory_space<vmem>>
        %dma_start3A_199 = tpu.memref_squeeze %dma_start3A_198 : memref<1x128xi32, #tpu.memory_space<vmem>> -> memref<128xi32, #tpu.memory_space<vmem>>
        %dma_start3A_200 = arith.constant 0 : i32
        %dma_start3A_201 = arith.constant 0 : i32
        %dma_start3A_202 = tpu.memref_slice %arg10[%dma_start3A_200, %dma_start3A_201] : memref<10240x48xf32, #tpu.memory_space<vmem_shared>> -> memref<10240x48xf32, #tpu.memory_space<vmem_shared>>
        tpu.enqueue_indirect_dma source(%dma_start3A_196 : memref<128x48xf32, #tpu.memory_space<vmem>>) target(%dma_start3A_202 : memref<10240x48xf32, #tpu.memory_space<vmem_shared>>) offsets(%dma_start3A_199 : memref<128xi32, #tpu.memory_space<vmem>>) semaphore(%arg15 : memref<!tpu.dma_semaphore, #tpu.memory_space<semaphore_mem>>) {add = true}
      } else {
      }
      %add3A_131 = arith.constant 1 : i32
      %add3A_132 = arith.addi %mul3A_125, %add3A_131 : i32
      %lt3A_133 = arith.cmpi slt, %add3A_132, %sub3A_47 : i32
      %convert_element_type3A_134 = arith.extui %lt3A_133 : i1 to i32
      %cond3A_135 = arith.constant 0 : i32
      %cond3A_136 = arith.cmpi ne, %convert_element_type3A_134, %cond3A_135 : i32
      scf.if %cond3A_136 {
        %add3A_181 = arith.constant 1 : i32
        %add3A_182 = arith.addi %mul3A_125, %add3A_181 : i32
        %dma_wait3A = arith.constant 1 : i32
        %dma_wait3A_183 = arith.constant 0 : i32
        %dma_wait3A_184 = arith.constant 0 : i32
        %dma_wait3A_185 = tpu.memref_slice %arg9[%dma_wait3A, %dma_wait3A_183, %dma_wait3A_184] : memref<4x128x48xf32, #tpu.memory_space<vmem>> -> memref<1x128x48xf32, #tpu.memory_space<vmem>>
        %dma_wait3A_186 = tpu.memref_squeeze %dma_wait3A_185 : memref<1x128x48xf32, #tpu.memory_space<vmem>> -> memref<128x48xf32, #tpu.memory_space<vmem>>
        %dma_wait3A_187 = arith.constant 0 : i32
        %dma_wait3A_188 = tpu.memref_slice %arg7[%add3A_182, %dma_wait3A_187] : memref<40x128xi32, #tpu.memory_space<vmem>> -> memref<1x128xi32, #tpu.memory_space<vmem>>
        %dma_wait3A_189 = tpu.memref_squeeze %dma_wait3A_188 : memref<1x128xi32, #tpu.memory_space<vmem>> -> memref<128xi32, #tpu.memory_space<vmem>>
        %dma_wait3A_190 = arith.constant 0 : i32
        %dma_wait3A_191 = arith.constant 0 : i32
        %dma_wait3A_192 = tpu.memref_slice %arg2[%dma_wait3A_190, %dma_wait3A_191] : memref<10000x48xf32, #tpu.memory_space<hbm>> -> memref<10000x48xf32, #tpu.memory_space<hbm>>
        tpu.wait_indirect_dma semaphore(%arg12 : memref<!tpu.dma_semaphore, #tpu.memory_space<semaphore_mem>>) src(%dma_wait3A_192 : memref<10000x48xf32, #tpu.memory_space<hbm>>) dst(%dma_wait3A_186 : memref<128x48xf32, #tpu.memory_space<vmem>>)
        %dma_start3A = arith.constant 1 : i32
        %dma_start3A_193 = arith.constant 0 : i32
        %dma_start3A_194 = arith.constant 0 : i32
        %dma_start3A_195 = tpu.memref_slice %arg9[%dma_start3A, %dma_start3A_193, %dma_start3A_194] : memref<4x128x48xf32, #tpu.memory_space<vmem>> -> memref<1x128x48xf32, #tpu.memory_space<vmem>>
        %dma_start3A_196 = tpu.memref_squeeze %dma_start3A_195 : memref<1x128x48xf32, #tpu.memory_space<vmem>> -> memref<128x48xf32, #tpu.memory_space<vmem>>
        %dma_start3A_197 = arith.constant 0 : i32
        %dma_start3A_198 = tpu.memref_slice %arg8[%add3A_182, %dma_start3A_197] : memref<40x128xi32, #tpu.memory_space<vmem>> -> memref<1x128xi32, #tpu.memory_space<vmem>>
        %dma_start3A_199 = tpu.memref_squeeze %dma_start3A_198 : memref<1x128xi32, #tpu.memory_space<vmem>> -> memref<128xi32, #tpu.memory_space<vmem>>
        %dma_start3A_200 = arith.constant 0 : i32
        %dma_start3A_201 = arith.constant 0 : i32
        %dma_start3A_202 = tpu.memref_slice %arg10[%dma_start3A_200, %dma_start3A_201] : memref<10240x48xf32, #tpu.memory_space<vmem_shared>> -> memref<10240x48xf32, #tpu.memory_space<vmem_shared>>
        tpu.enqueue_indirect_dma source(%dma_start3A_196 : memref<128x48xf32, #tpu.memory_space<vmem>>) target(%dma_start3A_202 : memref<10240x48xf32, #tpu.memory_space<vmem_shared>>) offsets(%dma_start3A_199 : memref<128xi32, #tpu.memory_space<vmem>>) semaphore(%arg16 : memref<!tpu.dma_semaphore, #tpu.memory_space<semaphore_mem>>) {add = true}
      } else {
      }
      %add3A_137 = arith.constant 2 : i32
      %add3A_138 = arith.addi %mul3A_125, %add3A_137 : i32
      %lt3A_139 = arith.cmpi slt, %add3A_138, %sub3A_47 : i32
      %convert_element_type3A_140 = arith.extui %lt3A_139 : i1 to i32
      %cond3A_141 = arith.constant 0 : i32
      %cond3A_142 = arith.cmpi ne, %convert_element_type3A_140, %cond3A_141 : i32
      scf.if %cond3A_142 {
        %add3A_181 = arith.constant 2 : i32
        %add3A_182 = arith.addi %mul3A_125, %add3A_181 : i32
        %dma_wait3A = arith.constant 2 : i32
        %dma_wait3A_183 = arith.constant 0 : i32
        %dma_wait3A_184 = arith.constant 0 : i32
        %dma_wait3A_185 = tpu.memref_slice %arg9[%dma_wait3A, %dma_wait3A_183, %dma_wait3A_184] : memref<4x128x48xf32, #tpu.memory_space<vmem>> -> memref<1x128x48xf32, #tpu.memory_space<vmem>>
        %dma_wait3A_186 = tpu.memref_squeeze %dma_wait3A_185 : memref<1x128x48xf32, #tpu.memory_space<vmem>> -> memref<128x48xf32, #tpu.memory_space<vmem>>
        %dma_wait3A_187 = arith.constant 0 : i32
        %dma_wait3A_188 = tpu.memref_slice %arg7[%add3A_182, %dma_wait3A_187] : memref<40x128xi32, #tpu.memory_space<vmem>> -> memref<1x128xi32, #tpu.memory_space<vmem>>
        %dma_wait3A_189 = tpu.memref_squeeze %dma_wait3A_188 : memref<1x128xi32, #tpu.memory_space<vmem>> -> memref<128xi32, #tpu.memory_space<vmem>>
        %dma_wait3A_190 = arith.constant 0 : i32
        %dma_wait3A_191 = arith.constant 0 : i32
        %dma_wait3A_192 = tpu.memref_slice %arg2[%dma_wait3A_190, %dma_wait3A_191] : memref<10000x48xf32, #tpu.memory_space<hbm>> -> memref<10000x48xf32, #tpu.memory_space<hbm>>
        tpu.wait_indirect_dma semaphore(%arg13 : memref<!tpu.dma_semaphore, #tpu.memory_space<semaphore_mem>>) src(%dma_wait3A_192 : memref<10000x48xf32, #tpu.memory_space<hbm>>) dst(%dma_wait3A_186 : memref<128x48xf32, #tpu.memory_space<vmem>>)
        %dma_start3A = arith.constant 2 : i32
        %dma_start3A_193 = arith.constant 0 : i32
        %dma_start3A_194 = arith.constant 0 : i32
        %dma_start3A_195 = tpu.memref_slice %arg9[%dma_start3A, %dma_start3A_193, %dma_start3A_194] : memref<4x128x48xf32, #tpu.memory_space<vmem>> -> memref<1x128x48xf32, #tpu.memory_space<vmem>>
        %dma_start3A_196 = tpu.memref_squeeze %dma_start3A_195 : memref<1x128x48xf32, #tpu.memory_space<vmem>> -> memref<128x48xf32, #tpu.memory_space<vmem>>
        %dma_start3A_197 = arith.constant 0 : i32
        %dma_start3A_198 = tpu.memref_slice %arg8[%add3A_182, %dma_start3A_197] : memref<40x128xi32, #tpu.memory_space<vmem>> -> memref<1x128xi32, #tpu.memory_space<vmem>>
        %dma_start3A_199 = tpu.memref_squeeze %dma_start3A_198 : memref<1x128xi32, #tpu.memory_space<vmem>> -> memref<128xi32, #tpu.memory_space<vmem>>
        %dma_start3A_200 = arith.constant 0 : i32
        %dma_start3A_201 = arith.constant 0 : i32
        %dma_start3A_202 = tpu.memref_slice %arg10[%dma_start3A_200, %dma_start3A_201] : memref<10240x48xf32, #tpu.memory_space<vmem_shared>> -> memref<10240x48xf32, #tpu.memory_space<vmem_shared>>
        tpu.enqueue_indirect_dma source(%dma_start3A_196 : memref<128x48xf32, #tpu.memory_space<vmem>>) target(%dma_start3A_202 : memref<10240x48xf32, #tpu.memory_space<vmem_shared>>) offsets(%dma_start3A_199 : memref<128xi32, #tpu.memory_space<vmem>>) semaphore(%arg17 : memref<!tpu.dma_semaphore, #tpu.memory_space<semaphore_mem>>) {add = true}
      } else {
      }
      %add3A_143 = arith.constant 3 : i32
      %add3A_144 = arith.addi %mul3A_125, %add3A_143 : i32
      %lt3A_145 = arith.cmpi slt, %add3A_144, %sub3A_47 : i32
      %convert_element_type3A_146 = arith.extui %lt3A_145 : i1 to i32
      %cond3A_147 = arith.constant 0 : i32
      %cond3A_148 = arith.cmpi ne, %convert_element_type3A_146, %cond3A_147 : i32
      scf.if %cond3A_148 {
        %add3A_181 = arith.constant 3 : i32
        %add3A_182 = arith.addi %mul3A_125, %add3A_181 : i32
        %dma_wait3A = arith.constant 3 : i32
        %dma_wait3A_183 = arith.constant 0 : i32
        %dma_wait3A_184 = arith.constant 0 : i32
        %dma_wait3A_185 = tpu.memref_slice %arg9[%dma_wait3A, %dma_wait3A_183, %dma_wait3A_184] : memref<4x128x48xf32, #tpu.memory_space<vmem>> -> memref<1x128x48xf32, #tpu.memory_space<vmem>>
        %dma_wait3A_186 = tpu.memref_squeeze %dma_wait3A_185 : memref<1x128x48xf32, #tpu.memory_space<vmem>> -> memref<128x48xf32, #tpu.memory_space<vmem>>
        %dma_wait3A_187 = arith.constant 0 : i32
        %dma_wait3A_188 = tpu.memref_slice %arg7[%add3A_182, %dma_wait3A_187] : memref<40x128xi32, #tpu.memory_space<vmem>> -> memref<1x128xi32, #tpu.memory_space<vmem>>
        %dma_wait3A_189 = tpu.memref_squeeze %dma_wait3A_188 : memref<1x128xi32, #tpu.memory_space<vmem>> -> memref<128xi32, #tpu.memory_space<vmem>>
        %dma_wait3A_190 = arith.constant 0 : i32
        %dma_wait3A_191 = arith.constant 0 : i32
        %dma_wait3A_192 = tpu.memref_slice %arg2[%dma_wait3A_190, %dma_wait3A_191] : memref<10000x48xf32, #tpu.memory_space<hbm>> -> memref<10000x48xf32, #tpu.memory_space<hbm>>
        tpu.wait_indirect_dma semaphore(%arg14 : memref<!tpu.dma_semaphore, #tpu.memory_space<semaphore_mem>>) src(%dma_wait3A_192 : memref<10000x48xf32, #tpu.memory_space<hbm>>) dst(%dma_wait3A_186 : memref<128x48xf32, #tpu.memory_space<vmem>>)
        %dma_start3A = arith.constant 3 : i32
        %dma_start3A_193 = arith.constant 0 : i32
        %dma_start3A_194 = arith.constant 0 : i32
        %dma_start3A_195 = tpu.memref_slice %arg9[%dma_start3A, %dma_start3A_193, %dma_start3A_194] : memref<4x128x48xf32, #tpu.memory_space<vmem>> -> memref<1x128x48xf32, #tpu.memory_space<vmem>>
        %dma_start3A_196 = tpu.memref_squeeze %dma_start3A_195 : memref<1x128x48xf32, #tpu.memory_space<vmem>> -> memref<128x48xf32, #tpu.memory_space<vmem>>
        %dma_start3A_197 = arith.constant 0 : i32
        %dma_start3A_198 = tpu.memref_slice %arg8[%add3A_182, %dma_start3A_197] : memref<40x128xi32, #tpu.memory_space<vmem>> -> memref<1x128xi32, #tpu.memory_space<vmem>>
        %dma_start3A_199 = tpu.memref_squeeze %dma_start3A_198 : memref<1x128xi32, #tpu.memory_space<vmem>> -> memref<128xi32, #tpu.memory_space<vmem>>
        %dma_start3A_200 = arith.constant 0 : i32
        %dma_start3A_201 = arith.constant 0 : i32
        %dma_start3A_202 = tpu.memref_slice %arg10[%dma_start3A_200, %dma_start3A_201] : memref<10240x48xf32, #tpu.memory_space<vmem_shared>> -> memref<10240x48xf32, #tpu.memory_space<vmem_shared>>
        tpu.enqueue_indirect_dma source(%dma_start3A_196 : memref<128x48xf32, #tpu.memory_space<vmem>>) target(%dma_start3A_202 : memref<10240x48xf32, #tpu.memory_space<vmem_shared>>) offsets(%dma_start3A_199 : memref<128xi32, #tpu.memory_space<vmem>>) semaphore(%arg18 : memref<!tpu.dma_semaphore, #tpu.memory_space<semaphore_mem>>) {add = true}
      } else {
      }
      %add3A_149 = arith.constant 0 : i32
      %add3A_150 = arith.addi %mul3A_125, %add3A_149 : i32
      %add3A_151 = arith.constant 4 : i32
      %add3A_152 = arith.addi %add3A_150, %add3A_151 : i32
      %lt3A_153 = arith.cmpi slt, %add3A_152, %sub3A_47 : i32
      %convert_element_type3A_154 = arith.extui %lt3A_153 : i1 to i32
      %cond3A_155 = arith.constant 0 : i32
      %cond3A_156 = arith.cmpi ne, %convert_element_type3A_154, %cond3A_155 : i32
      scf.if %cond3A_156 {
        %add3A_181 = arith.constant 0 : i32
        %add3A_182 = arith.addi %mul3A_125, %add3A_181 : i32
        %dma_wait3A = arith.constant 0 : i32
        %dma_wait3A_183 = arith.constant 0 : i32
        %dma_wait3A_184 = arith.constant 0 : i32
        %dma_wait3A_185 = tpu.memref_slice %arg9[%dma_wait3A, %dma_wait3A_183, %dma_wait3A_184] : memref<4x128x48xf32, #tpu.memory_space<vmem>> -> memref<1x128x48xf32, #tpu.memory_space<vmem>>
        %dma_wait3A_186 = tpu.memref_squeeze %dma_wait3A_185 : memref<1x128x48xf32, #tpu.memory_space<vmem>> -> memref<128x48xf32, #tpu.memory_space<vmem>>
        %dma_wait3A_187 = arith.constant 0 : i32
        %dma_wait3A_188 = tpu.memref_slice %arg8[%add3A_182, %dma_wait3A_187] : memref<40x128xi32, #tpu.memory_space<vmem>> -> memref<1x128xi32, #tpu.memory_space<vmem>>
        %dma_wait3A_189 = tpu.memref_squeeze %dma_wait3A_188 : memref<1x128xi32, #tpu.memory_space<vmem>> -> memref<128xi32, #tpu.memory_space<vmem>>
        %dma_wait3A_190 = arith.constant 0 : i32
        %dma_wait3A_191 = arith.constant 0 : i32
        %dma_wait3A_192 = tpu.memref_slice %arg10[%dma_wait3A_190, %dma_wait3A_191] : memref<10240x48xf32, #tpu.memory_space<vmem_shared>> -> memref<10240x48xf32, #tpu.memory_space<vmem_shared>>
        tpu.wait_indirect_dma semaphore(%arg15 : memref<!tpu.dma_semaphore, #tpu.memory_space<semaphore_mem>>) src(%dma_wait3A_186 : memref<128x48xf32, #tpu.memory_space<vmem>>) dst(%dma_wait3A_192 : memref<10240x48xf32, #tpu.memory_space<vmem_shared>>)
        %add3A_193 = arith.constant 4 : i32
        %add3A_194 = arith.addi %add3A_182, %add3A_193 : i32
        %dma_start3A = arith.constant 0 : i32
        %dma_start3A_195 = arith.constant 0 : i32
        %dma_start3A_196 = arith.constant 0 : i32
        %dma_start3A_197 = tpu.memref_slice %arg9[%dma_start3A, %dma_start3A_195, %dma_start3A_196] : memref<4x128x48xf32, #tpu.memory_space<vmem>> -> memref<1x128x48xf32, #tpu.memory_space<vmem>>
        %dma_start3A_198 = tpu.memref_squeeze %dma_start3A_197 : memref<1x128x48xf32, #tpu.memory_space<vmem>> -> memref<128x48xf32, #tpu.memory_space<vmem>>
        %dma_start3A_199 = arith.constant 0 : i32
        %dma_start3A_200 = tpu.memref_slice %arg7[%add3A_194, %dma_start3A_199] : memref<40x128xi32, #tpu.memory_space<vmem>> -> memref<1x128xi32, #tpu.memory_space<vmem>>
        %dma_start3A_201 = tpu.memref_squeeze %dma_start3A_200 : memref<1x128xi32, #tpu.memory_space<vmem>> -> memref<128xi32, #tpu.memory_space<vmem>>
        %dma_start3A_202 = arith.constant 0 : i32
        %dma_start3A_203 = arith.constant 0 : i32
        %dma_start3A_204 = tpu.memref_slice %arg2[%dma_start3A_202, %dma_start3A_203] : memref<10000x48xf32, #tpu.memory_space<hbm>> -> memref<10000x48xf32, #tpu.memory_space<hbm>>
        tpu.enqueue_indirect_dma source(%dma_start3A_204 : memref<10000x48xf32, #tpu.memory_space<hbm>>) target(%dma_start3A_198 : memref<128x48xf32, #tpu.memory_space<vmem>>) offsets(%dma_start3A_201 : memref<128xi32, #tpu.memory_space<vmem>>) semaphore(%arg11 : memref<!tpu.dma_semaphore, #tpu.memory_space<semaphore_mem>>)
      } else {
      }
      %add3A_157 = arith.constant 1 : i32
      %add3A_158 = arith.addi %mul3A_125, %add3A_157 : i32
      %add3A_159 = arith.constant 4 : i32
      %add3A_160 = arith.addi %add3A_158, %add3A_159 : i32
      %lt3A_161 = arith.cmpi slt, %add3A_160, %sub3A_47 : i32
      %convert_element_type3A_162 = arith.extui %lt3A_161 : i1 to i32
      %cond3A_163 = arith.constant 0 : i32
      %cond3A_164 = arith.cmpi ne, %convert_element_type3A_162, %cond3A_163 : i32
      scf.if %cond3A_164 {
        %add3A_181 = arith.constant 1 : i32
        %add3A_182 = arith.addi %mul3A_125, %add3A_181 : i32
        %dma_wait3A = arith.constant 1 : i32
        %dma_wait3A_183 = arith.constant 0 : i32
        %dma_wait3A_184 = arith.constant 0 : i32
        %dma_wait3A_185 = tpu.memref_slice %arg9[%dma_wait3A, %dma_wait3A_183, %dma_wait3A_184] : memref<4x128x48xf32, #tpu.memory_space<vmem>> -> memref<1x128x48xf32, #tpu.memory_space<vmem>>
        %dma_wait3A_186 = tpu.memref_squeeze %dma_wait3A_185 : memref<1x128x48xf32, #tpu.memory_space<vmem>> -> memref<128x48xf32, #tpu.memory_space<vmem>>
        %dma_wait3A_187 = arith.constant 0 : i32
        %dma_wait3A_188 = tpu.memref_slice %arg8[%add3A_182, %dma_wait3A_187] : memref<40x128xi32, #tpu.memory_space<vmem>> -> memref<1x128xi32, #tpu.memory_space<vmem>>
        %dma_wait3A_189 = tpu.memref_squeeze %dma_wait3A_188 : memref<1x128xi32, #tpu.memory_space<vmem>> -> memref<128xi32, #tpu.memory_space<vmem>>
        %dma_wait3A_190 = arith.constant 0 : i32
        %dma_wait3A_191 = arith.constant 0 : i32
        %dma_wait3A_192 = tpu.memref_slice %arg10[%dma_wait3A_190, %dma_wait3A_191] : memref<10240x48xf32, #tpu.memory_space<vmem_shared>> -> memref<10240x48xf32, #tpu.memory_space<vmem_shared>>
        tpu.wait_indirect_dma semaphore(%arg16 : memref<!tpu.dma_semaphore, #tpu.memory_space<semaphore_mem>>) src(%dma_wait3A_186 : memref<128x48xf32, #tpu.memory_space<vmem>>) dst(%dma_wait3A_192 : memref<10240x48xf32, #tpu.memory_space<vmem_shared>>)
        %add3A_193 = arith.constant 4 : i32
        %add3A_194 = arith.addi %add3A_182, %add3A_193 : i32
        %dma_start3A = arith.constant 1 : i32
        %dma_start3A_195 = arith.constant 0 : i32
        %dma_start3A_196 = arith.constant 0 : i32
        %dma_start3A_197 = tpu.memref_slice %arg9[%dma_start3A, %dma_start3A_195, %dma_start3A_196] : memref<4x128x48xf32, #tpu.memory_space<vmem>> -> memref<1x128x48xf32, #tpu.memory_space<vmem>>
        %dma_start3A_198 = tpu.memref_squeeze %dma_start3A_197 : memref<1x128x48xf32, #tpu.memory_space<vmem>> -> memref<128x48xf32, #tpu.memory_space<vmem>>
        %dma_start3A_199 = arith.constant 0 : i32
        %dma_start3A_200 = tpu.memref_slice %arg7[%add3A_194, %dma_start3A_199] : memref<40x128xi32, #tpu.memory_space<vmem>> -> memref<1x128xi32, #tpu.memory_space<vmem>>
        %dma_start3A_201 = tpu.memref_squeeze %dma_start3A_200 : memref<1x128xi32, #tpu.memory_space<vmem>> -> memref<128xi32, #tpu.memory_space<vmem>>
        %dma_start3A_202 = arith.constant 0 : i32
        %dma_start3A_203 = arith.constant 0 : i32
        %dma_start3A_204 = tpu.memref_slice %arg2[%dma_start3A_202, %dma_start3A_203] : memref<10000x48xf32, #tpu.memory_space<hbm>> -> memref<10000x48xf32, #tpu.memory_space<hbm>>
        tpu.enqueue_indirect_dma source(%dma_start3A_204 : memref<10000x48xf32, #tpu.memory_space<hbm>>) target(%dma_start3A_198 : memref<128x48xf32, #tpu.memory_space<vmem>>) offsets(%dma_start3A_201 : memref<128xi32, #tpu.memory_space<vmem>>) semaphore(%arg12 : memref<!tpu.dma_semaphore, #tpu.memory_space<semaphore_mem>>)
      } else {
      }
      %add3A_165 = arith.constant 2 : i32
      %add3A_166 = arith.addi %mul3A_125, %add3A_165 : i32
      %add3A_167 = arith.constant 4 : i32
      %add3A_168 = arith.addi %add3A_166, %add3A_167 : i32
      %lt3A_169 = arith.cmpi slt, %add3A_168, %sub3A_47 : i32
      %convert_element_type3A_170 = arith.extui %lt3A_169 : i1 to i32
      %cond3A_171 = arith.constant 0 : i32
      %cond3A_172 = arith.cmpi ne, %convert_element_type3A_170, %cond3A_171 : i32
      scf.if %cond3A_172 {
        %add3A_181 = arith.constant 2 : i32
        %add3A_182 = arith.addi %mul3A_125, %add3A_181 : i32
        %dma_wait3A = arith.constant 2 : i32
        %dma_wait3A_183 = arith.constant 0 : i32
        %dma_wait3A_184 = arith.constant 0 : i32
        %dma_wait3A_185 = tpu.memref_slice %arg9[%dma_wait3A, %dma_wait3A_183, %dma_wait3A_184] : memref<4x128x48xf32, #tpu.memory_space<vmem>> -> memref<1x128x48xf32, #tpu.memory_space<vmem>>
        %dma_wait3A_186 = tpu.memref_squeeze %dma_wait3A_185 : memref<1x128x48xf32, #tpu.memory_space<vmem>> -> memref<128x48xf32, #tpu.memory_space<vmem>>
        %dma_wait3A_187 = arith.constant 0 : i32
        %dma_wait3A_188 = tpu.memref_slice %arg8[%add3A_182, %dma_wait3A_187] : memref<40x128xi32, #tpu.memory_space<vmem>> -> memref<1x128xi32, #tpu.memory_space<vmem>>
        %dma_wait3A_189 = tpu.memref_squeeze %dma_wait3A_188 : memref<1x128xi32, #tpu.memory_space<vmem>> -> memref<128xi32, #tpu.memory_space<vmem>>
        %dma_wait3A_190 = arith.constant 0 : i32
        %dma_wait3A_191 = arith.constant 0 : i32
        %dma_wait3A_192 = tpu.memref_slice %arg10[%dma_wait3A_190, %dma_wait3A_191] : memref<10240x48xf32, #tpu.memory_space<vmem_shared>> -> memref<10240x48xf32, #tpu.memory_space<vmem_shared>>
        tpu.wait_indirect_dma semaphore(%arg17 : memref<!tpu.dma_semaphore, #tpu.memory_space<semaphore_mem>>) src(%dma_wait3A_186 : memref<128x48xf32, #tpu.memory_space<vmem>>) dst(%dma_wait3A_192 : memref<10240x48xf32, #tpu.memory_space<vmem_shared>>)
        %add3A_193 = arith.constant 4 : i32
        %add3A_194 = arith.addi %add3A_182, %add3A_193 : i32
        %dma_start3A = arith.constant 2 : i32
        %dma_start3A_195 = arith.constant 0 : i32
        %dma_start3A_196 = arith.constant 0 : i32
        %dma_start3A_197 = tpu.memref_slice %arg9[%dma_start3A, %dma_start3A_195, %dma_start3A_196] : memref<4x128x48xf32, #tpu.memory_space<vmem>> -> memref<1x128x48xf32, #tpu.memory_space<vmem>>
        %dma_start3A_198 = tpu.memref_squeeze %dma_start3A_197 : memref<1x128x48xf32, #tpu.memory_space<vmem>> -> memref<128x48xf32, #tpu.memory_space<vmem>>
        %dma_start3A_199 = arith.constant 0 : i32
        %dma_start3A_200 = tpu.memref_slice %arg7[%add3A_194, %dma_start3A_199] : memref<40x128xi32, #tpu.memory_space<vmem>> -> memref<1x128xi32, #tpu.memory_space<vmem>>
        %dma_start3A_201 = tpu.memref_squeeze %dma_start3A_200 : memref<1x128xi32, #tpu.memory_space<vmem>> -> memref<128xi32, #tpu.memory_space<vmem>>
        %dma_start3A_202 = arith.constant 0 : i32
        %dma_start3A_203 = arith.constant 0 : i32
        %dma_start3A_204 = tpu.memref_slice %arg2[%dma_start3A_202, %dma_start3A_203] : memref<10000x48xf32, #tpu.memory_space<hbm>> -> memref<10000x48xf32, #tpu.memory_space<hbm>>
        tpu.enqueue_indirect_dma source(%dma_start3A_204 : memref<10000x48xf32, #tpu.memory_space<hbm>>) target(%dma_start3A_198 : memref<128x48xf32, #tpu.memory_space<vmem>>) offsets(%dma_start3A_201 : memref<128xi32, #tpu.memory_space<vmem>>) semaphore(%arg13 : memref<!tpu.dma_semaphore, #tpu.memory_space<semaphore_mem>>)
      } else {
      }
      %add3A_173 = arith.constant 3 : i32
      %add3A_174 = arith.addi %mul3A_125, %add3A_173 : i32
      %add3A_175 = arith.constant 4 : i32
      %add3A_176 = arith.addi %add3A_174, %add3A_175 : i32
      %lt3A_177 = arith.cmpi slt, %add3A_176, %sub3A_47 : i32
      %convert_element_type3A_178 = arith.extui %lt3A_177 : i1 to i32
      %cond3A_179 = arith.constant 0 : i32
      %cond3A_180 = arith.cmpi ne, %convert_element_type3A_178, %cond3A_179 : i32
      scf.if %cond3A_180 {
        %add3A_181 = arith.constant 3 : i32
        %add3A_182 = arith.addi %mul3A_125, %add3A_181 : i32
        %dma_wait3A = arith.constant 3 : i32
        %dma_wait3A_183 = arith.constant 0 : i32
        %dma_wait3A_184 = arith.constant 0 : i32
        %dma_wait3A_185 = tpu.memref_slice %arg9[%dma_wait3A, %dma_wait3A_183, %dma_wait3A_184] : memref<4x128x48xf32, #tpu.memory_space<vmem>> -> memref<1x128x48xf32, #tpu.memory_space<vmem>>
        %dma_wait3A_186 = tpu.memref_squeeze %dma_wait3A_185 : memref<1x128x48xf32, #tpu.memory_space<vmem>> -> memref<128x48xf32, #tpu.memory_space<vmem>>
        %dma_wait3A_187 = arith.constant 0 : i32
        %dma_wait3A_188 = tpu.memref_slice %arg8[%add3A_182, %dma_wait3A_187] : memref<40x128xi32, #tpu.memory_space<vmem>> -> memref<1x128xi32, #tpu.memory_space<vmem>>
        %dma_wait3A_189 = tpu.memref_squeeze %dma_wait3A_188 : memref<1x128xi32, #tpu.memory_space<vmem>> -> memref<128xi32, #tpu.memory_space<vmem>>
        %dma_wait3A_190 = arith.constant 0 : i32
        %dma_wait3A_191 = arith.constant 0 : i32
        %dma_wait3A_192 = tpu.memref_slice %arg10[%dma_wait3A_190, %dma_wait3A_191] : memref<10240x48xf32, #tpu.memory_space<vmem_shared>> -> memref<10240x48xf32, #tpu.memory_space<vmem_shared>>
        tpu.wait_indirect_dma semaphore(%arg18 : memref<!tpu.dma_semaphore, #tpu.memory_space<semaphore_mem>>) src(%dma_wait3A_186 : memref<128x48xf32, #tpu.memory_space<vmem>>) dst(%dma_wait3A_192 : memref<10240x48xf32, #tpu.memory_space<vmem_shared>>)
        %add3A_193 = arith.constant 4 : i32
        %add3A_194 = arith.addi %add3A_182, %add3A_193 : i32
        %dma_start3A = arith.constant 3 : i32
        %dma_start3A_195 = arith.constant 0 : i32
        %dma_start3A_196 = arith.constant 0 : i32
        %dma_start3A_197 = tpu.memref_slice %arg9[%dma_start3A, %dma_start3A_195, %dma_start3A_196] : memref<4x128x48xf32, #tpu.memory_space<vmem>> -> memref<1x128x48xf32, #tpu.memory_space<vmem>>
        %dma_start3A_198 = tpu.memref_squeeze %dma_start3A_197 : memref<1x128x48xf32, #tpu.memory_space<vmem>> -> memref<128x48xf32, #tpu.memory_space<vmem>>
        %dma_start3A_199 = arith.constant 0 : i32
        %dma_start3A_200 = tpu.memref_slice %arg7[%add3A_194, %dma_start3A_199] : memref<40x128xi32, #tpu.memory_space<vmem>> -> memref<1x128xi32, #tpu.memory_space<vmem>>
        %dma_start3A_201 = tpu.memref_squeeze %dma_start3A_200 : memref<1x128xi32, #tpu.memory_space<vmem>> -> memref<128xi32, #tpu.memory_space<vmem>>
        %dma_start3A_202 = arith.constant 0 : i32
        %dma_start3A_203 = arith.constant 0 : i32
        %dma_start3A_204 = tpu.memref_slice %arg2[%dma_start3A_202, %dma_start3A_203] : memref<10000x48xf32, #tpu.memory_space<hbm>> -> memref<10000x48xf32, #tpu.memory_space<hbm>>
        tpu.enqueue_indirect_dma source(%dma_start3A_204 : memref<10000x48xf32, #tpu.memory_space<hbm>>) target(%dma_start3A_198 : memref<128x48xf32, #tpu.memory_space<vmem>>) offsets(%dma_start3A_201 : memref<128xi32, #tpu.memory_space<vmem>>) semaphore(%arg14 : memref<!tpu.dma_semaphore, #tpu.memory_space<semaphore_mem>>)
      } else {
      }
    }
    %scan3A_97 = arith.constant 10 : i32
    %gt3A_98 = arith.constant 0 : i32
    %gt3A_99 = arith.cmpi sgt, %sub3A_47, %gt3A_98 : i32
    %convert_element_type3A_100 = arith.extui %gt3A_99 : i1 to i32
    %cond3A_101 = arith.constant 0 : i32
    %cond3A_102 = arith.cmpi ne, %convert_element_type3A_100, %cond3A_101 : i32
    scf.if %cond3A_102 {
      %dma_wait3A = arith.constant 0 : i32
      %dma_wait3A_123 = arith.constant 0 : i32
      %dma_wait3A_124 = arith.constant 0 : i32
      %dma_wait3A_125 = arith.constant 0 : i32
      %dma_wait3A_126 = tpu.memref_slice %arg9[%dma_wait3A, %dma_wait3A_124, %dma_wait3A_125] : memref<4x128x48xf32, #tpu.memory_space<vmem>> -> memref<1x128x48xf32, #tpu.memory_space<vmem>>
      %dma_wait3A_127 = tpu.memref_squeeze %dma_wait3A_126 : memref<1x128x48xf32, #tpu.memory_space<vmem>> -> memref<128x48xf32, #tpu.memory_space<vmem>>
      %dma_wait3A_128 = arith.constant 0 : i32
      %dma_wait3A_129 = tpu.memref_slice %arg8[%dma_wait3A_123, %dma_wait3A_128] : memref<40x128xi32, #tpu.memory_space<vmem>> -> memref<1x128xi32, #tpu.memory_space<vmem>>
      %dma_wait3A_130 = tpu.memref_squeeze %dma_wait3A_129 : memref<1x128xi32, #tpu.memory_space<vmem>> -> memref<128xi32, #tpu.memory_space<vmem>>
      %dma_wait3A_131 = arith.constant 0 : i32
      %dma_wait3A_132 = arith.constant 0 : i32
      %dma_wait3A_133 = tpu.memref_slice %arg10[%dma_wait3A_131, %dma_wait3A_132] : memref<10240x48xf32, #tpu.memory_space<vmem_shared>> -> memref<10240x48xf32, #tpu.memory_space<vmem_shared>>
      tpu.wait_indirect_dma semaphore(%arg15 : memref<!tpu.dma_semaphore, #tpu.memory_space<semaphore_mem>>) src(%dma_wait3A_127 : memref<128x48xf32, #tpu.memory_space<vmem>>) dst(%dma_wait3A_133 : memref<10240x48xf32, #tpu.memory_space<vmem_shared>>)
    } else {
    }
    %gt3A_103 = arith.constant 1 : i32
    %gt3A_104 = arith.cmpi sgt, %sub3A_47, %gt3A_103 : i32
    %convert_element_type3A_105 = arith.extui %gt3A_104 : i1 to i32
    %cond3A_106 = arith.constant 0 : i32
    %cond3A_107 = arith.cmpi ne, %convert_element_type3A_105, %cond3A_106 : i32
    scf.if %cond3A_107 {
      %dma_wait3A = arith.constant 1 : i32
      %dma_wait3A_123 = arith.constant 0 : i32
      %dma_wait3A_124 = arith.constant 0 : i32
      %dma_wait3A_125 = arith.constant 0 : i32
      %dma_wait3A_126 = tpu.memref_slice %arg9[%dma_wait3A, %dma_wait3A_124, %dma_wait3A_125] : memref<4x128x48xf32, #tpu.memory_space<vmem>> -> memref<1x128x48xf32, #tpu.memory_space<vmem>>
      %dma_wait3A_127 = tpu.memref_squeeze %dma_wait3A_126 : memref<1x128x48xf32, #tpu.memory_space<vmem>> -> memref<128x48xf32, #tpu.memory_space<vmem>>
      %dma_wait3A_128 = arith.constant 0 : i32
      %dma_wait3A_129 = tpu.memref_slice %arg8[%dma_wait3A_123, %dma_wait3A_128] : memref<40x128xi32, #tpu.memory_space<vmem>> -> memref<1x128xi32, #tpu.memory_space<vmem>>
      %dma_wait3A_130 = tpu.memref_squeeze %dma_wait3A_129 : memref<1x128xi32, #tpu.memory_space<vmem>> -> memref<128xi32, #tpu.memory_space<vmem>>
      %dma_wait3A_131 = arith.constant 0 : i32
      %dma_wait3A_132 = arith.constant 0 : i32
      %dma_wait3A_133 = tpu.memref_slice %arg10[%dma_wait3A_131, %dma_wait3A_132] : memref<10240x48xf32, #tpu.memory_space<vmem_shared>> -> memref<10240x48xf32, #tpu.memory_space<vmem_shared>>
      tpu.wait_indirect_dma semaphore(%arg16 : memref<!tpu.dma_semaphore, #tpu.memory_space<semaphore_mem>>) src(%dma_wait3A_127 : memref<128x48xf32, #tpu.memory_space<vmem>>) dst(%dma_wait3A_133 : memref<10240x48xf32, #tpu.memory_space<vmem_shared>>)
    } else {
    }
    %gt3A_108 = arith.constant 2 : i32
    %gt3A_109 = arith.cmpi sgt, %sub3A_47, %gt3A_108 : i32
    %convert_element_type3A_110 = arith.extui %gt3A_109 : i1 to i32
    %cond3A_111 = arith.constant 0 : i32
    %cond3A_112 = arith.cmpi ne, %convert_element_type3A_110, %cond3A_111 : i32
    scf.if %cond3A_112 {
      %dma_wait3A = arith.constant 2 : i32
      %dma_wait3A_123 = arith.constant 0 : i32
      %dma_wait3A_124 = arith.constant 0 : i32
      %dma_wait3A_125 = arith.constant 0 : i32
      %dma_wait3A_126 = tpu.memref_slice %arg9[%dma_wait3A, %dma_wait3A_124, %dma_wait3A_125] : memref<4x128x48xf32, #tpu.memory_space<vmem>> -> memref<1x128x48xf32, #tpu.memory_space<vmem>>
      %dma_wait3A_127 = tpu.memref_squeeze %dma_wait3A_126 : memref<1x128x48xf32, #tpu.memory_space<vmem>> -> memref<128x48xf32, #tpu.memory_space<vmem>>
      %dma_wait3A_128 = arith.constant 0 : i32
      %dma_wait3A_129 = tpu.memref_slice %arg8[%dma_wait3A_123, %dma_wait3A_128] : memref<40x128xi32, #tpu.memory_space<vmem>> -> memref<1x128xi32, #tpu.memory_space<vmem>>
      %dma_wait3A_130 = tpu.memref_squeeze %dma_wait3A_129 : memref<1x128xi32, #tpu.memory_space<vmem>> -> memref<128xi32, #tpu.memory_space<vmem>>
      %dma_wait3A_131 = arith.constant 0 : i32
      %dma_wait3A_132 = arith.constant 0 : i32
      %dma_wait3A_133 = tpu.memref_slice %arg10[%dma_wait3A_131, %dma_wait3A_132] : memref<10240x48xf32, #tpu.memory_space<vmem_shared>> -> memref<10240x48xf32, #tpu.memory_space<vmem_shared>>
      tpu.wait_indirect_dma semaphore(%arg17 : memref<!tpu.dma_semaphore, #tpu.memory_space<semaphore_mem>>) src(%dma_wait3A_127 : memref<128x48xf32, #tpu.memory_space<vmem>>) dst(%dma_wait3A_133 : memref<10240x48xf32, #tpu.memory_space<vmem_shared>>)
    } else {
    }
    %gt3A_113 = arith.constant 3 : i32
    %gt3A_114 = arith.cmpi sgt, %sub3A_47, %gt3A_113 : i32
    %convert_element_type3A_115 = arith.extui %gt3A_114 : i1 to i32
    %cond3A_116 = arith.constant 0 : i32
    %cond3A_117 = arith.cmpi ne, %convert_element_type3A_115, %cond3A_116 : i32
    scf.if %cond3A_117 {
      %dma_wait3A = arith.constant 3 : i32
      %dma_wait3A_123 = arith.constant 0 : i32
      %dma_wait3A_124 = arith.constant 0 : i32
      %dma_wait3A_125 = arith.constant 0 : i32
      %dma_wait3A_126 = tpu.memref_slice %arg9[%dma_wait3A, %dma_wait3A_124, %dma_wait3A_125] : memref<4x128x48xf32, #tpu.memory_space<vmem>> -> memref<1x128x48xf32, #tpu.memory_space<vmem>>
      %dma_wait3A_127 = tpu.memref_squeeze %dma_wait3A_126 : memref<1x128x48xf32, #tpu.memory_space<vmem>> -> memref<128x48xf32, #tpu.memory_space<vmem>>
      %dma_wait3A_128 = arith.constant 0 : i32
      %dma_wait3A_129 = tpu.memref_slice %arg8[%dma_wait3A_123, %dma_wait3A_128] : memref<40x128xi32, #tpu.memory_space<vmem>> -> memref<1x128xi32, #tpu.memory_space<vmem>>
      %dma_wait3A_130 = tpu.memref_squeeze %dma_wait3A_129 : memref<1x128xi32, #tpu.memory_space<vmem>> -> memref<128xi32, #tpu.memory_space<vmem>>
      %dma_wait3A_131 = arith.constant 0 : i32
      %dma_wait3A_132 = arith.constant 0 : i32
      %dma_wait3A_133 = tpu.memref_slice %arg10[%dma_wait3A_131, %dma_wait3A_132] : memref<10240x48xf32, #tpu.memory_space<vmem_shared>> -> memref<10240x48xf32, #tpu.memory_space<vmem_shared>>
      tpu.wait_indirect_dma semaphore(%arg18 : memref<!tpu.dma_semaphore, #tpu.memory_space<semaphore_mem>>) src(%dma_wait3A_127 : memref<128x48xf32, #tpu.memory_space<vmem>>) dst(%dma_wait3A_133 : memref<10240x48xf32, #tpu.memory_space<vmem_shared>>)
    } else {
    }
    %barrier3A_118 = arith.constant 0 : index
    tpu.barrier barrier_id(%barrier3A_118)
    %mul3A_119 = arith.constant 640 : i32
    %mul3A_120 = arith.muli %arg1, %mul3A_119 : i32
    "tpu.region"() ({
      %run_scoped3A_123 = tpu.sem_alloc : memref<!tpu.dma_semaphore, #tpu.memory_space<semaphore_mem>>
      %dma_start3A = arith.constant 0 : i32
      %dma_start3A_124 = tpu.memref_slice %arg10[%mul3A_120, %dma_start3A] : memref<10240x48xf32, #tpu.memory_space<vmem_shared>> -> memref<640x48xf32, #tpu.memory_space<vmem_shared>>
      %dma_start3A_125 = arith.constant 0 : i32
      %dma_start3A_126 = tpu.memref_slice %arg10[%mul3A_120, %dma_start3A_125] : memref<10240x48xf32, #tpu.memory_space<vmem_shared>> -> memref<640x48xf32, #tpu.memory_space<vmem_shared>>
      tpu.enqueue_dma source(%dma_start3A_126 : memref<640x48xf32, #tpu.memory_space<vmem_shared>>) target(%arg6 : memref<640x48xf32, #tpu.memory_space<vmem>>) target_semaphore(%run_scoped3A_123 : memref<!tpu.dma_semaphore, #tpu.memory_space<semaphore_mem>>)
      %dma_wait3A = arith.constant 0 : i32
      %dma_wait3A_127 = tpu.memref_slice %arg10[%mul3A_120, %dma_wait3A] : memref<10240x48xf32, #tpu.memory_space<vmem_shared>> -> memref<640x48xf32, #tpu.memory_space<vmem_shared>>
      %dma_wait3A_128 = arith.constant 0 : i32
      %dma_wait3A_129 = tpu.memref_slice %arg10[%mul3A_120, %dma_wait3A_128] : memref<10240x48xf32, #tpu.memory_space<vmem_shared>> -> memref<640x48xf32, #tpu.memory_space<vmem_shared>>
      tpu.wait_dma2 semaphore(%run_scoped3A_123 : memref<!tpu.dma_semaphore, #tpu.memory_space<semaphore_mem>>) src(%dma_wait3A_129 : memref<640x48xf32, #tpu.memory_space<vmem_shared>>) dst(%arg6 : memref<640x48xf32, #tpu.memory_space<vmem>>)
      tpu.yield
    }) : () -> ()
    %mul3A_121 = arith.constant 640 : i32
    %mul3A_122 = arith.muli %arg1, %mul3A_121 : i32
    "tpu.region"() ({
      %run_scoped3A_123 = tpu.sem_alloc : memref<!tpu.dma_semaphore, #tpu.memory_space<semaphore_mem>>
      %dma_start3A = arith.constant 0 : i32
      %dma_start3A_124 = tpu.memref_slice %arg4[%arg0, %mul3A_122, %dma_start3A] : memref<2x10240x48xf32, #tpu.memory_space<hbm>> -> memref<1x640x48xf32, #tpu.memory_space<hbm>>
      %dma_start3A_125 = tpu.memref_squeeze %dma_start3A_124 : memref<1x640x48xf32, #tpu.memory_space<hbm>> -> memref<640x48xf32, #tpu.memory_space<hbm>>
      %dma_start3A_126 = arith.constant 0 : i32
      %dma_start3A_127 = tpu.memref_slice %arg4[%arg0, %mul3A_122, %dma_start3A_126] : memref<2x10240x48xf32, #tpu.memory_space<hbm>> -> memref<1x640x48xf32, #tpu.memory_space<hbm>>
      %dma_start3A_128 = tpu.memref_squeeze %dma_start3A_127 : memref<1x640x48xf32, #tpu.memory_space<hbm>> -> memref<640x48xf32, #tpu.memory_space<hbm>>
      tpu.enqueue_dma source(%arg6 : memref<640x48xf32, #tpu.memory_space<vmem>>) target(%dma_start3A_128 : memref<640x48xf32, #tpu.memory_space<hbm>>) target_semaphore(%run_scoped3A_123 : memref<!tpu.dma_semaphore, #tpu.memory_space<semaphore_mem>>)
      %dma_wait3A = arith.constant 0 : i32
      %dma_wait3A_129 = tpu.memref_slice %arg4[%arg0, %mul3A_122, %dma_wait3A] : memref<2x10240x48xf32, #tpu.memory_space<hbm>> -> memref<1x640x48xf32, #tpu.memory_space<hbm>>
      %dma_wait3A_130 = tpu.memref_squeeze %dma_wait3A_129 : memref<1x640x48xf32, #tpu.memory_space<hbm>> -> memref<640x48xf32, #tpu.memory_space<hbm>>
      %dma_wait3A_131 = arith.constant 0 : i32
      %dma_wait3A_132 = tpu.memref_slice %arg4[%arg0, %mul3A_122, %dma_wait3A_131] : memref<2x10240x48xf32, #tpu.memory_space<hbm>> -> memref<1x640x48xf32, #tpu.memory_space<hbm>>
      %dma_wait3A_133 = tpu.memref_squeeze %dma_wait3A_132 : memref<1x640x48xf32, #tpu.memory_space<hbm>> -> memref<640x48xf32, #tpu.memory_space<hbm>>
      tpu.wait_dma2 semaphore(%run_scoped3A_123 : memref<!tpu.dma_semaphore, #tpu.memory_space<semaphore_mem>>) src(%arg6 : memref<640x48xf32, #tpu.memory_space<vmem>>) dst(%dma_wait3A_133 : memref<640x48xf32, #tpu.memory_space<hbm>>)
      tpu.yield
    }) : () -> ()
    return
  }
}

module attributes {stable_mosaic.version = 14 : i64} {
  func.func @_stage1_body(%arg0: i32, %arg1: memref<1000x128xf32, #tpu.memory_space<vmem>>, %arg2: memref<128x192xf32, #tpu.memory_space<vmem>>, %arg3: memref<1x192xf32, #tpu.memory_space<vmem>>, %arg4: memref<1000x48xf32, #tpu.memory_space<vmem>>, %arg5: memref<1000x48xf32, #tpu.memory_space<vmem>>, %arg6: memref<1000x48xf32, #tpu.memory_space<vmem>>, %arg7: memref<1000x48xf32, #tpu.memory_space<vmem>>) attributes {dimension_semantics = [#tpu.dimension_semantics<arbitrary>], iteration_bounds = array<i64: 10>, scalar_prefetch = 0 : i64, scratch_operands = 0 : i64, tpu.core_type = #tpu.core_type<tc>, window_params = [{transform_indices = @transform_0, window_bounds = array<i64: 1000, 128>}, {pipeline_mode = #tpu.pipeline_mode<synchronous>, transform_indices = @transform_1, window_bounds = array<i64: 128, 192>}, {pipeline_mode = #tpu.pipeline_mode<synchronous>, transform_indices = @transform_2, window_bounds = array<i64: 1, 192>}, {transform_indices = @transform_3, window_bounds = array<i64: 1000, 48>}, {transform_indices = @transform_4, window_bounds = array<i64: 1000, 48>}, {transform_indices = @transform_5, window_bounds = array<i64: 1000, 48>}, {transform_indices = @transform_6, window_bounds = array<i64: 1000, 48>}]} {
    %iota3A = tpu.iota {dimensions = array<i32: 0>} : vector<192x4xi32>
    %iota3A_0 = tpu.iota {dimensions = array<i32: 1>} : vector<192x4xi32>
    %jit3A = arith.constant 48 : i32
    %div3A = vector.broadcast %jit3A : i32 to vector<192x4xi32>
    %div3A_1 = arith.divsi %iota3A, %div3A : vector<192x4xi32>
    %sign3A = arith.constant 0 : i32
    %sign3A_2 = vector.broadcast %sign3A : i32 to vector<192x4xi32>
    %sign3A_3 = arith.cmpi sgt, %iota3A, %sign3A_2 : vector<192x4xi32>
    %sign3A_4 = arith.extui %sign3A_3 : vector<192x4xi1> to vector<192x4xi32>
    %sign3A_5 = arith.constant 0 : i32
    %sign3A_6 = vector.broadcast %sign3A_5 : i32 to vector<192x4xi32>
    %sign3A_7 = arith.cmpi slt, %iota3A, %sign3A_6 : vector<192x4xi32>
    %sign3A_8 = arith.extui %sign3A_7 : vector<192x4xi1> to vector<192x4xi32>
    %sign3A_9 = arith.subi %sign3A_4, %sign3A_8 : vector<192x4xi32>
    %sign3A_10 = arith.constant 0 : i32
    %sign3A_11 = arith.cmpi sgt, %jit3A, %sign3A_10 : i32
    %sign3A_12 = arith.extui %sign3A_11 : i1 to i32
    %sign3A_13 = arith.constant 0 : i32
    %sign3A_14 = arith.cmpi slt, %jit3A, %sign3A_13 : i32
    %sign3A_15 = arith.extui %sign3A_14 : i1 to i32
    %sign3A_16 = arith.subi %sign3A_12, %sign3A_15 : i32
    %ne3A = vector.broadcast %sign3A_16 : i32 to vector<192x4xi32>
    %ne3A_17 = arith.cmpi ne, %sign3A_9, %ne3A : vector<192x4xi32>
    %rem3A = vector.broadcast %jit3A : i32 to vector<192x4xi32>
    %rem3A_18 = arith.remsi %iota3A, %rem3A : vector<192x4xi32>
    %ne3A_19 = arith.constant 0 : i32
    %ne3A_20 = vector.broadcast %ne3A_19 : i32 to vector<192x4xi32>
    %ne3A_21 = arith.cmpi ne, %rem3A_18, %ne3A_20 : vector<192x4xi32>
    %and3A = arith.andi %ne3A_17, %ne3A_21 : vector<192x4xi1>
    %sub3A = arith.constant 1 : i32
    %sub3A_22 = vector.broadcast %sub3A : i32 to vector<192x4xi32>
    %sub3A_23 = arith.subi %div3A_1, %sub3A_22 : vector<192x4xi32>
    %select_n3A = arith.select %and3A, %sub3A_23, %div3A_1 : vector<192x4xi1>, vector<192x4xi32>
    %eq3A = arith.cmpi eq, %select_n3A, %iota3A_0 : vector<192x4xi32>
    %convert_element_type3A = arith.extui %eq3A : vector<192x4xi1> to vector<192x4xi32>
    %convert_element_type3A_24 = arith.sitofp %convert_element_type3A : vector<192x4xi32> to vector<192x4xf32>
    %iota3A_25 = tpu.iota {dimensions = array<i32: 1>} : vector<4x192xi32>
    %iota3A_26 = tpu.iota {dimensions = array<i32: 0>} : vector<4x192xi32>
    %jit3A_27 = arith.constant 48 : i32
    %div3A_28 = vector.broadcast %jit3A_27 : i32 to vector<4x192xi32>
    %div3A_29 = arith.divsi %iota3A_25, %div3A_28 : vector<4x192xi32>
    %sign3A_30 = arith.constant 0 : i32
    %sign3A_31 = vector.broadcast %sign3A_30 : i32 to vector<4x192xi32>
    %sign3A_32 = arith.cmpi sgt, %iota3A_25, %sign3A_31 : vector<4x192xi32>
    %sign3A_33 = arith.extui %sign3A_32 : vector<4x192xi1> to vector<4x192xi32>
    %sign3A_34 = arith.constant 0 : i32
    %sign3A_35 = vector.broadcast %sign3A_34 : i32 to vector<4x192xi32>
    %sign3A_36 = arith.cmpi slt, %iota3A_25, %sign3A_35 : vector<4x192xi32>
    %sign3A_37 = arith.extui %sign3A_36 : vector<4x192xi1> to vector<4x192xi32>
    %sign3A_38 = arith.subi %sign3A_33, %sign3A_37 : vector<4x192xi32>
    %sign3A_39 = arith.constant 0 : i32
    %sign3A_40 = arith.cmpi sgt, %jit3A_27, %sign3A_39 : i32
    %sign3A_41 = arith.extui %sign3A_40 : i1 to i32
    %sign3A_42 = arith.constant 0 : i32
    %sign3A_43 = arith.cmpi slt, %jit3A_27, %sign3A_42 : i32
    %sign3A_44 = arith.extui %sign3A_43 : i1 to i32
    %sign3A_45 = arith.subi %sign3A_41, %sign3A_44 : i32
    %ne3A_46 = vector.broadcast %sign3A_45 : i32 to vector<4x192xi32>
    %ne3A_47 = arith.cmpi ne, %sign3A_38, %ne3A_46 : vector<4x192xi32>
    %rem3A_48 = vector.broadcast %jit3A_27 : i32 to vector<4x192xi32>
    %rem3A_49 = arith.remsi %iota3A_25, %rem3A_48 : vector<4x192xi32>
    %ne3A_50 = arith.constant 0 : i32
    %ne3A_51 = vector.broadcast %ne3A_50 : i32 to vector<4x192xi32>
    %ne3A_52 = arith.cmpi ne, %rem3A_49, %ne3A_51 : vector<4x192xi32>
    %and3A_53 = arith.andi %ne3A_47, %ne3A_52 : vector<4x192xi1>
    %sub3A_54 = arith.constant 1 : i32
    %sub3A_55 = vector.broadcast %sub3A_54 : i32 to vector<4x192xi32>
    %sub3A_56 = arith.subi %div3A_29, %sub3A_55 : vector<4x192xi32>
    %select_n3A_57 = arith.select %and3A_53, %sub3A_56, %div3A_29 : vector<4x192xi1>, vector<4x192xi32>
    %eq3A_58 = arith.cmpi eq, %select_n3A_57, %iota3A_26 : vector<4x192xi32>
    %convert_element_type3A_59 = arith.extui %eq3A_58 : vector<4x192xi1> to vector<4x192xi32>
    %convert_element_type3A_60 = arith.sitofp %convert_element_type3A_59 : vector<4x192xi32> to vector<4x192xf32>
    %get3A = arith.constant 0 : index
    %get3A_61 = arith.constant 0 : index
    %get3A_62 = vector.load %arg1[%get3A, %get3A_61] : memref<1000x128xf32, #tpu.memory_space<vmem>>, vector<1000x128xf32>
    %broadcast_in_dim3A = arith.constant 1.000000e+00 : f32
    %broadcast_in_dim3A_63 = vector.broadcast %broadcast_in_dim3A : f32 to vector<128x1xf32>
    %mul3A = arith.mulf %get3A_62, %get3A_62 : vector<1000x128xf32>
    %dot_general3A = arith.constant dense<0.000000e+00> : vector<1000x1xf32>
    %dot_general3A_64 = tpu.matmul %mul3A, %broadcast_in_dim3A_63, %dot_general3A {dimension_numbers = #tpu.dot_dimension_numbers<[1], [0], [0], [1], [0, 0, 1, 1], [], []>, transpose_lhs_hint = false} : vector<1000x128xf32>, vector<128x1xf32>, vector<1000x1xf32> -> vector<1000x1xf32>
    %sqrt3A = math.sqrt %dot_general3A_64 : vector<1000x1xf32>
    %max3A = arith.constant 1.000000e-15 : f32
    %max3A_65 = vector.broadcast %max3A : f32 to vector<1000x1xf32>
    %max3A_66 = arith.maximumf %sqrt3A, %max3A_65 : vector<1000x1xf32>
    %tanh3A = math.tanh %max3A_66 : vector<1000x1xf32>
    %max3A_67 = arith.constant 1.000000e-15 : f32
    %max3A_68 = vector.broadcast %max3A_67 : f32 to vector<1000x1xf32>
    %max3A_69 = arith.maximumf %tanh3A, %max3A_68 : vector<1000x1xf32>
    %min3A = arith.constant 0.995999991 : f32
    %min3A_70 = vector.broadcast %min3A : f32 to vector<1000x1xf32>
    %min3A_71 = arith.minimumf %max3A_69, %min3A_70 : vector<1000x1xf32>
    %div3A_72 = arith.divf %min3A_71, %max3A_66 : vector<1000x1xf32>
    %mul3A_73 = vector.broadcast %div3A_72 : vector<1000x1xf32> to vector<1000x128xf32>
    %mul3A_74 = arith.mulf %get3A_62, %mul3A_73 : vector<1000x128xf32>
    %min3A_75 = arith.constant 0.995999991 : f32
    %min3A_76 = vector.broadcast %min3A_75 : f32 to vector<1000x1xf32>
    %min3A_77 = arith.minimumf %max3A_69, %min3A_76 : vector<1000x1xf32>
    %max3A_78 = arith.constant 1.000000e-15 : f32
    %max3A_79 = vector.broadcast %max3A_78 : f32 to vector<1000x1xf32>
    %max3A_80 = arith.maximumf %min3A_77, %max3A_79 : vector<1000x1xf32>
    %min3A_81 = arith.constant 3.10630298 : f32
    %min3A_82 = vector.broadcast %min3A_81 : f32 to vector<1000x1xf32>
    %min3A_83 = arith.minimumf %max3A_66, %min3A_82 : vector<1000x1xf32>
    %div3A_84 = arith.divf %min3A_83, %max3A_80 : vector<1000x1xf32>
    %get3A_85 = arith.constant 0 : index
    %get3A_86 = arith.constant 0 : index
    %get3A_87 = vector.load %arg2[%get3A_85, %get3A_86] : memref<128x192xf32, #tpu.memory_space<vmem>>, vector<128x192xf32>
    %dot_general3A_88 = arith.constant dense<0.000000e+00> : vector<1000x192xf32>
    %dot_general3A_89 = tpu.matmul %mul3A_74, %get3A_87, %dot_general3A_88 {dimension_numbers = #tpu.dot_dimension_numbers<[1], [0], [0], [1], [0, 0, 1, 1], [], []>, transpose_lhs_hint = false} : vector<1000x128xf32>, vector<128x192xf32>, vector<1000x192xf32> -> vector<1000x192xf32>
    %mul3A_90 = arith.mulf %dot_general3A_89, %dot_general3A_89 : vector<1000x192xf32>
    %dot_general3A_91 = arith.constant dense<0.000000e+00> : vector<1000x4xf32>
    %dot_general3A_92 = tpu.matmul %mul3A_90, %convert_element_type3A_24, %dot_general3A_91 {dimension_numbers = #tpu.dot_dimension_numbers<[1], [0], [0], [1], [0, 0, 1, 1], [], []>, transpose_lhs_hint = false} : vector<1000x192xf32>, vector<192x4xf32>, vector<1000x4xf32> -> vector<1000x4xf32>
    %sqrt3A_93 = math.sqrt %dot_general3A_92 : vector<1000x4xf32>
    %max3A_94 = arith.constant 1.000000e-15 : f32
    %max3A_95 = vector.broadcast %max3A_94 : f32 to vector<1000x4xf32>
    %max3A_96 = arith.maximumf %sqrt3A_93, %max3A_95 : vector<1000x4xf32>
    %mul3A_97 = vector.broadcast %div3A_84 : vector<1000x1xf32> to vector<1000x4xf32>
    %mul3A_98 = arith.mulf %max3A_96, %mul3A_97 : vector<1000x4xf32>
    %tanh3A_99 = math.tanh %mul3A_98 : vector<1000x4xf32>
    %min3A_100 = arith.constant 0.995999991 : f32
    %min3A_101 = vector.broadcast %min3A_100 : f32 to vector<1000x4xf32>
    %min3A_102 = arith.minimumf %tanh3A_99, %min3A_101 : vector<1000x4xf32>
    %gt3A = arith.constant 0.000000e+00 : f32
    %gt3A_103 = vector.broadcast %gt3A : f32 to vector<1000x4xf32>
    %gt3A_104 = arith.cmpf ogt, %dot_general3A_92, %gt3A_103 : vector<1000x4xf32>
    %div3A_105 = arith.divf %min3A_102, %max3A_96 : vector<1000x4xf32>
    %jit3A_106 = arith.constant 0.000000e+00 : f32
    %broadcast_in_dim3A_107 = vector.broadcast %jit3A_106 : f32 to vector<1000x4xf32>
    %select_n3A_108 = arith.select %gt3A_104, %div3A_105, %broadcast_in_dim3A_107 : vector<1000x4xi1>, vector<1000x4xf32>
    %mul3A_109 = arith.mulf %min3A_102, %min3A_102 : vector<1000x4xf32>
    %jit3A_110 = arith.constant 0.000000e+00 : f32
    %broadcast_in_dim3A_111 = vector.broadcast %jit3A_110 : f32 to vector<1000x4xf32>
    %select_n3A_112 = arith.select %gt3A_104, %mul3A_109, %broadcast_in_dim3A_111 : vector<1000x4xi1>, vector<1000x4xf32>
    %dot_general3A_113 = arith.constant dense<0.000000e+00> : vector<1000x192xf32>
    %dot_general3A_114 = tpu.matmul %select_n3A_108, %convert_element_type3A_60, %dot_general3A_113 {dimension_numbers = #tpu.dot_dimension_numbers<[1], [0], [0], [1], [0, 0, 1, 1], [], []>, transpose_lhs_hint = false} : vector<1000x4xf32>, vector<4x192xf32>, vector<1000x192xf32> -> vector<1000x192xf32>
    %mul3A_115 = arith.mulf %dot_general3A_89, %dot_general3A_114 : vector<1000x192xf32>
    %get3A_116 = arith.constant 0 : index
    %get3A_117 = arith.constant 0 : index
    %get3A_118 = vector.load %arg3[%get3A_116, %get3A_117] : memref<1x192xf32, #tpu.memory_space<vmem>>, vector<1x192xf32>
    %mul3A_119 = arith.mulf %get3A_118, %get3A_118 : vector<1x192xf32>
    %dot_general3A_120 = arith.constant dense<0.000000e+00> : vector<1x4xf32>
    %dot_general3A_121 = tpu.matmul %mul3A_119, %convert_element_type3A_24, %dot_general3A_120 {dimension_numbers = #tpu.dot_dimension_numbers<[1], [0], [0], [1], [0, 0, 1, 1], [], []>, transpose_lhs_hint = false} : vector<1x192xf32>, vector<192x4xf32>, vector<1x4xf32> -> vector<1x4xf32>
    %sqrt3A_122 = math.sqrt %dot_general3A_121 : vector<1x4xf32>
    %max3A_123 = arith.constant 1.000000e-15 : f32
    %max3A_124 = vector.broadcast %max3A_123 : f32 to vector<1x4xf32>
    %max3A_125 = arith.maximumf %sqrt3A_122, %max3A_124 : vector<1x4xf32>
    %tanh3A_126 = math.tanh %max3A_125 : vector<1x4xf32>
    %max3A_127 = arith.constant 1.000000e-15 : f32
    %max3A_128 = vector.broadcast %max3A_127 : f32 to vector<1x4xf32>
    %max3A_129 = arith.maximumf %tanh3A_126, %max3A_128 : vector<1x4xf32>
    %min3A_130 = arith.constant 0.995999991 : f32
    %min3A_131 = vector.broadcast %min3A_130 : f32 to vector<1x4xf32>
    %min3A_132 = arith.minimumf %max3A_129, %min3A_131 : vector<1x4xf32>
    %div3A_133 = arith.divf %min3A_132, %max3A_125 : vector<1x4xf32>
    %dot_general3A_134 = arith.constant dense<0.000000e+00> : vector<1x192xf32>
    %dot_general3A_135 = tpu.matmul %div3A_133, %convert_element_type3A_60, %dot_general3A_134 {dimension_numbers = #tpu.dot_dimension_numbers<[1], [0], [0], [1], [0, 0, 1, 1], [], []>, transpose_lhs_hint = false} : vector<1x4xf32>, vector<4x192xf32>, vector<1x192xf32> -> vector<1x192xf32>
    %mul3A_136 = arith.mulf %get3A_118, %dot_general3A_135 : vector<1x192xf32>
    %mul3A_137 = arith.mulf %mul3A_136, %mul3A_136 : vector<1x192xf32>
    %dot_general3A_138 = arith.constant dense<0.000000e+00> : vector<1x4xf32>
    %dot_general3A_139 = tpu.matmul %mul3A_137, %convert_element_type3A_24, %dot_general3A_138 {dimension_numbers = #tpu.dot_dimension_numbers<[1], [0], [0], [1], [0, 0, 1, 1], [], []>, transpose_lhs_hint = false} : vector<1x192xf32>, vector<192x4xf32>, vector<1x4xf32> -> vector<1x4xf32>
    %mul3A_140 = vector.broadcast %mul3A_136 : vector<1x192xf32> to vector<1000x192xf32>
    %mul3A_141 = arith.mulf %mul3A_115, %mul3A_140 : vector<1000x192xf32>
    %dot_general3A_142 = arith.constant dense<0.000000e+00> : vector<1000x4xf32>
    %dot_general3A_143 = tpu.matmul %mul3A_141, %convert_element_type3A_24, %dot_general3A_142 {dimension_numbers = #tpu.dot_dimension_numbers<[1], [0], [0], [1], [0, 0, 1, 1], [], []>, transpose_lhs_hint = false} : vector<1000x192xf32>, vector<192x4xf32>, vector<1000x4xf32> -> vector<1000x4xf32>
    %mul3A_144 = arith.constant 2.000000e+00 : f32
    %mul3A_145 = vector.broadcast %mul3A_144 : f32 to vector<1000x4xf32>
    %mul3A_146 = arith.mulf %mul3A_145, %dot_general3A_143 : vector<1000x4xf32>
    %add3A = arith.constant 1.000000e+00 : f32
    %add3A_147 = vector.broadcast %add3A : f32 to vector<1000x4xf32>
    %add3A_148 = arith.addf %add3A_147, %mul3A_146 : vector<1000x4xf32>
    %add3A_149 = vector.broadcast %dot_general3A_139 : vector<1x4xf32> to vector<1000x4xf32>
    %add3A_150 = arith.addf %add3A_148, %add3A_149 : vector<1000x4xf32>
    %sub3A_151 = arith.constant 1.000000e+00 : f32
    %sub3A_152 = vector.broadcast %sub3A_151 : f32 to vector<1000x4xf32>
    %sub3A_153 = arith.subf %sub3A_152, %select_n3A_112 : vector<1000x4xf32>
    %mul3A_154 = arith.constant 2.000000e+00 : f32
    %mul3A_155 = vector.broadcast %mul3A_154 : f32 to vector<1000x4xf32>
    %mul3A_156 = arith.mulf %mul3A_155, %dot_general3A_143 : vector<1000x4xf32>
    %add3A_157 = arith.constant 1.000000e+00 : f32
    %add3A_158 = vector.broadcast %add3A_157 : f32 to vector<1000x4xf32>
    %add3A_159 = arith.addf %add3A_158, %mul3A_156 : vector<1000x4xf32>
    %mul3A_160 = vector.broadcast %dot_general3A_139 : vector<1x4xf32> to vector<1000x4xf32>
    %mul3A_161 = arith.mulf %select_n3A_112, %mul3A_160 : vector<1000x4xf32>
    %add3A_162 = arith.addf %add3A_159, %mul3A_161 : vector<1000x4xf32>
    %dot_general3A_163 = arith.constant dense<0.000000e+00> : vector<1000x192xf32>
    %dot_general3A_164 = tpu.matmul %add3A_150, %convert_element_type3A_60, %dot_general3A_163 {dimension_numbers = #tpu.dot_dimension_numbers<[1], [0], [0], [1], [0, 0, 1, 1], [], []>, transpose_lhs_hint = false} : vector<1000x4xf32>, vector<4x192xf32>, vector<1000x192xf32> -> vector<1000x192xf32>
    %mul3A_165 = arith.mulf %mul3A_115, %dot_general3A_164 : vector<1000x192xf32>
    %dot_general3A_166 = arith.constant dense<0.000000e+00> : vector<1000x192xf32>
    %dot_general3A_167 = tpu.matmul %sub3A_153, %convert_element_type3A_60, %dot_general3A_166 {dimension_numbers = #tpu.dot_dimension_numbers<[1], [0], [0], [1], [0, 0, 1, 1], [], []>, transpose_lhs_hint = false} : vector<1000x4xf32>, vector<4x192xf32>, vector<1000x192xf32> -> vector<1000x192xf32>
    %mul3A_168 = vector.broadcast %mul3A_136 : vector<1x192xf32> to vector<1000x192xf32>
    %mul3A_169 = arith.mulf %mul3A_168, %dot_general3A_167 : vector<1000x192xf32>
    %add3A_170 = arith.addf %mul3A_165, %mul3A_169 : vector<1000x192xf32>
    %max3A_171 = arith.constant 1.000000e-15 : f32
    %max3A_172 = vector.broadcast %max3A_171 : f32 to vector<1000x4xf32>
    %max3A_173 = arith.maximumf %add3A_162, %max3A_172 : vector<1000x4xf32>
    %div3A_174 = arith.constant 1.000000e+00 : f32
    %div3A_175 = vector.broadcast %div3A_174 : f32 to vector<1000x4xf32>
    %div3A_176 = arith.divf %div3A_175, %max3A_173 : vector<1000x4xf32>
    %dot_general3A_177 = arith.constant dense<0.000000e+00> : vector<1000x192xf32>
    %dot_general3A_178 = tpu.matmul %div3A_176, %convert_element_type3A_60, %dot_general3A_177 {dimension_numbers = #tpu.dot_dimension_numbers<[1], [0], [0], [1], [0, 0, 1, 1], [], []>, transpose_lhs_hint = false} : vector<1000x4xf32>, vector<4x192xf32>, vector<1000x192xf32> -> vector<1000x192xf32>
    %mul3A_179 = arith.mulf %add3A_170, %dot_general3A_178 : vector<1000x192xf32>
    %mul3A_180 = arith.mulf %mul3A_179, %mul3A_179 : vector<1000x192xf32>
    %dot_general3A_181 = arith.constant dense<0.000000e+00> : vector<1000x4xf32>
    %dot_general3A_182 = tpu.matmul %mul3A_180, %convert_element_type3A_24, %dot_general3A_181 {dimension_numbers = #tpu.dot_dimension_numbers<[1], [0], [0], [1], [0, 0, 1, 1], [], []>, transpose_lhs_hint = false} : vector<1000x192xf32>, vector<192x4xf32>, vector<1000x4xf32> -> vector<1000x4xf32>
    %sqrt3A_183 = math.sqrt %dot_general3A_182 : vector<1000x4xf32>
    %max3A_184 = arith.constant 1.000000e-15 : f32
    %max3A_185 = vector.broadcast %max3A_184 : f32 to vector<1000x4xf32>
    %max3A_186 = arith.maximumf %sqrt3A_183, %max3A_185 : vector<1000x4xf32>
    %min3A_187 = arith.constant 0.995999991 : f32
    %min3A_188 = vector.broadcast %min3A_187 : f32 to vector<1000x4xf32>
    %min3A_189 = arith.minimumf %max3A_186, %min3A_188 : vector<1000x4xf32>
    %jit3A_190 = arith.constant -0.99999988 : f32
    %jit3A_191 = arith.constant 0.99999988 : f32
    %max3A_192 = vector.broadcast %jit3A_190 : f32 to vector<1000x4xf32>
    %max3A_193 = arith.maximumf %max3A_192, %min3A_189 : vector<1000x4xf32>
    %min3A_194 = vector.broadcast %jit3A_191 : f32 to vector<1000x4xf32>
    %min3A_195 = arith.minimumf %min3A_194, %max3A_193 : vector<1000x4xf32>
    %add3A_196 = arith.constant 1.000000e+00 : f32
    %add3A_197 = vector.broadcast %add3A_196 : f32 to vector<1000x4xf32>
    %add3A_198 = arith.addf %add3A_197, %min3A_195 : vector<1000x4xf32>
    %sub3A_199 = arith.constant 1.000000e+00 : f32
    %sub3A_200 = vector.broadcast %sub3A_199 : f32 to vector<1000x4xf32>
    %sub3A_201 = arith.subf %sub3A_200, %min3A_195 : vector<1000x4xf32>
    %div3A_202 = arith.divf %add3A_198, %sub3A_201 : vector<1000x4xf32>
    %log3A = math.log %div3A_202 : vector<1000x4xf32>
    %mul3A_203 = arith.constant 5.000000e-01 : f32
    %mul3A_204 = vector.broadcast %mul3A_203 : f32 to vector<1000x4xf32>
    %mul3A_205 = arith.mulf %mul3A_204, %log3A : vector<1000x4xf32>
    %div3A_206 = arith.divf %mul3A_205, %max3A_186 : vector<1000x4xf32>
    %iota3A_207 = tpu.iota {dimensions = array<i32: 1>} : vector<1x192xi32>
    %jit3A_208 = arith.constant 48 : i32
    %eq3A_209 = arith.constant 0 : i32
    %eq3A_210 = arith.cmpi eq, %jit3A_208, %eq3A_209 : i32
    %jit3A_211 = arith.constant 1 : i32
    %select_n3A_212 = arith.select %eq3A_210, %jit3A_211, %jit3A_208 : i32
    %rem3A_213 = vector.broadcast %select_n3A_212 : i32 to vector<1x192xi32>
    %rem3A_214 = arith.remsi %iota3A_207, %rem3A_213 : vector<1x192xi32>
    %ne3A_215 = arith.constant 0 : i32
    %ne3A_216 = vector.broadcast %ne3A_215 : i32 to vector<1x192xi32>
    %ne3A_217 = arith.cmpi ne, %rem3A_214, %ne3A_216 : vector<1x192xi32>
    %lt3A = arith.constant 0 : i32
    %lt3A_218 = vector.broadcast %lt3A : i32 to vector<1x192xi32>
    %lt3A_219 = arith.cmpi slt, %rem3A_214, %lt3A_218 : vector<1x192xi32>
    %lt3A_220 = arith.constant 0 : i32
    %lt3A_221 = arith.cmpi slt, %select_n3A_212, %lt3A_220 : i32
    %ne3A_222 = vector.broadcast %lt3A_221 : i1 to vector<1x192xi1>
    %ne3A_223 = vector.broadcast %ne3A_222 : vector<1x192xi1> to vector<1x192xi1>
    %ne3A_224 = arith.xori %lt3A_219, %ne3A_223 : vector<1x192xi1>
    %and3A_225 = arith.andi %ne3A_224, %ne3A_217 : vector<1x192xi1>
    %add3A_226 = vector.broadcast %select_n3A_212 : i32 to vector<1x192xi32>
    %add3A_227 = arith.addi %rem3A_214, %add3A_226 : vector<1x192xi32>
    %select_n3A_228 = arith.select %and3A_225, %add3A_227, %rem3A_214 : vector<1x192xi1>, vector<1x192xi32>
    %eq3A_229 = arith.constant 32 : i32
    %eq3A_230 = vector.broadcast %eq3A_229 : i32 to vector<1x192xi32>
    %eq3A_231 = arith.cmpi eq, %select_n3A_228, %eq3A_230 : vector<1x192xi32>
    %convert_element_type3A_232 = arith.extui %eq3A_231 : vector<1x192xi1> to vector<1x192xi32>
    %convert_element_type3A_233 = arith.sitofp %convert_element_type3A_232 : vector<1x192xi32> to vector<1x192xf32>
    %dot_general3A_234 = arith.constant dense<0.000000e+00> : vector<1000x192xf32>
    %dot_general3A_235 = tpu.matmul %div3A_206, %convert_element_type3A_60, %dot_general3A_234 {dimension_numbers = #tpu.dot_dimension_numbers<[1], [0], [0], [1], [0, 0, 1, 1], [], []>, transpose_lhs_hint = false} : vector<1000x4xf32>, vector<4x192xf32>, vector<1000x192xf32> -> vector<1000x192xf32>
    %mul3A_236 = arith.mulf %mul3A_179, %dot_general3A_235 : vector<1000x192xf32>
    %add3A_237 = vector.broadcast %convert_element_type3A_233 : vector<1x192xf32> to vector<1000x192xf32>
    %add3A_238 = arith.addf %mul3A_236, %add3A_237 : vector<1000x192xf32>
    %slice3A = vector.extract_strided_slice %add3A_238 {offsets = [0, 0], sizes = [1000, 48], strides = [1, 1]} : vector<1000x192xf32> to vector<1000x48xf32>
    %swap3A = arith.constant 0 : index
    %swap3A_239 = arith.constant 0 : index
    %swap3A_240 = vector.load %arg4[%swap3A, %swap3A_239] : memref<1000x48xf32, #tpu.memory_space<vmem>>, vector<1000x48xf32>
    tpu.vector_store %arg4[%swap3A, %swap3A_239], %slice3A {strides = array<i32>} : memref<1000x48xf32, #tpu.memory_space<vmem>>, vector<1000x48xf32>,
    %slice3A_241 = vector.extract_strided_slice %add3A_238 {offsets = [0, 48], sizes = [1000, 48], strides = [1, 1]} : vector<1000x192xf32> to vector<1000x48xf32>
    %swap3A_242 = arith.constant 0 : index
    %swap3A_243 = arith.constant 0 : index
    %swap3A_244 = vector.load %arg5[%swap3A_242, %swap3A_243] : memref<1000x48xf32, #tpu.memory_space<vmem>>, vector<1000x48xf32>
    tpu.vector_store %arg5[%swap3A_242, %swap3A_243], %slice3A_241 {strides = array<i32>} : memref<1000x48xf32, #tpu.memory_space<vmem>>, vector<1000x48xf32>,
    %slice3A_245 = vector.extract_strided_slice %add3A_238 {offsets = [0, 96], sizes = [1000, 48], strides = [1, 1]} : vector<1000x192xf32> to vector<1000x48xf32>
    %swap3A_246 = arith.constant 0 : index
    %swap3A_247 = arith.constant 0 : index
    %swap3A_248 = vector.load %arg6[%swap3A_246, %swap3A_247] : memref<1000x48xf32, #tpu.memory_space<vmem>>, vector<1000x48xf32>
    tpu.vector_store %arg6[%swap3A_246, %swap3A_247], %slice3A_245 {strides = array<i32>} : memref<1000x48xf32, #tpu.memory_space<vmem>>, vector<1000x48xf32>,
    %slice3A_249 = vector.extract_strided_slice %add3A_238 {offsets = [0, 144], sizes = [1000, 48], strides = [1, 1]} : vector<1000x192xf32> to vector<1000x48xf32>
    %swap3A_250 = arith.constant 0 : index
    %swap3A_251 = arith.constant 0 : index
    %swap3A_252 = vector.load %arg7[%swap3A_250, %swap3A_251] : memref<1000x48xf32, #tpu.memory_space<vmem>>, vector<1000x48xf32>
    tpu.vector_store %arg7[%swap3A_250, %swap3A_251], %slice3A_249 {strides = array<i32>} : memref<1000x48xf32, #tpu.memory_space<vmem>>, vector<1000x48xf32>,
    return
  }
  func.func @transform_0(%arg0: i32) -> (i32, i32) {
    %c0_i32 = arith.constant 0 : i32
    %c0_i32_0 = arith.constant 0 : i32
    return %arg0, %c0_i32 : i32, i32
  }
  func.func @transform_1(%arg0: i32) -> (i32, i32) {
    %c0_i32 = arith.constant 0 : i32
    %c0_i32_0 = arith.constant 0 : i32
    %c0_i32_1 = arith.constant 0 : i32
    return %c0_i32, %c0_i32_0 : i32, i32
  }
  func.func @transform_2(%arg0: i32) -> (i32, i32) {
    %c0_i32 = arith.constant 0 : i32
    %c0_i32_0 = arith.constant 0 : i32
    %c0_i32_1 = arith.constant 0 : i32
    return %c0_i32, %c0_i32_0 : i32, i32
  }
  func.func @transform_3(%arg0: i32) -> (i32, i32) {
    %c0_i32 = arith.constant 0 : i32
    %c0_i32_0 = arith.constant 0 : i32
    return %arg0, %c0_i32 : i32, i32
  }
  func.func @transform_4(%arg0: i32) -> (i32, i32) {
    %c0_i32 = arith.constant 0 : i32
    %c0_i32_0 = arith.constant 0 : i32
    return %arg0, %c0_i32 : i32, i32
  }
  func.func @transform_5(%arg0: i32) -> (i32, i32) {
    %c0_i32 = arith.constant 0 : i32
    %c0_i32_0 = arith.constant 0 : i32
    return %arg0, %c0_i32 : i32, i32
  }
  func.func @transform_6(%arg0: i32) -> (i32, i32) {
    %c0_i32 = arith.constant 0 : i32
    %c0_i32_0 = arith.constant 0 : i32
    return %arg0, %c0_i32 : i32, i32
  }
}

module attributes {stable_mosaic.version = 14 : i64} {
  func.func @_stage3_body(%arg0: i32, %arg1: memref<1000x48xf32, #tpu.memory_space<vmem>>, %arg2: memref<1000x48xf32, #tpu.memory_space<vmem>>, %arg3: memref<1000x48xf32, #tpu.memory_space<vmem>>, %arg4: memref<1000x48xf32, #tpu.memory_space<vmem>>, %arg5: memref<2x1000x48xf32, #tpu.memory_space<vmem>>, %arg6: memref<2x1000x48xf32, #tpu.memory_space<vmem>>, %arg7: memref<2x1000x48xf32, #tpu.memory_space<vmem>>, %arg8: memref<2x1000x48xf32, #tpu.memory_space<vmem>>, %arg9: memref<1000x32xf32, #tpu.memory_space<vmem>>) attributes {dimension_semantics = [#tpu.dimension_semantics<arbitrary>], iteration_bounds = array<i64: 10>, scalar_prefetch = 0 : i64, scratch_operands = 0 : i64, tpu.core_type = #tpu.core_type<tc>, window_params = [{transform_indices = @transform_0, window_bounds = array<i64: 1000, 48>}, {transform_indices = @transform_1, window_bounds = array<i64: 1000, 48>}, {transform_indices = @transform_2, window_bounds = array<i64: 1000, 48>}, {transform_indices = @transform_3, window_bounds = array<i64: 1000, 48>}, {transform_indices = @transform_4, window_bounds = array<i64: 2, 1000, 48>}, {transform_indices = @transform_5, window_bounds = array<i64: 2, 1000, 48>}, {transform_indices = @transform_6, window_bounds = array<i64: 2, 1000, 48>}, {transform_indices = @transform_7, window_bounds = array<i64: 2, 1000, 48>}, {transform_indices = @transform_8, window_bounds = array<i64: 1000, 32>}]} {
    %iota3A = tpu.iota {dimensions = array<i32: 1>} : vector<1x48xi32>
    %lt3A = arith.constant 32 : i32
    %lt3A_0 = vector.broadcast %lt3A : i32 to vector<1x48xi32>
    %lt3A_1 = arith.cmpi slt, %iota3A, %lt3A_0 : vector<1x48xi32>
    %convert_element_type3A = arith.extui %lt3A_1 : vector<1x48xi1> to vector<1x48xi32>
    %convert_element_type3A_2 = arith.sitofp %convert_element_type3A : vector<1x48xi32> to vector<1x48xf32>
    %iota3A_3 = tpu.iota {dimensions = array<i32: 0>} : vector<48x1xi32>
    %eq3A = arith.constant 32 : i32
    %eq3A_4 = vector.broadcast %eq3A : i32 to vector<48x1xi32>
    %eq3A_5 = arith.cmpi eq, %iota3A_3, %eq3A_4 : vector<48x1xi32>
    %convert_element_type3A_6 = arith.extui %eq3A_5 : vector<48x1xi1> to vector<48x1xi32>
    %convert_element_type3A_7 = arith.sitofp %convert_element_type3A_6 : vector<48x1xi32> to vector<48x1xf32>
    %broadcast_in_dim3A = arith.constant 1.000000e+00 : f32
    %broadcast_in_dim3A_8 = vector.broadcast %broadcast_in_dim3A : f32 to vector<48x1xf32>
    %get3A = arith.constant 0 : index
    %get3A_9 = arith.constant 0 : index
    %get3A_10 = arith.constant 0 : index
    %get3A_11 = vector.load %arg5[%get3A, %get3A_9, %get3A_10] : memref<2x1000x48xf32, #tpu.memory_space<vmem>>, vector<1x1000x48xf32>
    %get3A_12 = vector.shape_cast %get3A_11 : vector<1x1000x48xf32> to vector<1000x48xf32>
    %get3A_13 = arith.constant 1 : index
    %get3A_14 = arith.constant 0 : index
    %get3A_15 = arith.constant 0 : index
    %get3A_16 = vector.load %arg5[%get3A_13, %get3A_14, %get3A_15] : memref<2x1000x48xf32, #tpu.memory_space<vmem>>, vector<1x1000x48xf32>
    %get3A_17 = vector.shape_cast %get3A_16 : vector<1x1000x48xf32> to vector<1000x48xf32>
    %add3A = arith.addf %get3A_12, %get3A_17 : vector<1000x48xf32>
    %get3A_18 = arith.constant 0 : index
    %get3A_19 = arith.constant 0 : index
    %get3A_20 = vector.load %arg1[%get3A_18, %get3A_19] : memref<1000x48xf32, #tpu.memory_space<vmem>>, vector<1000x48xf32>
    %add3A_21 = arith.addf %add3A, %get3A_20 : vector<1000x48xf32>
    %dot_general3A = arith.constant dense<0.000000e+00> : vector<1000x1xf32>
    %dot_general3A_22 = tpu.matmul %add3A_21, %convert_element_type3A_7, %dot_general3A {dimension_numbers = #tpu.dot_dimension_numbers<[1], [0], [0], [1], [0, 0, 1, 1], [], []>, transpose_lhs_hint = false} : vector<1000x48xf32>, vector<48x1xf32>, vector<1000x1xf32> -> vector<1000x1xf32>
    %mul3A = vector.broadcast %convert_element_type3A_2 : vector<1x48xf32> to vector<1000x48xf32>
    %mul3A_23 = arith.mulf %add3A_21, %mul3A : vector<1000x48xf32>
    %mul3A_24 = arith.mulf %mul3A_23, %mul3A_23 : vector<1000x48xf32>
    %dot_general3A_25 = arith.constant dense<0.000000e+00> : vector<1000x1xf32>
    %dot_general3A_26 = tpu.matmul %mul3A_24, %broadcast_in_dim3A_8, %dot_general3A_25 {dimension_numbers = #tpu.dot_dimension_numbers<[1], [0], [0], [1], [0, 0, 1, 1], [], []>, transpose_lhs_hint = false} : vector<1000x48xf32>, vector<48x1xf32>, vector<1000x1xf32> -> vector<1000x1xf32>
    %sqrt3A = math.sqrt %dot_general3A_26 : vector<1000x1xf32>
    %div3A = arith.divf %sqrt3A, %dot_general3A_22 : vector<1000x1xf32>
    %max3A = arith.constant 1.000000e-15 : f32
    %max3A_27 = vector.broadcast %max3A : f32 to vector<1000x1xf32>
    %max3A_28 = arith.maximumf %div3A, %max3A_27 : vector<1000x1xf32>
    %min3A = arith.constant 3.10630298 : f32
    %min3A_29 = vector.broadcast %min3A : f32 to vector<1000x1xf32>
    %min3A_30 = arith.minimumf %max3A_28, %min3A_29 : vector<1000x1xf32>
    %mul3A_31 = arith.mulf %max3A_28, %dot_general3A_22 : vector<1000x1xf32>
    %div3A_32 = arith.divf %min3A_30, %mul3A_31 : vector<1000x1xf32>
    %max3A_33 = arith.constant 0.000000e+00 : f32
    %max3A_34 = vector.broadcast %max3A_33 : f32 to vector<1000x48xf32>
    %max3A_35 = arith.maximumf %mul3A_23, %max3A_34 : vector<1000x48xf32>
    %mul3A_36 = vector.broadcast %div3A_32 : vector<1000x1xf32> to vector<1000x48xf32>
    %mul3A_37 = arith.mulf %max3A_35, %mul3A_36 : vector<1000x48xf32>
    %mul3A_38 = arith.mulf %mul3A_37, %mul3A_37 : vector<1000x48xf32>
    %dot_general3A_39 = arith.constant dense<0.000000e+00> : vector<1000x1xf32>
    %dot_general3A_40 = tpu.matmul %mul3A_38, %broadcast_in_dim3A_8, %dot_general3A_39 {dimension_numbers = #tpu.dot_dimension_numbers<[1], [0], [0], [1], [0, 0, 1, 1], [], []>, transpose_lhs_hint = false} : vector<1000x48xf32>, vector<48x1xf32>, vector<1000x1xf32> -> vector<1000x1xf32>
    %sqrt3A_41 = math.sqrt %dot_general3A_40 : vector<1000x1xf32>
    %max3A_42 = arith.constant 1.000000e-15 : f32
    %max3A_43 = vector.broadcast %max3A_42 : f32 to vector<1000x1xf32>
    %max3A_44 = arith.maximumf %sqrt3A_41, %max3A_43 : vector<1000x1xf32>
    %min3A_45 = arith.constant 3.10630298 : f32
    %min3A_46 = vector.broadcast %min3A_45 : f32 to vector<1000x1xf32>
    %min3A_47 = arith.minimumf %max3A_44, %min3A_46 : vector<1000x1xf32>
    %div3A_48 = arith.constant 1.000000e+00 : f32
    %div3A_49 = vector.broadcast %div3A_48 : f32 to vector<1000x1xf32>
    %div3A_50 = arith.divf %div3A_49, %max3A_44 : vector<1000x1xf32>
    %mul3A_51 = arith.constant 1.250000e-01 : f32
    %mul3A_52 = vector.broadcast %mul3A_51 : f32 to vector<1000x1xf32>
    %mul3A_53 = arith.mulf %mul3A_52, %min3A_47 : vector<1000x1xf32>
    %tanh3A = math.tanh %mul3A_53 : vector<1000x1xf32>
    %mul3A_54 = arith.mulf %tanh3A, %div3A_50 : vector<1000x1xf32>
    %mul3A_55 = vector.broadcast %mul3A_54 : vector<1000x1xf32> to vector<1000x48xf32>
    %mul3A_56 = arith.mulf %mul3A_37, %mul3A_55 : vector<1000x48xf32>
    %mul3A_57 = arith.mulf %min3A_47, %div3A_50 : vector<1000x1xf32>
    %mul3A_58 = vector.broadcast %mul3A_57 : vector<1000x1xf32> to vector<1000x48xf32>
    %mul3A_59 = arith.mulf %mul3A_37, %mul3A_58 : vector<1000x48xf32>
    %get3A_60 = arith.constant 0 : index
    %get3A_61 = arith.constant 0 : index
    %get3A_62 = arith.constant 0 : index
    %get3A_63 = vector.load %arg6[%get3A_60, %get3A_61, %get3A_62] : memref<2x1000x48xf32, #tpu.memory_space<vmem>>, vector<1x1000x48xf32>
    %get3A_64 = vector.shape_cast %get3A_63 : vector<1x1000x48xf32> to vector<1000x48xf32>
    %get3A_65 = arith.constant 1 : index
    %get3A_66 = arith.constant 0 : index
    %get3A_67 = arith.constant 0 : index
    %get3A_68 = vector.load %arg6[%get3A_65, %get3A_66, %get3A_67] : memref<2x1000x48xf32, #tpu.memory_space<vmem>>, vector<1x1000x48xf32>
    %get3A_69 = vector.shape_cast %get3A_68 : vector<1x1000x48xf32> to vector<1000x48xf32>
    %add3A_70 = arith.addf %get3A_64, %get3A_69 : vector<1000x48xf32>
    %get3A_71 = arith.constant 0 : index
    %get3A_72 = arith.constant 0 : index
    %get3A_73 = vector.load %arg2[%get3A_71, %get3A_72] : memref<1000x48xf32, #tpu.memory_space<vmem>>, vector<1000x48xf32>
    %add3A_74 = arith.addf %add3A_70, %get3A_73 : vector<1000x48xf32>
    %dot_general3A_75 = arith.constant dense<0.000000e+00> : vector<1000x1xf32>
    %dot_general3A_76 = tpu.matmul %add3A_74, %convert_element_type3A_7, %dot_general3A_75 {dimension_numbers = #tpu.dot_dimension_numbers<[1], [0], [0], [1], [0, 0, 1, 1], [], []>, transpose_lhs_hint = false} : vector<1000x48xf32>, vector<48x1xf32>, vector<1000x1xf32> -> vector<1000x1xf32>
    %mul3A_77 = vector.broadcast %convert_element_type3A_2 : vector<1x48xf32> to vector<1000x48xf32>
    %mul3A_78 = arith.mulf %add3A_74, %mul3A_77 : vector<1000x48xf32>
    %mul3A_79 = arith.mulf %mul3A_78, %mul3A_78 : vector<1000x48xf32>
    %dot_general3A_80 = arith.constant dense<0.000000e+00> : vector<1000x1xf32>
    %dot_general3A_81 = tpu.matmul %mul3A_79, %broadcast_in_dim3A_8, %dot_general3A_80 {dimension_numbers = #tpu.dot_dimension_numbers<[1], [0], [0], [1], [0, 0, 1, 1], [], []>, transpose_lhs_hint = false} : vector<1000x48xf32>, vector<48x1xf32>, vector<1000x1xf32> -> vector<1000x1xf32>
    %sqrt3A_82 = math.sqrt %dot_general3A_81 : vector<1000x1xf32>
    %div3A_83 = arith.divf %sqrt3A_82, %dot_general3A_76 : vector<1000x1xf32>
    %max3A_84 = arith.constant 1.000000e-15 : f32
    %max3A_85 = vector.broadcast %max3A_84 : f32 to vector<1000x1xf32>
    %max3A_86 = arith.maximumf %div3A_83, %max3A_85 : vector<1000x1xf32>
    %min3A_87 = arith.constant 3.10630298 : f32
    %min3A_88 = vector.broadcast %min3A_87 : f32 to vector<1000x1xf32>
    %min3A_89 = arith.minimumf %max3A_86, %min3A_88 : vector<1000x1xf32>
    %mul3A_90 = arith.mulf %max3A_86, %dot_general3A_76 : vector<1000x1xf32>
    %div3A_91 = arith.divf %min3A_89, %mul3A_90 : vector<1000x1xf32>
    %max3A_92 = arith.constant 0.000000e+00 : f32
    %max3A_93 = vector.broadcast %max3A_92 : f32 to vector<1000x48xf32>
    %max3A_94 = arith.maximumf %mul3A_78, %max3A_93 : vector<1000x48xf32>
    %mul3A_95 = vector.broadcast %div3A_91 : vector<1000x1xf32> to vector<1000x48xf32>
    %mul3A_96 = arith.mulf %max3A_94, %mul3A_95 : vector<1000x48xf32>
    %mul3A_97 = arith.mulf %mul3A_96, %mul3A_96 : vector<1000x48xf32>
    %dot_general3A_98 = arith.constant dense<0.000000e+00> : vector<1000x1xf32>
    %dot_general3A_99 = tpu.matmul %mul3A_97, %broadcast_in_dim3A_8, %dot_general3A_98 {dimension_numbers = #tpu.dot_dimension_numbers<[1], [0], [0], [1], [0, 0, 1, 1], [], []>, transpose_lhs_hint = false} : vector<1000x48xf32>, vector<48x1xf32>, vector<1000x1xf32> -> vector<1000x1xf32>
    %sqrt3A_100 = math.sqrt %dot_general3A_99 : vector<1000x1xf32>
    %max3A_101 = arith.constant 1.000000e-15 : f32
    %max3A_102 = vector.broadcast %max3A_101 : f32 to vector<1000x1xf32>
    %max3A_103 = arith.maximumf %sqrt3A_100, %max3A_102 : vector<1000x1xf32>
    %min3A_104 = arith.constant 3.10630298 : f32
    %min3A_105 = vector.broadcast %min3A_104 : f32 to vector<1000x1xf32>
    %min3A_106 = arith.minimumf %max3A_103, %min3A_105 : vector<1000x1xf32>
    %div3A_107 = arith.constant 1.000000e+00 : f32
    %div3A_108 = vector.broadcast %div3A_107 : f32 to vector<1000x1xf32>
    %div3A_109 = arith.divf %div3A_108, %max3A_103 : vector<1000x1xf32>
    %mul3A_110 = arith.constant 1.250000e-01 : f32
    %mul3A_111 = vector.broadcast %mul3A_110 : f32 to vector<1000x1xf32>
    %mul3A_112 = arith.mulf %mul3A_111, %min3A_106 : vector<1000x1xf32>
    %tanh3A_113 = math.tanh %mul3A_112 : vector<1000x1xf32>
    %mul3A_114 = arith.mulf %tanh3A_113, %div3A_109 : vector<1000x1xf32>
    %mul3A_115 = vector.broadcast %mul3A_114 : vector<1000x1xf32> to vector<1000x48xf32>
    %mul3A_116 = arith.mulf %mul3A_96, %mul3A_115 : vector<1000x48xf32>
    %mul3A_117 = arith.mulf %min3A_106, %div3A_109 : vector<1000x1xf32>
    %mul3A_118 = vector.broadcast %mul3A_117 : vector<1000x1xf32> to vector<1000x48xf32>
    %mul3A_119 = arith.mulf %mul3A_96, %mul3A_118 : vector<1000x48xf32>
    %get3A_120 = arith.constant 0 : index
    %get3A_121 = arith.constant 0 : index
    %get3A_122 = arith.constant 0 : index
    %get3A_123 = vector.load %arg7[%get3A_120, %get3A_121, %get3A_122] : memref<2x1000x48xf32, #tpu.memory_space<vmem>>, vector<1x1000x48xf32>
    %get3A_124 = vector.shape_cast %get3A_123 : vector<1x1000x48xf32> to vector<1000x48xf32>
    %get3A_125 = arith.constant 1 : index
    %get3A_126 = arith.constant 0 : index
    %get3A_127 = arith.constant 0 : index
    %get3A_128 = vector.load %arg7[%get3A_125, %get3A_126, %get3A_127] : memref<2x1000x48xf32, #tpu.memory_space<vmem>>, vector<1x1000x48xf32>
    %get3A_129 = vector.shape_cast %get3A_128 : vector<1x1000x48xf32> to vector<1000x48xf32>
    %add3A_130 = arith.addf %get3A_124, %get3A_129 : vector<1000x48xf32>
    %get3A_131 = arith.constant 0 : index
    %get3A_132 = arith.constant 0 : index
    %get3A_133 = vector.load %arg3[%get3A_131, %get3A_132] : memref<1000x48xf32, #tpu.memory_space<vmem>>, vector<1000x48xf32>
    %add3A_134 = arith.addf %add3A_130, %get3A_133 : vector<1000x48xf32>
    %dot_general3A_135 = arith.constant dense<0.000000e+00> : vector<1000x1xf32>
    %dot_general3A_136 = tpu.matmul %add3A_134, %convert_element_type3A_7, %dot_general3A_135 {dimension_numbers = #tpu.dot_dimension_numbers<[1], [0], [0], [1], [0, 0, 1, 1], [], []>, transpose_lhs_hint = false} : vector<1000x48xf32>, vector<48x1xf32>, vector<1000x1xf32> -> vector<1000x1xf32>
    %mul3A_137 = vector.broadcast %convert_element_type3A_2 : vector<1x48xf32> to vector<1000x48xf32>
    %mul3A_138 = arith.mulf %add3A_134, %mul3A_137 : vector<1000x48xf32>
    %mul3A_139 = arith.mulf %mul3A_138, %mul3A_138 : vector<1000x48xf32>
    %dot_general3A_140 = arith.constant dense<0.000000e+00> : vector<1000x1xf32>
    %dot_general3A_141 = tpu.matmul %mul3A_139, %broadcast_in_dim3A_8, %dot_general3A_140 {dimension_numbers = #tpu.dot_dimension_numbers<[1], [0], [0], [1], [0, 0, 1, 1], [], []>, transpose_lhs_hint = false} : vector<1000x48xf32>, vector<48x1xf32>, vector<1000x1xf32> -> vector<1000x1xf32>
    %sqrt3A_142 = math.sqrt %dot_general3A_141 : vector<1000x1xf32>
    %div3A_143 = arith.divf %sqrt3A_142, %dot_general3A_136 : vector<1000x1xf32>
    %max3A_144 = arith.constant 1.000000e-15 : f32
    %max3A_145 = vector.broadcast %max3A_144 : f32 to vector<1000x1xf32>
    %max3A_146 = arith.maximumf %div3A_143, %max3A_145 : vector<1000x1xf32>
    %min3A_147 = arith.constant 3.10630298 : f32
    %min3A_148 = vector.broadcast %min3A_147 : f32 to vector<1000x1xf32>
    %min3A_149 = arith.minimumf %max3A_146, %min3A_148 : vector<1000x1xf32>
    %mul3A_150 = arith.mulf %max3A_146, %dot_general3A_136 : vector<1000x1xf32>
    %div3A_151 = arith.divf %min3A_149, %mul3A_150 : vector<1000x1xf32>
    %max3A_152 = arith.constant 0.000000e+00 : f32
    %max3A_153 = vector.broadcast %max3A_152 : f32 to vector<1000x48xf32>
    %max3A_154 = arith.maximumf %mul3A_138, %max3A_153 : vector<1000x48xf32>
    %mul3A_155 = vector.broadcast %div3A_151 : vector<1000x1xf32> to vector<1000x48xf32>
    %mul3A_156 = arith.mulf %max3A_154, %mul3A_155 : vector<1000x48xf32>
    %mul3A_157 = arith.mulf %mul3A_156, %mul3A_156 : vector<1000x48xf32>
    %dot_general3A_158 = arith.constant dense<0.000000e+00> : vector<1000x1xf32>
    %dot_general3A_159 = tpu.matmul %mul3A_157, %broadcast_in_dim3A_8, %dot_general3A_158 {dimension_numbers = #tpu.dot_dimension_numbers<[1], [0], [0], [1], [0, 0, 1, 1], [], []>, transpose_lhs_hint = false} : vector<1000x48xf32>, vector<48x1xf32>, vector<1000x1xf32> -> vector<1000x1xf32>
    %sqrt3A_160 = math.sqrt %dot_general3A_159 : vector<1000x1xf32>
    %max3A_161 = arith.constant 1.000000e-15 : f32
    %max3A_162 = vector.broadcast %max3A_161 : f32 to vector<1000x1xf32>
    %max3A_163 = arith.maximumf %sqrt3A_160, %max3A_162 : vector<1000x1xf32>
    %min3A_164 = arith.constant 3.10630298 : f32
    %min3A_165 = vector.broadcast %min3A_164 : f32 to vector<1000x1xf32>
    %min3A_166 = arith.minimumf %max3A_163, %min3A_165 : vector<1000x1xf32>
    %div3A_167 = arith.constant 1.000000e+00 : f32
    %div3A_168 = vector.broadcast %div3A_167 : f32 to vector<1000x1xf32>
    %div3A_169 = arith.divf %div3A_168, %max3A_163 : vector<1000x1xf32>
    %mul3A_170 = arith.constant 1.250000e-01 : f32
    %mul3A_171 = vector.broadcast %mul3A_170 : f32 to vector<1000x1xf32>
    %mul3A_172 = arith.mulf %mul3A_171, %min3A_166 : vector<1000x1xf32>
    %tanh3A_173 = math.tanh %mul3A_172 : vector<1000x1xf32>
    %mul3A_174 = arith.mulf %tanh3A_173, %div3A_169 : vector<1000x1xf32>
    %mul3A_175 = vector.broadcast %mul3A_174 : vector<1000x1xf32> to vector<1000x48xf32>
    %mul3A_176 = arith.mulf %mul3A_156, %mul3A_175 : vector<1000x48xf32>
    %mul3A_177 = arith.mulf %min3A_166, %div3A_169 : vector<1000x1xf32>
    %mul3A_178 = vector.broadcast %mul3A_177 : vector<1000x1xf32> to vector<1000x48xf32>
    %mul3A_179 = arith.mulf %mul3A_156, %mul3A_178 : vector<1000x48xf32>
    %get3A_180 = arith.constant 0 : index
    %get3A_181 = arith.constant 0 : index
    %get3A_182 = arith.constant 0 : index
    %get3A_183 = vector.load %arg8[%get3A_180, %get3A_181, %get3A_182] : memref<2x1000x48xf32, #tpu.memory_space<vmem>>, vector<1x1000x48xf32>
    %get3A_184 = vector.shape_cast %get3A_183 : vector<1x1000x48xf32> to vector<1000x48xf32>
    %get3A_185 = arith.constant 1 : index
    %get3A_186 = arith.constant 0 : index
    %get3A_187 = arith.constant 0 : index
    %get3A_188 = vector.load %arg8[%get3A_185, %get3A_186, %get3A_187] : memref<2x1000x48xf32, #tpu.memory_space<vmem>>, vector<1x1000x48xf32>
    %get3A_189 = vector.shape_cast %get3A_188 : vector<1x1000x48xf32> to vector<1000x48xf32>
    %add3A_190 = arith.addf %get3A_184, %get3A_189 : vector<1000x48xf32>
    %get3A_191 = arith.constant 0 : index
    %get3A_192 = arith.constant 0 : index
    %get3A_193 = vector.load %arg4[%get3A_191, %get3A_192] : memref<1000x48xf32, #tpu.memory_space<vmem>>, vector<1000x48xf32>
    %add3A_194 = arith.addf %add3A_190, %get3A_193 : vector<1000x48xf32>
    %dot_general3A_195 = arith.constant dense<0.000000e+00> : vector<1000x1xf32>
    %dot_general3A_196 = tpu.matmul %add3A_194, %convert_element_type3A_7, %dot_general3A_195 {dimension_numbers = #tpu.dot_dimension_numbers<[1], [0], [0], [1], [0, 0, 1, 1], [], []>, transpose_lhs_hint = false} : vector<1000x48xf32>, vector<48x1xf32>, vector<1000x1xf32> -> vector<1000x1xf32>
    %mul3A_197 = vector.broadcast %convert_element_type3A_2 : vector<1x48xf32> to vector<1000x48xf32>
    %mul3A_198 = arith.mulf %add3A_194, %mul3A_197 : vector<1000x48xf32>
    %mul3A_199 = arith.mulf %mul3A_198, %mul3A_198 : vector<1000x48xf32>
    %dot_general3A_200 = arith.constant dense<0.000000e+00> : vector<1000x1xf32>
    %dot_general3A_201 = tpu.matmul %mul3A_199, %broadcast_in_dim3A_8, %dot_general3A_200 {dimension_numbers = #tpu.dot_dimension_numbers<[1], [0], [0], [1], [0, 0, 1, 1], [], []>, transpose_lhs_hint = false} : vector<1000x48xf32>, vector<48x1xf32>, vector<1000x1xf32> -> vector<1000x1xf32>
    %sqrt3A_202 = math.sqrt %dot_general3A_201 : vector<1000x1xf32>
    %div3A_203 = arith.divf %sqrt3A_202, %dot_general3A_196 : vector<1000x1xf32>
    %max3A_204 = arith.constant 1.000000e-15 : f32
    %max3A_205 = vector.broadcast %max3A_204 : f32 to vector<1000x1xf32>
    %max3A_206 = arith.maximumf %div3A_203, %max3A_205 : vector<1000x1xf32>
    %min3A_207 = arith.constant 3.10630298 : f32
    %min3A_208 = vector.broadcast %min3A_207 : f32 to vector<1000x1xf32>
    %min3A_209 = arith.minimumf %max3A_206, %min3A_208 : vector<1000x1xf32>
    %mul3A_210 = arith.mulf %max3A_206, %dot_general3A_196 : vector<1000x1xf32>
    %div3A_211 = arith.divf %min3A_209, %mul3A_210 : vector<1000x1xf32>
    %max3A_212 = arith.constant 0.000000e+00 : f32
    %max3A_213 = vector.broadcast %max3A_212 : f32 to vector<1000x48xf32>
    %max3A_214 = arith.maximumf %mul3A_198, %max3A_213 : vector<1000x48xf32>
    %mul3A_215 = vector.broadcast %div3A_211 : vector<1000x1xf32> to vector<1000x48xf32>
    %mul3A_216 = arith.mulf %max3A_214, %mul3A_215 : vector<1000x48xf32>
    %mul3A_217 = arith.mulf %mul3A_216, %mul3A_216 : vector<1000x48xf32>
    %dot_general3A_218 = arith.constant dense<0.000000e+00> : vector<1000x1xf32>
    %dot_general3A_219 = tpu.matmul %mul3A_217, %broadcast_in_dim3A_8, %dot_general3A_218 {dimension_numbers = #tpu.dot_dimension_numbers<[1], [0], [0], [1], [0, 0, 1, 1], [], []>, transpose_lhs_hint = false} : vector<1000x48xf32>, vector<48x1xf32>, vector<1000x1xf32> -> vector<1000x1xf32>
    %sqrt3A_220 = math.sqrt %dot_general3A_219 : vector<1000x1xf32>
    %max3A_221 = arith.constant 1.000000e-15 : f32
    %max3A_222 = vector.broadcast %max3A_221 : f32 to vector<1000x1xf32>
    %max3A_223 = arith.maximumf %sqrt3A_220, %max3A_222 : vector<1000x1xf32>
    %min3A_224 = arith.constant 3.10630298 : f32
    %min3A_225 = vector.broadcast %min3A_224 : f32 to vector<1000x1xf32>
    %min3A_226 = arith.minimumf %max3A_223, %min3A_225 : vector<1000x1xf32>
    %div3A_227 = arith.constant 1.000000e+00 : f32
    %div3A_228 = vector.broadcast %div3A_227 : f32 to vector<1000x1xf32>
    %div3A_229 = arith.divf %div3A_228, %max3A_223 : vector<1000x1xf32>
    %mul3A_230 = arith.constant 1.250000e-01 : f32
    %mul3A_231 = vector.broadcast %mul3A_230 : f32 to vector<1000x1xf32>
    %mul3A_232 = arith.mulf %mul3A_231, %min3A_226 : vector<1000x1xf32>
    %tanh3A_233 = math.tanh %mul3A_232 : vector<1000x1xf32>
    %mul3A_234 = arith.mulf %tanh3A_233, %div3A_229 : vector<1000x1xf32>
    %mul3A_235 = vector.broadcast %mul3A_234 : vector<1000x1xf32> to vector<1000x48xf32>
    %mul3A_236 = arith.mulf %mul3A_216, %mul3A_235 : vector<1000x48xf32>
    %mul3A_237 = arith.mulf %min3A_226, %div3A_229 : vector<1000x1xf32>
    %mul3A_238 = vector.broadcast %mul3A_237 : vector<1000x1xf32> to vector<1000x48xf32>
    %mul3A_239 = arith.mulf %mul3A_216, %mul3A_238 : vector<1000x48xf32>
    %mul3A_240 = arith.mulf %tanh3A_113, %tanh3A_113 : vector<1000x1xf32>
    %mul3A_241 = arith.mulf %mul3A_56, %mul3A_56 : vector<1000x48xf32>
    %dot_general3A_242 = arith.constant dense<0.000000e+00> : vector<1000x1xf32>
    %dot_general3A_243 = tpu.matmul %mul3A_241, %broadcast_in_dim3A_8, %dot_general3A_242 {dimension_numbers = #tpu.dot_dimension_numbers<[1], [0], [0], [1], [0, 0, 1, 1], [], []>, transpose_lhs_hint = false} : vector<1000x48xf32>, vector<48x1xf32>, vector<1000x1xf32> -> vector<1000x1xf32>
    %mul3A_244 = arith.mulf %mul3A_56, %mul3A_116 : vector<1000x48xf32>
    %dot_general3A_245 = arith.constant dense<0.000000e+00> : vector<1000x1xf32>
    %dot_general3A_246 = tpu.matmul %mul3A_244, %broadcast_in_dim3A_8, %dot_general3A_245 {dimension_numbers = #tpu.dot_dimension_numbers<[1], [0], [0], [1], [0, 0, 1, 1], [], []>, transpose_lhs_hint = false} : vector<1000x48xf32>, vector<48x1xf32>, vector<1000x1xf32> -> vector<1000x1xf32>
    %mul3A_247 = arith.constant 2.000000e+00 : f32
    %mul3A_248 = vector.broadcast %mul3A_247 : f32 to vector<1000x1xf32>
    %mul3A_249 = arith.mulf %mul3A_248, %dot_general3A_246 : vector<1000x1xf32>
    %add3A_250 = arith.constant 1.000000e+00 : f32
    %add3A_251 = vector.broadcast %add3A_250 : f32 to vector<1000x1xf32>
    %add3A_252 = arith.addf %add3A_251, %mul3A_249 : vector<1000x1xf32>
    %add3A_253 = arith.addf %add3A_252, %mul3A_240 : vector<1000x1xf32>
    %mul3A_254 = vector.broadcast %add3A_253 : vector<1000x1xf32> to vector<1000x48xf32>
    %mul3A_255 = arith.mulf %mul3A_254, %mul3A_56 : vector<1000x48xf32>
    %sub3A = arith.constant 1.000000e+00 : f32
    %sub3A_256 = vector.broadcast %sub3A : f32 to vector<1000x1xf32>
    %sub3A_257 = arith.subf %sub3A_256, %dot_general3A_243 : vector<1000x1xf32>
    %mul3A_258 = vector.broadcast %sub3A_257 : vector<1000x1xf32> to vector<1000x48xf32>
    %mul3A_259 = arith.mulf %mul3A_258, %mul3A_116 : vector<1000x48xf32>
    %add3A_260 = arith.addf %mul3A_255, %mul3A_259 : vector<1000x48xf32>
    %mul3A_261 = arith.constant 2.000000e+00 : f32
    %mul3A_262 = vector.broadcast %mul3A_261 : f32 to vector<1000x1xf32>
    %mul3A_263 = arith.mulf %mul3A_262, %dot_general3A_246 : vector<1000x1xf32>
    %add3A_264 = arith.constant 1.000000e+00 : f32
    %add3A_265 = vector.broadcast %add3A_264 : f32 to vector<1000x1xf32>
    %add3A_266 = arith.addf %add3A_265, %mul3A_263 : vector<1000x1xf32>
    %mul3A_267 = arith.mulf %dot_general3A_243, %mul3A_240 : vector<1000x1xf32>
    %add3A_268 = arith.addf %add3A_266, %mul3A_267 : vector<1000x1xf32>
    %max3A_269 = arith.constant 1.000000e-15 : f32
    %max3A_270 = vector.broadcast %max3A_269 : f32 to vector<1000x1xf32>
    %max3A_271 = arith.maximumf %add3A_268, %max3A_270 : vector<1000x1xf32>
    %div3A_272 = arith.constant 1.000000e+00 : f32
    %div3A_273 = vector.broadcast %div3A_272 : f32 to vector<1000x1xf32>
    %div3A_274 = arith.divf %div3A_273, %max3A_271 : vector<1000x1xf32>
    %mul3A_275 = vector.broadcast %div3A_274 : vector<1000x1xf32> to vector<1000x48xf32>
    %mul3A_276 = arith.mulf %add3A_260, %mul3A_275 : vector<1000x48xf32>
    %mul3A_277 = arith.mulf %tanh3A_173, %tanh3A_173 : vector<1000x1xf32>
    %mul3A_278 = arith.mulf %mul3A_276, %mul3A_276 : vector<1000x48xf32>
    %dot_general3A_279 = arith.constant dense<0.000000e+00> : vector<1000x1xf32>
    %dot_general3A_280 = tpu.matmul %mul3A_278, %broadcast_in_dim3A_8, %dot_general3A_279 {dimension_numbers = #tpu.dot_dimension_numbers<[1], [0], [0], [1], [0, 0, 1, 1], [], []>, transpose_lhs_hint = false} : vector<1000x48xf32>, vector<48x1xf32>, vector<1000x1xf32> -> vector<1000x1xf32>
    %mul3A_281 = arith.mulf %mul3A_276, %mul3A_176 : vector<1000x48xf32>
    %dot_general3A_282 = arith.constant dense<0.000000e+00> : vector<1000x1xf32>
    %dot_general3A_283 = tpu.matmul %mul3A_281, %broadcast_in_dim3A_8, %dot_general3A_282 {dimension_numbers = #tpu.dot_dimension_numbers<[1], [0], [0], [1], [0, 0, 1, 1], [], []>, transpose_lhs_hint = false} : vector<1000x48xf32>, vector<48x1xf32>, vector<1000x1xf32> -> vector<1000x1xf32>
    %mul3A_284 = arith.constant 2.000000e+00 : f32
    %mul3A_285 = vector.broadcast %mul3A_284 : f32 to vector<1000x1xf32>
    %mul3A_286 = arith.mulf %mul3A_285, %dot_general3A_283 : vector<1000x1xf32>
    %add3A_287 = arith.constant 1.000000e+00 : f32
    %add3A_288 = vector.broadcast %add3A_287 : f32 to vector<1000x1xf32>
    %add3A_289 = arith.addf %add3A_288, %mul3A_286 : vector<1000x1xf32>
    %add3A_290 = arith.addf %add3A_289, %mul3A_277 : vector<1000x1xf32>
    %mul3A_291 = vector.broadcast %add3A_290 : vector<1000x1xf32> to vector<1000x48xf32>
    %mul3A_292 = arith.mulf %mul3A_291, %mul3A_276 : vector<1000x48xf32>
    %sub3A_293 = arith.constant 1.000000e+00 : f32
    %sub3A_294 = vector.broadcast %sub3A_293 : f32 to vector<1000x1xf32>
    %sub3A_295 = arith.subf %sub3A_294, %dot_general3A_280 : vector<1000x1xf32>
    %mul3A_296 = vector.broadcast %sub3A_295 : vector<1000x1xf32> to vector<1000x48xf32>
    %mul3A_297 = arith.mulf %mul3A_296, %mul3A_176 : vector<1000x48xf32>
    %add3A_298 = arith.addf %mul3A_292, %mul3A_297 : vector<1000x48xf32>
    %mul3A_299 = arith.constant 2.000000e+00 : f32
    %mul3A_300 = vector.broadcast %mul3A_299 : f32 to vector<1000x1xf32>
    %mul3A_301 = arith.mulf %mul3A_300, %dot_general3A_283 : vector<1000x1xf32>
    %add3A_302 = arith.constant 1.000000e+00 : f32
    %add3A_303 = vector.broadcast %add3A_302 : f32 to vector<1000x1xf32>
    %add3A_304 = arith.addf %add3A_303, %mul3A_301 : vector<1000x1xf32>
    %mul3A_305 = arith.mulf %dot_general3A_280, %mul3A_277 : vector<1000x1xf32>
    %add3A_306 = arith.addf %add3A_304, %mul3A_305 : vector<1000x1xf32>
    %max3A_307 = arith.constant 1.000000e-15 : f32
    %max3A_308 = vector.broadcast %max3A_307 : f32 to vector<1000x1xf32>
    %max3A_309 = arith.maximumf %add3A_306, %max3A_308 : vector<1000x1xf32>
    %div3A_310 = arith.constant 1.000000e+00 : f32
    %div3A_311 = vector.broadcast %div3A_310 : f32 to vector<1000x1xf32>
    %div3A_312 = arith.divf %div3A_311, %max3A_309 : vector<1000x1xf32>
    %mul3A_313 = vector.broadcast %div3A_312 : vector<1000x1xf32> to vector<1000x48xf32>
    %mul3A_314 = arith.mulf %add3A_298, %mul3A_313 : vector<1000x48xf32>
    %mul3A_315 = arith.mulf %tanh3A_233, %tanh3A_233 : vector<1000x1xf32>
    %mul3A_316 = arith.mulf %mul3A_314, %mul3A_314 : vector<1000x48xf32>
    %dot_general3A_317 = arith.constant dense<0.000000e+00> : vector<1000x1xf32>
    %dot_general3A_318 = tpu.matmul %mul3A_316, %broadcast_in_dim3A_8, %dot_general3A_317 {dimension_numbers = #tpu.dot_dimension_numbers<[1], [0], [0], [1], [0, 0, 1, 1], [], []>, transpose_lhs_hint = false} : vector<1000x48xf32>, vector<48x1xf32>, vector<1000x1xf32> -> vector<1000x1xf32>
    %mul3A_319 = arith.mulf %mul3A_314, %mul3A_236 : vector<1000x48xf32>
    %dot_general3A_320 = arith.constant dense<0.000000e+00> : vector<1000x1xf32>
    %dot_general3A_321 = tpu.matmul %mul3A_319, %broadcast_in_dim3A_8, %dot_general3A_320 {dimension_numbers = #tpu.dot_dimension_numbers<[1], [0], [0], [1], [0, 0, 1, 1], [], []>, transpose_lhs_hint = false} : vector<1000x48xf32>, vector<48x1xf32>, vector<1000x1xf32> -> vector<1000x1xf32>
    %mul3A_322 = arith.constant 2.000000e+00 : f32
    %mul3A_323 = vector.broadcast %mul3A_322 : f32 to vector<1000x1xf32>
    %mul3A_324 = arith.mulf %mul3A_323, %dot_general3A_321 : vector<1000x1xf32>
    %add3A_325 = arith.constant 1.000000e+00 : f32
    %add3A_326 = vector.broadcast %add3A_325 : f32 to vector<1000x1xf32>
    %add3A_327 = arith.addf %add3A_326, %mul3A_324 : vector<1000x1xf32>
    %add3A_328 = arith.addf %add3A_327, %mul3A_315 : vector<1000x1xf32>
    %mul3A_329 = vector.broadcast %add3A_328 : vector<1000x1xf32> to vector<1000x48xf32>
    %mul3A_330 = arith.mulf %mul3A_329, %mul3A_314 : vector<1000x48xf32>
    %sub3A_331 = arith.constant 1.000000e+00 : f32
    %sub3A_332 = vector.broadcast %sub3A_331 : f32 to vector<1000x1xf32>
    %sub3A_333 = arith.subf %sub3A_332, %dot_general3A_318 : vector<1000x1xf32>
    %mul3A_334 = vector.broadcast %sub3A_333 : vector<1000x1xf32> to vector<1000x48xf32>
    %mul3A_335 = arith.mulf %mul3A_334, %mul3A_236 : vector<1000x48xf32>
    %add3A_336 = arith.addf %mul3A_330, %mul3A_335 : vector<1000x48xf32>
    %mul3A_337 = arith.constant 2.000000e+00 : f32
    %mul3A_338 = vector.broadcast %mul3A_337 : f32 to vector<1000x1xf32>
    %mul3A_339 = arith.mulf %mul3A_338, %dot_general3A_321 : vector<1000x1xf32>
    %add3A_340 = arith.constant 1.000000e+00 : f32
    %add3A_341 = vector.broadcast %add3A_340 : f32 to vector<1000x1xf32>
    %add3A_342 = arith.addf %add3A_341, %mul3A_339 : vector<1000x1xf32>
    %mul3A_343 = arith.mulf %dot_general3A_318, %mul3A_315 : vector<1000x1xf32>
    %add3A_344 = arith.addf %add3A_342, %mul3A_343 : vector<1000x1xf32>
    %max3A_345 = arith.constant 1.000000e-15 : f32
    %max3A_346 = vector.broadcast %max3A_345 : f32 to vector<1000x1xf32>
    %max3A_347 = arith.maximumf %add3A_344, %max3A_346 : vector<1000x1xf32>
    %div3A_348 = arith.constant 1.000000e+00 : f32
    %div3A_349 = vector.broadcast %div3A_348 : f32 to vector<1000x1xf32>
    %div3A_350 = arith.divf %div3A_349, %max3A_347 : vector<1000x1xf32>
    %mul3A_351 = vector.broadcast %div3A_350 : vector<1000x1xf32> to vector<1000x48xf32>
    %mul3A_352 = arith.mulf %add3A_336, %mul3A_351 : vector<1000x48xf32>
    %mul3A_353 = arith.mulf %mul3A_352, %mul3A_352 : vector<1000x48xf32>
    %dot_general3A_354 = arith.constant dense<0.000000e+00> : vector<1000x1xf32>
    %dot_general3A_355 = tpu.matmul %mul3A_353, %broadcast_in_dim3A_8, %dot_general3A_354 {dimension_numbers = #tpu.dot_dimension_numbers<[1], [0], [0], [1], [0, 0, 1, 1], [], []>, transpose_lhs_hint = false} : vector<1000x48xf32>, vector<48x1xf32>, vector<1000x1xf32> -> vector<1000x1xf32>
    %sqrt3A_356 = math.sqrt %dot_general3A_355 : vector<1000x1xf32>
    %max3A_357 = arith.constant 1.000000e-15 : f32
    %max3A_358 = vector.broadcast %max3A_357 : f32 to vector<1000x1xf32>
    %max3A_359 = arith.maximumf %sqrt3A_356, %max3A_358 : vector<1000x1xf32>
    %add3A_360 = arith.addf %mul3A_59, %mul3A_119 : vector<1000x48xf32>
    %add3A_361 = arith.addf %add3A_360, %mul3A_179 : vector<1000x48xf32>
    %add3A_362 = arith.addf %add3A_361, %mul3A_239 : vector<1000x48xf32>
    %jit3A = arith.constant -0.99999988 : f32
    %jit3A_363 = arith.constant 0.99999988 : f32
    %max3A_364 = vector.broadcast %jit3A : f32 to vector<1000x1xf32>
    %max3A_365 = arith.maximumf %max3A_364, %max3A_359 : vector<1000x1xf32>
    %min3A_366 = vector.broadcast %jit3A_363 : f32 to vector<1000x1xf32>
    %min3A_367 = arith.minimumf %min3A_366, %max3A_365 : vector<1000x1xf32>
    %add3A_368 = arith.constant 1.000000e+00 : f32
    %add3A_369 = vector.broadcast %add3A_368 : f32 to vector<1000x1xf32>
    %add3A_370 = arith.addf %add3A_369, %min3A_367 : vector<1000x1xf32>
    %sub3A_371 = arith.constant 1.000000e+00 : f32
    %sub3A_372 = vector.broadcast %sub3A_371 : f32 to vector<1000x1xf32>
    %sub3A_373 = arith.subf %sub3A_372, %min3A_367 : vector<1000x1xf32>
    %div3A_374 = arith.divf %add3A_370, %sub3A_373 : vector<1000x1xf32>
    %log3A = math.log %div3A_374 : vector<1000x1xf32>
    %mul3A_375 = arith.constant 5.000000e-01 : f32
    %mul3A_376 = vector.broadcast %mul3A_375 : f32 to vector<1000x1xf32>
    %mul3A_377 = arith.mulf %mul3A_376, %log3A : vector<1000x1xf32>
    %div3A_378 = arith.divf %mul3A_377, %max3A_359 : vector<1000x1xf32>
    %mul3A_379 = vector.broadcast %div3A_378 : vector<1000x1xf32> to vector<1000x48xf32>
    %mul3A_380 = arith.mulf %mul3A_352, %mul3A_379 : vector<1000x48xf32>
    %add3A_381 = arith.addf %add3A_362, %mul3A_380 : vector<1000x48xf32>
    %mul3A_382 = arith.mulf %add3A_381, %add3A_381 : vector<1000x48xf32>
    %dot_general3A_383 = arith.constant dense<0.000000e+00> : vector<1000x1xf32>
    %dot_general3A_384 = tpu.matmul %mul3A_382, %broadcast_in_dim3A_8, %dot_general3A_383 {dimension_numbers = #tpu.dot_dimension_numbers<[1], [0], [0], [1], [0, 0, 1, 1], [], []>, transpose_lhs_hint = false} : vector<1000x48xf32>, vector<48x1xf32>, vector<1000x1xf32> -> vector<1000x1xf32>
    %sqrt3A_385 = math.sqrt %dot_general3A_384 : vector<1000x1xf32>
    %mul3A_386 = arith.constant 2.000000e-01 : f32
    %mul3A_387 = vector.broadcast %mul3A_386 : f32 to vector<1000x1xf32>
    %mul3A_388 = arith.mulf %mul3A_387, %sqrt3A_385 : vector<1000x1xf32>
    %max3A_389 = arith.constant 1.000000e-15 : f32
    %max3A_390 = vector.broadcast %max3A_389 : f32 to vector<1000x1xf32>
    %max3A_391 = arith.maximumf %mul3A_388, %max3A_390 : vector<1000x1xf32>
    %tanh3A_392 = math.tanh %max3A_391 : vector<1000x1xf32>
    %max3A_393 = arith.constant 1.000000e-15 : f32
    %max3A_394 = vector.broadcast %max3A_393 : f32 to vector<1000x1xf32>
    %max3A_395 = arith.maximumf %tanh3A_392, %max3A_394 : vector<1000x1xf32>
    %min3A_396 = arith.constant 0.995999991 : f32
    %min3A_397 = vector.broadcast %min3A_396 : f32 to vector<1000x1xf32>
    %min3A_398 = arith.minimumf %max3A_395, %min3A_397 : vector<1000x1xf32>
    %mul3A_399 = arith.constant 2.000000e-01 : f32
    %mul3A_400 = vector.broadcast %mul3A_399 : f32 to vector<1000x1xf32>
    %mul3A_401 = arith.mulf %mul3A_400, %min3A_398 : vector<1000x1xf32>
    %div3A_402 = arith.divf %mul3A_401, %max3A_391 : vector<1000x1xf32>
    %mul3A_403 = vector.broadcast %div3A_402 : vector<1000x1xf32> to vector<1000x48xf32>
    %mul3A_404 = arith.mulf %add3A_381, %mul3A_403 : vector<1000x48xf32>
    %slice3A = vector.extract_strided_slice %mul3A_404 {offsets = [0, 0], sizes = [1000, 32], strides = [1, 1]} : vector<1000x48xf32> to vector<1000x32xf32>
    %swap3A = arith.constant 0 : index
    %swap3A_405 = arith.constant 0 : index
    %swap3A_406 = vector.load %arg9[%swap3A, %swap3A_405] : memref<1000x32xf32, #tpu.memory_space<vmem>>, vector<1000x32xf32>
    tpu.vector_store %arg9[%swap3A, %swap3A_405], %slice3A {strides = array<i32>} : memref<1000x32xf32, #tpu.memory_space<vmem>>, vector<1000x32xf32>,
    return
  }
  func.func @transform_0(%arg0: i32) -> (i32, i32) {
    %c0_i32 = arith.constant 0 : i32
    %c0_i32_0 = arith.constant 0 : i32
    return %arg0, %c0_i32 : i32, i32
  }
  func.func @transform_1(%arg0: i32) -> (i32, i32) {
    %c0_i32 = arith.constant 0 : i32
    %c0_i32_0 = arith.constant 0 : i32
    return %arg0, %c0_i32 : i32, i32
  }
  func.func @transform_2(%arg0: i32) -> (i32, i32) {
    %c0_i32 = arith.constant 0 : i32
    %c0_i32_0 = arith.constant 0 : i32
    return %arg0, %c0_i32 : i32, i32
  }
  func.func @transform_3(%arg0: i32) -> (i32, i32) {
    %c0_i32 = arith.constant 0 : i32
    %c0_i32_0 = arith.constant 0 : i32
    return %arg0, %c0_i32 : i32, i32
  }
  func.func @transform_4(%arg0: i32) -> (i32, i32, i32) {
    %c0_i32 = arith.constant 0 : i32
    %c0_i32_0 = arith.constant 0 : i32
    %c0_i32_1 = arith.constant 0 : i32
    return %c0_i32, %arg0, %c0_i32_0 : i32, i32, i32
  }
  func.func @transform_5(%arg0: i32) -> (i32, i32, i32) {
    %c0_i32 = arith.constant 0 : i32
    %c0_i32_0 = arith.constant 0 : i32
    %c0_i32_1 = arith.constant 0 : i32
    return %c0_i32, %arg0, %c0_i32_0 : i32, i32, i32
  }
  func.func @transform_6(%arg0: i32) -> (i32, i32, i32) {
    %c0_i32 = arith.constant 0 : i32
    %c0_i32_0 = arith.constant 0 : i32
    %c0_i32_1 = arith.constant 0 : i32
    return %c0_i32, %arg0, %c0_i32_0 : i32, i32, i32
  }
  func.func @transform_7(%arg0: i32) -> (i32, i32, i32) {
    %c0_i32 = arith.constant 0 : i32
    %c0_i32_0 = arith.constant 0 : i32
    %c0_i32_1 = arith.constant 0 : i32
    return %c0_i32, %arg0, %c0_i32_0 : i32, i32, i32
  }
  func.func @transform_8(%arg0: i32) -> (i32, i32) {
    %c0_i32 = arith.constant 0 : i32
    %c0_i32_0 = arith.constant 0 : i32
    return %arg0, %c0_i32 : i32, i32
  }
}

</mosaic_0001>

<sc_bundles>
// kernel: kernel.11.cloned.1.call-start
scs
__scs_entry_jumppad:
0x0: {  	(pc) =	sbr.rel $0x88, $3  }
0x1: {  	(tag) =	ssettag $0x0;
	lr =	simm.s32 $0x1  }
0x2: {  	[smem:$0x3F94] =	sst lr;
	_ =	strace $0xD0000000  }
0x3: {  	_ = 	snop  }
0x4: {  	_ = 	snop  }
0x5: {  	_ = 	snop  }
0x6: {  	_ = 	snop  }
0x7: {  	_ = 	snop  }
__scs_overlays_trampoline_lowered:
0x8: {  	[smem:$0x3FA3] =	sst s0  }
0x9: {  	[smem:$0x3FA4] =	sst s1  }
0xa: {  	[smem:$0x3FA5] =	sst s2  }
0xb: {  	[smem:$0x3FA6] =	sst s3  }
0xc: {  	[smem:$0x3FA7] =	sst s4  }
0xd: {  	[smem:$0x3FA8] =	sst s5  }
0xe: {  	[smem:$0x3FA9] =	sst s6  }
0xf: {  	[smem:$0x3FAA] =	sst s7  }
0x10: {  	[smem:$0x3FAB] =	sst s8  }
0x11: {  	[smem:$0x3FAC] =	sst s9;
	s0 =	simm.s32 @!p0 $0x0  }
0x12: {  	s1 =	sld [smem:$0x3F92];
	s0 =	simm.s32 @p0 $0x1  }
0x13: {  	[smem:$0x3FAD] =	sst s0;
	s0 =	simm.s32 @!p1 $0x0  }
0x14: {  	s2 =	sld [smem:$0x3F91];
	s0 =	simm.s32 @p1 $0x1  }
0x15: {  	[smem:$0x3FAE] =	sst s0;
	s0 =	simm.s32 @!p2 $0x0  }
0x16: {  	s3 =	sld [smem:$0x3FDB];
	s0 =	simm.s32 @p2 $0x1  }
0x17: {  	s4 =	simm.s32 $0x1BF5;
	[smem:$0x3FB0] =	sst s0  }
0x18: {  	s0 =	sld [smem:$0x3F93];
	_ =	swait.ge [sflag:s4], $0x0  }
0x19: {  	s7 =	sld [smem:$0x3F94]  }
0x1a: {  	s8 =	sadd.s32 $0xFFFFE003, lr  }
0x1b: {  	s9 =	sadd.s32 $0xFFFFFEF7, lr;
	s5 =	simm.s32 $0xFFFFFFFF;
	p2 =	slt.u32 s8, $0xFFFFF086  }
0x1c: {  	p1 =	slt.u32 s9, $0xF7A;
	s5 =	simm.s32 @!p2 $0x0  }
0x1d: {  	s5 =	simm.s32 @p1 $0x1;
	p0 =	seq.s32 s7, s2  }
0x1e: {  	s7 =	smul.u32 @!p0 $0xF7A, s2;
	p2 =	seq.s32 @!p0 s5, $0x0  }
0x1f: {  	s9 =	smul.u32 $0xF7A, s1;
	s8 =	simm.s32 @!p0 $0x1BF5;
	p2 =	por !p2, p0  }
0x20: {  	[sflag:s8] =	ssyncset.s32 @!p0 $0xFFFFF086;
	s6 =	sadd.s32 @!p0 s3, s7;
	s7 =	simm.s32 @!p0 $0x108  }
0x21: {  	s3 =	sadd.s32 s3, s9;
	s6 =	sadd.s32 @!p0 $0x88, s6;
	s7 =	simm.s32 @p2 $0x1082  }
0x22: {  	[simem:s7], [sflag:s8] =	dma.local @!p0 [hbm:s6], $0xF7A  }
0x23: {  	s9 =	sor.u32 $0xD0000000, s2;
	s6 =	simm.s32 $0x108;
	_ =	swait.ge @!p0 [sflag:s8], $0x0  }
0x24: {  	s3 =	sadd.s32 $0x88, s3;
	s6 =	simm.s32 @!p1 $0x1082;
	[sflag:s4] =	ssyncset.s32 $0xFFFFF086  }
0x25: {  	[simem:s6], [sflag:s4] =	dma.local [hbm:s3], $0xF7A  }
0x26: {  	[smem:$0x3F94] =	sst s1;
	(tag) =	ssettag s2;
	_ =	strace s9  }
0x27: {  	s1 =	sld [smem:$0x3FA4]  }
0x28: {  	s2 =	sld [smem:$0x3FA5]  }
0x29: {  	s4 =	sld [smem:$0x3FA7]  }
0x2a: {  	p0 =	seq.s32 s5, $0x0;
	s5 =	sld [smem:$0x3FA8]  }
0x2b: {  	s6 =	sld [smem:$0x3FA9]  }
0x2c: {  	s7 =	sld [smem:$0x3FAA]  }
0x2d: {  	s3 =	simm.s32 $0x108;
	s8 =	sld [smem:$0x3FAB]  }
0x2e: {  	s3 =	simm.s32 @!p0 $0x1082;
	s9 =	sld [smem:$0x3FAC]  }
0x2f: {  	lr =	sadd.s32 s0, s3;
	s0 =	sld [smem:$0x3FA3]  }
0x30: {  	s3 =	sld [smem:$0x3FA6]  }
0x31: {  	[smem:$0x3FAF] =	sst s10  }
0x32: {  	s10 =	sld [smem:$0x3FAD];
	_ =	sdelay $0x3  }
0x33: {  	p0 =	seq.s32 s10, $0x1;
	s10 =	sld [smem:$0x3FAF];
	_ =	sdelay $0x3  }
0x34: {  	[smem:$0x3FAF] =	sst s10  }
0x35: {  	s10 =	sld [smem:$0x3FAE];
	_ =	sdelay $0x3  }
0x36: {  	p1 =	seq.s32 s10, $0x1;
	s10 =	sld [smem:$0x3FAF];
	_ =	sdelay $0x3  }
0x37: {  	[smem:$0x3FAF] =	sst s10  }
0x38: {  	s10 =	sld [smem:$0x3FB0]  }
0x39: {  	_ = 	snop;
	(pc) =	sbr.ind lr, $3  }
0x3a: {  	_ = 	snop  }
0x3b: {  	_ = 	snop  }
0x3c: {  	p2 =	seq.s32 s10, $0x1;
	s10 =	sld [smem:$0x3FAF]  }
0x3d: {  	_ =	shalt  }
0x3e: {  	_ =	shalt  }
0x3f: {  	_ =	shalt  }
0x40: {  	_ =	shalt  }
0x41: {  	_ =	shalt  }
0x42: {  	_ =	shalt  }
0x43: {  	_ =	shalt  }
0x44: {  	_ =	shalt  }
0x45: {  	_ =	shalt  }
0x46: {  	_ =	shalt  }
0x47: {  	_ =	shalt  }
0x48: {  	_ =	shalt  }
0x49: {  	_ =	shalt  }
0x4a: {  	_ =	shalt  }
0x4b: {  	_ =	shalt  }
0x4c: {  	_ =	shalt  }
0x4d: {  	_ =	shalt  }
0x4e: {  	_ =	shalt  }
0x4f: {  	_ =	shalt  }
0x50: {  	_ =	shalt  }
0x51: {  	_ =	shalt  }
0x52: {  	_ =	shalt  }
0x53: {  	_ =	shalt  }
0x54: {  	_ =	shalt  }
0x55: {  	_ =	shalt  }
0x56: {  	_ =	shalt  }
0x57: {  	_ =	shalt  }
0x58: {  	_ =	shalt  }
0x59: {  	_ =	shalt  }
0x5a: {  	_ =	shalt  }
0x5b: {  	_ =	shalt  }
0x5c: {  	_ =	shalt  }
0x5d: {  	_ =	shalt  }
0x5e: {  	_ =	shalt  }
0x5f: {  	_ =	shalt  }
0x60: {  	_ =	shalt  }
0x61: {  	_ =	shalt  }
0x62: {  	_ =	shalt  }
0x63: {  	_ =	shalt  }
0x64: {  	_ =	shalt  }
0x65: {  	_ =	shalt  }
0x66: {  	_ =	shalt  }
0x67: {  	_ =	shalt  }
0x68: {  	_ =	shalt  }
0x69: {  	_ =	shalt  }
0x6a: {  	_ =	shalt  }
0x6b: {  	_ =	shalt  }
0x6c: {  	_ =	shalt  }
0x6d: {  	_ =	shalt  }
0x6e: {  	_ =	shalt  }
0x6f: {  	_ =	shalt  }
0x70: {  	_ =	shalt  }
0x71: {  	_ =	shalt  }
0x72: {  	_ =	shalt  }
0x73: {  	_ =	shalt  }
0x74: {  	_ =	shalt  }
0x75: {  	_ =	shalt  }
0x76: {  	_ =	shalt  }
0x77: {  	_ =	shalt  }
0x78: {  	_ =	shalt  }
0x79: {  	_ =	shalt  }
0x7a: {  	_ =	shalt  }
0x7b: {  	_ =	shalt  }
0x7c: {  	_ =	shalt  }
0x7d: {  	_ =	shalt  }
0x7e: {  	_ =	shalt  }
0x7f: {  	_ =	shalt  }
0x80: {  	_ =	shalt  }
0x81: {  	_ =	shalt  }
0x82: {  	_ =	shalt  }
0x83: {  	_ =	shalt  }
0x84: {  	_ =	shalt  }
0x85: {  	_ =	shalt  }
0x86: {  	_ =	shalt  }
0x87: {  	_ =	shalt  }
.Lfunc_end0:
.L_simem_size_0:
called_computation.1_lowered:
.L_overlay_start_0:
0x88: {  	s2 =	sld [smem:$0x3FD9]  }
0x89: {  	s3 =	sld [smem:$0x3FFE];
	_ =	sdelay $0x1  }
0x8a: {  	s1 =	srdreg.scid  }
0x8b: {  	s0 =	sand.u32 $0x1, s1  }
0x8c: {  	s17 =	sshll.u32 s0, $0xA;
	s2 =	sadd.s32 s3, s2  }
0x8d: {  	s2 =	sadd.s32 s2, s17  }
0x8e: {  	[smem:$0x3FBB] =	sst s2  }
0x8f: {  	_ = 	snop  }
0x90: {  	(tm) =	ssettm $0x1  }
0x91: {  	s18 =	sld [smem:$0x3FFB];
	_ =	sdelay $0x3  }
0x92: {  	_ =	strace s18  }
0x93: {  	s2 =	sld [smem:$0x3FFC];
	_ =	sdelay $0x3  }
0x94: {  	_ =	strace s2  }
0x95: {  	s2 =	sld [smem:$0x3FFD];
	_ =	sdelay $0x3  }
0x96: {  	_ =	strace s2  }
0x97: {  	_ =	strace $0x8FFFFFFF  }
0x98: {  	s19 =	sld [smem:$0x3FDB];
	_ =	sdelay $0x1  }
0x99: {  	s20 =	simm.s32 $_scs_section_size  }
0x9a: {  	s4 =	simm.s32 $_size__tile_overlayer_lowered;
	s5 =	simm.s32 $_tile_overlayer_lowered  }
0x9b: {  	s6 =	simm.s32 $0x1BFF;
	s21 =	sshll.u32 s5, $0x1;
	s3 =	sadd.s32 s20, s19  }
0x9c: {  	s22 =	simm.s32 $0x0;
	s4 =	sshll.u32 s4, $0x1;
	s5 =	sadd.s32 s21, s3  }
0x9d: {  	[timem:s22], [sflag:s6] =	dma.local [hbm:s5], s4  }
0x9e: {  	_ =	swait.ge [sflag:s6], s4  }
0x9f: {  	s4 =	ssub.s32 $0x0, s4;
	[sflag:s6] =	ssyncset.done $0x0  }
0xa0: {  	[sflag:s6] =	ssyncadd.s32 s4;
	_ =	sdelay $0x1  }
0xa1: {  	s23 =	simm.s32 $0x1B8B  }
0xa2: {  	_ =	swait.ge [sflag:s23], $0x1  }
0xa3: {  	[sflag:s23] =	ssyncset.done $0x0  }
0xa4: {  	[sflag:s23] =	ssyncadd.s32 $0xFFFFFFFF  }
0xa5: {  	s4 =	sld [smem:$0x0]  }
0xa6: {  	s5 =	sand.u32 $0xFFFFFFFE, s1  }
0xa7: {  	p0 =	sne.s32 s1, s5  }
0xa8: {  	s5 =	sshll.u32 @p0 s5, $0xE  }
0xa9: {  	s5 =	sadd.s32 @p0 $0x11B8D, s5;
	s6 =	sshll.u32 @p0 s4, $0x11  }
0xaa: {  	s5 =	sor.u32 @p0 s6, s5  }
0xab: {  	[sflag:s5] =	ssyncadd.remote.s32 @p0 $0x1;
	_ =	sdelay $0x1  }
0xac: {  	s5 =	simm.s32 @p0 $0x1B8D  }
0xad: {  	_ =	swait.eq @p0 [sflag:s5], $0x1  }
0xae: {  	[sflag:s5] =	ssyncadd.s32 @p0 $0xFFFFFFFF  }
0xaf: {  	s6 =	sshll.u32 @!p0 s1, $0xE  }
0xb0: {  	s6 =	sor.u32 @!p0 $0x4000, s6;
	s5 =	simm.s32 @!p0 $0x1B8D  }
0xb1: {  	s4 =	sshll.u32 @!p0 s4, $0x11;
	s6 =	sadd.s32 @!p0 $0x11B8D, s6;
	_ =	swait.eq @!p0 [sflag:s5], $0x1  }
0xb2: {  	s4 =	sor.u32 @!p0 s4, s6;
	[sflag:s5] =	ssyncadd.s32 @!p0 $0xFFFFFFFF  }
0xb3: {  	s25 =	simm.s32 $0x1B8E;
	s24 =	sld [smem:$0x3FFE];
	[sflag:s4] =	ssyncadd.remote.s32 @!p0 $0x1  }
0xb4: {  	s26 =	simm.s32 $execute0_lowered;
	[smem:$0x3FD2] =	sst s25  }
0xb5: {  	s5 =	sshll.u32 s26, $0x1;
	_ =	strace $0x80000049;
	[dreg:$0x1] =	wrdreg $0xFFFFFFFF  }
0xb6: {  	s28 =	simm.s32 $_size_execute0_lowered;
	s3 =	sadd.s32 s3, s5;
	[dreg:$0x0] =	wrdreg $0x0  }
0xb7: {  	s5 =	sshll.u32 s28, $0x1;
	[dreg:$0x2] =	wrdreg s3  }
0xb8: {  	[dreg:$0x3] =	wrdreg s5  }
0xb9: {  	[dreg:$0x4] =	wrdreg $0xC0  }
0xba: {  	_ =	task [dreg:s22], $0x5FFFF  }
0xbb: {  	[dreg:$0x1] =	wrdreg $0xFFFFFFFF  }
0xbc: {  	[dreg:$0x0] =	wrdreg $0x60  }
0xbd: {  	[dreg:$0x2] =	wrdreg s24  }
0xbe: {  	[dreg:$0x3] =	wrdreg $0x118000  }
0xbf: {  	[dreg:$0x4] =	wrdreg $0xA  }
0xc0: {  	_ =	task.clear_ibuf [dreg:s22], $0x5FFFF;
	_ =	strace $0x90000049  }
0xc1: {  	s29 =	simm.s32 $0xA;
	_ =	strace $0x8000004B  }
0xc2: {  	_ =	swait.ge [sflag:s29], $0x1  }
0xc3: {  	[sflag:s29] =	ssyncadd.s32 $0xFFFFFFFF  }
0xc4: {  	_ =	strace $0x9000004B  }
0xc5: {  	_ =	sfence  }
0xc6: {  	s30 =	sld [smem:$0x0];
	_ =	sdelay $0x2  }
0xc7: {  	s31 =	sshll.u32 s1, $0xD;
	s1 =	sshrl.u32 s1, $0x2  }
0xc8: {  	s4 =	sand.u32 $0x4000, s31;
	s1 =	sadd.s32 s1, s30  }
0xc9: {  	s0 =	sor.u32 s4, s0;
	s1 =	sshll.u32 s1, $0x11  }
0xca: {  	s0 =	sor.u32 s1, s0  }
0xcb: {  	s0 =	sadd.s32 $0x8F2B, s0  }
0xcc: {  	[sflag:s0] =	ssyncadd.remote.s32 $0x1  }
0xcd: {  	_ =	sfence.sel $0xFFFF  }
0xce: {  	[dreg:$0x0] =	wrdreg $0xFFFFFFFF;
	(pc) =	sbr.abs _section_cstart, $3  }
0xcf: {  	[dreg:$0x1] =	wrdreg $0xFFFFFFFF  }
0xd0: {  	_ =	task.clear_ibuf [dreg:s22], $0x2FFFF;
	_ =	strace $0x9FFFFFFF  }
0xd1: {  	(tm) =	ssettm $0x7FFFFFFF  }
tec
execute0_lowered:
.L_overlay_start_1:
0x0: {  	(tag) =	ssettag $0x1  }
0x1: {  	s0 =	srdreg.scid  }
0x2: {  	s5 =	sand.u32 $0x1, s0  }
0x3: {  	s0 =	stileid.u32;
	s1 =	sshll.u32 s5, $0x4  }
0x4: {  	s1 =	sor.u32 s0, s1  }
0x5: {  	s7 =	smul.u32 $0x4E2, s1;
	_ =	sdelay $0x1  }
0x6: {  	s6 =	rddreg [dreg:$0x0];
	s10 =	sshrl.u32 s7, $0x5;
	s7 =	sadd.s32 $0x4E2, s7  }
0x7: {  	s2 =	rddreg [dreg:$0x1];
	s3 =	simm.s32 $0x0;
	s28 =	sshrl.u32 s7, $0x5  }
0x8: {  	s9 =	smul.u32 $0x78000, s5;
	s26 =	ssub.s32 $0x2, s5;
	s5 =	ssub.s32 s28, s10  }
0x9: {  	s15 =	simm.s32 $0x9;
	s16 =	simm.s32 $0x9000;
	p4 =	slt.s32 s5, $0x1  }
0xa: {  	s19 =	simm.s32 $0x0;
	[smem:$0x7FF] =	sst s3;
	p1 =	seq.s32 @!p4 s5, $0x1  }
0xb: {  	s4 =	sadd.s32 $0x5F600, s6;
	s8 =	smul.u32 $0x7800, s0;
	p5 =	por p1, p4  }
0xc: {  	s29 =	smul.u32 $0x1E000, s0;
	s30 =	sshrl.u32 s26, $0x1;
	p0 =	slt.u32 @!p5 s5, $0x3  }
0xd: {  	s1 =	rddreg [dreg:$0x2];
	_ =	strace $0x8000004A;
	p2 =	por @!p4 p0, p1  }
0xe: {  	s9 =	sadd.s32 s8, s9;
	s14 =	ssub.s32 s26, s30;
	p2 =	por p2, p4  }
0xf: {  	s9 =	sshrl.u32 s9, $0x3;
	s14 =	smax.u32 s14, $0x1;
	s17 =	simm.s32 @!p2 $0x0  }
0x10: {  	s13 =	sadd.s32 s9, s6;
	s17 =	simm.s32 @p2 $0x1;
	p2 =	seq.s32 @!p2 s5, $0x3  }
0x11: {  	s11 =	sshll.u32 s10, $0x4;
	s7 =	sshrl.u32 s29, $0x2;
	p3 =	por @!p5 p2, p0  }
0x12: {  	s13 =	sadd.s32 $0x6E200, s13;
	s18 =	simm.s32 @!p5 $0x0;
	p3 =	por @!p4 p3, p1  }
0x13: {  	s18 =	simm.s32 @p5 $0x1;
	p2 =	por @!p5 !p2, p0;
	p3 =	por p3, p4  }
0x14: {  	[smem:$0x7F8] =	sst s18;
	p2 =	por @!p4 !p2, p1;
	s18 =	simm.s32 @!p3 $0x0  }
0x15: {  	s12 =	sadd.s32 s11, s6;
	p2 =	por !p2, p4;
	s18 =	simm.s32 @p3 $0x1  }
0x16: {  	p0 =	por @!p4 !p0, p1;
	[smem:$0x7F9] =	sst s18;
	s18 =	simm.s32 @!p2 $0x0  }
0x17: {  	s6 =	sadd.s32 s8, s2;
	p0 =	por !p0, p4;
	s18 =	simm.s32 @p2 $0x1  }
0x18: {  	s31 =	sadd.s32 s7, s2;
	[smem:$0x7FA] =	sst s18;
	s18 =	simm.s32 @!p0 $0x0  }
0x19: {  	s7 =	sadd.s32 $0x1800, s31;
	s8 =	sadd.s32 $0x3000, s31;
	s18 =	simm.s32 @p0 $0x1  }
0x1a: {  	s9 =	sadd.s32 $0x4800, s31;
	[smem:$0x7FB] =	sst s18;
	s18 =	simm.s32 @!p4 $0x0  }
0x1b: {  	s10 =	sadd.s32 $0x6000, s31;
	p0 =	por !p1, p4;
	s18 =	simm.s32 @p4 $0x1  }
0x1c: {  	s11 =	sadd.s32 $0x55800, s12;
	[smem:$0x7FC] =	sst s18;
	s18 =	simm.s32 @!p0 $0x0  }
0x1d: {  	s12 =	sadd.s32 $0x5A620, s12;
	[smem:$0x7F7] =	sst s17;
	s18 =	simm.s32 @p0 $0x1  }
0x1e: {  	v0 =	vimm.f32 $0.0e+00;
	s17 =	simm.s32 $0xA400;
	[smem:$0x7FD] =	sst s18;
	s18 =	simm.s32 $0x1800  }
.LBB2_1:
0x1f: {  	s20 =	simm.s32 $0xC0;
	s21 =	simm.s32 $0x0  }
.LBB2_2:
0x20: {  	p0 =	sne.s32 s20, $0x5F40;
	[tilespmem:s21+$0x20] =	vst v0;
	s22 =	smov.u32 s20;
	s20 =	sadd.s32 $0xC0, s20  }
.Ltmp0:
0x21: {  	[tilespmem:s21+$0x0] =	vst v0;
	(pc) =	sbr.rel @p0 .LBB2_2-.Ltmp0, $2  }
0x22: {  	[tilespmem:s21+$0x10] =	vst v0;
	_ =	sdelay $0x2  }
0x23: {  	s21 =	sshra.s32 s22, $0x2  }
0x24: {  	[tilespmem:s21+$0x20] =	vst v0  }
0x25: {  	[tilespmem:s21+$0x0] =	vst v0  }
0x26: {  	[tilespmem:s21+$0x10] =	vst v0  }
0x27: {  	[spmem:s6] =	stream.linear.scatter [tilespmem:s3], [sflag:$0x9], $0x1800, $0x38;
	[tilespmem:$0x19000] =	vst v63  }
0x28: {  	_ =	swait.ge [sflag:s15], $0x1800  }
0x29: {  	[sflag:s15] =	ssyncset.done $0x0  }
0x2a: {  	[sflag:s15] =	ssyncadd.s32 $0xFFFFE800  }
0x2b: {  	[spmem:s7] =	stream.linear.scatter [tilespmem:s3], [sflag:$0x9], $0x1800, $0x38;
	[tilespmem:$0x19000] =	vst v63  }
0x2c: {  	_ =	swait.ge [sflag:s15], $0x1800  }
0x2d: {  	[sflag:s15] =	ssyncset.done $0x0  }
0x2e: {  	[sflag:s15] =	ssyncadd.s32 $0xFFFFE800  }
0x2f: {  	[spmem:s8] =	stream.linear.scatter [tilespmem:s3], [sflag:$0x9], $0x1800, $0x38;
	[tilespmem:$0x19000] =	vst v63  }
0x30: {  	_ =	swait.ge [sflag:s15], $0x1800  }
0x31: {  	[sflag:s15] =	ssyncset.done $0x0  }
0x32: {  	[sflag:s15] =	ssyncadd.s32 $0xFFFFE800  }
0x33: {  	[spmem:s9] =	stream.linear.scatter [tilespmem:s3], [sflag:$0x9], $0x1800, $0x38;
	[tilespmem:$0x19000] =	vst v63  }
0x34: {  	_ =	swait.ge [sflag:s15], $0x1800  }
0x35: {  	[sflag:s15] =	ssyncset.done $0x0  }
0x36: {  	[sflag:s15] =	ssyncadd.s32 $0xFFFFE800  }
0x37: {  	[spmem:s10] =	stream.linear.scatter [tilespmem:s3], [sflag:$0x9], $0x1800, $0x38;
	[tilespmem:$0x19000] =	vst v63  }
0x38: {  	_ =	swait.ge [sflag:s15], $0x1800  }
0x39: {  	[sflag:s15] =	ssyncset.done $0x0  }
0x3a: {  	[sflag:s15] =	ssyncadd.s32 $0xFFFFE800  }
0x3b: {  	[tilespmem:s16], [sflag:$0x9] =	stream.linear.gather [hbm4b:s11+s3], $0x1400, $0x38;
	[tilespmem:$0x19000] =	vst v63  }
0x3c: {  	_ =	swait.ge [sflag:s15], $0x1400  }
0x3d: {  	[sflag:s15] =	ssyncset.done $0x0  }
0x3e: {  	[sflag:s15] =	ssyncadd.s32 $0xFFFFEC00  }
0x3f: {  	[tilespmem:s17], [sflag:$0x9] =	stream.linear.gather [hbm4b:s12+s3], $0x1400, $0x38;
	[tilespmem:$0x19000] =	vst v63  }
0x40: {  	_ =	swait.ge [sflag:s15], $0x1400  }
0x41: {  	[sflag:s15] =	ssyncset.done $0x0  }
0x42: {  	[sflag:s15] =	ssyncadd.s32 $0xFFFFEC00  }
0x43: {  	[bflag:$0x0] =	sbarrier.arrive $0xFFFF  }
0x44: {  	s20 =	sld [smem:$0x7FC];
	_ =	sdelay $0x2  }
0x45: {  	p1 =	seq.s32 s20, $0x1  }
0x46: {  	s20 =	simm.s32 @!p1 $0x80;
	s21 =	simm.s32 @!p1 $0x9000;
	s22 =	simm.s32 @!p1 $0xB800  }
0x47: {  	[tilespmem:s22], [sflag:$0x1] =	stream.indirect.gather @!p1 [hbm4b:s4+s20], $0x30, s21, s20, $0xb8;
	[tilespmem:$0x19000] =	vst v63  }
0x48: {  	s21 =	sld [smem:$0x7F8];
	_ =	sdelay $0x2  }
0x49: {  	s23 =	sld [smem:$0x7F9];
	p5 =	seq.s32 s21, $0x1  }
0x4a: {  	s20 =	simm.s32 @!p5 $0x80;
	s21 =	simm.s32 @!p5 $0x9080;
	s22 =	simm.s32 @!p5 $0xD000  }
0x4b: {  	[tilespmem:s22], [sflag:$0x2] =	stream.indirect.gather @!p5 [hbm4b:s4+s20], $0x30, s21, s20, $0xb8;
	[tilespmem:$0x19000] =	vst v63  }
0x4c: {  	s22 =	sld [smem:$0x7F7];
	_ =	sdelay $0x2  }
0x4d: {  	p4 =	seq.s32 s23, $0x1;
	p1 =	por @!p1 $0x0, $0x0;
	p3 =	seq.s32 s22, $0x1  }
0x4e: {  	s20 =	simm.s32 @!p3 $0x80;
	s21 =	simm.s32 @!p3 $0x9100;
	s22 =	simm.s32 @!p3 $0xE800  }
0x4f: {  	[tilespmem:s22], [sflag:$0x3] =	stream.indirect.gather @!p3 [hbm4b:s4+s20], $0x30, s21, s20, $0xb8;
	[tilespmem:$0x19000] =	vst v63  }
0x50: {  	s20 =	simm.s32 @!p4 $0x80;
	s21 =	simm.s32 @!p4 $0x9180;
	s22 =	simm.s32 @!p4 $0x10000  }
0x51: {  	[tilespmem:s22], [sflag:$0x4] =	stream.indirect.gather @!p4 [hbm4b:s4+s20], $0x30, s21, s20, $0xb8;
	[tilespmem:$0x19000] =	vst v63  }
0x52: {  	s20 =	simm.s32 @!p1 $0x0  }
0x53: {  	s20 =	simm.s32 @p1 $0x1;
	p1 =	por @!p3 $0x1, $0x1  }
0x54: {  	s21 =	simm.s32 @!p1 $0x0  }
0x55: {  	p0 =	sle.s32 s5, $0x0;
	[smem:$0x7F5] =	sst s20;
	s21 =	simm.s32 @p1 $0x1  }
0x56: {  	s20 =	simm.s32 @!p0 $0x1;
	[smem:$0x7F3] =	sst s21  }
0x57: {  	p6 =	sle.s32 s5, $0x1;
	_ =	swait.ge @!p0 [sflag:s20], $0x1800  }
0x58: {  	s23 =	simm.s32 @!p6 $0x80;
	s22 =	simm.s32 @!p0 $0xB800;
	[sflag:s20] =	ssyncset.done @!p0 $0x0  }
0x59: {  	s21 =	simm.s32 @!p0 $0xA400;
	[sflag:s20] =	ssyncadd.s32 @!p0 $0xFFFFE800;
	s20 =	simm.s32 @!p0 $0x80  }
0x5a: {  	[spmem:s2] =	stream.indirect.scatter.add.f32 @!p0 [tilespmem:s22], [sflag:$0x5], $0x30, s21, s20, $0xb8;
	[tilespmem:$0x19000] =	vst v63  }
0x5b: {  	p2 =	por @!p4 $0x1, $0x1;
	s24 =	sld [smem:$0x7FA];
	s20 =	simm.s32 @!p6 $0x2  }
0x5c: {  	p4 =	por @!p4 $0x1, $0x1;
	p3 =	por @!p3 $0x0, $0x0;
	_ =	swait.ge @!p6 [sflag:s20], $0x1800  }
0x5d: {  	s21 =	simm.s32 @!p6 $0xD000;
	[sflag:s20] =	ssyncset.done @!p6 $0x0;
	s25 =	sld [smem:$0x7F3]  }
0x5e: {  	s22 =	simm.s32 @!p6 $0xA480;
	p1 =	seq.s32 s24, $0x1;
	[sflag:s20] =	ssyncadd.s32 @!p6 $0xFFFFE800  }
0x5f: {  	[spmem:s2] =	stream.indirect.scatter.add.f32 @!p6 [tilespmem:s21], [sflag:$0x6], $0x30, s22, s23, $0xb8;
	[tilespmem:$0x19000] =	vst v63  }
0x60: {  	p4 =	por @!p1 p3, p3;
	p3 =	seq.s32 s25, $0x1  }
0x61: {  	p2 =	por @!p1 p3, p3  }
0x62: {  	s21 =	simm.s32 @!p2 $0x0  }
0x63: {  	p0 =	sle.s32 s5, $0x2;
	s21 =	simm.s32 @p2 $0x1  }
0x64: {  	s20 =	simm.s32 @!p0 $0x3;
	s22 =	simm.s32 @!p0 $0xE800;
	[smem:$0x7F4] =	sst s21  }
0x65: {  	s23 =	simm.s32 @!p0 $0x80;
	p6 =	por @!p5 $0x1, $0x1;
	_ =	swait.ge @!p0 [sflag:s20], $0x1800  }
0x66: {  	p1 =	sle.s32 s5, $0x3;
	p3 =	por @!p5 $0x0, $0x0;
	[sflag:s20] =	ssyncset.done @!p0 $0x0  }
0x67: {  	s21 =	simm.s32 @!p0 $0xA500;
	[sflag:s20] =	ssyncadd.s32 @!p0 $0xFFFFE800;
	s20 =	simm.s32 @!p1 $0x4  }
0x68: {  	[spmem:s2] =	stream.indirect.scatter.add.f32 @!p0 [tilespmem:s22], [sflag:$0x7], $0x30, s21, s23, $0xb8;
	[tilespmem:$0x19000] =	vst v63  }
0x69: {  	p0 =	sle.s32 s5, $0x4;
	s21 =	simm.s32 @!p1 $0xA580;
	_ =	swait.ge @!p1 [sflag:s20], $0x1800  }
0x6a: {  	s22 =	simm.s32 @!p1 $0x10000;
	s23 =	simm.s32 @!p1 $0x80;
	[sflag:s20] =	ssyncset.done @!p1 $0x0  }
0x6b: {  	s26 =	sld [smem:$0x7FB];
	[sflag:s20] =	ssyncadd.s32 @!p1 $0xFFFFE800;
	s20 =	simm.s32 @!p0 $0x5  }
0x6c: {  	[spmem:s2] =	stream.indirect.scatter.add.f32 @!p1 [tilespmem:s22], [sflag:$0x8], $0x30, s21, s23, $0xb8;
	[tilespmem:$0x19000] =	vst v63  }
0x6d: {  	s21 =	simm.s32 @!p0 $0xB800;
	s22 =	simm.s32 @!p0 $0x9200;
	s23 =	simm.s32 @!p0 $0x80  }
0x6e: {  	p1 =	por @!p5 $0x0, $0x0;
	p2 =	seq.s32 s26, $0x1;
	_ =	swait.ge @!p0 [sflag:s20], $0x1800  }
0x6f: {  	p3 =	por @!p2 p4, p4;
	[sflag:s20] =	ssyncset.done @!p0 $0x0;
	s28 =	sld [smem:$0x7F4]  }
0x70: {  	p4 =	sle.s32 s5, $0x5;
	s30 =	sld [smem:$0x7F5];
	[sflag:s20] =	ssyncadd.s32 @!p0 $0xFFFFE800  }
0x71: {  	[tilespmem:s21], [sflag:$0x1] =	stream.indirect.gather @!p0 [hbm4b:s4+s23], $0x30, s22, s23, $0xb8;
	[tilespmem:$0x19000] =	vst v63  }
0x72: {  	s29 =	sld [smem:$0x7FD];
	s20 =	simm.s32 @!p4 $0x6;
	s21 =	simm.s32 @!p4 $0x9280  }
0x73: {  	s22 =	simm.s32 @!p4 $0xD000;
	s23 =	simm.s32 @!p4 $0x80;
	p0 =	seq.s32 s28, $0x1  }
0x74: {  	p5 =	seq.s32 s30, $0x1;
	_ =	swait.ge @!p4 [sflag:s20], $0x1800;
	p6 =	por @!p2 p0, p0  }
0x75: {  	p1 =	por @!p2 p0, p0;
	p2 =	seq.s32 s29, $0x1;
	[sflag:s20] =	ssyncset.done @!p4 $0x0  }
0x76: {  	p0 =	sle.s32 s5, $0x6;
	s31 =	sld [smem:$0x7FC];
	p3 =	por @!p2 p5, p5  }
0x77: {  	[sflag:s20] =	ssyncadd.s32 @!p4 $0xFFFFE800;
	p6 =	por @!p2 p5, p5;
	s20 =	simm.s32 @!p0 $0x7  }
0x78: {  	[tilespmem:s22], [sflag:$0x2] =	stream.indirect.gather @!p4 [hbm4b:s4+s23], $0x30, s21, s23, $0xb8;
	[tilespmem:$0x19000] =	vst v63  }
0x79: {  	p4 =	por p5, p5;
	p5 =	por $0x0, $0x0;
	s21 =	simm.s32 @!p0 $0x9300  }
0x7a: {  	s22 =	simm.s32 @!p0 $0xE800;
	s23 =	simm.s32 @!p0 $0x80;
	p1 =	por @!p2 p4, p4  }
0x7b: {  	p4 =	seq.s32 s31, $0x1;
	_ =	swait.ge @!p0 [sflag:s20], $0x1800;
	p2 =	por $0x0, $0x0  }
0x7c: {  	p5 =	por @!p4 p3, p3;
	[sflag:s20] =	ssyncset.done @!p0 $0x0;
	p2 =	por @!p4 p6, p6  }
0x7d: {  	p6 =	por $0x0, $0x0;
	[sflag:s20] =	ssyncadd.s32 @!p0 $0xFFFFE800;
	s20 =	simm.s32 @!p2 $0x0  }
0x7e: {  	[tilespmem:s22], [sflag:$0x3] =	stream.indirect.gather @!p0 [hbm4b:s4+s23], $0x30, s21, s23, $0xb8;
	[tilespmem:$0x19000] =	vst v63  }
0x7f: {  	p6 =	por @!p4 p1, p1;
	s20 =	simm.s32 @p2 $0x1;
	p2 =	sle.s32 s5, $0x7  }
0x80: {  	s21 =	simm.s32 $0x4;
	[smem:$0x7F6] =	sst s20;
	s22 =	simm.s32 @!p2 $0x8  }
0x81: {  	s20 =	simm.s32 $0x0;
	s24 =	simm.s32 @!p2 $0x9380;
	_ =	swait.ge @!p2 [sflag:s22], $0x1800  }
0x82: {  	s25 =	simm.s32 @!p2 $0x80;
	s26 =	simm.s32 @!p2 $0x10000;
	[sflag:s22] =	ssyncset.done @!p2 $0x0  }
.LBB2_4:
0x83: {  	[sflag:s22] =	ssyncadd.s32 @!p2 $0xFFFFE800  }
0x84: {  	s20 =	sadd.s32 $0x800, s20;
	s23 =	smov.u32 s21;
	s21 =	sadd.s32 $0x4, s21  }
0x85: {  	[tilespmem:s26], [sflag:$0x4] =	stream.indirect.gather @!p2 [hbm4b:s4+s25], $0x30, s24, s25, $0xb8;
	[tilespmem:$0x19000] =	vst v63  }
0x86: {  	p1 =	sge.s32 s21, s5;
	p3 =	sne.s32 s21, $0x28  }
0x87: {  	p0 =	sge.s32 s23, s5;
	s22 =	sadd.s32 $0x6, s23;
	s24 =	sadd.s32 $0x7, s23  }
0x88: {  	s25 =	simm.s32 @!p0 $0x1;
	s26 =	sshra.s32 @!p0 s20, $0x2;
	p2 =	sge.s32 s24, s5  }
0x89: {  	s24 =	sadd.s32 @!p0 $0xA400, s26;
	s26 =	sadd.s32 $0x3, s23;
	_ =	swait.ge @!p0 [sflag:s25], $0x1800  }
0x8a: {  	s29 =	sadd.s32 $0x1, s23;
	s28 =	simm.s32 @!p0 $0xB800;
	[sflag:s25] =	ssyncset.done @!p0 $0x0  }
0x8b: {  	p4 =	sge.s32 s29, s5;
	[sflag:s25] =	ssyncadd.s32 @!p0 $0xFFFFE800;
	s25 =	simm.s32 @!p0 $0x80  }
0x8c: {  	[spmem:s2] =	stream.indirect.scatter.add.f32 @!p0 [tilespmem:s28], [sflag:$0x5], $0x30, s24, s25, $0xb8;
	[tilespmem:$0x19000] =	vst v63  }
0x8d: {  	s24 =	simm.s32 @!p4 $0x2;
	s25 =	sshra.s32 @!p4 s20, $0x2;
	s28 =	simm.s32 @!p4 $0xD000  }
0x8e: {  	s29 =	sadd.s32 $0x2, s23;
	s25 =	sadd.s32 @!p4 $0xA480, s25;
	_ =	swait.ge @!p4 [sflag:s24], $0x1800  }
0x8f: {  	s30 =	simm.s32 @!p4 $0x80;
	p0 =	sge.s32 s29, s5;
	[sflag:s24] =	ssyncset.done @!p4 $0x0  }
0x90: {  	s29 =	sshra.s32 @!p0 s20, $0x2;
	[sflag:s24] =	ssyncadd.s32 @!p4 $0xFFFFE800;
	s24 =	simm.s32 @!p0 $0x3  }
0x91: {  	[spmem:s2] =	stream.indirect.scatter.add.f32 @!p4 [tilespmem:s28], [sflag:$0x6], $0x30, s25, s30, $0xb8;
	[tilespmem:$0x19000] =	vst v63  }
0x92: {  	s25 =	sadd.s32 @!p0 $0xA500, s29;
	s28 =	simm.s32 @!p0 $0xE800;
	_ =	swait.ge @!p0 [sflag:s24], $0x1800  }
0x93: {  	s29 =	simm.s32 @!p0 $0x80;
	p4 =	sge.s32 s26, s5;
	[sflag:s24] =	ssyncset.done @!p0 $0x0  }
0x94: {  	s26 =	sshra.s32 @!p4 s20, $0x2;
	[sflag:s24] =	ssyncadd.s32 @!p0 $0xFFFFE800;
	s24 =	simm.s32 @!p4 $0x4  }
0x95: {  	[spmem:s2] =	stream.indirect.scatter.add.f32 @!p0 [tilespmem:s28], [sflag:$0x7], $0x30, s25, s29, $0xb8;
	[tilespmem:$0x19000] =	vst v63  }
0x96: {  	s25 =	sadd.s32 @!p4 $0xA580, s26;
	s26 =	simm.s32 @!p4 $0x10000;
	_ =	swait.ge @!p4 [sflag:s24], $0x1800  }
0x97: {  	s28 =	simm.s32 @!p4 $0x80;
	s29 =	simm.s32 @!p1 $0xB800;
	[sflag:s24] =	ssyncset.done @!p4 $0x0  }
0x98: {  	s30 =	sshra.s32 @!p1 s20, $0x2;
	[sflag:s24] =	ssyncadd.s32 @!p4 $0xFFFFE800;
	s24 =	simm.s32 @!p1 $0x5  }
0x99: {  	[spmem:s2] =	stream.indirect.scatter.add.f32 @!p4 [tilespmem:s26], [sflag:$0x8], $0x30, s25, s28, $0xb8;
	[tilespmem:$0x19000] =	vst v63  }
0x9a: {  	s23 =	sadd.s32 $0x5, s23;
	s25 =	sadd.s32 @!p1 $0x9200, s30;
	_ =	swait.ge @!p1 [sflag:s24], $0x1800  }
0x9b: {  	p0 =	sge.s32 s23, s5;
	s26 =	simm.s32 @!p1 $0x80;
	[sflag:s24] =	ssyncset.done @!p1 $0x0  }
0x9c: {  	s23 =	simm.s32 @!p0 $0x6;
	[sflag:s24] =	ssyncadd.s32 @!p1 $0xFFFFE800;
	s24 =	sshra.s32 @!p0 s20, $0x2  }
0x9d: {  	[tilespmem:s29], [sflag:$0x1] =	stream.indirect.gather @!p1 [hbm4b:s4+s26], $0x30, s25, s26, $0xb8;
	[tilespmem:$0x19000] =	vst v63  }
0x9e: {  	s24 =	sadd.s32 @!p0 $0x9280, s24;
	s25 =	simm.s32 @!p0 $0xD000;
	_ =	swait.ge @!p0 [sflag:s23], $0x1800  }
0x9f: {  	s26 =	simm.s32 @!p0 $0x80;
	p1 =	sge.s32 s22, s5;
	[sflag:s23] =	ssyncset.done @!p0 $0x0  }
0xa0: {  	s22 =	simm.s32 @!p1 $0x7;
	[sflag:s23] =	ssyncadd.s32 @!p0 $0xFFFFE800;
	s23 =	sshra.s32 @!p1 s20, $0x2  }
0xa1: {  	[tilespmem:s25], [sflag:$0x2] =	stream.indirect.gather @!p0 [hbm4b:s4+s26], $0x30, s24, s26, $0xb8;
	[tilespmem:$0x19000] =	vst v63  }
0xa2: {  	s23 =	sadd.s32 @!p1 $0x9300, s23;
	s24 =	simm.s32 @!p1 $0xE800;
	_ =	swait.ge @!p1 [sflag:s22], $0x1800  }
.Ltmp1:
0xa3: {  	s25 =	simm.s32 @!p1 $0x80;
	[sflag:s22] =	ssyncset.done @!p1 $0x0;
	(pc) =	sbr.rel @p3 .LBB2_4-.Ltmp1, $4  }
0xa4: {  	s26 =	sshra.s32 @!p2 s20, $0x2;
	[sflag:s22] =	ssyncadd.s32 @!p1 $0xFFFFE800;
	s22 =	simm.s32 @!p2 $0x8  }
0xa5: {  	[tilespmem:s24], [sflag:$0x3] =	stream.indirect.gather @!p1 [hbm4b:s4+s25], $0x30, s23, s25, $0xb8;
	[tilespmem:$0x19000] =	vst v63  }
0xa6: {  	s24 =	sadd.s32 @!p2 $0x9380, s26;
	_ =	swait.ge @!p2 [sflag:s22], $0x1800  }
0xa7: {  	s25 =	simm.s32 @!p2 $0x80;
	s26 =	simm.s32 @!p2 $0x10000;
	[sflag:s22] =	ssyncset.done @!p2 $0x0  }
0xa8: {  	s20 =	sld [smem:$0x7FC]  }
0xa9: {  	[sflag:s22] =	ssyncadd.s32 @!p2 $0xFFFFE800  }
0xaa: {  	[tilespmem:s26], [sflag:$0x4] =	stream.indirect.gather @!p2 [hbm4b:s4+s25], $0x30, s24, s25, $0xb8;
	[tilespmem:$0x19000] =	vst v63  }
0xab: {  	p0 =	seq.s32 s20, $0x1  }
0xac: {  	s20 =	simm.s32 @!p0 $0x5  }
0xad: {  	_ =	swait.ge @!p0 [sflag:s20], $0x1800  }
0xae: {  	s31 =	sld [smem:$0x7F6];
	_ =	sdelay $0x1  }
0xaf: {  	[sflag:s20] =	ssyncset.done @!p0 $0x0  }
0xb0: {  	[sflag:s20] =	ssyncadd.s32 @!p0 $0xFFFFE800;
	p0 =	seq.s32 s31, $0x1  }
0xb1: {  	s20 =	simm.s32 @p0 $0x6  }
0xb2: {  	_ =	swait.ge @p0 [sflag:s20], $0x1800  }
0xb3: {  	[sflag:s20] =	ssyncset.done @p0 $0x0  }
0xb4: {  	[sflag:s20] =	ssyncadd.s32 @p0 $0xFFFFE800;
	s20 =	simm.s32 @p6 $0x7  }
0xb5: {  	_ =	swait.ge @p6 [sflag:s20], $0x1800  }
0xb6: {  	[sflag:s20] =	ssyncset.done @p6 $0x0  }
0xb7: {  	[sflag:s20] =	ssyncadd.s32 @p6 $0xFFFFE800;
	s20 =	simm.s32 @p5 $0x8  }
0xb8: {  	_ =	swait.ge @p5 [sflag:s20], $0x1800  }
0xb9: {  	[sflag:s20] =	ssyncset.done @p5 $0x0  }
0xba: {  	[sflag:s20] =	ssyncadd.s32 @p5 $0xFFFFE800  }
0xbb: {  	[bflag:$0x0] =	sbarrier.arrive $0xFFFF  }
0xbc: {  	[tilespmem:s18], [sflag:$0x9] =	stream.linear.gather [spmem:s6], $0x7800, $0x38;
	[tilespmem:$0x19000] =	vst v63  }
0xbd: {  	s19 =	sadd.s32 $0x1, s19;
	_ =	swait.ge [sflag:s15], $0x7800  }
0xbe: {  	p0 =	sne.s32 s19, s14;
	[sflag:s15] =	ssyncset.done $0x0  }
.Ltmp2:
0xbf: {  	[sflag:s15] =	ssyncadd.s32 $0xFFFF8800;
	(pc) =	sbr.rel @p0 .LBB2_1-.Ltmp2, $4  }
0xc0: {  	[hbm4b:s13+s3] =	stream.linear.scatter [tilespmem:s18], [sflag:$0x9], $0x7800, $0x38;
	[tilespmem:$0x19000] =	vst v63  }
0xc1: {  	_ =	swait.ge [sflag:s15], $0x7800  }
0xc2: {  	[sflag:s15] =	ssyncset.done $0x0  }
0xc3: {  	[sflag:s15] =	ssyncadd.s32 $0xFFFF8800  }
0xc4: {  	_ =	sfence.sel $0x180000  }
0xc5: {  	[bflag:$0x0] =	sbarrier.arrive $0xFFFF  }
0xc6: {  	p0 =	sne.s32 s0, $0x0;
	_ =	strace $0x9000004A  }
0xc7: {  	s0 =	sadd.s32 @!p0 $0x100000, s1;
	[bflag:$0x2] =	sbarrier.arrive $0xFFFF  }
0xc8: {  	[sflag:s0] =	ssyncadd.tile.s32 @!p0 $0x1;
	_ =	shalt  }
.Lfunc_end2:
_tile_overlayer_lowered:
.L_overlay_start_2:
0xc9: {  	(tag) =	ssettag $0x2  }
0xca: {  	s0 =	rddreg [dreg:$0x0];
	s2 =	stileid.u32  }
0xcb: {  	s1 =	rddreg [dreg:$0x1];
	p0 =	sne.s32 s2, $0x0  }
0xcc: {  	s3 =	rddreg [dreg:$0x2];
	[bflag:$0x3] =	sbarrier.arrive $0xFFFF;
	s2 =	simm.s32 @!p0 $0x1C09  }
0xcd: {  	[timem:s3], [sflag:s2] =	dma.local @!p0 [hbm:s0], s1  }
0xce: {  	s0 =	simm.s32 @!p0 $0x9  }
0xcf: {  	_ =	swait.ge @!p0 [sflag:s0], s1  }
0xd0: {  	s1 =	ssub.s32 @!p0 $0x0, s1;
	[sflag:s0] =	ssyncset.done @!p0 $0x0  }
0xd1: {  	[sflag:s0] =	ssyncadd.s32 @!p0 s1  }
0xd2: {  	[bflag:$0x3] =	sbarrier.arrive $0xFFFF  }
0xd3: {  	_ =	shalt  }

// kernel: kernel.14.cloned.1.call-start
scs
__scs_entry_jumppad:
0x0: {  	(pc) =	sbr.rel $0x88, $3  }
0x1: {  	(tag) =	ssettag $0x0;
	lr =	simm.s32 $0x1  }
0x2: {  	[smem:$0x3F94] =	sst lr;
	_ =	strace $0xD0000000  }
0x3: {  	_ = 	snop  }
0x4: {  	_ = 	snop  }
0x5: {  	_ = 	snop  }
0x6: {  	_ = 	snop  }
0x7: {  	_ = 	snop  }
__scs_overlays_trampoline_lowered:
0x8: {  	[smem:$0x3FA3] =	sst s0  }
0x9: {  	[smem:$0x3FA4] =	sst s1  }
0xa: {  	[smem:$0x3FA5] =	sst s2  }
0xb: {  	[smem:$0x3FA6] =	sst s3  }
0xc: {  	[smem:$0x3FA7] =	sst s4  }
0xd: {  	[smem:$0x3FA8] =	sst s5  }
0xe: {  	[smem:$0x3FA9] =	sst s6  }
0xf: {  	[smem:$0x3FAA] =	sst s7  }
0x10: {  	[smem:$0x3FAB] =	sst s8  }
0x11: {  	[smem:$0x3FAC] =	sst s9;
	s0 =	simm.s32 @!p0 $0x0  }
0x12: {  	s1 =	sld [smem:$0x3F92];
	s0 =	simm.s32 @p0 $0x1  }
0x13: {  	[smem:$0x3FAD] =	sst s0;
	s0 =	simm.s32 @!p1 $0x0  }
0x14: {  	s2 =	sld [smem:$0x3F91];
	s0 =	simm.s32 @p1 $0x1  }
0x15: {  	[smem:$0x3FAE] =	sst s0;
	s0 =	simm.s32 @!p2 $0x0  }
0x16: {  	s3 =	sld [smem:$0x3FDB];
	s0 =	simm.s32 @p2 $0x1  }
0x17: {  	s4 =	simm.s32 $0x1BF5;
	[smem:$0x3FB0] =	sst s0  }
0x18: {  	s0 =	sld [smem:$0x3F93];
	_ =	swait.ge [sflag:s4], $0x0  }
0x19: {  	s7 =	sld [smem:$0x3F94]  }
0x1a: {  	s8 =	sadd.s32 $0xFFFFE003, lr  }
0x1b: {  	s9 =	sadd.s32 $0xFFFFFEF7, lr;
	s5 =	simm.s32 $0xFFFFFFFF;
	p2 =	slt.u32 s8, $0xFFFFF086  }
0x1c: {  	p1 =	slt.u32 s9, $0xF7A;
	s5 =	simm.s32 @!p2 $0x0  }
0x1d: {  	s5 =	simm.s32 @p1 $0x1;
	p0 =	seq.s32 s7, s2  }
0x1e: {  	s7 =	smul.u32 @!p0 $0xF7A, s2;
	p2 =	seq.s32 @!p0 s5, $0x0  }
0x1f: {  	s9 =	smul.u32 $0xF7A, s1;
	s8 =	simm.s32 @!p0 $0x1BF5;
	p2 =	por !p2, p0  }
0x20: {  	[sflag:s8] =	ssyncset.s32 @!p0 $0xFFFFF086;
	s6 =	sadd.s32 @!p0 s3, s7;
	s7 =	simm.s32 @!p0 $0x108  }
0x21: {  	s3 =	sadd.s32 s3, s9;
	s6 =	sadd.s32 @!p0 $0x88, s6;
	s7 =	simm.s32 @p2 $0x1082  }
0x22: {  	[simem:s7], [sflag:s8] =	dma.local @!p0 [hbm:s6], $0xF7A  }
0x23: {  	s9 =	sor.u32 $0xD0000000, s2;
	s6 =	simm.s32 $0x108;
	_ =	swait.ge @!p0 [sflag:s8], $0x0  }
0x24: {  	s3 =	sadd.s32 $0x88, s3;
	s6 =	simm.s32 @!p1 $0x1082;
	[sflag:s4] =	ssyncset.s32 $0xFFFFF086  }
0x25: {  	[simem:s6], [sflag:s4] =	dma.local [hbm:s3], $0xF7A  }
0x26: {  	[smem:$0x3F94] =	sst s1;
	(tag) =	ssettag s2;
	_ =	strace s9  }
0x27: {  	s1 =	sld [smem:$0x3FA4]  }
0x28: {  	s2 =	sld [smem:$0x3FA5]  }
0x29: {  	s4 =	sld [smem:$0x3FA7]  }
0x2a: {  	p0 =	seq.s32 s5, $0x0;
	s5 =	sld [smem:$0x3FA8]  }
0x2b: {  	s6 =	sld [smem:$0x3FA9]  }
0x2c: {  	s7 =	sld [smem:$0x3FAA]  }
0x2d: {  	s3 =	simm.s32 $0x108;
	s8 =	sld [smem:$0x3FAB]  }
0x2e: {  	s3 =	simm.s32 @!p0 $0x1082;
	s9 =	sld [smem:$0x3FAC]  }
0x2f: {  	lr =	sadd.s32 s0, s3;
	s0 =	sld [smem:$0x3FA3]  }
0x30: {  	s3 =	sld [smem:$0x3FA6]  }
0x31: {  	[smem:$0x3FAF] =	sst s10  }
0x32: {  	s10 =	sld [smem:$0x3FAD];
	_ =	sdelay $0x3  }
0x33: {  	p0 =	seq.s32 s10, $0x1;
	s10 =	sld [smem:$0x3FAF];
	_ =	sdelay $0x3  }
0x34: {  	[smem:$0x3FAF] =	sst s10  }
0x35: {  	s10 =	sld [smem:$0x3FAE];
	_ =	sdelay $0x3  }
0x36: {  	p1 =	seq.s32 s10, $0x1;
	s10 =	sld [smem:$0x3FAF];
	_ =	sdelay $0x3  }
0x37: {  	[smem:$0x3FAF] =	sst s10  }
0x38: {  	s10 =	sld [smem:$0x3FB0]  }
0x39: {  	_ = 	snop;
	(pc) =	sbr.ind lr, $3  }
0x3a: {  	_ = 	snop  }
0x3b: {  	_ = 	snop  }
0x3c: {  	p2 =	seq.s32 s10, $0x1;
	s10 =	sld [smem:$0x3FAF]  }
0x3d: {  	_ =	shalt  }
0x3e: {  	_ =	shalt  }
0x3f: {  	_ =	shalt  }
0x40: {  	_ =	shalt  }
0x41: {  	_ =	shalt  }
0x42: {  	_ =	shalt  }
0x43: {  	_ =	shalt  }
0x44: {  	_ =	shalt  }
0x45: {  	_ =	shalt  }
0x46: {  	_ =	shalt  }
0x47: {  	_ =	shalt  }
0x48: {  	_ =	shalt  }
0x49: {  	_ =	shalt  }
0x4a: {  	_ =	shalt  }
0x4b: {  	_ =	shalt  }
0x4c: {  	_ =	shalt  }
0x4d: {  	_ =	shalt  }
0x4e: {  	_ =	shalt  }
0x4f: {  	_ =	shalt  }
0x50: {  	_ =	shalt  }
0x51: {  	_ =	shalt  }
0x52: {  	_ =	shalt  }
0x53: {  	_ =	shalt  }
0x54: {  	_ =	shalt  }
0x55: {  	_ =	shalt  }
0x56: {  	_ =	shalt  }
0x57: {  	_ =	shalt  }
0x58: {  	_ =	shalt  }
0x59: {  	_ =	shalt  }
0x5a: {  	_ =	shalt  }
0x5b: {  	_ =	shalt  }
0x5c: {  	_ =	shalt  }
0x5d: {  	_ =	shalt  }
0x5e: {  	_ =	shalt  }
0x5f: {  	_ =	shalt  }
0x60: {  	_ =	shalt  }
0x61: {  	_ =	shalt  }
0x62: {  	_ =	shalt  }
0x63: {  	_ =	shalt  }
0x64: {  	_ =	shalt  }
0x65: {  	_ =	shalt  }
0x66: {  	_ =	shalt  }
0x67: {  	_ =	shalt  }
0x68: {  	_ =	shalt  }
0x69: {  	_ =	shalt  }
0x6a: {  	_ =	shalt  }
0x6b: {  	_ =	shalt  }
0x6c: {  	_ =	shalt  }
0x6d: {  	_ =	shalt  }
0x6e: {  	_ =	shalt  }
0x6f: {  	_ =	shalt  }
0x70: {  	_ =	shalt  }
0x71: {  	_ =	shalt  }
0x72: {  	_ =	shalt  }
0x73: {  	_ =	shalt  }
0x74: {  	_ =	shalt  }
0x75: {  	_ =	shalt  }
0x76: {  	_ =	shalt  }
0x77: {  	_ =	shalt  }
0x78: {  	_ =	shalt  }
0x79: {  	_ =	shalt  }
0x7a: {  	_ =	shalt  }
0x7b: {  	_ =	shalt  }
0x7c: {  	_ =	shalt  }
0x7d: {  	_ =	shalt  }
0x7e: {  	_ =	shalt  }
0x7f: {  	_ =	shalt  }
0x80: {  	_ =	shalt  }
0x81: {  	_ =	shalt  }
0x82: {  	_ =	shalt  }
0x83: {  	_ =	shalt  }
0x84: {  	_ =	shalt  }
0x85: {  	_ =	shalt  }
0x86: {  	_ =	shalt  }
0x87: {  	_ =	shalt  }
.Lfunc_end0:
.L_simem_size_0:
called_computation.2_lowered:
.L_overlay_start_0:
0x88: {  	s2 =	sld [smem:$0x3FD9]  }
0x89: {  	s3 =	sld [smem:$0x3FFE];
	_ =	sdelay $0x1  }
0x8a: {  	s1 =	srdreg.scid  }
0x8b: {  	s0 =	sand.u32 $0x1, s1  }
0x8c: {  	s17 =	sshll.u32 s0, $0xA;
	s2 =	sadd.s32 s3, s2  }
0x8d: {  	s2 =	sadd.s32 s2, s17  }
0x8e: {  	[smem:$0x3FBB] =	sst s2  }
0x8f: {  	_ = 	snop  }
0x90: {  	(tm) =	ssettm $0x1  }
0x91: {  	s18 =	sld [smem:$0x3FFB];
	_ =	sdelay $0x3  }
0x92: {  	_ =	strace s18  }
0x93: {  	s2 =	sld [smem:$0x3FFC];
	_ =	sdelay $0x3  }
0x94: {  	_ =	strace s2  }
0x95: {  	s2 =	sld [smem:$0x3FFD];
	_ =	sdelay $0x3  }
0x96: {  	_ =	strace s2  }
0x97: {  	_ =	strace $0x8FFFFFFF  }
0x98: {  	s19 =	sld [smem:$0x3FDB];
	_ =	sdelay $0x1  }
0x99: {  	s20 =	simm.s32 $_scs_section_size  }
0x9a: {  	s4 =	simm.s32 $_size__tile_overlayer_lowered;
	s5 =	simm.s32 $_tile_overlayer_lowered  }
0x9b: {  	s6 =	simm.s32 $0x1BFF;
	s21 =	sshll.u32 s5, $0x1;
	s3 =	sadd.s32 s20, s19  }
0x9c: {  	s22 =	simm.s32 $0x0;
	s4 =	sshll.u32 s4, $0x1;
	s5 =	sadd.s32 s21, s3  }
0x9d: {  	[timem:s22], [sflag:s6] =	dma.local [hbm:s5], s4  }
0x9e: {  	_ =	swait.ge [sflag:s6], s4  }
0x9f: {  	s4 =	ssub.s32 $0x0, s4;
	[sflag:s6] =	ssyncset.done $0x0  }
0xa0: {  	[sflag:s6] =	ssyncadd.s32 s4;
	_ =	sdelay $0x1  }
0xa1: {  	s23 =	simm.s32 $0x1B8B  }
0xa2: {  	_ =	swait.ge [sflag:s23], $0x1  }
0xa3: {  	[sflag:s23] =	ssyncset.done $0x0  }
0xa4: {  	[sflag:s23] =	ssyncadd.s32 $0xFFFFFFFF  }
0xa5: {  	s4 =	sld [smem:$0x0]  }
0xa6: {  	s5 =	sand.u32 $0xFFFFFFFE, s1  }
0xa7: {  	p0 =	sne.s32 s1, s5  }
0xa8: {  	s5 =	sshll.u32 @p0 s5, $0xE  }
0xa9: {  	s5 =	sadd.s32 @p0 $0x11B8D, s5;
	s6 =	sshll.u32 @p0 s4, $0x11  }
0xaa: {  	s5 =	sor.u32 @p0 s6, s5  }
0xab: {  	[sflag:s5] =	ssyncadd.remote.s32 @p0 $0x1;
	_ =	sdelay $0x1  }
0xac: {  	s5 =	simm.s32 @p0 $0x1B8D  }
0xad: {  	_ =	swait.eq @p0 [sflag:s5], $0x1  }
0xae: {  	[sflag:s5] =	ssyncadd.s32 @p0 $0xFFFFFFFF  }
0xaf: {  	s6 =	sshll.u32 @!p0 s1, $0xE  }
0xb0: {  	s6 =	sor.u32 @!p0 $0x4000, s6;
	s5 =	simm.s32 @!p0 $0x1B8D  }
0xb1: {  	s4 =	sshll.u32 @!p0 s4, $0x11;
	s6 =	sadd.s32 @!p0 $0x11B8D, s6;
	_ =	swait.eq @!p0 [sflag:s5], $0x1  }
0xb2: {  	s4 =	sor.u32 @!p0 s4, s6;
	[sflag:s5] =	ssyncadd.s32 @!p0 $0xFFFFFFFF  }
0xb3: {  	s25 =	simm.s32 $0x1B8E;
	s24 =	sld [smem:$0x3FFE];
	[sflag:s4] =	ssyncadd.remote.s32 @!p0 $0x1  }
0xb4: {  	s26 =	simm.s32 $execute0_lowered;
	[smem:$0x3FD2] =	sst s25  }
0xb5: {  	s5 =	sshll.u32 s26, $0x1;
	_ =	strace $0x8000004C;
	[dreg:$0x1] =	wrdreg $0xFFFFFFFF  }
0xb6: {  	s28 =	simm.s32 $_size_execute0_lowered;
	s3 =	sadd.s32 s3, s5;
	[dreg:$0x0] =	wrdreg $0x0  }
0xb7: {  	s5 =	sshll.u32 s28, $0x1;
	[dreg:$0x2] =	wrdreg s3  }
0xb8: {  	[dreg:$0x3] =	wrdreg s5  }
0xb9: {  	[dreg:$0x4] =	wrdreg $0xC0  }
0xba: {  	_ =	task [dreg:s22], $0x5FFFF  }
0xbb: {  	[dreg:$0x1] =	wrdreg $0xFFFFFFFF  }
0xbc: {  	[dreg:$0x0] =	wrdreg $0x60  }
0xbd: {  	[dreg:$0x2] =	wrdreg s24  }
0xbe: {  	[dreg:$0x3] =	wrdreg $0x118000  }
0xbf: {  	[dreg:$0x4] =	wrdreg $0xB  }
0xc0: {  	_ =	task.clear_ibuf [dreg:s22], $0x5FFFF;
	_ =	strace $0x9000004C  }
0xc1: {  	s29 =	simm.s32 $0xB;
	_ =	strace $0x8000004E  }
0xc2: {  	_ =	swait.ge [sflag:s29], $0x1  }
0xc3: {  	[sflag:s29] =	ssyncadd.s32 $0xFFFFFFFF  }
0xc4: {  	_ =	strace $0x9000004E  }
0xc5: {  	_ =	sfence  }
0xc6: {  	s30 =	sld [smem:$0x0];
	_ =	sdelay $0x2  }
0xc7: {  	s31 =	sshll.u32 s1, $0xD;
	s1 =	sshrl.u32 s1, $0x2  }
0xc8: {  	s4 =	sand.u32 $0x4000, s31;
	s1 =	sadd.s32 s1, s30  }
0xc9: {  	s0 =	sor.u32 s4, s0;
	s1 =	sshll.u32 s1, $0x11  }
0xca: {  	s0 =	sor.u32 s1, s0  }
0xcb: {  	s0 =	sadd.s32 $0x8F2B, s0  }
0xcc: {  	[sflag:s0] =	ssyncadd.remote.s32 $0x1  }
0xcd: {  	_ =	sfence.sel $0xFFFF  }
0xce: {  	[dreg:$0x0] =	wrdreg $0xFFFFFFFF;
	(pc) =	sbr.abs _section_cstart, $3  }
0xcf: {  	[dreg:$0x1] =	wrdreg $0xFFFFFFFF  }
0xd0: {  	_ =	task.clear_ibuf [dreg:s22], $0x2FFFF;
	_ =	strace $0x9FFFFFFF  }
0xd1: {  	(tm) =	ssettm $0x7FFFFFFF  }
tec
execute0_lowered:
.L_overlay_start_1:
0x0: {  	(tag) =	ssettag $0x1  }
0x1: {  	s0 =	srdreg.scid  }
0x2: {  	s5 =	sand.u32 $0x1, s0  }
0x3: {  	s0 =	stileid.u32;
	s1 =	sshll.u32 s5, $0x4  }
0x4: {  	s1 =	sor.u32 s0, s1  }
0x5: {  	s7 =	smul.u32 $0x4E2, s1;
	_ =	sdelay $0x1  }
0x6: {  	s6 =	rddreg [dreg:$0x0];
	s10 =	sshrl.u32 s7, $0x5;
	s7 =	sadd.s32 $0x4E2, s7  }
0x7: {  	s2 =	rddreg [dreg:$0x1];
	s3 =	simm.s32 $0x0;
	s28 =	sshrl.u32 s7, $0x5  }
0x8: {  	s9 =	smul.u32 $0x78000, s5;
	s26 =	ssub.s32 $0x2, s5;
	s5 =	ssub.s32 s28, s10  }
0x9: {  	s15 =	simm.s32 $0x9;
	s16 =	simm.s32 $0x9000;
	p4 =	slt.s32 s5, $0x1  }
0xa: {  	s19 =	simm.s32 $0x0;
	[smem:$0x7FF] =	sst s3;
	p1 =	seq.s32 @!p4 s5, $0x1  }
0xb: {  	s4 =	sadd.s32 $0x96000, s6;
	s8 =	smul.u32 $0x7800, s0;
	p5 =	por p1, p4  }
0xc: {  	s29 =	smul.u32 $0x1E000, s0;
	s30 =	sshrl.u32 s26, $0x1;
	p0 =	slt.u32 @!p5 s5, $0x3  }
0xd: {  	s1 =	rddreg [dreg:$0x2];
	_ =	strace $0x8000004D;
	p2 =	por @!p4 p0, p1  }
0xe: {  	s9 =	sadd.s32 s8, s9;
	s14 =	ssub.s32 s26, s30;
	p2 =	por p2, p4  }
0xf: {  	s9 =	sshrl.u32 s9, $0x3;
	s14 =	smax.u32 s14, $0x1;
	s17 =	simm.s32 @!p2 $0x0  }
0x10: {  	s13 =	sadd.s32 s9, s6;
	s17 =	simm.s32 @p2 $0x1;
	p2 =	seq.s32 @!p2 s5, $0x3  }
0x11: {  	s11 =	sshll.u32 s10, $0x4;
	s7 =	sshrl.u32 s29, $0x2;
	p3 =	por @!p5 p2, p0  }
0x12: {  	s13 =	sadd.s32 $0xA4C00, s13;
	s18 =	simm.s32 @!p5 $0x0;
	p3 =	por @!p4 p3, p1  }
0x13: {  	s18 =	simm.s32 @p5 $0x1;
	p2 =	por @!p5 !p2, p0;
	p3 =	por p3, p4  }
0x14: {  	[smem:$0x7F8] =	sst s18;
	p2 =	por @!p4 !p2, p1;
	s18 =	simm.s32 @!p3 $0x0  }
0x15: {  	s12 =	sadd.s32 s11, s6;
	p2 =	por !p2, p4;
	s18 =	simm.s32 @p3 $0x1  }
0x16: {  	p0 =	por @!p4 !p0, p1;
	[smem:$0x7F9] =	sst s18;
	s18 =	simm.s32 @!p2 $0x0  }
0x17: {  	s6 =	sadd.s32 s8, s2;
	p0 =	por !p0, p4;
	s18 =	simm.s32 @p2 $0x1  }
0x18: {  	s31 =	sadd.s32 s7, s2;
	[smem:$0x7FA] =	sst s18;
	s18 =	simm.s32 @!p0 $0x0  }
0x19: {  	s7 =	sadd.s32 $0x1800, s31;
	s8 =	sadd.s32 $0x3000, s31;
	s18 =	simm.s32 @p0 $0x1  }
0x1a: {  	s9 =	sadd.s32 $0x4800, s31;
	[smem:$0x7FB] =	sst s18;
	s18 =	simm.s32 @!p4 $0x0  }
0x1b: {  	s10 =	sadd.s32 $0x6000, s31;
	p0 =	por !p1, p4;
	s18 =	simm.s32 @p4 $0x1  }
0x1c: {  	s11 =	sadd.s32 $0x8C200, s12;
	[smem:$0x7FC] =	sst s18;
	s18 =	simm.s32 @!p0 $0x0  }
0x1d: {  	s12 =	sadd.s32 $0x91020, s12;
	[smem:$0x7F7] =	sst s17;
	s18 =	simm.s32 @p0 $0x1  }
0x1e: {  	v0 =	vimm.f32 $0.0e+00;
	s17 =	simm.s32 $0xA400;
	[smem:$0x7FD] =	sst s18;
	s18 =	simm.s32 $0x1800  }
.LBB2_1:
0x1f: {  	s20 =	simm.s32 $0xC0;
	s21 =	simm.s32 $0x0  }
.LBB2_2:
0x20: {  	p0 =	sne.s32 s20, $0x5F40;
	[tilespmem:s21+$0x20] =	vst v0;
	s22 =	smov.u32 s20;
	s20 =	sadd.s32 $0xC0, s20  }
.Ltmp0:
0x21: {  	[tilespmem:s21+$0x0] =	vst v0;
	(pc) =	sbr.rel @p0 .LBB2_2-.Ltmp0, $2  }
0x22: {  	[tilespmem:s21+$0x10] =	vst v0;
	_ =	sdelay $0x2  }
0x23: {  	s21 =	sshra.s32 s22, $0x2  }
0x24: {  	[tilespmem:s21+$0x20] =	vst v0  }
0x25: {  	[tilespmem:s21+$0x0] =	vst v0  }
0x26: {  	[tilespmem:s21+$0x10] =	vst v0  }
0x27: {  	[spmem:s6] =	stream.linear.scatter [tilespmem:s3], [sflag:$0x9], $0x1800, $0x38;
	[tilespmem:$0x19000] =	vst v63  }
0x28: {  	_ =	swait.ge [sflag:s15], $0x1800  }
0x29: {  	[sflag:s15] =	ssyncset.done $0x0  }
0x2a: {  	[sflag:s15] =	ssyncadd.s32 $0xFFFFE800  }
0x2b: {  	[spmem:s7] =	stream.linear.scatter [tilespmem:s3], [sflag:$0x9], $0x1800, $0x38;
	[tilespmem:$0x19000] =	vst v63  }
0x2c: {  	_ =	swait.ge [sflag:s15], $0x1800  }
0x2d: {  	[sflag:s15] =	ssyncset.done $0x0  }
0x2e: {  	[sflag:s15] =	ssyncadd.s32 $0xFFFFE800  }
0x2f: {  	[spmem:s8] =	stream.linear.scatter [tilespmem:s3], [sflag:$0x9], $0x1800, $0x38;
	[tilespmem:$0x19000] =	vst v63  }
0x30: {  	_ =	swait.ge [sflag:s15], $0x1800  }
0x31: {  	[sflag:s15] =	ssyncset.done $0x0  }
0x32: {  	[sflag:s15] =	ssyncadd.s32 $0xFFFFE800  }
0x33: {  	[spmem:s9] =	stream.linear.scatter [tilespmem:s3], [sflag:$0x9], $0x1800, $0x38;
	[tilespmem:$0x19000] =	vst v63  }
0x34: {  	_ =	swait.ge [sflag:s15], $0x1800  }
0x35: {  	[sflag:s15] =	ssyncset.done $0x0  }
0x36: {  	[sflag:s15] =	ssyncadd.s32 $0xFFFFE800  }
0x37: {  	[spmem:s10] =	stream.linear.scatter [tilespmem:s3], [sflag:$0x9], $0x1800, $0x38;
	[tilespmem:$0x19000] =	vst v63  }
0x38: {  	_ =	swait.ge [sflag:s15], $0x1800  }
0x39: {  	[sflag:s15] =	ssyncset.done $0x0  }
0x3a: {  	[sflag:s15] =	ssyncadd.s32 $0xFFFFE800  }
0x3b: {  	[tilespmem:s16], [sflag:$0x9] =	stream.linear.gather [hbm4b:s11+s3], $0x1400, $0x38;
	[tilespmem:$0x19000] =	vst v63  }
0x3c: {  	_ =	swait.ge [sflag:s15], $0x1400  }
0x3d: {  	[sflag:s15] =	ssyncset.done $0x0  }
0x3e: {  	[sflag:s15] =	ssyncadd.s32 $0xFFFFEC00  }
0x3f: {  	[tilespmem:s17], [sflag:$0x9] =	stream.linear.gather [hbm4b:s12+s3], $0x1400, $0x38;
	[tilespmem:$0x19000] =	vst v63  }
0x40: {  	_ =	swait.ge [sflag:s15], $0x1400  }
0x41: {  	[sflag:s15] =	ssyncset.done $0x0  }
0x42: {  	[sflag:s15] =	ssyncadd.s32 $0xFFFFEC00  }
0x43: {  	[bflag:$0x0] =	sbarrier.arrive $0xFFFF  }
0x44: {  	s20 =	sld [smem:$0x7FC];
	_ =	sdelay $0x2  }
0x45: {  	p1 =	seq.s32 s20, $0x1  }
0x46: {  	s20 =	simm.s32 @!p1 $0x80;
	s21 =	simm.s32 @!p1 $0x9000;
	s22 =	simm.s32 @!p1 $0xB800  }
0x47: {  	[tilespmem:s22], [sflag:$0x1] =	stream.indirect.gather @!p1 [hbm4b:s4+s20], $0x30, s21, s20, $0xb8;
	[tilespmem:$0x19000] =	vst v63  }
0x48: {  	s21 =	sld [smem:$0x7F8];
	_ =	sdelay $0x2  }
0x49: {  	s23 =	sld [smem:$0x7F9];
	p5 =	seq.s32 s21, $0x1  }
0x4a: {  	s20 =	simm.s32 @!p5 $0x80;
	s21 =	simm.s32 @!p5 $0x9080;
	s22 =	simm.s32 @!p5 $0xD000  }
0x4b: {  	[tilespmem:s22], [sflag:$0x2] =	stream.indirect.gather @!p5 [hbm4b:s4+s20], $0x30, s21, s20, $0xb8;
	[tilespmem:$0x19000] =	vst v63  }
0x4c: {  	s22 =	sld [smem:$0x7F7];
	_ =	sdelay $0x2  }
0x4d: {  	p4 =	seq.s32 s23, $0x1;
	p1 =	por @!p1 $0x0, $0x0;
	p3 =	seq.s32 s22, $0x1  }
0x4e: {  	s20 =	simm.s32 @!p3 $0x80;
	s21 =	simm.s32 @!p3 $0x9100;
	s22 =	simm.s32 @!p3 $0xE800  }
0x4f: {  	[tilespmem:s22], [sflag:$0x3] =	stream.indirect.gather @!p3 [hbm4b:s4+s20], $0x30, s21, s20, $0xb8;
	[tilespmem:$0x19000] =	vst v63  }
0x50: {  	s20 =	simm.s32 @!p4 $0x80;
	s21 =	simm.s32 @!p4 $0x9180;
	s22 =	simm.s32 @!p4 $0x10000  }
0x51: {  	[tilespmem:s22], [sflag:$0x4] =	stream.indirect.gather @!p4 [hbm4b:s4+s20], $0x30, s21, s20, $0xb8;
	[tilespmem:$0x19000] =	vst v63  }
0x52: {  	s20 =	simm.s32 @!p1 $0x0  }
0x53: {  	s20 =	simm.s32 @p1 $0x1;
	p1 =	por @!p3 $0x1, $0x1  }
0x54: {  	s21 =	simm.s32 @!p1 $0x0  }
0x55: {  	p0 =	sle.s32 s5, $0x0;
	[smem:$0x7F5] =	sst s20;
	s21 =	simm.s32 @p1 $0x1  }
0x56: {  	s20 =	simm.s32 @!p0 $0x1;
	[smem:$0x7F3] =	sst s21  }
0x57: {  	p6 =	sle.s32 s5, $0x1;
	_ =	swait.ge @!p0 [sflag:s20], $0x1800  }
0x58: {  	s23 =	simm.s32 @!p6 $0x80;
	s22 =	simm.s32 @!p0 $0xB800;
	[sflag:s20] =	ssyncset.done @!p0 $0x0  }
0x59: {  	s21 =	simm.s32 @!p0 $0xA400;
	[sflag:s20] =	ssyncadd.s32 @!p0 $0xFFFFE800;
	s20 =	simm.s32 @!p0 $0x80  }
0x5a: {  	[spmem:s2] =	stream.indirect.scatter.add.f32 @!p0 [tilespmem:s22], [sflag:$0x5], $0x30, s21, s20, $0xb8;
	[tilespmem:$0x19000] =	vst v63  }
0x5b: {  	p2 =	por @!p4 $0x1, $0x1;
	s24 =	sld [smem:$0x7FA];
	s20 =	simm.s32 @!p6 $0x2  }
0x5c: {  	p4 =	por @!p4 $0x1, $0x1;
	p3 =	por @!p3 $0x0, $0x0;
	_ =	swait.ge @!p6 [sflag:s20], $0x1800  }
0x5d: {  	s21 =	simm.s32 @!p6 $0xD000;
	[sflag:s20] =	ssyncset.done @!p6 $0x0;
	s25 =	sld [smem:$0x7F3]  }
0x5e: {  	s22 =	simm.s32 @!p6 $0xA480;
	p1 =	seq.s32 s24, $0x1;
	[sflag:s20] =	ssyncadd.s32 @!p6 $0xFFFFE800  }
0x5f: {  	[spmem:s2] =	stream.indirect.scatter.add.f32 @!p6 [tilespmem:s21], [sflag:$0x6], $0x30, s22, s23, $0xb8;
	[tilespmem:$0x19000] =	vst v63  }
0x60: {  	p4 =	por @!p1 p3, p3;
	p3 =	seq.s32 s25, $0x1  }
0x61: {  	p2 =	por @!p1 p3, p3  }
0x62: {  	s21 =	simm.s32 @!p2 $0x0  }
0x63: {  	p0 =	sle.s32 s5, $0x2;
	s21 =	simm.s32 @p2 $0x1  }
0x64: {  	s20 =	simm.s32 @!p0 $0x3;
	s22 =	simm.s32 @!p0 $0xE800;
	[smem:$0x7F4] =	sst s21  }
0x65: {  	s23 =	simm.s32 @!p0 $0x80;
	p6 =	por @!p5 $0x1, $0x1;
	_ =	swait.ge @!p0 [sflag:s20], $0x1800  }
0x66: {  	p1 =	sle.s32 s5, $0x3;
	p3 =	por @!p5 $0x0, $0x0;
	[sflag:s20] =	ssyncset.done @!p0 $0x0  }
0x67: {  	s21 =	simm.s32 @!p0 $0xA500;
	[sflag:s20] =	ssyncadd.s32 @!p0 $0xFFFFE800;
	s20 =	simm.s32 @!p1 $0x4  }
0x68: {  	[spmem:s2] =	stream.indirect.scatter.add.f32 @!p0 [tilespmem:s22], [sflag:$0x7], $0x30, s21, s23, $0xb8;
	[tilespmem:$0x19000] =	vst v63  }
0x69: {  	p0 =	sle.s32 s5, $0x4;
	s21 =	simm.s32 @!p1 $0xA580;
	_ =	swait.ge @!p1 [sflag:s20], $0x1800  }
0x6a: {  	s22 =	simm.s32 @!p1 $0x10000;
	s23 =	simm.s32 @!p1 $0x80;
	[sflag:s20] =	ssyncset.done @!p1 $0x0  }
0x6b: {  	s26 =	sld [smem:$0x7FB];
	[sflag:s20] =	ssyncadd.s32 @!p1 $0xFFFFE800;
	s20 =	simm.s32 @!p0 $0x5  }
0x6c: {  	[spmem:s2] =	stream.indirect.scatter.add.f32 @!p1 [tilespmem:s22], [sflag:$0x8], $0x30, s21, s23, $0xb8;
	[tilespmem:$0x19000] =	vst v63  }
0x6d: {  	s21 =	simm.s32 @!p0 $0xB800;
	s22 =	simm.s32 @!p0 $0x9200;
	s23 =	simm.s32 @!p0 $0x80  }
0x6e: {  	p1 =	por @!p5 $0x0, $0x0;
	p2 =	seq.s32 s26, $0x1;
	_ =	swait.ge @!p0 [sflag:s20], $0x1800  }
0x6f: {  	p3 =	por @!p2 p4, p4;
	[sflag:s20] =	ssyncset.done @!p0 $0x0;
	s28 =	sld [smem:$0x7F4]  }
0x70: {  	p4 =	sle.s32 s5, $0x5;
	s30 =	sld [smem:$0x7F5];
	[sflag:s20] =	ssyncadd.s32 @!p0 $0xFFFFE800  }
0x71: {  	[tilespmem:s21], [sflag:$0x1] =	stream.indirect.gather @!p0 [hbm4b:s4+s23], $0x30, s22, s23, $0xb8;
	[tilespmem:$0x19000] =	vst v63  }
0x72: {  	s29 =	sld [smem:$0x7FD];
	s20 =	simm.s32 @!p4 $0x6;
	s21 =	simm.s32 @!p4 $0x9280  }
0x73: {  	s22 =	simm.s32 @!p4 $0xD000;
	s23 =	simm.s32 @!p4 $0x80;
	p0 =	seq.s32 s28, $0x1  }
0x74: {  	p5 =	seq.s32 s30, $0x1;
	_ =	swait.ge @!p4 [sflag:s20], $0x1800;
	p6 =	por @!p2 p0, p0  }
0x75: {  	p1 =	por @!p2 p0, p0;
	p2 =	seq.s32 s29, $0x1;
	[sflag:s20] =	ssyncset.done @!p4 $0x0  }
0x76: {  	p0 =	sle.s32 s5, $0x6;
	s31 =	sld [smem:$0x7FC];
	p3 =	por @!p2 p5, p5  }
0x77: {  	[sflag:s20] =	ssyncadd.s32 @!p4 $0xFFFFE800;
	p6 =	por @!p2 p5, p5;
	s20 =	simm.s32 @!p0 $0x7  }
0x78: {  	[tilespmem:s22], [sflag:$0x2] =	stream.indirect.gather @!p4 [hbm4b:s4+s23], $0x30, s21, s23, $0xb8;
	[tilespmem:$0x19000] =	vst v63  }
0x79: {  	p4 =	por p5, p5;
	p5 =	por $0x0, $0x0;
	s21 =	simm.s32 @!p0 $0x9300  }
0x7a: {  	s22 =	simm.s32 @!p0 $0xE800;
	s23 =	simm.s32 @!p0 $0x80;
	p1 =	por @!p2 p4, p4  }
0x7b: {  	p4 =	seq.s32 s31, $0x1;
	_ =	swait.ge @!p0 [sflag:s20], $0x1800;
	p2 =	por $0x0, $0x0  }
0x7c: {  	p5 =	por @!p4 p3, p3;
	[sflag:s20] =	ssyncset.done @!p0 $0x0;
	p2 =	por @!p4 p6, p6  }
0x7d: {  	p6 =	por $0x0, $0x0;
	[sflag:s20] =	ssyncadd.s32 @!p0 $0xFFFFE800;
	s20 =	simm.s32 @!p2 $0x0  }
0x7e: {  	[tilespmem:s22], [sflag:$0x3] =	stream.indirect.gather @!p0 [hbm4b:s4+s23], $0x30, s21, s23, $0xb8;
	[tilespmem:$0x19000] =	vst v63  }
0x7f: {  	p6 =	por @!p4 p1, p1;
	s20 =	simm.s32 @p2 $0x1;
	p2 =	sle.s32 s5, $0x7  }
0x80: {  	s21 =	simm.s32 $0x4;
	[smem:$0x7F6] =	sst s20;
	s22 =	simm.s32 @!p2 $0x8  }
0x81: {  	s20 =	simm.s32 $0x0;
	s24 =	simm.s32 @!p2 $0x9380;
	_ =	swait.ge @!p2 [sflag:s22], $0x1800  }
0x82: {  	s25 =	simm.s32 @!p2 $0x80;
	s26 =	simm.s32 @!p2 $0x10000;
	[sflag:s22] =	ssyncset.done @!p2 $0x0  }
.LBB2_4:
0x83: {  	[sflag:s22] =	ssyncadd.s32 @!p2 $0xFFFFE800  }
0x84: {  	s20 =	sadd.s32 $0x800, s20;
	s23 =	smov.u32 s21;
	s21 =	sadd.s32 $0x4, s21  }
0x85: {  	[tilespmem:s26], [sflag:$0x4] =	stream.indirect.gather @!p2 [hbm4b:s4+s25], $0x30, s24, s25, $0xb8;
	[tilespmem:$0x19000] =	vst v63  }
0x86: {  	p1 =	sge.s32 s21, s5;
	p3 =	sne.s32 s21, $0x28  }
0x87: {  	p0 =	sge.s32 s23, s5;
	s22 =	sadd.s32 $0x6, s23;
	s24 =	sadd.s32 $0x7, s23  }
0x88: {  	s25 =	simm.s32 @!p0 $0x1;
	s26 =	sshra.s32 @!p0 s20, $0x2;
	p2 =	sge.s32 s24, s5  }
0x89: {  	s24 =	sadd.s32 @!p0 $0xA400, s26;
	s26 =	sadd.s32 $0x3, s23;
	_ =	swait.ge @!p0 [sflag:s25], $0x1800  }
0x8a: {  	s29 =	sadd.s32 $0x1, s23;
	s28 =	simm.s32 @!p0 $0xB800;
	[sflag:s25] =	ssyncset.done @!p0 $0x0  }
0x8b: {  	p4 =	sge.s32 s29, s5;
	[sflag:s25] =	ssyncadd.s32 @!p0 $0xFFFFE800;
	s25 =	simm.s32 @!p0 $0x80  }
0x8c: {  	[spmem:s2] =	stream.indirect.scatter.add.f32 @!p0 [tilespmem:s28], [sflag:$0x5], $0x30, s24, s25, $0xb8;
	[tilespmem:$0x19000] =	vst v63  }
0x8d: {  	s24 =	simm.s32 @!p4 $0x2;
	s25 =	sshra.s32 @!p4 s20, $0x2;
	s28 =	simm.s32 @!p4 $0xD000  }
0x8e: {  	s29 =	sadd.s32 $0x2, s23;
	s25 =	sadd.s32 @!p4 $0xA480, s25;
	_ =	swait.ge @!p4 [sflag:s24], $0x1800  }
0x8f: {  	s30 =	simm.s32 @!p4 $0x80;
	p0 =	sge.s32 s29, s5;
	[sflag:s24] =	ssyncset.done @!p4 $0x0  }
0x90: {  	s29 =	sshra.s32 @!p0 s20, $0x2;
	[sflag:s24] =	ssyncadd.s32 @!p4 $0xFFFFE800;
	s24 =	simm.s32 @!p0 $0x3  }
0x91: {  	[spmem:s2] =	stream.indirect.scatter.add.f32 @!p4 [tilespmem:s28], [sflag:$0x6], $0x30, s25, s30, $0xb8;
	[tilespmem:$0x19000] =	vst v63  }
0x92: {  	s25 =	sadd.s32 @!p0 $0xA500, s29;
	s28 =	simm.s32 @!p0 $0xE800;
	_ =	swait.ge @!p0 [sflag:s24], $0x1800  }
0x93: {  	s29 =	simm.s32 @!p0 $0x80;
	p4 =	sge.s32 s26, s5;
	[sflag:s24] =	ssyncset.done @!p0 $0x0  }
0x94: {  	s26 =	sshra.s32 @!p4 s20, $0x2;
	[sflag:s24] =	ssyncadd.s32 @!p0 $0xFFFFE800;
	s24 =	simm.s32 @!p4 $0x4  }
0x95: {  	[spmem:s2] =	stream.indirect.scatter.add.f32 @!p0 [tilespmem:s28], [sflag:$0x7], $0x30, s25, s29, $0xb8;
	[tilespmem:$0x19000] =	vst v63  }
0x96: {  	s25 =	sadd.s32 @!p4 $0xA580, s26;
	s26 =	simm.s32 @!p4 $0x10000;
	_ =	swait.ge @!p4 [sflag:s24], $0x1800  }
0x97: {  	s28 =	simm.s32 @!p4 $0x80;
	s29 =	simm.s32 @!p1 $0xB800;
	[sflag:s24] =	ssyncset.done @!p4 $0x0  }
0x98: {  	s30 =	sshra.s32 @!p1 s20, $0x2;
	[sflag:s24] =	ssyncadd.s32 @!p4 $0xFFFFE800;
	s24 =	simm.s32 @!p1 $0x5  }
0x99: {  	[spmem:s2] =	stream.indirect.scatter.add.f32 @!p4 [tilespmem:s26], [sflag:$0x8], $0x30, s25, s28, $0xb8;
	[tilespmem:$0x19000] =	vst v63  }
0x9a: {  	s23 =	sadd.s32 $0x5, s23;
	s25 =	sadd.s32 @!p1 $0x9200, s30;
	_ =	swait.ge @!p1 [sflag:s24], $0x1800  }
0x9b: {  	p0 =	sge.s32 s23, s5;
	s26 =	simm.s32 @!p1 $0x80;
	[sflag:s24] =	ssyncset.done @!p1 $0x0  }
0x9c: {  	s23 =	simm.s32 @!p0 $0x6;
	[sflag:s24] =	ssyncadd.s32 @!p1 $0xFFFFE800;
	s24 =	sshra.s32 @!p0 s20, $0x2  }
0x9d: {  	[tilespmem:s29], [sflag:$0x1] =	stream.indirect.gather @!p1 [hbm4b:s4+s26], $0x30, s25, s26, $0xb8;
	[tilespmem:$0x19000] =	vst v63  }
0x9e: {  	s24 =	sadd.s32 @!p0 $0x9280, s24;
	s25 =	simm.s32 @!p0 $0xD000;
	_ =	swait.ge @!p0 [sflag:s23], $0x1800  }
0x9f: {  	s26 =	simm.s32 @!p0 $0x80;
	p1 =	sge.s32 s22, s5;
	[sflag:s23] =	ssyncset.done @!p0 $0x0  }
0xa0: {  	s22 =	simm.s32 @!p1 $0x7;
	[sflag:s23] =	ssyncadd.s32 @!p0 $0xFFFFE800;
	s23 =	sshra.s32 @!p1 s20, $0x2  }
0xa1: {  	[tilespmem:s25], [sflag:$0x2] =	stream.indirect.gather @!p0 [hbm4b:s4+s26], $0x30, s24, s26, $0xb8;
	[tilespmem:$0x19000] =	vst v63  }
0xa2: {  	s23 =	sadd.s32 @!p1 $0x9300, s23;
	s24 =	simm.s32 @!p1 $0xE800;
	_ =	swait.ge @!p1 [sflag:s22], $0x1800  }
.Ltmp1:
0xa3: {  	s25 =	simm.s32 @!p1 $0x80;
	[sflag:s22] =	ssyncset.done @!p1 $0x0;
	(pc) =	sbr.rel @p3 .LBB2_4-.Ltmp1, $4  }
0xa4: {  	s26 =	sshra.s32 @!p2 s20, $0x2;
	[sflag:s22] =	ssyncadd.s32 @!p1 $0xFFFFE800;
	s22 =	simm.s32 @!p2 $0x8  }
0xa5: {  	[tilespmem:s24], [sflag:$0x3] =	stream.indirect.gather @!p1 [hbm4b:s4+s25], $0x30, s23, s25, $0xb8;
	[tilespmem:$0x19000] =	vst v63  }
0xa6: {  	s24 =	sadd.s32 @!p2 $0x9380, s26;
	_ =	swait.ge @!p2 [sflag:s22], $0x1800  }
0xa7: {  	s25 =	simm.s32 @!p2 $0x80;
	s26 =	simm.s32 @!p2 $0x10000;
	[sflag:s22] =	ssyncset.done @!p2 $0x0  }
0xa8: {  	s20 =	sld [smem:$0x7FC]  }
0xa9: {  	[sflag:s22] =	ssyncadd.s32 @!p2 $0xFFFFE800  }
0xaa: {  	[tilespmem:s26], [sflag:$0x4] =	stream.indirect.gather @!p2 [hbm4b:s4+s25], $0x30, s24, s25, $0xb8;
	[tilespmem:$0x19000] =	vst v63  }
0xab: {  	p0 =	seq.s32 s20, $0x1  }
0xac: {  	s20 =	simm.s32 @!p0 $0x5  }
0xad: {  	_ =	swait.ge @!p0 [sflag:s20], $0x1800  }
0xae: {  	s31 =	sld [smem:$0x7F6];
	_ =	sdelay $0x1  }
0xaf: {  	[sflag:s20] =	ssyncset.done @!p0 $0x0  }
0xb0: {  	[sflag:s20] =	ssyncadd.s32 @!p0 $0xFFFFE800;
	p0 =	seq.s32 s31, $0x1  }
0xb1: {  	s20 =	simm.s32 @p0 $0x6  }
0xb2: {  	_ =	swait.ge @p0 [sflag:s20], $0x1800  }
0xb3: {  	[sflag:s20] =	ssyncset.done @p0 $0x0  }
0xb4: {  	[sflag:s20] =	ssyncadd.s32 @p0 $0xFFFFE800;
	s20 =	simm.s32 @p6 $0x7  }
0xb5: {  	_ =	swait.ge @p6 [sflag:s20], $0x1800  }
0xb6: {  	[sflag:s20] =	ssyncset.done @p6 $0x0  }
0xb7: {  	[sflag:s20] =	ssyncadd.s32 @p6 $0xFFFFE800;
	s20 =	simm.s32 @p5 $0x8  }
0xb8: {  	_ =	swait.ge @p5 [sflag:s20], $0x1800  }
0xb9: {  	[sflag:s20] =	ssyncset.done @p5 $0x0  }
0xba: {  	[sflag:s20] =	ssyncadd.s32 @p5 $0xFFFFE800  }
0xbb: {  	[bflag:$0x0] =	sbarrier.arrive $0xFFFF  }
0xbc: {  	[tilespmem:s18], [sflag:$0x9] =	stream.linear.gather [spmem:s6], $0x7800, $0x38;
	[tilespmem:$0x19000] =	vst v63  }
0xbd: {  	s19 =	sadd.s32 $0x1, s19;
	_ =	swait.ge [sflag:s15], $0x7800  }
0xbe: {  	p0 =	sne.s32 s19, s14;
	[sflag:s15] =	ssyncset.done $0x0  }
.Ltmp2:
0xbf: {  	[sflag:s15] =	ssyncadd.s32 $0xFFFF8800;
	(pc) =	sbr.rel @p0 .LBB2_1-.Ltmp2, $4  }
0xc0: {  	[hbm4b:s13+s3] =	stream.linear.scatter [tilespmem:s18], [sflag:$0x9], $0x7800, $0x38;
	[tilespmem:$0x19000] =	vst v63  }
0xc1: {  	_ =	swait.ge [sflag:s15], $0x7800  }
0xc2: {  	[sflag:s15] =	ssyncset.done $0x0  }
0xc3: {  	[sflag:s15] =	ssyncadd.s32 $0xFFFF8800  }
0xc4: {  	_ =	sfence.sel $0x180000  }
0xc5: {  	[bflag:$0x0] =	sbarrier.arrive $0xFFFF  }
0xc6: {  	p0 =	sne.s32 s0, $0x0;
	_ =	strace $0x9000004D  }
0xc7: {  	s0 =	sadd.s32 @!p0 $0x100000, s1;
	[bflag:$0x2] =	sbarrier.arrive $0xFFFF  }
0xc8: {  	[sflag:s0] =	ssyncadd.tile.s32 @!p0 $0x1;
	_ =	shalt  }
.Lfunc_end2:
_tile_overlayer_lowered:
.L_overlay_start_2:
0xc9: {  	(tag) =	ssettag $0x2  }
0xca: {  	s0 =	rddreg [dreg:$0x0];
	s2 =	stileid.u32  }
0xcb: {  	s1 =	rddreg [dreg:$0x1];
	p0 =	sne.s32 s2, $0x0  }
0xcc: {  	s3 =	rddreg [dreg:$0x2];
	[bflag:$0x3] =	sbarrier.arrive $0xFFFF;
	s2 =	simm.s32 @!p0 $0x1C09  }
0xcd: {  	[timem:s3], [sflag:s2] =	dma.local @!p0 [hbm:s0], s1  }
0xce: {  	s0 =	simm.s32 @!p0 $0x9  }
0xcf: {  	_ =	swait.ge @!p0 [sflag:s0], s1  }
0xd0: {  	s1 =	ssub.s32 @!p0 $0x0, s1;
	[sflag:s0] =	ssyncset.done @!p0 $0x0  }
0xd1: {  	[sflag:s0] =	ssyncadd.s32 @!p0 s1  }
0xd2: {  	[bflag:$0x3] =	sbarrier.arrive $0xFFFF  }
0xd3: {  	_ =	shalt  }

// kernel: kernel.17.cloned.1.call-start
scs
__scs_entry_jumppad:
0x0: {  	(pc) =	sbr.rel $0x88, $3  }
0x1: {  	(tag) =	ssettag $0x0;
	lr =	simm.s32 $0x1  }
0x2: {  	[smem:$0x3F94] =	sst lr;
	_ =	strace $0xD0000000  }
0x3: {  	_ = 	snop  }
0x4: {  	_ = 	snop  }
0x5: {  	_ = 	snop  }
0x6: {  	_ = 	snop  }
0x7: {  	_ = 	snop  }
__scs_overlays_trampoline_lowered:
0x8: {  	[smem:$0x3FA3] =	sst s0  }
0x9: {  	[smem:$0x3FA4] =	sst s1  }
0xa: {  	[smem:$0x3FA5] =	sst s2  }
0xb: {  	[smem:$0x3FA6] =	sst s3  }
0xc: {  	[smem:$0x3FA7] =	sst s4  }
0xd: {  	[smem:$0x3FA8] =	sst s5  }
0xe: {  	[smem:$0x3FA9] =	sst s6  }
0xf: {  	[smem:$0x3FAA] =	sst s7  }
0x10: {  	[smem:$0x3FAB] =	sst s8  }
0x11: {  	[smem:$0x3FAC] =	sst s9;
	s0 =	simm.s32 @!p0 $0x0  }
0x12: {  	s1 =	sld [smem:$0x3F92];
	s0 =	simm.s32 @p0 $0x1  }
0x13: {  	[smem:$0x3FAD] =	sst s0;
	s0 =	simm.s32 @!p1 $0x0  }
0x14: {  	s2 =	sld [smem:$0x3F91];
	s0 =	simm.s32 @p1 $0x1  }
0x15: {  	[smem:$0x3FAE] =	sst s0;
	s0 =	simm.s32 @!p2 $0x0  }
0x16: {  	s3 =	sld [smem:$0x3FDB];
	s0 =	simm.s32 @p2 $0x1  }
0x17: {  	s4 =	simm.s32 $0x1BF5;
	[smem:$0x3FB0] =	sst s0  }
0x18: {  	s0 =	sld [smem:$0x3F93];
	_ =	swait.ge [sflag:s4], $0x0  }
0x19: {  	s7 =	sld [smem:$0x3F94]  }
0x1a: {  	s8 =	sadd.s32 $0xFFFFE003, lr  }
0x1b: {  	s9 =	sadd.s32 $0xFFFFFEF7, lr;
	s5 =	simm.s32 $0xFFFFFFFF;
	p2 =	slt.u32 s8, $0xFFFFF086  }
0x1c: {  	p1 =	slt.u32 s9, $0xF7A;
	s5 =	simm.s32 @!p2 $0x0  }
0x1d: {  	s5 =	simm.s32 @p1 $0x1;
	p0 =	seq.s32 s7, s2  }
0x1e: {  	s7 =	smul.u32 @!p0 $0xF7A, s2;
	p2 =	seq.s32 @!p0 s5, $0x0  }
0x1f: {  	s9 =	smul.u32 $0xF7A, s1;
	s8 =	simm.s32 @!p0 $0x1BF5;
	p2 =	por !p2, p0  }
0x20: {  	[sflag:s8] =	ssyncset.s32 @!p0 $0xFFFFF086;
	s6 =	sadd.s32 @!p0 s3, s7;
	s7 =	simm.s32 @!p0 $0x108  }
0x21: {  	s3 =	sadd.s32 s3, s9;
	s6 =	sadd.s32 @!p0 $0x88, s6;
	s7 =	simm.s32 @p2 $0x1082  }
0x22: {  	[simem:s7], [sflag:s8] =	dma.local @!p0 [hbm:s6], $0xF7A  }
0x23: {  	s9 =	sor.u32 $0xD0000000, s2;
	s6 =	simm.s32 $0x108;
	_ =	swait.ge @!p0 [sflag:s8], $0x0  }
0x24: {  	s3 =	sadd.s32 $0x88, s3;
	s6 =	simm.s32 @!p1 $0x1082;
	[sflag:s4] =	ssyncset.s32 $0xFFFFF086  }
0x25: {  	[simem:s6], [sflag:s4] =	dma.local [hbm:s3], $0xF7A  }
0x26: {  	[smem:$0x3F94] =	sst s1;
	(tag) =	ssettag s2;
	_ =	strace s9  }
0x27: {  	s1 =	sld [smem:$0x3FA4]  }
0x28: {  	s2 =	sld [smem:$0x3FA5]  }
0x29: {  	s4 =	sld [smem:$0x3FA7]  }
0x2a: {  	p0 =	seq.s32 s5, $0x0;
	s5 =	sld [smem:$0x3FA8]  }
0x2b: {  	s6 =	sld [smem:$0x3FA9]  }
0x2c: {  	s7 =	sld [smem:$0x3FAA]  }
0x2d: {  	s3 =	simm.s32 $0x108;
	s8 =	sld [smem:$0x3FAB]  }
0x2e: {  	s3 =	simm.s32 @!p0 $0x1082;
	s9 =	sld [smem:$0x3FAC]  }
0x2f: {  	lr =	sadd.s32 s0, s3;
	s0 =	sld [smem:$0x3FA3]  }
0x30: {  	s3 =	sld [smem:$0x3FA6]  }
0x31: {  	[smem:$0x3FAF] =	sst s10  }
0x32: {  	s10 =	sld [smem:$0x3FAD];
	_ =	sdelay $0x3  }
0x33: {  	p0 =	seq.s32 s10, $0x1;
	s10 =	sld [smem:$0x3FAF];
	_ =	sdelay $0x3  }
0x34: {  	[smem:$0x3FAF] =	sst s10  }
0x35: {  	s10 =	sld [smem:$0x3FAE];
	_ =	sdelay $0x3  }
0x36: {  	p1 =	seq.s32 s10, $0x1;
	s10 =	sld [smem:$0x3FAF];
	_ =	sdelay $0x3  }
0x37: {  	[smem:$0x3FAF] =	sst s10  }
0x38: {  	s10 =	sld [smem:$0x3FB0]  }
0x39: {  	_ = 	snop;
	(pc) =	sbr.ind lr, $3  }
0x3a: {  	_ = 	snop  }
0x3b: {  	_ = 	snop  }
0x3c: {  	p2 =	seq.s32 s10, $0x1;
	s10 =	sld [smem:$0x3FAF]  }
0x3d: {  	_ =	shalt  }
0x3e: {  	_ =	shalt  }
0x3f: {  	_ =	shalt  }
0x40: {  	_ =	shalt  }
0x41: {  	_ =	shalt  }
0x42: {  	_ =	shalt  }
0x43: {  	_ =	shalt  }
0x44: {  	_ =	shalt  }
0x45: {  	_ =	shalt  }
0x46: {  	_ =	shalt  }
0x47: {  	_ =	shalt  }
0x48: {  	_ =	shalt  }
0x49: {  	_ =	shalt  }
0x4a: {  	_ =	shalt  }
0x4b: {  	_ =	shalt  }
0x4c: {  	_ =	shalt  }
0x4d: {  	_ =	shalt  }
0x4e: {  	_ =	shalt  }
0x4f: {  	_ =	shalt  }
0x50: {  	_ =	shalt  }
0x51: {  	_ =	shalt  }
0x52: {  	_ =	shalt  }
0x53: {  	_ =	shalt  }
0x54: {  	_ =	shalt  }
0x55: {  	_ =	shalt  }
0x56: {  	_ =	shalt  }
0x57: {  	_ =	shalt  }
0x58: {  	_ =	shalt  }
0x59: {  	_ =	shalt  }
0x5a: {  	_ =	shalt  }
0x5b: {  	_ =	shalt  }
0x5c: {  	_ =	shalt  }
0x5d: {  	_ =	shalt  }
0x5e: {  	_ =	shalt  }
0x5f: {  	_ =	shalt  }
0x60: {  	_ =	shalt  }
0x61: {  	_ =	shalt  }
0x62: {  	_ =	shalt  }
0x63: {  	_ =	shalt  }
0x64: {  	_ =	shalt  }
0x65: {  	_ =	shalt  }
0x66: {  	_ =	shalt  }
0x67: {  	_ =	shalt  }
0x68: {  	_ =	shalt  }
0x69: {  	_ =	shalt  }
0x6a: {  	_ =	shalt  }
0x6b: {  	_ =	shalt  }
0x6c: {  	_ =	shalt  }
0x6d: {  	_ =	shalt  }
0x6e: {  	_ =	shalt  }
0x6f: {  	_ =	shalt  }
0x70: {  	_ =	shalt  }
0x71: {  	_ =	shalt  }
0x72: {  	_ =	shalt  }
0x73: {  	_ =	shalt  }
0x74: {  	_ =	shalt  }
0x75: {  	_ =	shalt  }
0x76: {  	_ =	shalt  }
0x77: {  	_ =	shalt  }
0x78: {  	_ =	shalt  }
0x79: {  	_ =	shalt  }
0x7a: {  	_ =	shalt  }
0x7b: {  	_ =	shalt  }
0x7c: {  	_ =	shalt  }
0x7d: {  	_ =	shalt  }
0x7e: {  	_ =	shalt  }
0x7f: {  	_ =	shalt  }
0x80: {  	_ =	shalt  }
0x81: {  	_ =	shalt  }
0x82: {  	_ =	shalt  }
0x83: {  	_ =	shalt  }
0x84: {  	_ =	shalt  }
0x85: {  	_ =	shalt  }
0x86: {  	_ =	shalt  }
0x87: {  	_ =	shalt  }
.Lfunc_end0:
.L_simem_size_0:
called_computation.3_lowered:
.L_overlay_start_0:
0x88: {  	s2 =	sld [smem:$0x3FD9]  }
0x89: {  	s3 =	sld [smem:$0x3FFE];
	_ =	sdelay $0x1  }
0x8a: {  	s1 =	srdreg.scid  }
0x8b: {  	s0 =	sand.u32 $0x1, s1  }
0x8c: {  	s17 =	sshll.u32 s0, $0xA;
	s2 =	sadd.s32 s3, s2  }
0x8d: {  	s2 =	sadd.s32 s2, s17  }
0x8e: {  	[smem:$0x3FBB] =	sst s2  }
0x8f: {  	_ = 	snop  }
0x90: {  	(tm) =	ssettm $0x1  }
0x91: {  	s18 =	sld [smem:$0x3FFB];
	_ =	sdelay $0x3  }
0x92: {  	_ =	strace s18  }
0x93: {  	s2 =	sld [smem:$0x3FFC];
	_ =	sdelay $0x3  }
0x94: {  	_ =	strace s2  }
0x95: {  	s2 =	sld [smem:$0x3FFD];
	_ =	sdelay $0x3  }
0x96: {  	_ =	strace s2  }
0x97: {  	_ =	strace $0x8FFFFFFF  }
0x98: {  	s19 =	sld [smem:$0x3FDB];
	_ =	sdelay $0x1  }
0x99: {  	s20 =	simm.s32 $_scs_section_size  }
0x9a: {  	s4 =	simm.s32 $_size__tile_overlayer_lowered;
	s5 =	simm.s32 $_tile_overlayer_lowered  }
0x9b: {  	s6 =	simm.s32 $0x1BFF;
	s21 =	sshll.u32 s5, $0x1;
	s3 =	sadd.s32 s20, s19  }
0x9c: {  	s22 =	simm.s32 $0x0;
	s4 =	sshll.u32 s4, $0x1;
	s5 =	sadd.s32 s21, s3  }
0x9d: {  	[timem:s22], [sflag:s6] =	dma.local [hbm:s5], s4  }
0x9e: {  	_ =	swait.ge [sflag:s6], s4  }
0x9f: {  	s4 =	ssub.s32 $0x0, s4;
	[sflag:s6] =	ssyncset.done $0x0  }
0xa0: {  	[sflag:s6] =	ssyncadd.s32 s4;
	_ =	sdelay $0x1  }
0xa1: {  	s23 =	simm.s32 $0x1B8B  }
0xa2: {  	_ =	swait.ge [sflag:s23], $0x1  }
0xa3: {  	[sflag:s23] =	ssyncset.done $0x0  }
0xa4: {  	[sflag:s23] =	ssyncadd.s32 $0xFFFFFFFF  }
0xa5: {  	s4 =	sld [smem:$0x0]  }
0xa6: {  	s5 =	sand.u32 $0xFFFFFFFE, s1  }
0xa7: {  	p0 =	sne.s32 s1, s5  }
0xa8: {  	s5 =	sshll.u32 @p0 s5, $0xE  }
0xa9: {  	s5 =	sadd.s32 @p0 $0x11B8D, s5;
	s6 =	sshll.u32 @p0 s4, $0x11  }
0xaa: {  	s5 =	sor.u32 @p0 s6, s5  }
0xab: {  	[sflag:s5] =	ssyncadd.remote.s32 @p0 $0x1;
	_ =	sdelay $0x1  }
0xac: {  	s5 =	simm.s32 @p0 $0x1B8D  }
0xad: {  	_ =	swait.eq @p0 [sflag:s5], $0x1  }
0xae: {  	[sflag:s5] =	ssyncadd.s32 @p0 $0xFFFFFFFF  }
0xaf: {  	s6 =	sshll.u32 @!p0 s1, $0xE  }
0xb0: {  	s6 =	sor.u32 @!p0 $0x4000, s6;
	s5 =	simm.s32 @!p0 $0x1B8D  }
0xb1: {  	s4 =	sshll.u32 @!p0 s4, $0x11;
	s6 =	sadd.s32 @!p0 $0x11B8D, s6;
	_ =	swait.eq @!p0 [sflag:s5], $0x1  }
0xb2: {  	s4 =	sor.u32 @!p0 s4, s6;
	[sflag:s5] =	ssyncadd.s32 @!p0 $0xFFFFFFFF  }
0xb3: {  	s25 =	simm.s32 $0x1B8E;
	s24 =	sld [smem:$0x3FFE];
	[sflag:s4] =	ssyncadd.remote.s32 @!p0 $0x1  }
0xb4: {  	s26 =	simm.s32 $execute0_lowered;
	[smem:$0x3FD2] =	sst s25  }
0xb5: {  	s5 =	sshll.u32 s26, $0x1;
	_ =	strace $0x8000004F;
	[dreg:$0x1] =	wrdreg $0xFFFFFFFF  }
0xb6: {  	s28 =	simm.s32 $_size_execute0_lowered;
	s3 =	sadd.s32 s3, s5;
	[dreg:$0x0] =	wrdreg $0x0  }
0xb7: {  	s5 =	sshll.u32 s28, $0x1;
	[dreg:$0x2] =	wrdreg s3  }
0xb8: {  	[dreg:$0x3] =	wrdreg s5  }
0xb9: {  	[dreg:$0x4] =	wrdreg $0xC0  }
0xba: {  	_ =	task [dreg:s22], $0x5FFFF  }
0xbb: {  	[dreg:$0x1] =	wrdreg $0xFFFFFFFF  }
0xbc: {  	[dreg:$0x0] =	wrdreg $0x60  }
0xbd: {  	[dreg:$0x2] =	wrdreg s24  }
0xbe: {  	[dreg:$0x3] =	wrdreg $0x118000  }
0xbf: {  	[dreg:$0x4] =	wrdreg $0xC  }
0xc0: {  	_ =	task.clear_ibuf [dreg:s22], $0x5FFFF;
	_ =	strace $0x9000004F  }
0xc1: {  	s29 =	simm.s32 $0xC;
	_ =	strace $0x80000051  }
0xc2: {  	_ =	swait.ge [sflag:s29], $0x1  }
0xc3: {  	[sflag:s29] =	ssyncadd.s32 $0xFFFFFFFF  }
0xc4: {  	_ =	strace $0x90000051  }
0xc5: {  	_ =	sfence  }
0xc6: {  	s30 =	sld [smem:$0x0];
	_ =	sdelay $0x2  }
0xc7: {  	s31 =	sshll.u32 s1, $0xD;
	s1 =	sshrl.u32 s1, $0x2  }
0xc8: {  	s4 =	sand.u32 $0x4000, s31;
	s1 =	sadd.s32 s1, s30  }
0xc9: {  	s0 =	sor.u32 s4, s0;
	s1 =	sshll.u32 s1, $0x11  }
0xca: {  	s0 =	sor.u32 s1, s0  }
0xcb: {  	s0 =	sadd.s32 $0x8F2B, s0  }
0xcc: {  	[sflag:s0] =	ssyncadd.remote.s32 $0x1  }
0xcd: {  	_ =	sfence.sel $0xFFFF  }
0xce: {  	[dreg:$0x0] =	wrdreg $0xFFFFFFFF;
	(pc) =	sbr.abs _section_cstart, $3  }
0xcf: {  	[dreg:$0x1] =	wrdreg $0xFFFFFFFF  }
0xd0: {  	_ =	task.clear_ibuf [dreg:s22], $0x2FFFF;
	_ =	strace $0x9FFFFFFF  }
0xd1: {  	(tm) =	ssettm $0x7FFFFFFF  }
tec
execute0_lowered:
.L_overlay_start_1:
0x0: {  	(tag) =	ssettag $0x1  }
0x1: {  	s0 =	srdreg.scid  }
0x2: {  	s5 =	sand.u32 $0x1, s0  }
0x3: {  	s0 =	stileid.u32;
	s1 =	sshll.u32 s5, $0x4  }
0x4: {  	s1 =	sor.u32 s0, s1  }
0x5: {  	s7 =	smul.u32 $0x4E2, s1;
	_ =	sdelay $0x1  }
0x6: {  	s6 =	rddreg [dreg:$0x0];
	s10 =	sshrl.u32 s7, $0x5;
	s7 =	sadd.s32 $0x4E2, s7  }
0x7: {  	s2 =	rddreg [dreg:$0x1];
	s3 =	simm.s32 $0x0;
	s28 =	sshrl.u32 s7, $0x5  }
0x8: {  	s9 =	smul.u32 $0x78000, s5;
	s26 =	ssub.s32 $0x2, s5;
	s5 =	ssub.s32 s28, s10  }
0x9: {  	s15 =	simm.s32 $0x9;
	s16 =	simm.s32 $0x9000;
	p4 =	slt.s32 s5, $0x1  }
0xa: {  	s19 =	simm.s32 $0x0;
	[smem:$0x7FF] =	sst s3;
	p1 =	seq.s32 @!p4 s5, $0x1  }
0xb: {  	s4 =	sadd.s32 $0xCCA00, s6;
	s8 =	smul.u32 $0x7800, s0;
	p5 =	por p1, p4  }
0xc: {  	s29 =	smul.u32 $0x1E000, s0;
	s30 =	sshrl.u32 s26, $0x1;
	p0 =	slt.u32 @!p5 s5, $0x3  }
0xd: {  	s1 =	rddreg [dreg:$0x2];
	_ =	strace $0x80000050;
	p2 =	por @!p4 p0, p1  }
0xe: {  	s9 =	sadd.s32 s8, s9;
	s14 =	ssub.s32 s26, s30;
	p2 =	por p2, p4  }
0xf: {  	s9 =	sshrl.u32 s9, $0x3;
	s14 =	smax.u32 s14, $0x1;
	s17 =	simm.s32 @!p2 $0x0  }
0x10: {  	s13 =	sadd.s32 s9, s6;
	s17 =	simm.s32 @p2 $0x1;
	p2 =	seq.s32 @!p2 s5, $0x3  }
0x11: {  	s11 =	sshll.u32 s10, $0x4;
	s7 =	sshrl.u32 s29, $0x2;
	p3 =	por @!p5 p2, p0  }
0x12: {  	s13 =	sadd.s32 $0xDB600, s13;
	s18 =	simm.s32 @!p5 $0x0;
	p3 =	por @!p4 p3, p1  }
0x13: {  	s18 =	simm.s32 @p5 $0x1;
	p2 =	por @!p5 !p2, p0;
	p3 =	por p3, p4  }
0x14: {  	[smem:$0x7F8] =	sst s18;
	p2 =	por @!p4 !p2, p1;
	s18 =	simm.s32 @!p3 $0x0  }
0x15: {  	s12 =	sadd.s32 s11, s6;
	p2 =	por !p2, p4;
	s18 =	simm.s32 @p3 $0x1  }
0x16: {  	p0 =	por @!p4 !p0, p1;
	[smem:$0x7F9] =	sst s18;
	s18 =	simm.s32 @!p2 $0x0  }
0x17: {  	s6 =	sadd.s32 s8, s2;
	p0 =	por !p0, p4;
	s18 =	simm.s32 @p2 $0x1  }
0x18: {  	s31 =	sadd.s32 s7, s2;
	[smem:$0x7FA] =	sst s18;
	s18 =	simm.s32 @!p0 $0x0  }
0x19: {  	s7 =	sadd.s32 $0x1800, s31;
	s8 =	sadd.s32 $0x3000, s31;
	s18 =	simm.s32 @p0 $0x1  }
0x1a: {  	s9 =	sadd.s32 $0x4800, s31;
	[smem:$0x7FB] =	sst s18;
	s18 =	simm.s32 @!p4 $0x0  }
0x1b: {  	s10 =	sadd.s32 $0x6000, s31;
	p0 =	por !p1, p4;
	s18 =	simm.s32 @p4 $0x1  }
0x1c: {  	s11 =	sadd.s32 $0xC2C00, s12;
	[smem:$0x7FC] =	sst s18;
	s18 =	simm.s32 @!p0 $0x0  }
0x1d: {  	s12 =	sadd.s32 $0xC7A20, s12;
	[smem:$0x7F7] =	sst s17;
	s18 =	simm.s32 @p0 $0x1  }
0x1e: {  	v0 =	vimm.f32 $0.0e+00;
	s17 =	simm.s32 $0xA400;
	[smem:$0x7FD] =	sst s18;
	s18 =	simm.s32 $0x1800  }
.LBB2_1:
0x1f: {  	s20 =	simm.s32 $0xC0;
	s21 =	simm.s32 $0x0  }
.LBB2_2:
0x20: {  	p0 =	sne.s32 s20, $0x5F40;
	[tilespmem:s21+$0x20] =	vst v0;
	s22 =	smov.u32 s20;
	s20 =	sadd.s32 $0xC0, s20  }
.Ltmp0:
0x21: {  	[tilespmem:s21+$0x0] =	vst v0;
	(pc) =	sbr.rel @p0 .LBB2_2-.Ltmp0, $2  }
0x22: {  	[tilespmem:s21+$0x10] =	vst v0;
	_ =	sdelay $0x2  }
0x23: {  	s21 =	sshra.s32 s22, $0x2  }
0x24: {  	[tilespmem:s21+$0x20] =	vst v0  }
0x25: {  	[tilespmem:s21+$0x0] =	vst v0  }
0x26: {  	[tilespmem:s21+$0x10] =	vst v0  }
0x27: {  	[spmem:s6] =	stream.linear.scatter [tilespmem:s3], [sflag:$0x9], $0x1800, $0x38;
	[tilespmem:$0x19000] =	vst v63  }
0x28: {  	_ =	swait.ge [sflag:s15], $0x1800  }
0x29: {  	[sflag:s15] =	ssyncset.done $0x0  }
0x2a: {  	[sflag:s15] =	ssyncadd.s32 $0xFFFFE800  }
0x2b: {  	[spmem:s7] =	stream.linear.scatter [tilespmem:s3], [sflag:$0x9], $0x1800, $0x38;
	[tilespmem:$0x19000] =	vst v63  }
0x2c: {  	_ =	swait.ge [sflag:s15], $0x1800  }
0x2d: {  	[sflag:s15] =	ssyncset.done $0x0  }
0x2e: {  	[sflag:s15] =	ssyncadd.s32 $0xFFFFE800  }
0x2f: {  	[spmem:s8] =	stream.linear.scatter [tilespmem:s3], [sflag:$0x9], $0x1800, $0x38;
	[tilespmem:$0x19000] =	vst v63  }
0x30: {  	_ =	swait.ge [sflag:s15], $0x1800  }
0x31: {  	[sflag:s15] =	ssyncset.done $0x0  }
0x32: {  	[sflag:s15] =	ssyncadd.s32 $0xFFFFE800  }
0x33: {  	[spmem:s9] =	stream.linear.scatter [tilespmem:s3], [sflag:$0x9], $0x1800, $0x38;
	[tilespmem:$0x19000] =	vst v63  }
0x34: {  	_ =	swait.ge [sflag:s15], $0x1800  }
0x35: {  	[sflag:s15] =	ssyncset.done $0x0  }
0x36: {  	[sflag:s15] =	ssyncadd.s32 $0xFFFFE800  }
0x37: {  	[spmem:s10] =	stream.linear.scatter [tilespmem:s3], [sflag:$0x9], $0x1800, $0x38;
	[tilespmem:$0x19000] =	vst v63  }
0x38: {  	_ =	swait.ge [sflag:s15], $0x1800  }
0x39: {  	[sflag:s15] =	ssyncset.done $0x0  }
0x3a: {  	[sflag:s15] =	ssyncadd.s32 $0xFFFFE800  }
0x3b: {  	[tilespmem:s16], [sflag:$0x9] =	stream.linear.gather [hbm4b:s11+s3], $0x1400, $0x38;
	[tilespmem:$0x19000] =	vst v63  }
0x3c: {  	_ =	swait.ge [sflag:s15], $0x1400  }
0x3d: {  	[sflag:s15] =	ssyncset.done $0x0  }
0x3e: {  	[sflag:s15] =	ssyncadd.s32 $0xFFFFEC00  }
0x3f: {  	[tilespmem:s17], [sflag:$0x9] =	stream.linear.gather [hbm4b:s12+s3], $0x1400, $0x38;
	[tilespmem:$0x19000] =	vst v63  }
0x40: {  	_ =	swait.ge [sflag:s15], $0x1400  }
0x41: {  	[sflag:s15] =	ssyncset.done $0x0  }
0x42: {  	[sflag:s15] =	ssyncadd.s32 $0xFFFFEC00  }
0x43: {  	[bflag:$0x0] =	sbarrier.arrive $0xFFFF  }
0x44: {  	s20 =	sld [smem:$0x7FC];
	_ =	sdelay $0x2  }
0x45: {  	p1 =	seq.s32 s20, $0x1  }
0x46: {  	s20 =	simm.s32 @!p1 $0x80;
	s21 =	simm.s32 @!p1 $0x9000;
	s22 =	simm.s32 @!p1 $0xB800  }
0x47: {  	[tilespmem:s22], [sflag:$0x1] =	stream.indirect.gather @!p1 [hbm4b:s4+s20], $0x30, s21, s20, $0xb8;
	[tilespmem:$0x19000] =	vst v63  }
0x48: {  	s21 =	sld [smem:$0x7F8];
	_ =	sdelay $0x2  }
0x49: {  	s23 =	sld [smem:$0x7F9];
	p5 =	seq.s32 s21, $0x1  }
0x4a: {  	s20 =	simm.s32 @!p5 $0x80;
	s21 =	simm.s32 @!p5 $0x9080;
	s22 =	simm.s32 @!p5 $0xD000  }
0x4b: {  	[tilespmem:s22], [sflag:$0x2] =	stream.indirect.gather @!p5 [hbm4b:s4+s20], $0x30, s21, s20, $0xb8;
	[tilespmem:$0x19000] =	vst v63  }
0x4c: {  	s22 =	sld [smem:$0x7F7];
	_ =	sdelay $0x2  }
0x4d: {  	p4 =	seq.s32 s23, $0x1;
	p1 =	por @!p1 $0x0, $0x0;
	p3 =	seq.s32 s22, $0x1  }
0x4e: {  	s20 =	simm.s32 @!p3 $0x80;
	s21 =	simm.s32 @!p3 $0x9100;
	s22 =	simm.s32 @!p3 $0xE800  }
0x4f: {  	[tilespmem:s22], [sflag:$0x3] =	stream.indirect.gather @!p3 [hbm4b:s4+s20], $0x30, s21, s20, $0xb8;
	[tilespmem:$0x19000] =	vst v63  }
0x50: {  	s20 =	simm.s32 @!p4 $0x80;
	s21 =	simm.s32 @!p4 $0x9180;
	s22 =	simm.s32 @!p4 $0x10000  }
0x51: {  	[tilespmem:s22], [sflag:$0x4] =	stream.indirect.gather @!p4 [hbm4b:s4+s20], $0x30, s21, s20, $0xb8;
	[tilespmem:$0x19000] =	vst v63  }
0x52: {  	s20 =	simm.s32 @!p1 $0x0  }
0x53: {  	s20 =	simm.s32 @p1 $0x1;
	p1 =	por @!p3 $0x1, $0x1  }
0x54: {  	s21 =	simm.s32 @!p1 $0x0  }
0x55: {  	p0 =	sle.s32 s5, $0x0;
	[smem:$0x7F5] =	sst s20;
	s21 =	simm.s32 @p1 $0x1  }
0x56: {  	s20 =	simm.s32 @!p0 $0x1;
	[smem:$0x7F3] =	sst s21  }
0x57: {  	p6 =	sle.s32 s5, $0x1;
	_ =	swait.ge @!p0 [sflag:s20], $0x1800  }
0x58: {  	s23 =	simm.s32 @!p6 $0x80;
	s22 =	simm.s32 @!p0 $0xB800;
	[sflag:s20] =	ssyncset.done @!p0 $0x0  }
0x59: {  	s21 =	simm.s32 @!p0 $0xA400;
	[sflag:s20] =	ssyncadd.s32 @!p0 $0xFFFFE800;
	s20 =	simm.s32 @!p0 $0x80  }
0x5a: {  	[spmem:s2] =	stream.indirect.scatter.add.f32 @!p0 [tilespmem:s22], [sflag:$0x5], $0x30, s21, s20, $0xb8;
	[tilespmem:$0x19000] =	vst v63  }
0x5b: {  	p2 =	por @!p4 $0x1, $0x1;
	s24 =	sld [smem:$0x7FA];
	s20 =	simm.s32 @!p6 $0x2  }
0x5c: {  	p4 =	por @!p4 $0x1, $0x1;
	p3 =	por @!p3 $0x0, $0x0;
	_ =	swait.ge @!p6 [sflag:s20], $0x1800  }
0x5d: {  	s21 =	simm.s32 @!p6 $0xD000;
	[sflag:s20] =	ssyncset.done @!p6 $0x0;
	s25 =	sld [smem:$0x7F3]  }
0x5e: {  	s22 =	simm.s32 @!p6 $0xA480;
	p1 =	seq.s32 s24, $0x1;
	[sflag:s20] =	ssyncadd.s32 @!p6 $0xFFFFE800  }
0x5f: {  	[spmem:s2] =	stream.indirect.scatter.add.f32 @!p6 [tilespmem:s21], [sflag:$0x6], $0x30, s22, s23, $0xb8;
	[tilespmem:$0x19000] =	vst v63  }
0x60: {  	p4 =	por @!p1 p3, p3;
	p3 =	seq.s32 s25, $0x1  }
0x61: {  	p2 =	por @!p1 p3, p3  }
0x62: {  	s21 =	simm.s32 @!p2 $0x0  }
0x63: {  	p0 =	sle.s32 s5, $0x2;
	s21 =	simm.s32 @p2 $0x1  }
0x64: {  	s20 =	simm.s32 @!p0 $0x3;
	s22 =	simm.s32 @!p0 $0xE800;
	[smem:$0x7F4] =	sst s21  }
0x65: {  	s23 =	simm.s32 @!p0 $0x80;
	p6 =	por @!p5 $0x1, $0x1;
	_ =	swait.ge @!p0 [sflag:s20], $0x1800  }
0x66: {  	p1 =	sle.s32 s5, $0x3;
	p3 =	por @!p5 $0x0, $0x0;
	[sflag:s20] =	ssyncset.done @!p0 $0x0  }
0x67: {  	s21 =	simm.s32 @!p0 $0xA500;
	[sflag:s20] =	ssyncadd.s32 @!p0 $0xFFFFE800;
	s20 =	simm.s32 @!p1 $0x4  }
0x68: {  	[spmem:s2] =	stream.indirect.scatter.add.f32 @!p0 [tilespmem:s22], [sflag:$0x7], $0x30, s21, s23, $0xb8;
	[tilespmem:$0x19000] =	vst v63  }
0x69: {  	p0 =	sle.s32 s5, $0x4;
	s21 =	simm.s32 @!p1 $0xA580;
	_ =	swait.ge @!p1 [sflag:s20], $0x1800  }
0x6a: {  	s22 =	simm.s32 @!p1 $0x10000;
	s23 =	simm.s32 @!p1 $0x80;
	[sflag:s20] =	ssyncset.done @!p1 $0x0  }
0x6b: {  	s26 =	sld [smem:$0x7FB];
	[sflag:s20] =	ssyncadd.s32 @!p1 $0xFFFFE800;
	s20 =	simm.s32 @!p0 $0x5  }
0x6c: {  	[spmem:s2] =	stream.indirect.scatter.add.f32 @!p1 [tilespmem:s22], [sflag:$0x8], $0x30, s21, s23, $0xb8;
	[tilespmem:$0x19000] =	vst v63  }
0x6d: {  	s21 =	simm.s32 @!p0 $0xB800;
	s22 =	simm.s32 @!p0 $0x9200;
	s23 =	simm.s32 @!p0 $0x80  }
0x6e: {  	p1 =	por @!p5 $0x0, $0x0;
	p2 =	seq.s32 s26, $0x1;
	_ =	swait.ge @!p0 [sflag:s20], $0x1800  }
0x6f: {  	p3 =	por @!p2 p4, p4;
	[sflag:s20] =	ssyncset.done @!p0 $0x0;
	s28 =	sld [smem:$0x7F4]  }
0x70: {  	p4 =	sle.s32 s5, $0x5;
	s30 =	sld [smem:$0x7F5];
	[sflag:s20] =	ssyncadd.s32 @!p0 $0xFFFFE800  }
0x71: {  	[tilespmem:s21], [sflag:$0x1] =	stream.indirect.gather @!p0 [hbm4b:s4+s23], $0x30, s22, s23, $0xb8;
	[tilespmem:$0x19000] =	vst v63  }
0x72: {  	s29 =	sld [smem:$0x7FD];
	s20 =	simm.s32 @!p4 $0x6;
	s21 =	simm.s32 @!p4 $0x9280  }
0x73: {  	s22 =	simm.s32 @!p4 $0xD000;
	s23 =	simm.s32 @!p4 $0x80;
	p0 =	seq.s32 s28, $0x1  }
0x74: {  	p5 =	seq.s32 s30, $0x1;
	_ =	swait.ge @!p4 [sflag:s20], $0x1800;
	p6 =	por @!p2 p0, p0  }
0x75: {  	p1 =	por @!p2 p0, p0;
	p2 =	seq.s32 s29, $0x1;
	[sflag:s20] =	ssyncset.done @!p4 $0x0  }
0x76: {  	p0 =	sle.s32 s5, $0x6;
	s31 =	sld [smem:$0x7FC];
	p3 =	por @!p2 p5, p5  }
0x77: {  	[sflag:s20] =	ssyncadd.s32 @!p4 $0xFFFFE800;
	p6 =	por @!p2 p5, p5;
	s20 =	simm.s32 @!p0 $0x7  }
0x78: {  	[tilespmem:s22], [sflag:$0x2] =	stream.indirect.gather @!p4 [hbm4b:s4+s23], $0x30, s21, s23, $0xb8;
	[tilespmem:$0x19000] =	vst v63  }
0x79: {  	p4 =	por p5, p5;
	p5 =	por $0x0, $0x0;
	s21 =	simm.s32 @!p0 $0x9300  }
0x7a: {  	s22 =	simm.s32 @!p0 $0xE800;
	s23 =	simm.s32 @!p0 $0x80;
	p1 =	por @!p2 p4, p4  }
0x7b: {  	p4 =	seq.s32 s31, $0x1;
	_ =	swait.ge @!p0 [sflag:s20], $0x1800;
	p2 =	por $0x0, $0x0  }
0x7c: {  	p5 =	por @!p4 p3, p3;
	[sflag:s20] =	ssyncset.done @!p0 $0x0;
	p2 =	por @!p4 p6, p6  }
0x7d: {  	p6 =	por $0x0, $0x0;
	[sflag:s20] =	ssyncadd.s32 @!p0 $0xFFFFE800;
	s20 =	simm.s32 @!p2 $0x0  }
0x7e: {  	[tilespmem:s22], [sflag:$0x3] =	stream.indirect.gather @!p0 [hbm4b:s4+s23], $0x30, s21, s23, $0xb8;
	[tilespmem:$0x19000] =	vst v63  }
0x7f: {  	p6 =	por @!p4 p1, p1;
	s20 =	simm.s32 @p2 $0x1;
	p2 =	sle.s32 s5, $0x7  }
0x80: {  	s21 =	simm.s32 $0x4;
	[smem:$0x7F6] =	sst s20;
	s22 =	simm.s32 @!p2 $0x8  }
0x81: {  	s20 =	simm.s32 $0x0;
	s24 =	simm.s32 @!p2 $0x9380;
	_ =	swait.ge @!p2 [sflag:s22], $0x1800  }
0x82: {  	s25 =	simm.s32 @!p2 $0x80;
	s26 =	simm.s32 @!p2 $0x10000;
	[sflag:s22] =	ssyncset.done @!p2 $0x0  }
.LBB2_4:
0x83: {  	[sflag:s22] =	ssyncadd.s32 @!p2 $0xFFFFE800  }
0x84: {  	s20 =	sadd.s32 $0x800, s20;
	s23 =	smov.u32 s21;
	s21 =	sadd.s32 $0x4, s21  }
0x85: {  	[tilespmem:s26], [sflag:$0x4] =	stream.indirect.gather @!p2 [hbm4b:s4+s25], $0x30, s24, s25, $0xb8;
	[tilespmem:$0x19000] =	vst v63  }
0x86: {  	p1 =	sge.s32 s21, s5;
	p3 =	sne.s32 s21, $0x28  }
0x87: {  	p0 =	sge.s32 s23, s5;
	s22 =	sadd.s32 $0x6, s23;
	s24 =	sadd.s32 $0x7, s23  }
0x88: {  	s25 =	simm.s32 @!p0 $0x1;
	s26 =	sshra.s32 @!p0 s20, $0x2;
	p2 =	sge.s32 s24, s5  }
0x89: {  	s24 =	sadd.s32 @!p0 $0xA400, s26;
	s26 =	sadd.s32 $0x3, s23;
	_ =	swait.ge @!p0 [sflag:s25], $0x1800  }
0x8a: {  	s29 =	sadd.s32 $0x1, s23;
	s28 =	simm.s32 @!p0 $0xB800;
	[sflag:s25] =	ssyncset.done @!p0 $0x0  }
0x8b: {  	p4 =	sge.s32 s29, s5;
	[sflag:s25] =	ssyncadd.s32 @!p0 $0xFFFFE800;
	s25 =	simm.s32 @!p0 $0x80  }
0x8c: {  	[spmem:s2] =	stream.indirect.scatter.add.f32 @!p0 [tilespmem:s28], [sflag:$0x5], $0x30, s24, s25, $0xb8;
	[tilespmem:$0x19000] =	vst v63  }
0x8d: {  	s24 =	simm.s32 @!p4 $0x2;
	s25 =	sshra.s32 @!p4 s20, $0x2;
	s28 =	simm.s32 @!p4 $0xD000  }
0x8e: {  	s29 =	sadd.s32 $0x2, s23;
	s25 =	sadd.s32 @!p4 $0xA480, s25;
	_ =	swait.ge @!p4 [sflag:s24], $0x1800  }
0x8f: {  	s30 =	simm.s32 @!p4 $0x80;
	p0 =	sge.s32 s29, s5;
	[sflag:s24] =	ssyncset.done @!p4 $0x0  }
0x90: {  	s29 =	sshra.s32 @!p0 s20, $0x2;
	[sflag:s24] =	ssyncadd.s32 @!p4 $0xFFFFE800;
	s24 =	simm.s32 @!p0 $0x3  }
0x91: {  	[spmem:s2] =	stream.indirect.scatter.add.f32 @!p4 [tilespmem:s28], [sflag:$0x6], $0x30, s25, s30, $0xb8;
	[tilespmem:$0x19000] =	vst v63  }
0x92: {  	s25 =	sadd.s32 @!p0 $0xA500, s29;
	s28 =	simm.s32 @!p0 $0xE800;
	_ =	swait.ge @!p0 [sflag:s24], $0x1800  }
0x93: {  	s29 =	simm.s32 @!p0 $0x80;
	p4 =	sge.s32 s26, s5;
	[sflag:s24] =	ssyncset.done @!p0 $0x0  }
0x94: {  	s26 =	sshra.s32 @!p4 s20, $0x2;
	[sflag:s24] =	ssyncadd.s32 @!p0 $0xFFFFE800;
	s24 =	simm.s32 @!p4 $0x4  }
0x95: {  	[spmem:s2] =	stream.indirect.scatter.add.f32 @!p0 [tilespmem:s28], [sflag:$0x7], $0x30, s25, s29, $0xb8;
	[tilespmem:$0x19000] =	vst v63  }
0x96: {  	s25 =	sadd.s32 @!p4 $0xA580, s26;
	s26 =	simm.s32 @!p4 $0x10000;
	_ =	swait.ge @!p4 [sflag:s24], $0x1800  }
0x97: {  	s28 =	simm.s32 @!p4 $0x80;
	s29 =	simm.s32 @!p1 $0xB800;
	[sflag:s24] =	ssyncset.done @!p4 $0x0  }
0x98: {  	s30 =	sshra.s32 @!p1 s20, $0x2;
	[sflag:s24] =	ssyncadd.s32 @!p4 $0xFFFFE800;
	s24 =	simm.s32 @!p1 $0x5  }
0x99: {  	[spmem:s2] =	stream.indirect.scatter.add.f32 @!p4 [tilespmem:s26], [sflag:$0x8], $0x30, s25, s28, $0xb8;
	[tilespmem:$0x19000] =	vst v63  }
0x9a: {  	s23 =	sadd.s32 $0x5, s23;
	s25 =	sadd.s32 @!p1 $0x9200, s30;
	_ =	swait.ge @!p1 [sflag:s24], $0x1800  }
0x9b: {  	p0 =	sge.s32 s23, s5;
	s26 =	simm.s32 @!p1 $0x80;
	[sflag:s24] =	ssyncset.done @!p1 $0x0  }
0x9c: {  	s23 =	simm.s32 @!p0 $0x6;
	[sflag:s24] =	ssyncadd.s32 @!p1 $0xFFFFE800;
	s24 =	sshra.s32 @!p0 s20, $0x2  }
0x9d: {  	[tilespmem:s29], [sflag:$0x1] =	stream.indirect.gather @!p1 [hbm4b:s4+s26], $0x30, s25, s26, $0xb8;
	[tilespmem:$0x19000] =	vst v63  }
0x9e: {  	s24 =	sadd.s32 @!p0 $0x9280, s24;
	s25 =	simm.s32 @!p0 $0xD000;
	_ =	swait.ge @!p0 [sflag:s23], $0x1800  }
0x9f: {  	s26 =	simm.s32 @!p0 $0x80;
	p1 =	sge.s32 s22, s5;
	[sflag:s23] =	ssyncset.done @!p0 $0x0  }
0xa0: {  	s22 =	simm.s32 @!p1 $0x7;
	[sflag:s23] =	ssyncadd.s32 @!p0 $0xFFFFE800;
	s23 =	sshra.s32 @!p1 s20, $0x2  }
0xa1: {  	[tilespmem:s25], [sflag:$0x2] =	stream.indirect.gather @!p0 [hbm4b:s4+s26], $0x30, s24, s26, $0xb8;
	[tilespmem:$0x19000] =	vst v63  }
0xa2: {  	s23 =	sadd.s32 @!p1 $0x9300, s23;
	s24 =	simm.s32 @!p1 $0xE800;
	_ =	swait.ge @!p1 [sflag:s22], $0x1800  }
.Ltmp1:
0xa3: {  	s25 =	simm.s32 @!p1 $0x80;
	[sflag:s22] =	ssyncset.done @!p1 $0x0;
	(pc) =	sbr.rel @p3 .LBB2_4-.Ltmp1, $4  }
0xa4: {  	s26 =	sshra.s32 @!p2 s20, $0x2;
	[sflag:s22] =	ssyncadd.s32 @!p1 $0xFFFFE800;
	s22 =	simm.s32 @!p2 $0x8  }
0xa5: {  	[tilespmem:s24], [sflag:$0x3] =	stream.indirect.gather @!p1 [hbm4b:s4+s25], $0x30, s23, s25, $0xb8;
	[tilespmem:$0x19000] =	vst v63  }
0xa6: {  	s24 =	sadd.s32 @!p2 $0x9380, s26;
	_ =	swait.ge @!p2 [sflag:s22], $0x1800  }
0xa7: {  	s25 =	simm.s32 @!p2 $0x80;
	s26 =	simm.s32 @!p2 $0x10000;
	[sflag:s22] =	ssyncset.done @!p2 $0x0  }
0xa8: {  	s20 =	sld [smem:$0x7FC]  }
0xa9: {  	[sflag:s22] =	ssyncadd.s32 @!p2 $0xFFFFE800  }
0xaa: {  	[tilespmem:s26], [sflag:$0x4] =	stream.indirect.gather @!p2 [hbm4b:s4+s25], $0x30, s24, s25, $0xb8;
	[tilespmem:$0x19000] =	vst v63  }
0xab: {  	p0 =	seq.s32 s20, $0x1  }
0xac: {  	s20 =	simm.s32 @!p0 $0x5  }
0xad: {  	_ =	swait.ge @!p0 [sflag:s20], $0x1800  }
0xae: {  	s31 =	sld [smem:$0x7F6];
	_ =	sdelay $0x1  }
0xaf: {  	[sflag:s20] =	ssyncset.done @!p0 $0x0  }
0xb0: {  	[sflag:s20] =	ssyncadd.s32 @!p0 $0xFFFFE800;
	p0 =	seq.s32 s31, $0x1  }
0xb1: {  	s20 =	simm.s32 @p0 $0x6  }
0xb2: {  	_ =	swait.ge @p0 [sflag:s20], $0x1800  }
0xb3: {  	[sflag:s20] =	ssyncset.done @p0 $0x0  }
0xb4: {  	[sflag:s20] =	ssyncadd.s32 @p0 $0xFFFFE800;
	s20 =	simm.s32 @p6 $0x7  }
0xb5: {  	_ =	swait.ge @p6 [sflag:s20], $0x1800  }
0xb6: {  	[sflag:s20] =	ssyncset.done @p6 $0x0  }
0xb7: {  	[sflag:s20] =	ssyncadd.s32 @p6 $0xFFFFE800;
	s20 =	simm.s32 @p5 $0x8  }
0xb8: {  	_ =	swait.ge @p5 [sflag:s20], $0x1800  }
0xb9: {  	[sflag:s20] =	ssyncset.done @p5 $0x0  }
0xba: {  	[sflag:s20] =	ssyncadd.s32 @p5 $0xFFFFE800  }
0xbb: {  	[bflag:$0x0] =	sbarrier.arrive $0xFFFF  }
0xbc: {  	[tilespmem:s18], [sflag:$0x9] =	stream.linear.gather [spmem:s6], $0x7800, $0x38;
	[tilespmem:$0x19000] =	vst v63  }
0xbd: {  	s19 =	sadd.s32 $0x1, s19;
	_ =	swait.ge [sflag:s15], $0x7800  }
0xbe: {  	p0 =	sne.s32 s19, s14;
	[sflag:s15] =	ssyncset.done $0x0  }
.Ltmp2:
0xbf: {  	[sflag:s15] =	ssyncadd.s32 $0xFFFF8800;
	(pc) =	sbr.rel @p0 .LBB2_1-.Ltmp2, $4  }
0xc0: {  	[hbm4b:s13+s3] =	stream.linear.scatter [tilespmem:s18], [sflag:$0x9], $0x7800, $0x38;
	[tilespmem:$0x19000] =	vst v63  }
0xc1: {  	_ =	swait.ge [sflag:s15], $0x7800  }
0xc2: {  	[sflag:s15] =	ssyncset.done $0x0  }
0xc3: {  	[sflag:s15] =	ssyncadd.s32 $0xFFFF8800  }
0xc4: {  	_ =	sfence.sel $0x180000  }
0xc5: {  	[bflag:$0x0] =	sbarrier.arrive $0xFFFF  }
0xc6: {  	p0 =	sne.s32 s0, $0x0;
	_ =	strace $0x90000050  }
0xc7: {  	s0 =	sadd.s32 @!p0 $0x100000, s1;
	[bflag:$0x2] =	sbarrier.arrive $0xFFFF  }
0xc8: {  	[sflag:s0] =	ssyncadd.tile.s32 @!p0 $0x1;
	_ =	shalt  }
.Lfunc_end2:
_tile_overlayer_lowered:
.L_overlay_start_2:
0xc9: {  	(tag) =	ssettag $0x2  }
0xca: {  	s0 =	rddreg [dreg:$0x0];
	s2 =	stileid.u32  }
0xcb: {  	s1 =	rddreg [dreg:$0x1];
	p0 =	sne.s32 s2, $0x0  }
0xcc: {  	s3 =	rddreg [dreg:$0x2];
	[bflag:$0x3] =	sbarrier.arrive $0xFFFF;
	s2 =	simm.s32 @!p0 $0x1C09  }
0xcd: {  	[timem:s3], [sflag:s2] =	dma.local @!p0 [hbm:s0], s1  }
0xce: {  	s0 =	simm.s32 @!p0 $0x9  }
0xcf: {  	_ =	swait.ge @!p0 [sflag:s0], s1  }
0xd0: {  	s1 =	ssub.s32 @!p0 $0x0, s1;
	[sflag:s0] =	ssyncset.done @!p0 $0x0  }
0xd1: {  	[sflag:s0] =	ssyncadd.s32 @!p0 s1  }
0xd2: {  	[bflag:$0x3] =	sbarrier.arrive $0xFFFF  }
0xd3: {  	_ =	shalt  }

// kernel: kernel.8.cloned.1.call-start
scs
__scs_entry_jumppad:
0x0: {  	(pc) =	sbr.rel $0x88, $3  }
0x1: {  	(tag) =	ssettag $0x0;
	lr =	simm.s32 $0x1  }
0x2: {  	[smem:$0x3F94] =	sst lr;
	_ =	strace $0xD0000000  }
0x3: {  	_ = 	snop  }
0x4: {  	_ = 	snop  }
0x5: {  	_ = 	snop  }
0x6: {  	_ = 	snop  }
0x7: {  	_ = 	snop  }
__scs_overlays_trampoline_lowered:
0x8: {  	[smem:$0x3FA3] =	sst s0  }
0x9: {  	[smem:$0x3FA4] =	sst s1  }
0xa: {  	[smem:$0x3FA5] =	sst s2  }
0xb: {  	[smem:$0x3FA6] =	sst s3  }
0xc: {  	[smem:$0x3FA7] =	sst s4  }
0xd: {  	[smem:$0x3FA8] =	sst s5  }
0xe: {  	[smem:$0x3FA9] =	sst s6  }
0xf: {  	[smem:$0x3FAA] =	sst s7  }
0x10: {  	[smem:$0x3FAB] =	sst s8  }
0x11: {  	[smem:$0x3FAC] =	sst s9;
	s0 =	simm.s32 @!p0 $0x0  }
0x12: {  	s1 =	sld [smem:$0x3F92];
	s0 =	simm.s32 @p0 $0x1  }
0x13: {  	[smem:$0x3FAD] =	sst s0;
	s0 =	simm.s32 @!p1 $0x0  }
0x14: {  	s2 =	sld [smem:$0x3F91];
	s0 =	simm.s32 @p1 $0x1  }
0x15: {  	[smem:$0x3FAE] =	sst s0;
	s0 =	simm.s32 @!p2 $0x0  }
0x16: {  	s3 =	sld [smem:$0x3FDB];
	s0 =	simm.s32 @p2 $0x1  }
0x17: {  	s4 =	simm.s32 $0x1BF5;
	[smem:$0x3FB0] =	sst s0  }
0x18: {  	s0 =	sld [smem:$0x3F93];
	_ =	swait.ge [sflag:s4], $0x0  }
0x19: {  	s7 =	sld [smem:$0x3F94]  }
0x1a: {  	s8 =	sadd.s32 $0xFFFFE003, lr  }
0x1b: {  	s9 =	sadd.s32 $0xFFFFFEF7, lr;
	s5 =	simm.s32 $0xFFFFFFFF;
	p2 =	slt.u32 s8, $0xFFFFF086  }
0x1c: {  	p1 =	slt.u32 s9, $0xF7A;
	s5 =	simm.s32 @!p2 $0x0  }
0x1d: {  	s5 =	simm.s32 @p1 $0x1;
	p0 =	seq.s32 s7, s2  }
0x1e: {  	s7 =	smul.u32 @!p0 $0xF7A, s2;
	p2 =	seq.s32 @!p0 s5, $0x0  }
0x1f: {  	s9 =	smul.u32 $0xF7A, s1;
	s8 =	simm.s32 @!p0 $0x1BF5;
	p2 =	por !p2, p0  }
0x20: {  	[sflag:s8] =	ssyncset.s32 @!p0 $0xFFFFF086;
	s6 =	sadd.s32 @!p0 s3, s7;
	s7 =	simm.s32 @!p0 $0x108  }
0x21: {  	s3 =	sadd.s32 s3, s9;
	s6 =	sadd.s32 @!p0 $0x88, s6;
	s7 =	simm.s32 @p2 $0x1082  }
0x22: {  	[simem:s7], [sflag:s8] =	dma.local @!p0 [hbm:s6], $0xF7A  }
0x23: {  	s9 =	sor.u32 $0xD0000000, s2;
	s6 =	simm.s32 $0x108;
	_ =	swait.ge @!p0 [sflag:s8], $0x0  }
0x24: {  	s3 =	sadd.s32 $0x88, s3;
	s6 =	simm.s32 @!p1 $0x1082;
	[sflag:s4] =	ssyncset.s32 $0xFFFFF086  }
0x25: {  	[simem:s6], [sflag:s4] =	dma.local [hbm:s3], $0xF7A  }
0x26: {  	[smem:$0x3F94] =	sst s1;
	(tag) =	ssettag s2;
	_ =	strace s9  }
0x27: {  	s1 =	sld [smem:$0x3FA4]  }
0x28: {  	s2 =	sld [smem:$0x3FA5]  }
0x29: {  	s4 =	sld [smem:$0x3FA7]  }
0x2a: {  	p0 =	seq.s32 s5, $0x0;
	s5 =	sld [smem:$0x3FA8]  }
0x2b: {  	s6 =	sld [smem:$0x3FA9]  }
0x2c: {  	s7 =	sld [smem:$0x3FAA]  }
0x2d: {  	s3 =	simm.s32 $0x108;
	s8 =	sld [smem:$0x3FAB]  }
0x2e: {  	s3 =	simm.s32 @!p0 $0x1082;
	s9 =	sld [smem:$0x3FAC]  }
0x2f: {  	lr =	sadd.s32 s0, s3;
	s0 =	sld [smem:$0x3FA3]  }
0x30: {  	s3 =	sld [smem:$0x3FA6]  }
0x31: {  	[smem:$0x3FAF] =	sst s10  }
0x32: {  	s10 =	sld [smem:$0x3FAD];
	_ =	sdelay $0x3  }
0x33: {  	p0 =	seq.s32 s10, $0x1;
	s10 =	sld [smem:$0x3FAF];
	_ =	sdelay $0x3  }
0x34: {  	[smem:$0x3FAF] =	sst s10  }
0x35: {  	s10 =	sld [smem:$0x3FAE];
	_ =	sdelay $0x3  }
0x36: {  	p1 =	seq.s32 s10, $0x1;
	s10 =	sld [smem:$0x3FAF];
	_ =	sdelay $0x3  }
0x37: {  	[smem:$0x3FAF] =	sst s10  }
0x38: {  	s10 =	sld [smem:$0x3FB0]  }
0x39: {  	_ = 	snop;
	(pc) =	sbr.ind lr, $3  }
0x3a: {  	_ = 	snop  }
0x3b: {  	_ = 	snop  }
0x3c: {  	p2 =	seq.s32 s10, $0x1;
	s10 =	sld [smem:$0x3FAF]  }
0x3d: {  	_ =	shalt  }
0x3e: {  	_ =	shalt  }
0x3f: {  	_ =	shalt  }
0x40: {  	_ =	shalt  }
0x41: {  	_ =	shalt  }
0x42: {  	_ =	shalt  }
0x43: {  	_ =	shalt  }
0x44: {  	_ =	shalt  }
0x45: {  	_ =	shalt  }
0x46: {  	_ =	shalt  }
0x47: {  	_ =	shalt  }
0x48: {  	_ =	shalt  }
0x49: {  	_ =	shalt  }
0x4a: {  	_ =	shalt  }
0x4b: {  	_ =	shalt  }
0x4c: {  	_ =	shalt  }
0x4d: {  	_ =	shalt  }
0x4e: {  	_ =	shalt  }
0x4f: {  	_ =	shalt  }
0x50: {  	_ =	shalt  }
0x51: {  	_ =	shalt  }
0x52: {  	_ =	shalt  }
0x53: {  	_ =	shalt  }
0x54: {  	_ =	shalt  }
0x55: {  	_ =	shalt  }
0x56: {  	_ =	shalt  }
0x57: {  	_ =	shalt  }
0x58: {  	_ =	shalt  }
0x59: {  	_ =	shalt  }
0x5a: {  	_ =	shalt  }
0x5b: {  	_ =	shalt  }
0x5c: {  	_ =	shalt  }
0x5d: {  	_ =	shalt  }
0x5e: {  	_ =	shalt  }
0x5f: {  	_ =	shalt  }
0x60: {  	_ =	shalt  }
0x61: {  	_ =	shalt  }
0x62: {  	_ =	shalt  }
0x63: {  	_ =	shalt  }
0x64: {  	_ =	shalt  }
0x65: {  	_ =	shalt  }
0x66: {  	_ =	shalt  }
0x67: {  	_ =	shalt  }
0x68: {  	_ =	shalt  }
0x69: {  	_ =	shalt  }
0x6a: {  	_ =	shalt  }
0x6b: {  	_ =	shalt  }
0x6c: {  	_ =	shalt  }
0x6d: {  	_ =	shalt  }
0x6e: {  	_ =	shalt  }
0x6f: {  	_ =	shalt  }
0x70: {  	_ =	shalt  }
0x71: {  	_ =	shalt  }
0x72: {  	_ =	shalt  }
0x73: {  	_ =	shalt  }
0x74: {  	_ =	shalt  }
0x75: {  	_ =	shalt  }
0x76: {  	_ =	shalt  }
0x77: {  	_ =	shalt  }
0x78: {  	_ =	shalt  }
0x79: {  	_ =	shalt  }
0x7a: {  	_ =	shalt  }
0x7b: {  	_ =	shalt  }
0x7c: {  	_ =	shalt  }
0x7d: {  	_ =	shalt  }
0x7e: {  	_ =	shalt  }
0x7f: {  	_ =	shalt  }
0x80: {  	_ =	shalt  }
0x81: {  	_ =	shalt  }
0x82: {  	_ =	shalt  }
0x83: {  	_ =	shalt  }
0x84: {  	_ =	shalt  }
0x85: {  	_ =	shalt  }
0x86: {  	_ =	shalt  }
0x87: {  	_ =	shalt  }
.Lfunc_end0:
.L_simem_size_0:
called_computation_lowered:
.L_overlay_start_0:
0x88: {  	s2 =	sld [smem:$0x3FD9]  }
0x89: {  	s3 =	sld [smem:$0x3FFE];
	_ =	sdelay $0x1  }
0x8a: {  	s1 =	srdreg.scid  }
0x8b: {  	s0 =	sand.u32 $0x1, s1  }
0x8c: {  	s17 =	sshll.u32 s0, $0xA;
	s2 =	sadd.s32 s3, s2  }
0x8d: {  	s2 =	sadd.s32 s2, s17  }
0x8e: {  	[smem:$0x3FBB] =	sst s2  }
0x8f: {  	_ = 	snop  }
0x90: {  	s2 =	sld [smem:$0x3FD0];
	(tm) =	ssettm $0x1  }
0x91: {  	s18 =	sld [smem:$0x3FFB];
	_ =	sdelay $0x3  }
0x92: {  	_ =	strace s18  }
0x93: {  	s3 =	sld [smem:$0x3FFC];
	_ =	sdelay $0x3  }
0x94: {  	_ =	strace s3  }
0x95: {  	s3 =	sld [smem:$0x3FFD];
	_ =	sdelay $0x3  }
0x96: {  	_ =	strace s3  }
0x97: {  	_ =	strace $0x8FFFFFFF  }
0x98: {  	s19 =	sld [smem:$0x3FDB];
	_ =	sdelay $0x1  }
0x99: {  	s4 =	simm.s32 $_scs_section_size  }
0x9a: {  	s5 =	simm.s32 $_size__tile_overlayer_lowered;
	s6 =	simm.s32 $_tile_overlayer_lowered  }
0x9b: {  	s22 =	simm.s32 $0x1BFF;
	s21 =	sshll.u32 s6, $0x1;
	s3 =	sadd.s32 s4, s19  }
0x9c: {  	s7 =	simm.s32 $0x0;
	s20 =	sshll.u32 s5, $0x1;
	s5 =	sadd.s32 s21, s3  }
0x9d: {  	[timem:s7], [sflag:s22] =	dma.local [hbm:s5], s20  }
0x9e: {  	_ =	swait.ge [sflag:s22], s20  }
0x9f: {  	s4 =	ssub.s32 $0x0, s20;
	[sflag:s22] =	ssyncset.done $0x0  }
0xa0: {  	[sflag:s22] =	ssyncadd.s32 s4;
	_ =	sdelay $0x1  }
0xa1: {  	s23 =	simm.s32 $0x1B8B  }
0xa2: {  	_ =	swait.ge [sflag:s23], $0x1  }
0xa3: {  	[sflag:s23] =	ssyncset.done $0x0  }
0xa4: {  	s25 =	simm.s32 $0x1B8E;
	s24 =	sld [smem:$0x3FFE];
	[sflag:s23] =	ssyncadd.s32 $0xFFFFFFFF  }
0xa5: {  	s26 =	simm.s32 $execute0_lowered;
	[smem:$0x3FD2] =	sst s25  }
0xa6: {  	s5 =	sshll.u32 s26, $0x1;
	_ =	strace $0x80000046;
	[dreg:$0x1] =	wrdreg $0xFFFFFFFF  }
0xa7: {  	s28 =	simm.s32 $_size_execute0_lowered;
	s3 =	sadd.s32 s3, s5;
	[dreg:$0x0] =	wrdreg $0x0  }
0xa8: {  	s5 =	sshll.u32 s28, $0x1;
	[dreg:$0x2] =	wrdreg s3  }
0xa9: {  	[dreg:$0x3] =	wrdreg s5  }
0xaa: {  	[dreg:$0x4] =	wrdreg $0xC0  }
0xab: {  	_ =	task [dreg:s7], $0x5FFFF  }
0xac: {  	[dreg:$0x1] =	wrdreg $0xFFFFFFFF  }
0xad: {  	[dreg:$0x0] =	wrdreg $0x60  }
0xae: {  	[dreg:$0x2] =	wrdreg s24  }
0xaf: {  	[dreg:$0x3] =	wrdreg s2  }
0xb0: {  	[dreg:$0x4] =	wrdreg $0x118000  }
0xb1: {  	[dreg:$0x5] =	wrdreg $0x9  }
0xb2: {  	_ =	task.clear_ibuf [dreg:s7], $0x6FFFF;
	_ =	strace $0x90000046  }
0xb3: {  	s29 =	simm.s32 $0x9;
	_ =	strace $0x80000048  }
0xb4: {  	_ =	swait.ge [sflag:s29], $0x1  }
0xb5: {  	[sflag:s29] =	ssyncadd.s32 $0xFFFFFFFF  }
0xb6: {  	_ =	strace $0x90000048  }
0xb7: {  	_ =	sfence  }
0xb8: {  	s30 =	sld [smem:$0x0];
	_ =	sdelay $0x2  }
0xb9: {  	s31 =	sshll.u32 s1, $0xD;
	s1 =	sshrl.u32 s1, $0x2  }
0xba: {  	s3 =	sand.u32 $0x4000, s31;
	s1 =	sadd.s32 s1, s30  }
0xbb: {  	s0 =	sor.u32 s3, s0;
	s1 =	sshll.u32 s1, $0x11  }
0xbc: {  	s0 =	sor.u32 s1, s0  }
0xbd: {  	s0 =	sadd.s32 $0x8F2B, s0  }
0xbe: {  	[sflag:s0] =	ssyncadd.remote.s32 $0x1  }
0xbf: {  	_ =	sfence.sel $0xFFFF  }
0xc0: {  	[dreg:$0x0] =	wrdreg $0xFFFFFFFF;
	(pc) =	sbr.abs _section_cstart, $3  }
0xc1: {  	[dreg:$0x1] =	wrdreg $0xFFFFFFFF  }
0xc2: {  	_ =	task.clear_ibuf [dreg:s7], $0x2FFFF;
	_ =	strace $0x9FFFFFFF  }
0xc3: {  	(tm) =	ssettm $0x7FFFFFFF  }
tec
execute0_lowered:
.L_overlay_start_1:
0x0: {  	(tag) =	ssettag $0x1  }
0x1: {  	s1 =	srdreg.scid  }
0x2: {  	s0 =	stileid.u32;
	s6 =	sand.u32 $0x1, s1  }
0x3: {  	s7 =	smul.u32 $0x7800, s0;
	s8 =	sshll.u32 s6, $0x4  }
0x4: {  	s4 =	smul.u32 $0x78000, s6;
	s8 =	sor.u32 s0, s8  }
0x5: {  	s8 =	smul.u32 $0x4E2, s8  }
0x6: {  	s5 =	rddreg [dreg:$0x0];
	s9 =	sadd.s32 s7, s4  }
0x7: {  	s4 =	sadd.s32 $0x28C00, s5;
	s9 =	sshrl.u32 s9, $0x3;
	s29 =	sadd.s32 $0x4E2, s8  }
0x8: {  	s13 =	sadd.s32 s9, s5;
	s11 =	sshrl.u32 s8, $0x5;
	s5 =	sshrl.u32 s29, $0x5  }
0x9: {  	s5 =	ssub.s32 s5, s11  }
0xa: {  	s10 =	rddreg [dreg:$0x1];
	p4 =	slt.s32 s5, $0x1  }
0xb: {  	s2 =	rddreg [dreg:$0x2];
	p1 =	seq.s32 @!p4 s5, $0x1  }
0xc: {  	s3 =	simm.s32 $0x0;
	s15 =	simm.s32 $0x9;
	p5 =	por p1, p4  }
0xd: {  	s16 =	simm.s32 $0x9000;
	s1 =	rddreg [dreg:$0x3];
	p0 =	slt.u32 @!p5 s5, $0x3  }
0xe: {  	s19 =	simm.s32 $0x0;
	[smem:$0x7FF] =	sst s3;
	p2 =	por @!p4 p0, p1  }
0xf: {  	s30 =	smul.u32 $0x1E000, s0;
	s6 =	ssub.s32 $0x2, s6;
	p2 =	por p2, p4  }
0x10: {  	_ =	strace $0x80000047;
	s31 =	sshrl.u32 s6, $0x1;
	s17 =	simm.s32 @!p2 $0x0  }
0x11: {  	s14 =	ssub.s32 s6, s31;
	s17 =	simm.s32 @p2 $0x1;
	p2 =	seq.s32 @!p2 s5, $0x3  }
0x12: {  	s6 =	sadd.s32 s7, s2;
	s14 =	smax.u32 s14, $0x1;
	p3 =	por @!p5 p2, p0  }
0x13: {  	s9 =	sshrl.u32 s30, $0x2;
	s18 =	simm.s32 @!p5 $0x0;
	p3 =	por @!p4 p3, p1  }
0x14: {  	s18 =	simm.s32 @p5 $0x1;
	p2 =	por @!p5 !p2, p0;
	p3 =	por p3, p4  }
0x15: {  	[smem:$0x7F8] =	sst s18;
	p2 =	por @!p4 !p2, p1;
	s18 =	simm.s32 @!p3 $0x0  }
0x16: {  	s12 =	sadd.s32 s9, s2;
	p2 =	por !p2, p4;
	s18 =	simm.s32 @p3 $0x1  }
0x17: {  	p0 =	por @!p4 !p0, p1;
	[smem:$0x7F9] =	sst s18;
	s18 =	simm.s32 @!p2 $0x0  }
0x18: {  	s13 =	sadd.s32 $0x37800, s13;
	p0 =	por !p0, p4;
	s18 =	simm.s32 @p2 $0x1  }
0x19: {  	s7 =	sadd.s32 $0x1800, s12;
	[smem:$0x7FA] =	sst s18;
	s18 =	simm.s32 @!p0 $0x0  }
0x1a: {  	s8 =	sadd.s32 $0x3000, s12;
	s11 =	sshll.u32 s11, $0x4;
	s18 =	simm.s32 @p0 $0x1  }
0x1b: {  	s9 =	sadd.s32 $0x4800, s12;
	[smem:$0x7FB] =	sst s18;
	s18 =	simm.s32 @!p4 $0x0  }
0x1c: {  	s10 =	sadd.s32 s10, s11;
	p0 =	por !p1, p4;
	s18 =	simm.s32 @p4 $0x1  }
0x1d: {  	s11 =	sadd.s32 $0x6000, s12;
	[smem:$0x7FC] =	sst s18;
	s18 =	simm.s32 @!p0 $0x0  }
0x1e: {  	s12 =	sadd.s32 $0x4E20, s10;
	[smem:$0x7F7] =	sst s17;
	s18 =	simm.s32 @p0 $0x1  }
0x1f: {  	v0 =	vimm.f32 $0.0e+00;
	s17 =	simm.s32 $0xA400;
	[smem:$0x7FD] =	sst s18;
	s18 =	simm.s32 $0x1800  }
.LBB2_1:
0x20: {  	s20 =	simm.s32 $0xC0;
	s21 =	simm.s32 $0x0  }
.LBB2_2:
0x21: {  	p0 =	sne.s32 s20, $0x5F40;
	[tilespmem:s21+$0x20] =	vst v0;
	s22 =	smov.u32 s20;
	s20 =	sadd.s32 $0xC0, s20  }
.Ltmp0:
0x22: {  	[tilespmem:s21+$0x0] =	vst v0;
	(pc) =	sbr.rel @p0 .LBB2_2-.Ltmp0, $2  }
0x23: {  	[tilespmem:s21+$0x10] =	vst v0;
	_ =	sdelay $0x2  }
0x24: {  	s21 =	sshra.s32 s22, $0x2  }
0x25: {  	[tilespmem:s21+$0x20] =	vst v0  }
0x26: {  	[tilespmem:s21+$0x0] =	vst v0  }
0x27: {  	[tilespmem:s21+$0x10] =	vst v0  }
0x28: {  	[spmem:s6] =	stream.linear.scatter [tilespmem:s3], [sflag:$0x9], $0x1800, $0x38;
	[tilespmem:$0x19000] =	vst v63  }
0x29: {  	_ =	swait.ge [sflag:s15], $0x1800  }
0x2a: {  	[sflag:s15] =	ssyncset.done $0x0  }
0x2b: {  	[sflag:s15] =	ssyncadd.s32 $0xFFFFE800  }
0x2c: {  	[spmem:s7] =	stream.linear.scatter [tilespmem:s3], [sflag:$0x9], $0x1800, $0x38;
	[tilespmem:$0x19000] =	vst v63  }
0x2d: {  	_ =	swait.ge [sflag:s15], $0x1800  }
0x2e: {  	[sflag:s15] =	ssyncset.done $0x0  }
0x2f: {  	[sflag:s15] =	ssyncadd.s32 $0xFFFFE800  }
0x30: {  	[spmem:s8] =	stream.linear.scatter [tilespmem:s3], [sflag:$0x9], $0x1800, $0x38;
	[tilespmem:$0x19000] =	vst v63  }
0x31: {  	_ =	swait.ge [sflag:s15], $0x1800  }
0x32: {  	[sflag:s15] =	ssyncset.done $0x0  }
0x33: {  	[sflag:s15] =	ssyncadd.s32 $0xFFFFE800  }
0x34: {  	[spmem:s9] =	stream.linear.scatter [tilespmem:s3], [sflag:$0x9], $0x1800, $0x38;
	[tilespmem:$0x19000] =	vst v63  }
0x35: {  	_ =	swait.ge [sflag:s15], $0x1800  }
0x36: {  	[sflag:s15] =	ssyncset.done $0x0  }
0x37: {  	[sflag:s15] =	ssyncadd.s32 $0xFFFFE800  }
0x38: {  	[spmem:s11] =	stream.linear.scatter [tilespmem:s3], [sflag:$0x9], $0x1800, $0x38;
	[tilespmem:$0x19000] =	vst v63  }
0x39: {  	_ =	swait.ge [sflag:s15], $0x1800  }
0x3a: {  	[sflag:s15] =	ssyncset.done $0x0  }
0x3b: {  	[sflag:s15] =	ssyncadd.s32 $0xFFFFE800  }
0x3c: {  	[tilespmem:s16], [sflag:$0x9] =	stream.linear.gather [hbm4b:s10+s3], $0x1400, $0x38;
	[tilespmem:$0x19000] =	vst v63  }
0x3d: {  	_ =	swait.ge [sflag:s15], $0x1400  }
0x3e: {  	[sflag:s15] =	ssyncset.done $0x0  }
0x3f: {  	[sflag:s15] =	ssyncadd.s32 $0xFFFFEC00  }
0x40: {  	[tilespmem:s17], [sflag:$0x9] =	stream.linear.gather [hbm4b:s12+s3], $0x1400, $0x38;
	[tilespmem:$0x19000] =	vst v63  }
0x41: {  	_ =	swait.ge [sflag:s15], $0x1400  }
0x42: {  	[sflag:s15] =	ssyncset.done $0x0  }
0x43: {  	[sflag:s15] =	ssyncadd.s32 $0xFFFFEC00  }
0x44: {  	[bflag:$0x0] =	sbarrier.arrive $0xFFFF  }
0x45: {  	s20 =	sld [smem:$0x7FC];
	_ =	sdelay $0x2  }
0x46: {  	p1 =	seq.s32 s20, $0x1  }
0x47: {  	s20 =	simm.s32 @!p1 $0x80;
	s21 =	simm.s32 @!p1 $0x9000;
	s22 =	simm.s32 @!p1 $0xB800  }
0x48: {  	[tilespmem:s22], [sflag:$0x1] =	stream.indirect.gather @!p1 [hbm4b:s4+s20], $0x30, s21, s20, $0xb8;
	[tilespmem:$0x19000] =	vst v63  }
0x49: {  	s21 =	sld [smem:$0x7F8];
	_ =	sdelay $0x2  }
0x4a: {  	s23 =	sld [smem:$0x7F9];
	p5 =	seq.s32 s21, $0x1  }
0x4b: {  	s20 =	simm.s32 @!p5 $0x80;
	s21 =	simm.s32 @!p5 $0x9080;
	s22 =	simm.s32 @!p5 $0xD000  }
0x4c: {  	[tilespmem:s22], [sflag:$0x2] =	stream.indirect.gather @!p5 [hbm4b:s4+s20], $0x30, s21, s20, $0xb8;
	[tilespmem:$0x19000] =	vst v63  }
0x4d: {  	s22 =	sld [smem:$0x7F7];
	_ =	sdelay $0x2  }
0x4e: {  	p4 =	seq.s32 s23, $0x1;
	p1 =	por @!p1 $0x0, $0x0;
	p3 =	seq.s32 s22, $0x1  }
0x4f: {  	s20 =	simm.s32 @!p3 $0x80;
	s21 =	simm.s32 @!p3 $0x9100;
	s22 =	simm.s32 @!p3 $0xE800  }
0x50: {  	[tilespmem:s22], [sflag:$0x3] =	stream.indirect.gather @!p3 [hbm4b:s4+s20], $0x30, s21, s20, $0xb8;
	[tilespmem:$0x19000] =	vst v63  }
0x51: {  	s20 =	simm.s32 @!p4 $0x80;
	s21 =	simm.s32 @!p4 $0x9180;
	s22 =	simm.s32 @!p4 $0x10000  }
0x52: {  	[tilespmem:s22], [sflag:$0x4] =	stream.indirect.gather @!p4 [hbm4b:s4+s20], $0x30, s21, s20, $0xb8;
	[tilespmem:$0x19000] =	vst v63  }
0x53: {  	s20 =	simm.s32 @!p1 $0x0  }
0x54: {  	s20 =	simm.s32 @p1 $0x1;
	p1 =	por @!p3 $0x1, $0x1  }
0x55: {  	s21 =	simm.s32 @!p1 $0x0  }
0x56: {  	p0 =	sle.s32 s5, $0x0;
	[smem:$0x7F5] =	sst s20;
	s21 =	simm.s32 @p1 $0x1  }
0x57: {  	s20 =	simm.s32 @!p0 $0x1;
	[smem:$0x7F3] =	sst s21  }
0x58: {  	p6 =	sle.s32 s5, $0x1;
	_ =	swait.ge @!p0 [sflag:s20], $0x1800  }
0x59: {  	s23 =	simm.s32 @!p6 $0x80;
	s22 =	simm.s32 @!p0 $0xB800;
	[sflag:s20] =	ssyncset.done @!p0 $0x0  }
0x5a: {  	s21 =	simm.s32 @!p0 $0xA400;
	[sflag:s20] =	ssyncadd.s32 @!p0 $0xFFFFE800;
	s20 =	simm.s32 @!p0 $0x80  }
0x5b: {  	[spmem:s2] =	stream.indirect.scatter.add.f32 @!p0 [tilespmem:s22], [sflag:$0x5], $0x30, s21, s20, $0xb8;
	[tilespmem:$0x19000] =	vst v63  }
0x5c: {  	p2 =	por @!p4 $0x1, $0x1;
	s24 =	sld [smem:$0x7FA];
	s20 =	simm.s32 @!p6 $0x2  }
0x5d: {  	p4 =	por @!p4 $0x1, $0x1;
	p3 =	por @!p3 $0x0, $0x0;
	_ =	swait.ge @!p6 [sflag:s20], $0x1800  }
0x5e: {  	s21 =	simm.s32 @!p6 $0xD000;
	[sflag:s20] =	ssyncset.done @!p6 $0x0;
	s25 =	sld [smem:$0x7F3]  }
0x5f: {  	s22 =	simm.s32 @!p6 $0xA480;
	p1 =	seq.s32 s24, $0x1;
	[sflag:s20] =	ssyncadd.s32 @!p6 $0xFFFFE800  }
0x60: {  	[spmem:s2] =	stream.indirect.scatter.add.f32 @!p6 [tilespmem:s21], [sflag:$0x6], $0x30, s22, s23, $0xb8;
	[tilespmem:$0x19000] =	vst v63  }
0x61: {  	p4 =	por @!p1 p3, p3;
	p3 =	seq.s32 s25, $0x1  }
0x62: {  	p2 =	por @!p1 p3, p3  }
0x63: {  	s21 =	simm.s32 @!p2 $0x0  }
0x64: {  	p0 =	sle.s32 s5, $0x2;
	s21 =	simm.s32 @p2 $0x1  }
0x65: {  	s20 =	simm.s32 @!p0 $0x3;
	s22 =	simm.s32 @!p0 $0xE800;
	[smem:$0x7F4] =	sst s21  }
0x66: {  	s23 =	simm.s32 @!p0 $0x80;
	p6 =	por @!p5 $0x1, $0x1;
	_ =	swait.ge @!p0 [sflag:s20], $0x1800  }
0x67: {  	p1 =	sle.s32 s5, $0x3;
	p3 =	por @!p5 $0x0, $0x0;
	[sflag:s20] =	ssyncset.done @!p0 $0x0  }
0x68: {  	s21 =	simm.s32 @!p0 $0xA500;
	[sflag:s20] =	ssyncadd.s32 @!p0 $0xFFFFE800;
	s20 =	simm.s32 @!p1 $0x4  }
0x69: {  	[spmem:s2] =	stream.indirect.scatter.add.f32 @!p0 [tilespmem:s22], [sflag:$0x7], $0x30, s21, s23, $0xb8;
	[tilespmem:$0x19000] =	vst v63  }
0x6a: {  	p0 =	sle.s32 s5, $0x4;
	s21 =	simm.s32 @!p1 $0xA580;
	_ =	swait.ge @!p1 [sflag:s20], $0x1800  }
0x6b: {  	s22 =	simm.s32 @!p1 $0x10000;
	s23 =	simm.s32 @!p1 $0x80;
	[sflag:s20] =	ssyncset.done @!p1 $0x0  }
0x6c: {  	s26 =	sld [smem:$0x7FB];
	[sflag:s20] =	ssyncadd.s32 @!p1 $0xFFFFE800;
	s20 =	simm.s32 @!p0 $0x5  }
0x6d: {  	[spmem:s2] =	stream.indirect.scatter.add.f32 @!p1 [tilespmem:s22], [sflag:$0x8], $0x30, s21, s23, $0xb8;
	[tilespmem:$0x19000] =	vst v63  }
0x6e: {  	s21 =	simm.s32 @!p0 $0xB800;
	s22 =	simm.s32 @!p0 $0x9200;
	s23 =	simm.s32 @!p0 $0x80  }
0x6f: {  	p1 =	por @!p5 $0x0, $0x0;
	p2 =	seq.s32 s26, $0x1;
	_ =	swait.ge @!p0 [sflag:s20], $0x1800  }
0x70: {  	p3 =	por @!p2 p4, p4;
	[sflag:s20] =	ssyncset.done @!p0 $0x0;
	s28 =	sld [smem:$0x7F4]  }
0x71: {  	p4 =	sle.s32 s5, $0x5;
	s30 =	sld [smem:$0x7F5];
	[sflag:s20] =	ssyncadd.s32 @!p0 $0xFFFFE800  }
0x72: {  	[tilespmem:s21], [sflag:$0x1] =	stream.indirect.gather @!p0 [hbm4b:s4+s23], $0x30, s22, s23, $0xb8;
	[tilespmem:$0x19000] =	vst v63  }
0x73: {  	s29 =	sld [smem:$0x7FD];
	s20 =	simm.s32 @!p4 $0x6;
	s21 =	simm.s32 @!p4 $0x9280  }
0x74: {  	s22 =	simm.s32 @!p4 $0xD000;
	s23 =	simm.s32 @!p4 $0x80;
	p0 =	seq.s32 s28, $0x1  }
0x75: {  	p5 =	seq.s32 s30, $0x1;
	_ =	swait.ge @!p4 [sflag:s20], $0x1800;
	p6 =	por @!p2 p0, p0  }
0x76: {  	p1 =	por @!p2 p0, p0;
	p2 =	seq.s32 s29, $0x1;
	[sflag:s20] =	ssyncset.done @!p4 $0x0  }
0x77: {  	p0 =	sle.s32 s5, $0x6;
	s31 =	sld [smem:$0x7FC];
	p3 =	por @!p2 p5, p5  }
0x78: {  	[sflag:s20] =	ssyncadd.s32 @!p4 $0xFFFFE800;
	p6 =	por @!p2 p5, p5;
	s20 =	simm.s32 @!p0 $0x7  }
0x79: {  	[tilespmem:s22], [sflag:$0x2] =	stream.indirect.gather @!p4 [hbm4b:s4+s23], $0x30, s21, s23, $0xb8;
	[tilespmem:$0x19000] =	vst v63  }
0x7a: {  	p4 =	por p5, p5;
	p5 =	por $0x0, $0x0;
	s21 =	simm.s32 @!p0 $0x9300  }
0x7b: {  	s22 =	simm.s32 @!p0 $0xE800;
	s23 =	simm.s32 @!p0 $0x80;
	p1 =	por @!p2 p4, p4  }
0x7c: {  	p4 =	seq.s32 s31, $0x1;
	_ =	swait.ge @!p0 [sflag:s20], $0x1800;
	p2 =	por $0x0, $0x0  }
0x7d: {  	p5 =	por @!p4 p3, p3;
	[sflag:s20] =	ssyncset.done @!p0 $0x0;
	p2 =	por @!p4 p6, p6  }
0x7e: {  	p6 =	por $0x0, $0x0;
	[sflag:s20] =	ssyncadd.s32 @!p0 $0xFFFFE800;
	s20 =	simm.s32 @!p2 $0x0  }
0x7f: {  	[tilespmem:s22], [sflag:$0x3] =	stream.indirect.gather @!p0 [hbm4b:s4+s23], $0x30, s21, s23, $0xb8;
	[tilespmem:$0x19000] =	vst v63  }
0x80: {  	p6 =	por @!p4 p1, p1;
	s20 =	simm.s32 @p2 $0x1;
	p2 =	sle.s32 s5, $0x7  }
0x81: {  	s21 =	simm.s32 $0x4;
	[smem:$0x7F6] =	sst s20;
	s22 =	simm.s32 @!p2 $0x8  }
0x82: {  	s20 =	simm.s32 $0x0;
	s24 =	simm.s32 @!p2 $0x9380;
	_ =	swait.ge @!p2 [sflag:s22], $0x1800  }
0x83: {  	s25 =	simm.s32 @!p2 $0x80;
	s26 =	simm.s32 @!p2 $0x10000;
	[sflag:s22] =	ssyncset.done @!p2 $0x0  }
.LBB2_4:
0x84: {  	[sflag:s22] =	ssyncadd.s32 @!p2 $0xFFFFE800  }
0x85: {  	s20 =	sadd.s32 $0x800, s20;
	s23 =	smov.u32 s21;
	s21 =	sadd.s32 $0x4, s21  }
0x86: {  	[tilespmem:s26], [sflag:$0x4] =	stream.indirect.gather @!p2 [hbm4b:s4+s25], $0x30, s24, s25, $0xb8;
	[tilespmem:$0x19000] =	vst v63  }
0x87: {  	p1 =	sge.s32 s21, s5;
	p3 =	sne.s32 s21, $0x28  }
0x88: {  	p0 =	sge.s32 s23, s5;
	s22 =	sadd.s32 $0x6, s23;
	s24 =	sadd.s32 $0x7, s23  }
0x89: {  	s25 =	simm.s32 @!p0 $0x1;
	s26 =	sshra.s32 @!p0 s20, $0x2;
	p2 =	sge.s32 s24, s5  }
0x8a: {  	s24 =	sadd.s32 @!p0 $0xA400, s26;
	s26 =	sadd.s32 $0x3, s23;
	_ =	swait.ge @!p0 [sflag:s25], $0x1800  }
0x8b: {  	s29 =	sadd.s32 $0x1, s23;
	s28 =	simm.s32 @!p0 $0xB800;
	[sflag:s25] =	ssyncset.done @!p0 $0x0  }
0x8c: {  	p4 =	sge.s32 s29, s5;
	[sflag:s25] =	ssyncadd.s32 @!p0 $0xFFFFE800;
	s25 =	simm.s32 @!p0 $0x80  }
0x8d: {  	[spmem:s2] =	stream.indirect.scatter.add.f32 @!p0 [tilespmem:s28], [sflag:$0x5], $0x30, s24, s25, $0xb8;
	[tilespmem:$0x19000] =	vst v63  }
0x8e: {  	s24 =	simm.s32 @!p4 $0x2;
	s25 =	sshra.s32 @!p4 s20, $0x2;
	s28 =	simm.s32 @!p4 $0xD000  }
0x8f: {  	s29 =	sadd.s32 $0x2, s23;
	s25 =	sadd.s32 @!p4 $0xA480, s25;
	_ =	swait.ge @!p4 [sflag:s24], $0x1800  }
0x90: {  	s30 =	simm.s32 @!p4 $0x80;
	p0 =	sge.s32 s29, s5;
	[sflag:s24] =	ssyncset.done @!p4 $0x0  }
0x91: {  	s29 =	sshra.s32 @!p0 s20, $0x2;
	[sflag:s24] =	ssyncadd.s32 @!p4 $0xFFFFE800;
	s24 =	simm.s32 @!p0 $0x3  }
0x92: {  	[spmem:s2] =	stream.indirect.scatter.add.f32 @!p4 [tilespmem:s28], [sflag:$0x6], $0x30, s25, s30, $0xb8;
	[tilespmem:$0x19000] =	vst v63  }
0x93: {  	s25 =	sadd.s32 @!p0 $0xA500, s29;
	s28 =	simm.s32 @!p0 $0xE800;
	_ =	swait.ge @!p0 [sflag:s24], $0x1800  }
0x94: {  	s29 =	simm.s32 @!p0 $0x80;
	p4 =	sge.s32 s26, s5;
	[sflag:s24] =	ssyncset.done @!p0 $0x0  }
0x95: {  	s26 =	sshra.s32 @!p4 s20, $0x2;
	[sflag:s24] =	ssyncadd.s32 @!p0 $0xFFFFE800;
	s24 =	simm.s32 @!p4 $0x4  }
0x96: {  	[spmem:s2] =	stream.indirect.scatter.add.f32 @!p0 [tilespmem:s28], [sflag:$0x7], $0x30, s25, s29, $0xb8;
	[tilespmem:$0x19000] =	vst v63  }
0x97: {  	s25 =	sadd.s32 @!p4 $0xA580, s26;
	s26 =	simm.s32 @!p4 $0x10000;
	_ =	swait.ge @!p4 [sflag:s24], $0x1800  }
0x98: {  	s28 =	simm.s32 @!p4 $0x80;
	s29 =	simm.s32 @!p1 $0xB800;
	[sflag:s24] =	ssyncset.done @!p4 $0x0  }
0x99: {  	s30 =	sshra.s32 @!p1 s20, $0x2;
	[sflag:s24] =	ssyncadd.s32 @!p4 $0xFFFFE800;
	s24 =	simm.s32 @!p1 $0x5  }
0x9a: {  	[spmem:s2] =	stream.indirect.scatter.add.f32 @!p4 [tilespmem:s26], [sflag:$0x8], $0x30, s25, s28, $0xb8;
	[tilespmem:$0x19000] =	vst v63  }
0x9b: {  	s23 =	sadd.s32 $0x5, s23;
	s25 =	sadd.s32 @!p1 $0x9200, s30;
	_ =	swait.ge @!p1 [sflag:s24], $0x1800  }
0x9c: {  	p0 =	sge.s32 s23, s5;
	s26 =	simm.s32 @!p1 $0x80;
	[sflag:s24] =	ssyncset.done @!p1 $0x0  }
0x9d: {  	s23 =	simm.s32 @!p0 $0x6;
	[sflag:s24] =	ssyncadd.s32 @!p1 $0xFFFFE800;
	s24 =	sshra.s32 @!p0 s20, $0x2  }
0x9e: {  	[tilespmem:s29], [sflag:$0x1] =	stream.indirect.gather @!p1 [hbm4b:s4+s26], $0x30, s25, s26, $0xb8;
	[tilespmem:$0x19000] =	vst v63  }
0x9f: {  	s24 =	sadd.s32 @!p0 $0x9280, s24;
	s25 =	simm.s32 @!p0 $0xD000;
	_ =	swait.ge @!p0 [sflag:s23], $0x1800  }
0xa0: {  	s26 =	simm.s32 @!p0 $0x80;
	p1 =	sge.s32 s22, s5;
	[sflag:s23] =	ssyncset.done @!p0 $0x0  }
0xa1: {  	s22 =	simm.s32 @!p1 $0x7;
	[sflag:s23] =	ssyncadd.s32 @!p0 $0xFFFFE800;
	s23 =	sshra.s32 @!p1 s20, $0x2  }
0xa2: {  	[tilespmem:s25], [sflag:$0x2] =	stream.indirect.gather @!p0 [hbm4b:s4+s26], $0x30, s24, s26, $0xb8;
	[tilespmem:$0x19000] =	vst v63  }
0xa3: {  	s23 =	sadd.s32 @!p1 $0x9300, s23;
	s24 =	simm.s32 @!p1 $0xE800;
	_ =	swait.ge @!p1 [sflag:s22], $0x1800  }
.Ltmp1:
0xa4: {  	s25 =	simm.s32 @!p1 $0x80;
	[sflag:s22] =	ssyncset.done @!p1 $0x0;
	(pc) =	sbr.rel @p3 .LBB2_4-.Ltmp1, $4  }
0xa5: {  	s26 =	sshra.s32 @!p2 s20, $0x2;
	[sflag:s22] =	ssyncadd.s32 @!p1 $0xFFFFE800;
	s22 =	simm.s32 @!p2 $0x8  }
0xa6: {  	[tilespmem:s24], [sflag:$0x3] =	stream.indirect.gather @!p1 [hbm4b:s4+s25], $0x30, s23, s25, $0xb8;
	[tilespmem:$0x19000] =	vst v63  }
0xa7: {  	s24 =	sadd.s32 @!p2 $0x9380, s26;
	_ =	swait.ge @!p2 [sflag:s22], $0x1800  }
0xa8: {  	s25 =	simm.s32 @!p2 $0x80;
	s26 =	simm.s32 @!p2 $0x10000;
	[sflag:s22] =	ssyncset.done @!p2 $0x0  }
0xa9: {  	s20 =	sld [smem:$0x7FC]  }
0xaa: {  	[sflag:s22] =	ssyncadd.s32 @!p2 $0xFFFFE800  }
0xab: {  	[tilespmem:s26], [sflag:$0x4] =	stream.indirect.gather @!p2 [hbm4b:s4+s25], $0x30, s24, s25, $0xb8;
	[tilespmem:$0x19000] =	vst v63  }
0xac: {  	p0 =	seq.s32 s20, $0x1  }
0xad: {  	s20 =	simm.s32 @!p0 $0x5  }
0xae: {  	_ =	swait.ge @!p0 [sflag:s20], $0x1800  }
0xaf: {  	s31 =	sld [smem:$0x7F6];
	_ =	sdelay $0x1  }
0xb0: {  	[sflag:s20] =	ssyncset.done @!p0 $0x0  }
0xb1: {  	[sflag:s20] =	ssyncadd.s32 @!p0 $0xFFFFE800;
	p0 =	seq.s32 s31, $0x1  }
0xb2: {  	s20 =	simm.s32 @p0 $0x6  }
0xb3: {  	_ =	swait.ge @p0 [sflag:s20], $0x1800  }
0xb4: {  	[sflag:s20] =	ssyncset.done @p0 $0x0  }
0xb5: {  	[sflag:s20] =	ssyncadd.s32 @p0 $0xFFFFE800;
	s20 =	simm.s32 @p6 $0x7  }
0xb6: {  	_ =	swait.ge @p6 [sflag:s20], $0x1800  }
0xb7: {  	[sflag:s20] =	ssyncset.done @p6 $0x0  }
0xb8: {  	[sflag:s20] =	ssyncadd.s32 @p6 $0xFFFFE800;
	s20 =	simm.s32 @p5 $0x8  }
0xb9: {  	_ =	swait.ge @p5 [sflag:s20], $0x1800  }
0xba: {  	[sflag:s20] =	ssyncset.done @p5 $0x0  }
0xbb: {  	[sflag:s20] =	ssyncadd.s32 @p5 $0xFFFFE800  }
0xbc: {  	[bflag:$0x0] =	sbarrier.arrive $0xFFFF  }
0xbd: {  	[tilespmem:s18], [sflag:$0x9] =	stream.linear.gather [spmem:s6], $0x7800, $0x38;
	[tilespmem:$0x19000] =	vst v63  }
0xbe: {  	s19 =	sadd.s32 $0x1, s19;
	_ =	swait.ge [sflag:s15], $0x7800  }
0xbf: {  	p0 =	sne.s32 s19, s14;
	[sflag:s15] =	ssyncset.done $0x0  }
.Ltmp2:
0xc0: {  	[sflag:s15] =	ssyncadd.s32 $0xFFFF8800;
	(pc) =	sbr.rel @p0 .LBB2_1-.Ltmp2, $4  }
0xc1: {  	[hbm4b:s13+s3] =	stream.linear.scatter [tilespmem:s18], [sflag:$0x9], $0x7800, $0x38;
	[tilespmem:$0x19000] =	vst v63  }
0xc2: {  	_ =	swait.ge [sflag:s15], $0x7800  }
0xc3: {  	[sflag:s15] =	ssyncset.done $0x0  }
0xc4: {  	[sflag:s15] =	ssyncadd.s32 $0xFFFF8800  }
0xc5: {  	_ =	sfence.sel $0x180000  }
0xc6: {  	[bflag:$0x0] =	sbarrier.arrive $0xFFFF  }
0xc7: {  	p0 =	sne.s32 s0, $0x0;
	_ =	strace $0x90000047  }
0xc8: {  	s0 =	sadd.s32 @!p0 $0x100000, s1;
	[bflag:$0x2] =	sbarrier.arrive $0xFFFF  }
0xc9: {  	[sflag:s0] =	ssyncadd.tile.s32 @!p0 $0x1;
	_ =	shalt  }
.Lfunc_end2:
_tile_overlayer_lowered:
.L_overlay_start_2:
0xca: {  	(tag) =	ssettag $0x2  }
0xcb: {  	s0 =	rddreg [dreg:$0x0];
	s2 =	stileid.u32  }
0xcc: {  	s1 =	rddreg [dreg:$0x1];
	p0 =	sne.s32 s2, $0x0  }
0xcd: {  	s3 =	rddreg [dreg:$0x2];
	[bflag:$0x3] =	sbarrier.arrive $0xFFFF;
	s2 =	simm.s32 @!p0 $0x1C09  }
0xce: {  	[timem:s3], [sflag:s2] =	dma.local @!p0 [hbm:s0], s1  }
0xcf: {  	s0 =	simm.s32 @!p0 $0x9  }
0xd0: {  	_ =	swait.ge @!p0 [sflag:s0], s1  }
0xd1: {  	s1 =	ssub.s32 @!p0 $0x0, s1;
	[sflag:s0] =	ssyncset.done @!p0 $0x0  }
0xd2: {  	[sflag:s0] =	ssyncadd.s32 @!p0 s1  }
0xd3: {  	[bflag:$0x3] =	sbarrier.arrive $0xFFFF  }
0xd4: {  	_ =	shalt  }

</sc_bundles>
